<compile_context>
chip_gen: v7x
topology: tpu7x:2x2x1
jax: 0.10.2.dev20260603
libtpu: 0.0.44.dev20260713+nightly
codegen_flags: <defaults>
</compile_context>

<pallas_src>
import functools

import jax
import jax.numpy as jnp
from jax import lax
from jax.experimental import pallas as pl
from jax.experimental.pallas import tpu as pltpu
from jax.experimental.pallas import tpu_sc as plsc

_NC = 2
_NS = 16
_CH = 40



def _gine_agg(x, ea, src, dst):
    N, C = x.shape
    E = src.shape[0]
    EW = E // (_NC * _NS)
    nchunk = EW // _CH
    rows_w = (N // _NS) // 8 * 8
    rem = N - _NS * rows_w
    zeros = jnp.zeros((N, C), jnp.float32)
    mesh = plsc.VectorSubcoreMesh(core_axis_name="c", subcore_axis_name="s")

    idxv = lambda: pltpu.VMEM((_CH,), jnp.int32)
    rowv = lambda: pltpu.VMEM((_CH, C), jnp.float32)

    @functools.partial(
        pl.kernel,
        mesh=mesh,
        out_type=jax.ShapeDtypeStruct((_NC * N, C), jnp.float32),
        scratch_types=[
            idxv(), idxv(), idxv(), idxv(), idxv(), idxv(),
            rowv(), rowv(), rowv(), rowv(), rowv(), rowv(),
            pltpu.VMEM_SHARED((N, C), jnp.float32),
            pltpu.SemaphoreType.DMA, pltpu.SemaphoreType.DMA,
            pltpu.SemaphoreType.DMA, pltpu.SemaphoreType.DMA,
            pltpu.SemaphoreType.DMA, pltpu.SemaphoreType.DMA,
        ],
    )
    def k(x_hbm, ea_hbm, src_hbm, dst_hbm, zero_hbm, out_hbm,
          src0, src1, src2, dst0, dst1, dst2,
          xg0, xg1, xg2, ea0, ea1, ea2, aggsh,
          semi0, semi1, semi2, semg0, semg1, semg2):
        cid = lax.axis_index("c")
        sid = lax.axis_index("s")
        r0 = sid * rows_w
        base = cid * (E // _NC) + sid * EW
        slot = ((src0, dst0, xg0, ea0, semi0, semg0),
                (src1, dst1, xg1, ea1, semi1, semg1),
                (src2, dst2, xg2, ea2, semi2, semg2))

        pltpu.sync_copy(zero_hbm.at[pl.ds(r0, rows_w)],
                        aggsh.at[pl.ds(r0, rows_w)])

        @pl.when(sid == 0)
        def _():
            pltpu.sync_copy(zero_hbm.at[pl.ds(_NS * rows_w, rem)],
                            aggsh.at[pl.ds(_NS * rows_w, rem)])

        plsc.subcore_barrier()

        def start_idx(i, b):
            srcv, dstv, _, eav, semi, _ = slot[b]
            off = base + i * _CH
            pltpu.async_copy(src_hbm.at[pl.ds(off, _CH)], srcv, semi)
            pltpu.async_copy(dst_hbm.at[pl.ds(off, _CH)], dstv, semi)
            pltpu.async_copy(ea_hbm.at[pl.ds(off, _CH)], eav, semi)

        def gather(i, b):
            srcv, dstv, xg, eav, semi, semg = slot[b]
            off = base + i * _CH
            pltpu.make_async_copy(src_hbm.at[pl.ds(off, _CH)], srcv,
                                  semi).wait()
            pltpu.make_async_copy(dst_hbm.at[pl.ds(off, _CH)], dstv,
                                  semi).wait()
            pltpu.make_async_copy(ea_hbm.at[pl.ds(off, _CH)], eav,
                                  semi).wait()
            pltpu.async_copy(x_hbm.at[srcv], xg, semg)

        def work(b):
            srcv, dstv, xg, eav, _, semg = slot[b]
            pltpu.make_async_copy(x_hbm.at[srcv], xg, semg).wait()

            def row(r, c2):
                for cc in range(C // 16):
                    sl = pl.ds(cc * 16, 16)
                    xg[r, sl] = jnp.maximum(xg[r, sl] + eav[r, sl], 0.0)
                return c2

            lax.fori_loop(0, _CH, row, 0)
            pltpu.sync_copy(xg, aggsh.at[dstv], add=True)

        def step(i, a, b, c):
            start_idx(i + 2, c)
            gather(i + 1, b)
            work(a)

        start_idx(0, 0)
        start_idx(1, 1)
        gather(0, 0)

        def triple(t, carry):
            i = 3 * t
            step(i, 0, 1, 2)
            step(i + 1, 1, 2, 0)
            step(i + 2, 2, 0, 1)
            return carry

        nfull = nchunk - 4
        lax.fori_loop(0, nfull // 3, triple, 0)
        a, b, c = nfull % 3, (nfull + 1) % 3, (nfull + 2) % 3
        step(nfull, a, b, c)
        step(nfull + 1, b, c, a)
        gather(nchunk - 1, a)
        work(c)
        work(a)

        plsc.subcore_barrier()
        pltpu.sync_copy(aggsh.at[pl.ds(r0, rows_w)],
                        out_hbm.at[pl.ds(cid * N + r0, rows_w)])

        @pl.when(sid == 0)
        def _():
            pltpu.sync_copy(aggsh.at[pl.ds(_NS * rows_w, rem)],
                            out_hbm.at[pl.ds(cid * N + _NS * rows_w, rem)])

    return k(x, ea, src, dst, zeros).reshape(_NC, N, C)



def _ea_proj_body(a_ref, w1_ref, b1_ref, w2_ref, b2_ref, o1_ref, o2_ref):
    a = a_ref[...]
    o1_ref[...] = jnp.dot(a, w1_ref[...],
                          preferred_element_type=jnp.float32) + b1_ref[...]
    o2_ref[...] = jnp.dot(a, w2_ref[...],
                          preferred_element_type=jnp.float32) + b2_ref[...]


def _ea_proj(edge_attr, W1, b1, W2, b2):
    E, K = edge_attr.shape
    C = W1.shape[1]
    BE = 8000
    return pl.pallas_call(
        _ea_proj_body,
        grid=(E // BE,),
        in_specs=[
            pl.BlockSpec((BE, K), lambda i: (i, 0)),
            pl.BlockSpec((K, C), lambda i: (0, 0)),
            pl.BlockSpec((1, C), lambda i: (0, 0)),
            pl.BlockSpec((K, C), lambda i: (0, 0)),
            pl.BlockSpec((1, C), lambda i: (0, 0)),
        ],
        out_specs=[pl.BlockSpec((BE, C), lambda i: (i, 0))] * 2,
        out_shape=[jax.ShapeDtypeStruct((E, C), jnp.float32)] * 2,
    )(edge_attr, W1, b1.reshape(1, C), W2, b2.reshape(1, C))


def _qkv_body(scale, x_ref, wq, bq, wk, bk, wv, bv, q_ref, k_ref, v_ref):
    xv = x_ref[...]
    q = jnp.dot(xv, wq[...], preferred_element_type=jnp.float32) + bq[...]
    q_ref[...] = (q * scale).astype(jnp.bfloat16)
    k = jnp.dot(xv, wk[...], preferred_element_type=jnp.float32) + bk[...]
    k_ref[...] = k.astype(jnp.bfloat16)
    v = jnp.dot(xv, wv[...], preferred_element_type=jnp.float32) + bv[...]
    v_ref[...] = v.astype(jnp.bfloat16)


def _qkv(x, p, heads):
    N, C = x.shape
    scale = float(C // heads) ** -0.5
    return pl.pallas_call(
        functools.partial(_qkv_body, scale),
        out_shape=[jax.ShapeDtypeStruct((N, C), jnp.bfloat16)] * 3,
    )(x, p['Wq'], p['bq'].reshape(1, C), p['Wk'], p['bk'].reshape(1, C),
      p['Wv'], p['bv'].reshape(1, C))


def _attn_body(heads, q_ref, k_ref, v_ref, o_ref):
    C = q_ref.shape[1]
    dh = C // heads
    q = q_ref[...]
    kk = k_ref[...]
    vv = v_ref[...]
    outs = []
    for h in range(heads):
        sl = slice(h * dh, (h + 1) * dh)
        s = lax.dot_general(q[:, sl], kk[:, sl], (((1,), (1,)), ((), ())),
                            preferred_element_type=jnp.float32)
        m = jnp.max(s, axis=1, keepdims=True)
        p = jnp.exp(s - m)
        l = jnp.sum(p, axis=1, keepdims=True)
        outs.append(jnp.dot(p.astype(jnp.bfloat16), vv[:, sl],
                            preferred_element_type=jnp.float32) / l)
    o_ref[...] = jnp.concatenate(outs, axis=1) if heads > 1 else outs[0]


def _attention(q, k, v, heads):
    N, C = q.shape
    BQ = 400
    body = functools.partial(_attn_body, heads)
    return pl.pallas_call(
        body,
        grid=(N // BQ,),
        in_specs=[
            pl.BlockSpec((BQ, C), lambda qb: (qb, 0)),
            pl.BlockSpec((N, C), lambda qb: (0, 0)),
            pl.BlockSpec((N, C), lambda qb: (0, 0)),
        ],
        out_specs=pl.BlockSpec((BQ, C), lambda qb: (qb, 0)),
        out_shape=jax.ShapeDtypeStruct((N, C), jnp.float32),
    )(q, k, v)


def _bn_in(t, g, b, eps=1e-5):
    mu = jnp.mean(t, axis=0, keepdims=True)
    d = t - mu
    var = jnp.mean(d * d, axis=0, keepdims=True)
    return d * lax.rsqrt(var + eps) * g + b


def _post1_body(x_ref, agg_ref, attn_ref, w1, b1, w2, b2, wo, bo,
                n1g, n1b, n2g, n2b, out_ref):
    xv = x_ref[...]
    h = xv + agg_ref[0] + agg_ref[1]
    hid = jax.nn.relu(jnp.dot(h, w1[...],
                              preferred_element_type=jnp.float32) + b1[...])
    gm = jnp.dot(hid, w2[...], preferred_element_type=jnp.float32) + b2[...]
    bnh = _bn_in(gm + xv, n1g[...], n1b[...])
    ao = jnp.dot(attn_ref[...], wo[...],
                 preferred_element_type=jnp.float32) + bo[...]
    bnha = _bn_in(ao + xv, n2g[...], n2b[...])
    out_ref[...] = bnh + bnha


def _post1(x, agg, attn, p):
    N, C = x.shape
    r = lambda a: a.reshape(1, C)
    return pl.pallas_call(
        _post1_body,
        out_shape=jax.ShapeDtypeStruct((N, C), jnp.float32),
    )(x, agg, attn, p['W1'], r(p['b1']), p['W2'], r(p['b2']),
      p['Wo'], r(p['bo']), r(p['n1_g']), r(p['n1_b']),
      r(p['n2_g']), r(p['n2_b']))


def _post2_body(final, z_ref, mw1, mb1, mw2, mb2, n3g, n3b,
                bng, bnb, linw, linb, bn2g, bn2b, out_ref):
    z = z_ref[...]
    hid = jax.nn.relu(jnp.dot(z, mw1[...],
                              preferred_element_type=jnp.float32) + mb1[...])
    z2 = z + jnp.dot(hid, mw2[...],
                     preferred_element_type=jnp.float32) + mb2[...]
    z3 = _bn_in(z2, n3g[...], n3b[...])
    y = jax.nn.relu(_bn_in(z3, bng[...], bnb[...]))
    y2 = jnp.dot(y, linw[...], preferred_element_type=jnp.float32) + linb[...]
    if final:
        out_ref[...] = y2
    else:
        out_ref[...] = jax.nn.relu(_bn_in(y2, bn2g[...], bn2b[...]))


def _post2(z, gp, n_g, n_b, linW, linb, bn2_g, bn2_b, final):
    N, C = z.shape
    CO = linW.shape[1]
    if final:
        bn2_g = jnp.zeros((CO,), jnp.float32)
        bn2_b = bn2_g
    r = lambda a: a.reshape(1, -1)
    body = functools.partial(_post2_body, final)
    return pl.pallas_call(
        body,
        out_shape=jax.ShapeDtypeStruct((N, CO), jnp.float32),
    )(z, gp['mW1'], r(gp['mb1']), gp['mW2'], r(gp['mb2']),
      r(gp['n3_g']), r(gp['n3_b']), r(n_g), r(n_b),
      linW, r(linb), r(bn2_g), r(bn2_b))



def _gps_layer(x, ea, src, dst, p, heads):
    q, k, v = _qkv(x, p, heads)
    agg = _gine_agg(x, ea, src, dst)
    attn = _attention(q, k, v, heads)
    return _post1(x, agg, attn, p)


@jax.jit
def kernel(x, edge_attr, params, edge_index):
    src = edge_index[0]
    dst = edge_index[1]
    p1 = params['gps1']
    p2 = params['gps2']
    ea1, ea2 = _ea_proj(edge_attr, p1['We'], p1['be'], p2['We'], p2['be'])

    z = _gps_layer(x, ea1, src, dst, p1, 2)
    h = _post2(z, p1, params['bn1_g'], params['bn1_b'],
               params['lin1_W'], params['lin1_b'],
               params['bn2_g'], params['bn2_b'], final=False)

    z = _gps_layer(h, ea2, src, dst, p2, 1)
    out = _post2(z, p2, params['bn2_g'], params['bn2_b'],
                 params['lin2_W'], params['lin2_b'],
                 None, None, final=True)
    return out

# --- scband reference (transcript-rebuilt; emitter-appended) ---
"""Pipeline reference for scband-gpst-gine-lin-11785390260551 (READ-ONLY COPY).

The authoritative reference and input builder live on the scoring server;
editing this copy changes nothing except your own understanding.
"""

import jax, jax.numpy as jnp
import numpy as np

N = 10000
E = 320000
IN_F = 128
CL1_F = 128
CL2_F = 128
HEADS = 2
OUT_F = 64
EDGE_DIM = 16

def _w(key, shape, scale=0.05):
    return jax.random.normal(key, shape, dtype=jnp.float32) * scale

def _make_gps_params(key, C, edge_dim, nn_hidden):
    ks = jax.random.split(key, 8)
    p = {}
    p['We'] = _w(ks[0], (edge_dim, C)); p['be'] = jnp.zeros((C,), jnp.float32)
    p['W1'] = _w(ks[1], (C, nn_hidden)); p['b1'] = jnp.zeros((nn_hidden,), jnp.float32)
    p['W2'] = _w(ks[2], (nn_hidden, C)); p['b2'] = jnp.zeros((C,), jnp.float32)
    p['Wq'] = _w(ks[3], (C, C)); p['bq'] = jnp.zeros((C,), jnp.float32)
    p['Wk'] = _w(ks[4], (C, C)); p['bk'] = jnp.zeros((C,), jnp.float32)
    p['Wv'] = _w(ks[5], (C, C)); p['bv'] = jnp.zeros((C,), jnp.float32)
    p['Wo'] = _w(ks[6], (C, C)); p['bo'] = jnp.zeros((C,), jnp.float32)
    for nm in ('n1', 'n2', 'n3'):
        p[nm + '_g'] = jnp.ones((C,), jnp.float32)
        p[nm + '_b'] = jnp.zeros((C,), jnp.float32)
    p['mW1'] = _w(ks[7], (C, 2 * C)); p['mb1'] = jnp.zeros((2 * C,), jnp.float32)
    p['mW2'] = _w(jax.random.fold_in(ks[7], 1), (2 * C, C)); p['mb2'] = jnp.zeros((C,), jnp.float32)
    return p

def setup_inputs(seed: int = 0):
    key = jax.random.key(seed)
    ks = jax.random.split(key, 8)
    x = jax.random.normal(ks[0], (N, IN_F), dtype=jnp.float32)
    edge_index = jax.random.randint(ks[1], (2, E), 0, N, dtype=jnp.int32)
    edge_attr = jax.random.normal(ks[2], (E, EDGE_DIM), dtype=jnp.float32)
    params = {
        'gps1': _make_gps_params(ks[3], IN_F, EDGE_DIM, CL1_F),
        'gps2': _make_gps_params(ks[4], CL1_F, EDGE_DIM, CL2_F),
        'lin1_W': _w(ks[5], (IN_F, CL1_F)), 'lin1_b': jnp.zeros((CL1_F,), jnp.float32),
        'lin2_W': _w(ks[6], (CL1_F, OUT_F)), 'lin2_b': jnp.zeros((OUT_F,), jnp.float32),
        'bn1_g': jnp.ones((IN_F,), jnp.float32), 'bn1_b': jnp.zeros((IN_F,), jnp.float32),
        'bn2_g': jnp.ones((CL1_F,), jnp.float32), 'bn2_b': jnp.zeros((CL1_F,), jnp.float32),
    }
    return {'x': x, 'edge_attr': edge_attr, 'params': params, 'edge_index': edge_index}

def _bn(x, g, b, eps=1e-5):
    mu = jnp.mean(x, axis=0)
    var = jnp.var(x, axis=0)
    return (x - mu) / jnp.sqrt(var + eps) * g + b

def _gine(x, edge_index, edge_attr, p):
    src = edge_index[0]
    dst = edge_index[1]
    ea = edge_attr @ p['We'] + p['be']
    msg = jax.nn.relu(x[src] + ea)
    agg = jnp.zeros_like(x).at[dst].add(msg)
    h = x + agg
    return jax.nn.relu(h @ p['W1'] + p['b1']) @ p['W2'] + p['b2']

def _mha(x, p, heads):
    n, C = x.shape
    dh = C // heads
    q = (x @ p['Wq'] + p['bq']).reshape(n, heads, dh).transpose(1, 0, 2)
    k = (x @ p['Wk'] + p['bk']).reshape(n, heads, dh).transpose(1, 0, 2)
    v = (x @ p['Wv'] + p['bv']).reshape(n, heads, dh).transpose(1, 0, 2)
    s = jnp.einsum('hnd,hmd->hnm', q, k) * (float(dh) ** -0.5)
    a = jax.nn.softmax(s, axis=-1)
    o = jnp.einsum('hnm,hmd->hnd', a, v).transpose(1, 0, 2).reshape(n, C)
    return o @ p['Wo'] + p['bo']

def _gps(x, edge_index, edge_attr, p, heads):
    h = _gine(x, edge_index, edge_attr, p)
    h = h + x
    h = _bn(h, p['n1_g'], p['n1_b'])
    ha = _mha(x, p, heads)
    ha = ha + x
    ha = _bn(ha, p['n2_g'], p['n2_b'])
    out = h + ha
    out = out + (jax.nn.relu(out @ p['mW1'] + p['mb1']) @ p['mW2'] + p['mb2'])
    out = _bn(out, p['n3_g'], p['n3_b'])
    return out

def _forward(x, edge_attr, params, edge_index):
    h = jax.nn.relu(_bn(_gps(x, edge_index, edge_attr, params['gps1'], HEADS), params['bn1_g'], params['bn1_b']))
    h = jax.nn.relu(_bn(h @ params['lin1_W'] + params['lin1_b'], params['bn2_g'], params['bn2_b']))
    h = jax.nn.relu(_bn(_gps(h, edge_index, edge_attr, params['gps2'], 1), params['bn2_g'], params['bn2_b']))
    return h @ params['lin2_W'] + params['lin2_b']

def reference(x, edge_attr, params, edge_index):
    return _forward(x, edge_attr, params, edge_index)

if __name__ == "__main__":
    import jax
    _d = setup_inputs()
    print(jax.jit(kernel)(*tuple(_d.values())))

</pallas_src>

<mosaic_0001>
#map = affine_map<(d0, d1) -> (0, 0)>
#map1 = affine_map<(d0, d1) -> (0)>
module attributes {stable_mosaic.version = 14 : i64} {
  func.func @k(%arg0: i32, %arg1: i32, %arg2: memref<10000x128xf32, #tpu.memory_space<hbm>>, %arg3: memref<320000x128xf32, #tpu.memory_space<hbm>>, %arg4: memref<320000xi32, #tpu.memory_space<hbm>>, %arg5: memref<320000xi32, #tpu.memory_space<hbm>>, %arg6: memref<10000x128xf32, #tpu.memory_space<hbm>>, %arg7: memref<20000x128xf32, #tpu.memory_space<hbm>>, %arg8: memref<40xi32, #tpu.memory_space<vmem>>, %arg9: memref<40xi32, #tpu.memory_space<vmem>>, %arg10: memref<40xi32, #tpu.memory_space<vmem>>, %arg11: memref<40xi32, #tpu.memory_space<vmem>>, %arg12: memref<40xi32, #tpu.memory_space<vmem>>, %arg13: memref<40xi32, #tpu.memory_space<vmem>>, %arg14: memref<40x128xf32, #tpu.memory_space<vmem>>, %arg15: memref<40x128xf32, #tpu.memory_space<vmem>>, %arg16: memref<40x128xf32, #tpu.memory_space<vmem>>, %arg17: memref<40x128xf32, #tpu.memory_space<vmem>>, %arg18: memref<40x128xf32, #tpu.memory_space<vmem>>, %arg19: memref<40x128xf32, #tpu.memory_space<vmem>>, %arg20: memref<10000x128xf32, #tpu.memory_space<vmem_shared>>, %arg21: memref<!tpu.dma_semaphore, #tpu.memory_space<semaphore_mem>>, %arg22: memref<!tpu.dma_semaphore, #tpu.memory_space<semaphore_mem>>, %arg23: memref<!tpu.dma_semaphore, #tpu.memory_space<semaphore_mem>>, %arg24: memref<!tpu.dma_semaphore, #tpu.memory_space<semaphore_mem>>, %arg25: memref<!tpu.dma_semaphore, #tpu.memory_space<semaphore_mem>>, %arg26: memref<!tpu.dma_semaphore, #tpu.memory_space<semaphore_mem>>) attributes {dimension_semantics = [#tpu.dimension_semantics<core_parallel>, #tpu.dimension_semantics<subcore_parallel>], iteration_bounds = array<i64: 2, 16>, scalar_prefetch = 0 : i64, scratch_operands = 19 : i64, tpu.core_type = #tpu.core_type<sc_vector_subcore>, window_params = [{transform_indices = #map}, {transform_indices = #map}, {transform_indices = #map1}, {transform_indices = #map1}, {transform_indices = #map}, {transform_indices = #map}]} {
    %mul3A = arith.constant 624 : i32
    %mul3A_0 = arith.muli %arg1, %mul3A : i32
    %mul3A_1 = arith.constant 160000 : i32
    %mul3A_2 = arith.muli %arg0, %mul3A_1 : i32
    %mul3A_3 = arith.constant 10000 : i32
    %mul3A_4 = arith.muli %arg1, %mul3A_3 : i32
    %add3A = arith.addi %mul3A_2, %mul3A_4 : i32
    "tpu.region"() ({
      %run_scoped3A = tpu.sem_alloc : memref<!tpu.dma_semaphore, #tpu.memory_space<semaphore_mem>>
      %dma_start3A_147 = arith.constant 0 : i32
      %dma_start3A_148 = tpu.memref_slice %arg20[%mul3A_0, %dma_start3A_147] : memref<10000x128xf32, #tpu.memory_space<vmem_shared>> -> memref<624x128xf32, #tpu.memory_space<vmem_shared>>
      %dma_start3A_149 = arith.constant 0 : i32
      %dma_start3A_150 = tpu.memref_slice %arg6[%mul3A_0, %dma_start3A_149] : memref<10000x128xf32, #tpu.memory_space<hbm>> -> memref<624x128xf32, #tpu.memory_space<hbm>>
      tpu.enqueue_dma source(%dma_start3A_150 : memref<624x128xf32, #tpu.memory_space<hbm>>) target(%dma_start3A_148 : memref<624x128xf32, #tpu.memory_space<vmem_shared>>) target_semaphore(%run_scoped3A : memref<!tpu.dma_semaphore, #tpu.memory_space<semaphore_mem>>)
      %dma_wait3A_151 = arith.constant 0 : i32
      %dma_wait3A_152 = tpu.memref_slice %arg20[%mul3A_0, %dma_wait3A_151] : memref<10000x128xf32, #tpu.memory_space<vmem_shared>> -> memref<624x128xf32, #tpu.memory_space<vmem_shared>>
      %dma_wait3A_153 = arith.constant 0 : i32
      %dma_wait3A_154 = tpu.memref_slice %arg6[%mul3A_0, %dma_wait3A_153] : memref<10000x128xf32, #tpu.memory_space<hbm>> -> memref<624x128xf32, #tpu.memory_space<hbm>>
      tpu.wait_dma2 semaphore(%run_scoped3A : memref<!tpu.dma_semaphore, #tpu.memory_space<semaphore_mem>>) src(%dma_wait3A_154 : memref<624x128xf32, #tpu.memory_space<hbm>>) dst(%dma_wait3A_152 : memref<624x128xf32, #tpu.memory_space<vmem_shared>>)
      tpu.yield
    }) : () -> ()
    %eq3A = arith.constant 0 : i32
    %eq3A_5 = arith.cmpi eq, %arg1, %eq3A : i32
    %convert_element_type3A = arith.extui %eq3A_5 : i1 to i32
    %cond3A = arith.constant 0 : i32
    %cond3A_6 = arith.cmpi ne, %convert_element_type3A, %cond3A : i32
    scf.if %cond3A_6 {
      "tpu.region"() ({
        %run_scoped3A = tpu.sem_alloc : memref<!tpu.dma_semaphore, #tpu.memory_space<semaphore_mem>>
        %dma_start3A_147 = arith.constant 9984 : i32
        %dma_start3A_148 = arith.constant 0 : i32
        %dma_start3A_149 = tpu.memref_slice %arg20[%dma_start3A_147, %dma_start3A_148] : memref<10000x128xf32, #tpu.memory_space<vmem_shared>> -> memref<16x128xf32, #tpu.memory_space<vmem_shared>>
        %dma_start3A_150 = arith.constant 9984 : i32
        %dma_start3A_151 = arith.constant 0 : i32
        %dma_start3A_152 = tpu.memref_slice %arg6[%dma_start3A_150, %dma_start3A_151] : memref<10000x128xf32, #tpu.memory_space<hbm>> -> memref<16x128xf32, #tpu.memory_space<hbm>>
        tpu.enqueue_dma source(%dma_start3A_152 : memref<16x128xf32, #tpu.memory_space<hbm>>) target(%dma_start3A_149 : memref<16x128xf32, #tpu.memory_space<vmem_shared>>) target_semaphore(%run_scoped3A : memref<!tpu.dma_semaphore, #tpu.memory_space<semaphore_mem>>)
        %dma_wait3A_153 = arith.constant 9984 : i32
        %dma_wait3A_154 = arith.constant 0 : i32
        %dma_wait3A_155 = tpu.memref_slice %arg20[%dma_wait3A_153, %dma_wait3A_154] : memref<10000x128xf32, #tpu.memory_space<vmem_shared>> -> memref<16x128xf32, #tpu.memory_space<vmem_shared>>
        %dma_wait3A_156 = arith.constant 9984 : i32
        %dma_wait3A_157 = arith.constant 0 : i32
        %dma_wait3A_158 = tpu.memref_slice %arg6[%dma_wait3A_156, %dma_wait3A_157] : memref<10000x128xf32, #tpu.memory_space<hbm>> -> memref<16x128xf32, #tpu.memory_space<hbm>>
        tpu.wait_dma2 semaphore(%run_scoped3A : memref<!tpu.dma_semaphore, #tpu.memory_space<semaphore_mem>>) src(%dma_wait3A_158 : memref<16x128xf32, #tpu.memory_space<hbm>>) dst(%dma_wait3A_155 : memref<16x128xf32, #tpu.memory_space<vmem_shared>>)
        tpu.yield
      }) : () -> ()
    } else {
    }
    %barrier3A = arith.constant 0 : index
    tpu.barrier barrier_id(%barrier3A)
    %add3A_7 = arith.constant 0 : i32
    %add3A_8 = arith.addi %add3A, %add3A_7 : i32
    %dma_start3A = tpu.memref_slice %arg4[%add3A_8] : memref<320000xi32, #tpu.memory_space<hbm>> -> memref<40xi32, #tpu.memory_space<hbm>>
    %dma_start3A_9 = tpu.memref_slice %arg4[%add3A_8] : memref<320000xi32, #tpu.memory_space<hbm>> -> memref<40xi32, #tpu.memory_space<hbm>>
    tpu.enqueue_dma source(%dma_start3A_9 : memref<40xi32, #tpu.memory_space<hbm>>) target(%arg8 : memref<40xi32, #tpu.memory_space<vmem>>) target_semaphore(%arg21 : memref<!tpu.dma_semaphore, #tpu.memory_space<semaphore_mem>>)
    %dma_start3A_10 = tpu.memref_slice %arg5[%add3A_8] : memref<320000xi32, #tpu.memory_space<hbm>> -> memref<40xi32, #tpu.memory_space<hbm>>
    %dma_start3A_11 = tpu.memref_slice %arg5[%add3A_8] : memref<320000xi32, #tpu.memory_space<hbm>> -> memref<40xi32, #tpu.memory_space<hbm>>
    tpu.enqueue_dma source(%dma_start3A_11 : memref<40xi32, #tpu.memory_space<hbm>>) target(%arg11 : memref<40xi32, #tpu.memory_space<vmem>>) target_semaphore(%arg21 : memref<!tpu.dma_semaphore, #tpu.memory_space<semaphore_mem>>)
    %dma_start3A_12 = arith.constant 0 : i32
    %dma_start3A_13 = tpu.memref_slice %arg3[%add3A_8, %dma_start3A_12] : memref<320000x128xf32, #tpu.memory_space<hbm>> -> memref<40x128xf32, #tpu.memory_space<hbm>>
    %dma_start3A_14 = arith.constant 0 : i32
    %dma_start3A_15 = tpu.memref_slice %arg3[%add3A_8, %dma_start3A_14] : memref<320000x128xf32, #tpu.memory_space<hbm>> -> memref<40x128xf32, #tpu.memory_space<hbm>>
    tpu.enqueue_dma source(%dma_start3A_15 : memref<40x128xf32, #tpu.memory_space<hbm>>) target(%arg17 : memref<40x128xf32, #tpu.memory_space<vmem>>) target_semaphore(%arg21 : memref<!tpu.dma_semaphore, #tpu.memory_space<semaphore_mem>>)
    %add3A_16 = arith.constant 40 : i32
    %add3A_17 = arith.addi %add3A, %add3A_16 : i32
    %dma_start3A_18 = tpu.memref_slice %arg4[%add3A_17] : memref<320000xi32, #tpu.memory_space<hbm>> -> memref<40xi32, #tpu.memory_space<hbm>>
    %dma_start3A_19 = tpu.memref_slice %arg4[%add3A_17] : memref<320000xi32, #tpu.memory_space<hbm>> -> memref<40xi32, #tpu.memory_space<hbm>>
    tpu.enqueue_dma source(%dma_start3A_19 : memref<40xi32, #tpu.memory_space<hbm>>) target(%arg9 : memref<40xi32, #tpu.memory_space<vmem>>) target_semaphore(%arg22 : memref<!tpu.dma_semaphore, #tpu.memory_space<semaphore_mem>>)
    %dma_start3A_20 = tpu.memref_slice %arg5[%add3A_17] : memref<320000xi32, #tpu.memory_space<hbm>> -> memref<40xi32, #tpu.memory_space<hbm>>
    %dma_start3A_21 = tpu.memref_slice %arg5[%add3A_17] : memref<320000xi32, #tpu.memory_space<hbm>> -> memref<40xi32, #tpu.memory_space<hbm>>
    tpu.enqueue_dma source(%dma_start3A_21 : memref<40xi32, #tpu.memory_space<hbm>>) target(%arg12 : memref<40xi32, #tpu.memory_space<vmem>>) target_semaphore(%arg22 : memref<!tpu.dma_semaphore, #tpu.memory_space<semaphore_mem>>)
    %dma_start3A_22 = arith.constant 0 : i32
    %dma_start3A_23 = tpu.memref_slice %arg3[%add3A_17, %dma_start3A_22] : memref<320000x128xf32, #tpu.memory_space<hbm>> -> memref<40x128xf32, #tpu.memory_space<hbm>>
    %dma_start3A_24 = arith.constant 0 : i32
    %dma_start3A_25 = tpu.memref_slice %arg3[%add3A_17, %dma_start3A_24] : memref<320000x128xf32, #tpu.memory_space<hbm>> -> memref<40x128xf32, #tpu.memory_space<hbm>>
    tpu.enqueue_dma source(%dma_start3A_25 : memref<40x128xf32, #tpu.memory_space<hbm>>) target(%arg18 : memref<40x128xf32, #tpu.memory_space<vmem>>) target_semaphore(%arg22 : memref<!tpu.dma_semaphore, #tpu.memory_space<semaphore_mem>>)
    %add3A_26 = arith.constant 0 : i32
    %add3A_27 = arith.addi %add3A, %add3A_26 : i32
    %dma_wait3A = tpu.memref_slice %arg4[%add3A_27] : memref<320000xi32, #tpu.memory_space<hbm>> -> memref<40xi32, #tpu.memory_space<hbm>>
    %dma_wait3A_28 = tpu.memref_slice %arg4[%add3A_27] : memref<320000xi32, #tpu.memory_space<hbm>> -> memref<40xi32, #tpu.memory_space<hbm>>
    tpu.wait_dma2 semaphore(%arg21 : memref<!tpu.dma_semaphore, #tpu.memory_space<semaphore_mem>>) src(%dma_wait3A_28 : memref<40xi32, #tpu.memory_space<hbm>>) dst(%arg8 : memref<40xi32, #tpu.memory_space<vmem>>)
    %dma_wait3A_29 = tpu.memref_slice %arg5[%add3A_27] : memref<320000xi32, #tpu.memory_space<hbm>> -> memref<40xi32, #tpu.memory_space<hbm>>
    %dma_wait3A_30 = tpu.memref_slice %arg5[%add3A_27] : memref<320000xi32, #tpu.memory_space<hbm>> -> memref<40xi32, #tpu.memory_space<hbm>>
    tpu.wait_dma2 semaphore(%arg21 : memref<!tpu.dma_semaphore, #tpu.memory_space<semaphore_mem>>) src(%dma_wait3A_30 : memref<40xi32, #tpu.memory_space<hbm>>) dst(%arg11 : memref<40xi32, #tpu.memory_space<vmem>>)
    %dma_wait3A_31 = arith.constant 0 : i32
    %dma_wait3A_32 = tpu.memref_slice %arg3[%add3A_27, %dma_wait3A_31] : memref<320000x128xf32, #tpu.memory_space<hbm>> -> memref<40x128xf32, #tpu.memory_space<hbm>>
    %dma_wait3A_33 = arith.constant 0 : i32
    %dma_wait3A_34 = tpu.memref_slice %arg3[%add3A_27, %dma_wait3A_33] : memref<320000x128xf32, #tpu.memory_space<hbm>> -> memref<40x128xf32, #tpu.memory_space<hbm>>
    tpu.wait_dma2 semaphore(%arg21 : memref<!tpu.dma_semaphore, #tpu.memory_space<semaphore_mem>>) src(%dma_wait3A_34 : memref<40x128xf32, #tpu.memory_space<hbm>>) dst(%arg17 : memref<40x128xf32, #tpu.memory_space<vmem>>)
    %dma_start3A_35 = arith.constant 0 : i32
    %dma_start3A_36 = arith.constant 0 : i32
    %dma_start3A_37 = tpu.memref_slice %arg2[%dma_start3A_35, %dma_start3A_36] : memref<10000x128xf32, #tpu.memory_space<hbm>> -> memref<10000x128xf32, #tpu.memory_space<hbm>>
    tpu.enqueue_indirect_dma source(%dma_start3A_37 : memref<10000x128xf32, #tpu.memory_space<hbm>>) target(%arg14 : memref<40x128xf32, #tpu.memory_space<vmem>>) offsets(%arg8 : memref<40xi32, #tpu.memory_space<vmem>>) semaphore(%arg24 : memref<!tpu.dma_semaphore, #tpu.memory_space<semaphore_mem>>)
    %scan3A = arith.constant 0 : i32
    %scan3A_38 = arith.constant 0 : i32
    %scan3A_39 = arith.constant 82 : i32
    %scan3A_40 = arith.addi %scan3A_38, %scan3A_39 : i32
    %scan3A_41 = arith.constant 1 : i32
    scf.for %scan3A_147 = %scan3A_38 to %scan3A_40 step %scan3A_41  : i32 {
      %mul3A_148 = arith.constant 3 : i32
      %mul3A_149 = arith.muli %mul3A_148, %scan3A_147 : i32
      %add3A_150 = arith.constant 2 : i32
      %add3A_151 = arith.addi %mul3A_149, %add3A_150 : i32
      %mul3A_152 = arith.constant 40 : i32
      %mul3A_153 = arith.muli %add3A_151, %mul3A_152 : i32
      %add3A_154 = arith.addi %add3A, %mul3A_153 : i32
      %dma_start3A_155 = tpu.memref_slice %arg4[%add3A_154] : memref<320000xi32, #tpu.memory_space<hbm>> -> memref<40xi32, #tpu.memory_space<hbm>>
      %dma_start3A_156 = tpu.memref_slice %arg4[%add3A_154] : memref<320000xi32, #tpu.memory_space<hbm>> -> memref<40xi32, #tpu.memory_space<hbm>>
      tpu.enqueue_dma source(%dma_start3A_156 : memref<40xi32, #tpu.memory_space<hbm>>) target(%arg10 : memref<40xi32, #tpu.memory_space<vmem>>) target_semaphore(%arg23 : memref<!tpu.dma_semaphore, #tpu.memory_space<semaphore_mem>>)
      %dma_start3A_157 = tpu.memref_slice %arg5[%add3A_154] : memref<320000xi32, #tpu.memory_space<hbm>> -> memref<40xi32, #tpu.memory_space<hbm>>
      %dma_start3A_158 = tpu.memref_slice %arg5[%add3A_154] : memref<320000xi32, #tpu.memory_space<hbm>> -> memref<40xi32, #tpu.memory_space<hbm>>
      tpu.enqueue_dma source(%dma_start3A_158 : memref<40xi32, #tpu.memory_space<hbm>>) target(%arg13 : memref<40xi32, #tpu.memory_space<vmem>>) target_semaphore(%arg23 : memref<!tpu.dma_semaphore, #tpu.memory_space<semaphore_mem>>)
      %dma_start3A_159 = arith.constant 0 : i32
      %dma_start3A_160 = tpu.memref_slice %arg3[%add3A_154, %dma_start3A_159] : memref<320000x128xf32, #tpu.memory_space<hbm>> -> memref<40x128xf32, #tpu.memory_space<hbm>>
      %dma_start3A_161 = arith.constant 0 : i32
      %dma_start3A_162 = tpu.memref_slice %arg3[%add3A_154, %dma_start3A_161] : memref<320000x128xf32, #tpu.memory_space<hbm>> -> memref<40x128xf32, #tpu.memory_space<hbm>>
      tpu.enqueue_dma source(%dma_start3A_162 : memref<40x128xf32, #tpu.memory_space<hbm>>) target(%arg19 : memref<40x128xf32, #tpu.memory_space<vmem>>) target_semaphore(%arg23 : memref<!tpu.dma_semaphore, #tpu.memory_space<semaphore_mem>>)
      %add3A_163 = arith.constant 1 : i32
      %add3A_164 = arith.addi %mul3A_149, %add3A_163 : i32
      %mul3A_165 = arith.constant 40 : i32
      %mul3A_166 = arith.muli %add3A_164, %mul3A_165 : i32
      %add3A_167 = arith.addi %add3A, %mul3A_166 : i32
      %dma_wait3A_168 = tpu.memref_slice %arg4[%add3A_167] : memref<320000xi32, #tpu.memory_space<hbm>> -> memref<40xi32, #tpu.memory_space<hbm>>
      %dma_wait3A_169 = tpu.memref_slice %arg4[%add3A_167] : memref<320000xi32, #tpu.memory_space<hbm>> -> memref<40xi32, #tpu.memory_space<hbm>>
      tpu.wait_dma2 semaphore(%arg22 : memref<!tpu.dma_semaphore, #tpu.memory_space<semaphore_mem>>) src(%dma_wait3A_169 : memref<40xi32, #tpu.memory_space<hbm>>) dst(%arg9 : memref<40xi32, #tpu.memory_space<vmem>>)
      %dma_wait3A_170 = tpu.memref_slice %arg5[%add3A_167] : memref<320000xi32, #tpu.memory_space<hbm>> -> memref<40xi32, #tpu.memory_space<hbm>>
      %dma_wait3A_171 = tpu.memref_slice %arg5[%add3A_167] : memref<320000xi32, #tpu.memory_space<hbm>> -> memref<40xi32, #tpu.memory_space<hbm>>
      tpu.wait_dma2 semaphore(%arg22 : memref<!tpu.dma_semaphore, #tpu.memory_space<semaphore_mem>>) src(%dma_wait3A_171 : memref<40xi32, #tpu.memory_space<hbm>>) dst(%arg12 : memref<40xi32, #tpu.memory_space<vmem>>)
      %dma_wait3A_172 = arith.constant 0 : i32
      %dma_wait3A_173 = tpu.memref_slice %arg3[%add3A_167, %dma_wait3A_172] : memref<320000x128xf32, #tpu.memory_space<hbm>> -> memref<40x128xf32, #tpu.memory_space<hbm>>
      %dma_wait3A_174 = arith.constant 0 : i32
      %dma_wait3A_175 = tpu.memref_slice %arg3[%add3A_167, %dma_wait3A_174] : memref<320000x128xf32, #tpu.memory_space<hbm>> -> memref<40x128xf32, #tpu.memory_space<hbm>>
      tpu.wait_dma2 semaphore(%arg22 : memref<!tpu.dma_semaphore, #tpu.memory_space<semaphore_mem>>) src(%dma_wait3A_175 : memref<40x128xf32, #tpu.memory_space<hbm>>) dst(%arg18 : memref<40x128xf32, #tpu.memory_space<vmem>>)
      %dma_start3A_176 = arith.constant 0 : i32
      %dma_start3A_177 = arith.constant 0 : i32
      %dma_start3A_178 = tpu.memref_slice %arg2[%dma_start3A_176, %dma_start3A_177] : memref<10000x128xf32, #tpu.memory_space<hbm>> -> memref<10000x128xf32, #tpu.memory_space<hbm>>
      tpu.enqueue_indirect_dma source(%dma_start3A_178 : memref<10000x128xf32, #tpu.memory_space<hbm>>) target(%arg15 : memref<40x128xf32, #tpu.memory_space<vmem>>) offsets(%arg9 : memref<40xi32, #tpu.memory_space<vmem>>) semaphore(%arg25 : memref<!tpu.dma_semaphore, #tpu.memory_space<semaphore_mem>>)
      %dma_wait3A_179 = arith.constant 0 : i32
      %dma_wait3A_180 = arith.constant 0 : i32
      %dma_wait3A_181 = tpu.memref_slice %arg2[%dma_wait3A_179, %dma_wait3A_180] : memref<10000x128xf32, #tpu.memory_space<hbm>> -> memref<10000x128xf32, #tpu.memory_space<hbm>>
      tpu.wait_indirect_dma semaphore(%arg24 : memref<!tpu.dma_semaphore, #tpu.memory_space<semaphore_mem>>) src(%dma_wait3A_181 : memref<10000x128xf32, #tpu.memory_space<hbm>>) dst(%arg14 : memref<40x128xf32, #tpu.memory_space<vmem>>)
      %scan3A_182 = arith.constant 0 : i32
      %scan3A_183 = arith.constant 0 : i32
      %scan3A_184 = arith.constant 40 : i32
      %scan3A_185 = arith.addi %scan3A_183, %scan3A_184 : i32
      %scan3A_186 = arith.constant 1 : i32
      scf.for %scan3A_268 = %scan3A_183 to %scan3A_185 step %scan3A_186  : i32 {
        %get3A = arith.index_cast %scan3A_268 : i32 to index
        %get3A_269 = arith.constant 0 : index
        %get3A_270 = tpu.vector_load %arg14[%get3A, %get3A_269] {strides = array<i32>} : memref<40x128xf32, #tpu.memory_space<vmem>>, vector<1x16xf32>,
        %get3A_271 = vector.shape_cast %get3A_270 : vector<1x16xf32> to vector<16xf32>
        %get3A_272 = arith.index_cast %scan3A_268 : i32 to index
        %get3A_273 = arith.constant 0 : index
        %get3A_274 = tpu.vector_load %arg17[%get3A_272, %get3A_273] {strides = array<i32>} : memref<40x128xf32, #tpu.memory_space<vmem>>, vector<1x16xf32>,
        %get3A_275 = vector.shape_cast %get3A_274 : vector<1x16xf32> to vector<16xf32>
        %add3A_276 = arith.addf %get3A_271, %get3A_275 : vector<16xf32>
        %max3A = arith.constant 0.000000e+00 : f32
        %max3A_277 = vector.broadcast %max3A : f32 to vector<16xf32>
        %max3A_278 = arith.maximumf %add3A_276, %max3A_277 : vector<16xf32>
        %swap3A = arith.index_cast %scan3A_268 : i32 to index
        %swap3A_279 = arith.constant 0 : index
        %swap3A_280 = tpu.vector_load %arg14[%swap3A, %swap3A_279] {strides = array<i32>} : memref<40x128xf32, #tpu.memory_space<vmem>>, vector<1x16xf32>,
        %swap3A_281 = vector.shape_cast %swap3A_280 : vector<1x16xf32> to vector<16xf32>
        %swap3A_282 = vector.shape_cast %max3A_278 : vector<16xf32> to vector<1x16xf32>
        tpu.vector_store %arg14[%swap3A, %swap3A_279], %swap3A_282 {strides = array<i32>} : memref<40x128xf32, #tpu.memory_space<vmem>>, vector<1x16xf32>,
        %get3A_283 = arith.index_cast %scan3A_268 : i32 to index
        %get3A_284 = arith.constant 16 : index
        %get3A_285 = tpu.vector_load %arg14[%get3A_283, %get3A_284] {strides = array<i32>} : memref<40x128xf32, #tpu.memory_space<vmem>>, vector<1x16xf32>,
        %get3A_286 = vector.shape_cast %get3A_285 : vector<1x16xf32> to vector<16xf32>
        %get3A_287 = arith.index_cast %scan3A_268 : i32 to index
        %get3A_288 = arith.constant 16 : index
        %get3A_289 = tpu.vector_load %arg17[%get3A_287, %get3A_288] {strides = array<i32>} : memref<40x128xf32, #tpu.memory_space<vmem>>, vector<1x16xf32>,
        %get3A_290 = vector.shape_cast %get3A_289 : vector<1x16xf32> to vector<16xf32>
        %add3A_291 = arith.addf %get3A_286, %get3A_290 : vector<16xf32>
        %max3A_292 = arith.constant 0.000000e+00 : f32
        %max3A_293 = vector.broadcast %max3A_292 : f32 to vector<16xf32>
        %max3A_294 = arith.maximumf %add3A_291, %max3A_293 : vector<16xf32>
        %swap3A_295 = arith.index_cast %scan3A_268 : i32 to index
        %swap3A_296 = arith.constant 16 : index
        %swap3A_297 = tpu.vector_load %arg14[%swap3A_295, %swap3A_296] {strides = array<i32>} : memref<40x128xf32, #tpu.memory_space<vmem>>, vector<1x16xf32>,
        %swap3A_298 = vector.shape_cast %swap3A_297 : vector<1x16xf32> to vector<16xf32>
        %swap3A_299 = vector.shape_cast %max3A_294 : vector<16xf32> to vector<1x16xf32>
        tpu.vector_store %arg14[%swap3A_295, %swap3A_296], %swap3A_299 {strides = array<i32>} : memref<40x128xf32, #tpu.memory_space<vmem>>, vector<1x16xf32>,
        %get3A_300 = arith.index_cast %scan3A_268 : i32 to index
        %get3A_301 = arith.constant 32 : index
        %get3A_302 = tpu.vector_load %arg14[%get3A_300, %get3A_301] {strides = array<i32>} : memref<40x128xf32, #tpu.memory_space<vmem>>, vector<1x16xf32>,
        %get3A_303 = vector.shape_cast %get3A_302 : vector<1x16xf32> to vector<16xf32>
        %get3A_304 = arith.index_cast %scan3A_268 : i32 to index
        %get3A_305 = arith.constant 32 : index
        %get3A_306 = tpu.vector_load %arg17[%get3A_304, %get3A_305] {strides = array<i32>} : memref<40x128xf32, #tpu.memory_space<vmem>>, vector<1x16xf32>,
        %get3A_307 = vector.shape_cast %get3A_306 : vector<1x16xf32> to vector<16xf32>
        %add3A_308 = arith.addf %get3A_303, %get3A_307 : vector<16xf32>
        %max3A_309 = arith.constant 0.000000e+00 : f32
        %max3A_310 = vector.broadcast %max3A_309 : f32 to vector<16xf32>
        %max3A_311 = arith.maximumf %add3A_308, %max3A_310 : vector<16xf32>
        %swap3A_312 = arith.index_cast %scan3A_268 : i32 to index
        %swap3A_313 = arith.constant 32 : index
        %swap3A_314 = tpu.vector_load %arg14[%swap3A_312, %swap3A_313] {strides = array<i32>} : memref<40x128xf32, #tpu.memory_space<vmem>>, vector<1x16xf32>,
        %swap3A_315 = vector.shape_cast %swap3A_314 : vector<1x16xf32> to vector<16xf32>
        %swap3A_316 = vector.shape_cast %max3A_311 : vector<16xf32> to vector<1x16xf32>
        tpu.vector_store %arg14[%swap3A_312, %swap3A_313], %swap3A_316 {strides = array<i32>} : memref<40x128xf32, #tpu.memory_space<vmem>>, vector<1x16xf32>,
        %get3A_317 = arith.index_cast %scan3A_268 : i32 to index
        %get3A_318 = arith.constant 48 : index
        %get3A_319 = tpu.vector_load %arg14[%get3A_317, %get3A_318] {strides = array<i32>} : memref<40x128xf32, #tpu.memory_space<vmem>>, vector<1x16xf32>,
        %get3A_320 = vector.shape_cast %get3A_319 : vector<1x16xf32> to vector<16xf32>
        %get3A_321 = arith.index_cast %scan3A_268 : i32 to index
        %get3A_322 = arith.constant 48 : index
        %get3A_323 = tpu.vector_load %arg17[%get3A_321, %get3A_322] {strides = array<i32>} : memref<40x128xf32, #tpu.memory_space<vmem>>, vector<1x16xf32>,
        %get3A_324 = vector.shape_cast %get3A_323 : vector<1x16xf32> to vector<16xf32>
        %add3A_325 = arith.addf %get3A_320, %get3A_324 : vector<16xf32>
        %max3A_326 = arith.constant 0.000000e+00 : f32
        %max3A_327 = vector.broadcast %max3A_326 : f32 to vector<16xf32>
        %max3A_328 = arith.maximumf %add3A_325, %max3A_327 : vector<16xf32>
        %swap3A_329 = arith.index_cast %scan3A_268 : i32 to index
        %swap3A_330 = arith.constant 48 : index
        %swap3A_331 = tpu.vector_load %arg14[%swap3A_329, %swap3A_330] {strides = array<i32>} : memref<40x128xf32, #tpu.memory_space<vmem>>, vector<1x16xf32>,
        %swap3A_332 = vector.shape_cast %swap3A_331 : vector<1x16xf32> to vector<16xf32>
        %swap3A_333 = vector.shape_cast %max3A_328 : vector<16xf32> to vector<1x16xf32>
        tpu.vector_store %arg14[%swap3A_329, %swap3A_330], %swap3A_333 {strides = array<i32>} : memref<40x128xf32, #tpu.memory_space<vmem>>, vector<1x16xf32>,
        %get3A_334 = arith.index_cast %scan3A_268 : i32 to index
        %get3A_335 = arith.constant 64 : index
        %get3A_336 = tpu.vector_load %arg14[%get3A_334, %get3A_335] {strides = array<i32>} : memref<40x128xf32, #tpu.memory_space<vmem>>, vector<1x16xf32>,
        %get3A_337 = vector.shape_cast %get3A_336 : vector<1x16xf32> to vector<16xf32>
        %get3A_338 = arith.index_cast %scan3A_268 : i32 to index
        %get3A_339 = arith.constant 64 : index
        %get3A_340 = tpu.vector_load %arg17[%get3A_338, %get3A_339] {strides = array<i32>} : memref<40x128xf32, #tpu.memory_space<vmem>>, vector<1x16xf32>,
        %get3A_341 = vector.shape_cast %get3A_340 : vector<1x16xf32> to vector<16xf32>
        %add3A_342 = arith.addf %get3A_337, %get3A_341 : vector<16xf32>
        %max3A_343 = arith.constant 0.000000e+00 : f32
        %max3A_344 = vector.broadcast %max3A_343 : f32 to vector<16xf32>
        %max3A_345 = arith.maximumf %add3A_342, %max3A_344 : vector<16xf32>
        %swap3A_346 = arith.index_cast %scan3A_268 : i32 to index
        %swap3A_347 = arith.constant 64 : index
        %swap3A_348 = tpu.vector_load %arg14[%swap3A_346, %swap3A_347] {strides = array<i32>} : memref<40x128xf32, #tpu.memory_space<vmem>>, vector<1x16xf32>,
        %swap3A_349 = vector.shape_cast %swap3A_348 : vector<1x16xf32> to vector<16xf32>
        %swap3A_350 = vector.shape_cast %max3A_345 : vector<16xf32> to vector<1x16xf32>
        tpu.vector_store %arg14[%swap3A_346, %swap3A_347], %swap3A_350 {strides = array<i32>} : memref<40x128xf32, #tpu.memory_space<vmem>>, vector<1x16xf32>,
        %get3A_351 = arith.index_cast %scan3A_268 : i32 to index
        %get3A_352 = arith.constant 80 : index
        %get3A_353 = tpu.vector_load %arg14[%get3A_351, %get3A_352] {strides = array<i32>} : memref<40x128xf32, #tpu.memory_space<vmem>>, vector<1x16xf32>,
        %get3A_354 = vector.shape_cast %get3A_353 : vector<1x16xf32> to vector<16xf32>
        %get3A_355 = arith.index_cast %scan3A_268 : i32 to index
        %get3A_356 = arith.constant 80 : index
        %get3A_357 = tpu.vector_load %arg17[%get3A_355, %get3A_356] {strides = array<i32>} : memref<40x128xf32, #tpu.memory_space<vmem>>, vector<1x16xf32>,
        %get3A_358 = vector.shape_cast %get3A_357 : vector<1x16xf32> to vector<16xf32>
        %add3A_359 = arith.addf %get3A_354, %get3A_358 : vector<16xf32>
        %max3A_360 = arith.constant 0.000000e+00 : f32
        %max3A_361 = vector.broadcast %max3A_360 : f32 to vector<16xf32>
        %max3A_362 = arith.maximumf %add3A_359, %max3A_361 : vector<16xf32>
        %swap3A_363 = arith.index_cast %scan3A_268 : i32 to index
        %swap3A_364 = arith.constant 80 : index
        %swap3A_365 = tpu.vector_load %arg14[%swap3A_363, %swap3A_364] {strides = array<i32>} : memref<40x128xf32, #tpu.memory_space<vmem>>, vector<1x16xf32>,
        %swap3A_366 = vector.shape_cast %swap3A_365 : vector<1x16xf32> to vector<16xf32>
        %swap3A_367 = vector.shape_cast %max3A_362 : vector<16xf32> to vector<1x16xf32>
        tpu.vector_store %arg14[%swap3A_363, %swap3A_364], %swap3A_367 {strides = array<i32>} : memref<40x128xf32, #tpu.memory_space<vmem>>, vector<1x16xf32>,
        %get3A_368 = arith.index_cast %scan3A_268 : i32 to index
        %get3A_369 = arith.constant 96 : index
        %get3A_370 = tpu.vector_load %arg14[%get3A_368, %get3A_369] {strides = array<i32>} : memref<40x128xf32, #tpu.memory_space<vmem>>, vector<1x16xf32>,
        %get3A_371 = vector.shape_cast %get3A_370 : vector<1x16xf32> to vector<16xf32>
        %get3A_372 = arith.index_cast %scan3A_268 : i32 to index
        %get3A_373 = arith.constant 96 : index
        %get3A_374 = tpu.vector_load %arg17[%get3A_372, %get3A_373] {strides = array<i32>} : memref<40x128xf32, #tpu.memory_space<vmem>>, vector<1x16xf32>,
        %get3A_375 = vector.shape_cast %get3A_374 : vector<1x16xf32> to vector<16xf32>
        %add3A_376 = arith.addf %get3A_371, %get3A_375 : vector<16xf32>
        %max3A_377 = arith.constant 0.000000e+00 : f32
        %max3A_378 = vector.broadcast %max3A_377 : f32 to vector<16xf32>
        %max3A_379 = arith.maximumf %add3A_376, %max3A_378 : vector<16xf32>
        %swap3A_380 = arith.index_cast %scan3A_268 : i32 to index
        %swap3A_381 = arith.constant 96 : index
        %swap3A_382 = tpu.vector_load %arg14[%swap3A_380, %swap3A_381] {strides = array<i32>} : memref<40x128xf32, #tpu.memory_space<vmem>>, vector<1x16xf32>,
        %swap3A_383 = vector.shape_cast %swap3A_382 : vector<1x16xf32> to vector<16xf32>
        %swap3A_384 = vector.shape_cast %max3A_379 : vector<16xf32> to vector<1x16xf32>
        tpu.vector_store %arg14[%swap3A_380, %swap3A_381], %swap3A_384 {strides = array<i32>} : memref<40x128xf32, #tpu.memory_space<vmem>>, vector<1x16xf32>,
        %get3A_385 = arith.index_cast %scan3A_268 : i32 to index
        %get3A_386 = arith.constant 112 : index
        %get3A_387 = tpu.vector_load %arg14[%get3A_385, %get3A_386] {strides = array<i32>} : memref<40x128xf32, #tpu.memory_space<vmem>>, vector<1x16xf32>,
        %get3A_388 = vector.shape_cast %get3A_387 : vector<1x16xf32> to vector<16xf32>
        %get3A_389 = arith.index_cast %scan3A_268 : i32 to index
        %get3A_390 = arith.constant 112 : index
        %get3A_391 = tpu.vector_load %arg17[%get3A_389, %get3A_390] {strides = array<i32>} : memref<40x128xf32, #tpu.memory_space<vmem>>, vector<1x16xf32>,
        %get3A_392 = vector.shape_cast %get3A_391 : vector<1x16xf32> to vector<16xf32>
        %add3A_393 = arith.addf %get3A_388, %get3A_392 : vector<16xf32>
        %max3A_394 = arith.constant 0.000000e+00 : f32
        %max3A_395 = vector.broadcast %max3A_394 : f32 to vector<16xf32>
        %max3A_396 = arith.maximumf %add3A_393, %max3A_395 : vector<16xf32>
        %swap3A_397 = arith.index_cast %scan3A_268 : i32 to index
        %swap3A_398 = arith.constant 112 : index
        %swap3A_399 = tpu.vector_load %arg14[%swap3A_397, %swap3A_398] {strides = array<i32>} : memref<40x128xf32, #tpu.memory_space<vmem>>, vector<1x16xf32>,
        %swap3A_400 = vector.shape_cast %swap3A_399 : vector<1x16xf32> to vector<16xf32>
        %swap3A_401 = vector.shape_cast %max3A_396 : vector<16xf32> to vector<1x16xf32>
        tpu.vector_store %arg14[%swap3A_397, %swap3A_398], %swap3A_401 {strides = array<i32>} : memref<40x128xf32, #tpu.memory_space<vmem>>, vector<1x16xf32>,
      }
      %scan3A_187 = arith.constant 40 : i32
      "tpu.region"() ({
        %run_scoped3A = tpu.sem_alloc : memref<!tpu.dma_semaphore, #tpu.memory_space<semaphore_mem>>
        %dma_start3A_268 = arith.constant 0 : i32
        %dma_start3A_269 = arith.constant 0 : i32
        %dma_start3A_270 = tpu.memref_slice %arg20[%dma_start3A_268, %dma_start3A_269] : memref<10000x128xf32, #tpu.memory_space<vmem_shared>> -> memref<10000x128xf32, #tpu.memory_space<vmem_shared>>
        tpu.enqueue_indirect_dma source(%arg14 : memref<40x128xf32, #tpu.memory_space<vmem>>) target(%dma_start3A_270 : memref<10000x128xf32, #tpu.memory_space<vmem_shared>>) offsets(%arg11 : memref<40xi32, #tpu.memory_space<vmem>>) semaphore(%run_scoped3A : memref<!tpu.dma_semaphore, #tpu.memory_space<semaphore_mem>>) {add = true}
        %dma_wait3A_271 = arith.constant 0 : i32
        %dma_wait3A_272 = arith.constant 0 : i32
        %dma_wait3A_273 = tpu.memref_slice %arg20[%dma_wait3A_271, %dma_wait3A_272] : memref<10000x128xf32, #tpu.memory_space<vmem_shared>> -> memref<10000x128xf32, #tpu.memory_space<vmem_shared>>
        tpu.wait_indirect_dma semaphore(%run_scoped3A : memref<!tpu.dma_semaphore, #tpu.memory_space<semaphore_mem>>) src(%arg14 : memref<40x128xf32, #tpu.memory_space<vmem>>) dst(%dma_wait3A_273 : memref<10000x128xf32, #tpu.memory_space<vmem_shared>>)
        tpu.yield
      }) : () -> ()
      %add3A_188 = arith.constant 1 : i32
      %add3A_189 = arith.addi %mul3A_149, %add3A_188 : i32
      %add3A_190 = arith.constant 2 : i32
      %add3A_191 = arith.addi %add3A_189, %add3A_190 : i32
      %mul3A_192 = arith.constant 40 : i32
      %mul3A_193 = arith.muli %add3A_191, %mul3A_192 : i32
      %add3A_194 = arith.addi %add3A, %mul3A_193 : i32
      %dma_start3A_195 = tpu.memref_slice %arg4[%add3A_194] : memref<320000xi32, #tpu.memory_space<hbm>> -> memref<40xi32, #tpu.memory_space<hbm>>
      %dma_start3A_196 = tpu.memref_slice %arg4[%add3A_194] : memref<320000xi32, #tpu.memory_space<hbm>> -> memref<40xi32, #tpu.memory_space<hbm>>
      tpu.enqueue_dma source(%dma_start3A_196 : memref<40xi32, #tpu.memory_space<hbm>>) target(%arg8 : memref<40xi32, #tpu.memory_space<vmem>>) target_semaphore(%arg21 : memref<!tpu.dma_semaphore, #tpu.memory_space<semaphore_mem>>)
      %dma_start3A_197 = tpu.memref_slice %arg5[%add3A_194] : memref<320000xi32, #tpu.memory_space<hbm>> -> memref<40xi32, #tpu.memory_space<hbm>>
      %dma_start3A_198 = tpu.memref_slice %arg5[%add3A_194] : memref<320000xi32, #tpu.memory_space<hbm>> -> memref<40xi32, #tpu.memory_space<hbm>>
      tpu.enqueue_dma source(%dma_start3A_198 : memref<40xi32, #tpu.memory_space<hbm>>) target(%arg11 : memref<40xi32, #tpu.memory_space<vmem>>) target_semaphore(%arg21 : memref<!tpu.dma_semaphore, #tpu.memory_space<semaphore_mem>>)
      %dma_start3A_199 = arith.constant 0 : i32
      %dma_start3A_200 = tpu.memref_slice %arg3[%add3A_194, %dma_start3A_199] : memref<320000x128xf32, #tpu.memory_space<hbm>> -> memref<40x128xf32, #tpu.memory_space<hbm>>
      %dma_start3A_201 = arith.constant 0 : i32
      %dma_start3A_202 = tpu.memref_slice %arg3[%add3A_194, %dma_start3A_201] : memref<320000x128xf32, #tpu.memory_space<hbm>> -> memref<40x128xf32, #tpu.memory_space<hbm>>
      tpu.enqueue_dma source(%dma_start3A_202 : memref<40x128xf32, #tpu.memory_space<hbm>>) target(%arg17 : memref<40x128xf32, #tpu.memory_space<vmem>>) target_semaphore(%arg21 : memref<!tpu.dma_semaphore, #tpu.memory_space<semaphore_mem>>)
      %add3A_203 = arith.constant 1 : i32
      %add3A_204 = arith.addi %add3A_189, %add3A_203 : i32
      %mul3A_205 = arith.constant 40 : i32
      %mul3A_206 = arith.muli %add3A_204, %mul3A_205 : i32
      %add3A_207 = arith.addi %add3A, %mul3A_206 : i32
      %dma_wait3A_208 = tpu.memref_slice %arg4[%add3A_207] : memref<320000xi32, #tpu.memory_space<hbm>> -> memref<40xi32, #tpu.memory_space<hbm>>
      %dma_wait3A_209 = tpu.memref_slice %arg4[%add3A_207] : memref<320000xi32, #tpu.memory_space<hbm>> -> memref<40xi32, #tpu.memory_space<hbm>>
      tpu.wait_dma2 semaphore(%arg23 : memref<!tpu.dma_semaphore, #tpu.memory_space<semaphore_mem>>) src(%dma_wait3A_209 : memref<40xi32, #tpu.memory_space<hbm>>) dst(%arg10 : memref<40xi32, #tpu.memory_space<vmem>>)
      %dma_wait3A_210 = tpu.memref_slice %arg5[%add3A_207] : memref<320000xi32, #tpu.memory_space<hbm>> -> memref<40xi32, #tpu.memory_space<hbm>>
      %dma_wait3A_211 = tpu.memref_slice %arg5[%add3A_207] : memref<320000xi32, #tpu.memory_space<hbm>> -> memref<40xi32, #tpu.memory_space<hbm>>
      tpu.wait_dma2 semaphore(%arg23 : memref<!tpu.dma_semaphore, #tpu.memory_space<semaphore_mem>>) src(%dma_wait3A_211 : memref<40xi32, #tpu.memory_space<hbm>>) dst(%arg13 : memref<40xi32, #tpu.memory_space<vmem>>)
      %dma_wait3A_212 = arith.constant 0 : i32
      %dma_wait3A_213 = tpu.memref_slice %arg3[%add3A_207, %dma_wait3A_212] : memref<320000x128xf32, #tpu.memory_space<hbm>> -> memref<40x128xf32, #tpu.memory_space<hbm>>
      %dma_wait3A_214 = arith.constant 0 : i32
      %dma_wait3A_215 = tpu.memref_slice %arg3[%add3A_207, %dma_wait3A_214] : memref<320000x128xf32, #tpu.memory_space<hbm>> -> memref<40x128xf32, #tpu.memory_space<hbm>>
      tpu.wait_dma2 semaphore(%arg23 : memref<!tpu.dma_semaphore, #tpu.memory_space<semaphore_mem>>) src(%dma_wait3A_215 : memref<40x128xf32, #tpu.memory_space<hbm>>) dst(%arg19 : memref<40x128xf32, #tpu.memory_space<vmem>>)
      %dma_start3A_216 = arith.constant 0 : i32
      %dma_start3A_217 = arith.constant 0 : i32
      %dma_start3A_218 = tpu.memref_slice %arg2[%dma_start3A_216, %dma_start3A_217] : memref<10000x128xf32, #tpu.memory_space<hbm>> -> memref<10000x128xf32, #tpu.memory_space<hbm>>
      tpu.enqueue_indirect_dma source(%dma_start3A_218 : memref<10000x128xf32, #tpu.memory_space<hbm>>) target(%arg16 : memref<40x128xf32, #tpu.memory_space<vmem>>) offsets(%arg10 : memref<40xi32, #tpu.memory_space<vmem>>) semaphore(%arg26 : memref<!tpu.dma_semaphore, #tpu.memory_space<semaphore_mem>>)
      %dma_wait3A_219 = arith.constant 0 : i32
      %dma_wait3A_220 = arith.constant 0 : i32
      %dma_wait3A_221 = tpu.memref_slice %arg2[%dma_wait3A_219, %dma_wait3A_220] : memref<10000x128xf32, #tpu.memory_space<hbm>> -> memref<10000x128xf32, #tpu.memory_space<hbm>>
      tpu.wait_indirect_dma semaphore(%arg25 : memref<!tpu.dma_semaphore, #tpu.memory_space<semaphore_mem>>) src(%dma_wait3A_221 : memref<10000x128xf32, #tpu.memory_space<hbm>>) dst(%arg15 : memref<40x128xf32, #tpu.memory_space<vmem>>)
      %scan3A_222 = arith.constant 0 : i32
      %scan3A_223 = arith.constant 0 : i32
      %scan3A_224 = arith.constant 40 : i32
      %scan3A_225 = arith.addi %scan3A_223, %scan3A_224 : i32
      %scan3A_226 = arith.constant 1 : i32
      scf.for %scan3A_268 = %scan3A_223 to %scan3A_225 step %scan3A_226  : i32 {
        %get3A = arith.index_cast %scan3A_268 : i32 to index
        %get3A_269 = arith.constant 0 : index
        %get3A_270 = tpu.vector_load %arg15[%get3A, %get3A_269] {strides = array<i32>} : memref<40x128xf32, #tpu.memory_space<vmem>>, vector<1x16xf32>,
        %get3A_271 = vector.shape_cast %get3A_270 : vector<1x16xf32> to vector<16xf32>
        %get3A_272 = arith.index_cast %scan3A_268 : i32 to index
        %get3A_273 = arith.constant 0 : index
        %get3A_274 = tpu.vector_load %arg18[%get3A_272, %get3A_273] {strides = array<i32>} : memref<40x128xf32, #tpu.memory_space<vmem>>, vector<1x16xf32>,
        %get3A_275 = vector.shape_cast %get3A_274 : vector<1x16xf32> to vector<16xf32>
        %add3A_276 = arith.addf %get3A_271, %get3A_275 : vector<16xf32>
        %max3A = arith.constant 0.000000e+00 : f32
        %max3A_277 = vector.broadcast %max3A : f32 to vector<16xf32>
        %max3A_278 = arith.maximumf %add3A_276, %max3A_277 : vector<16xf32>
        %swap3A = arith.index_cast %scan3A_268 : i32 to index
        %swap3A_279 = arith.constant 0 : index
        %swap3A_280 = tpu.vector_load %arg15[%swap3A, %swap3A_279] {strides = array<i32>} : memref<40x128xf32, #tpu.memory_space<vmem>>, vector<1x16xf32>,
        %swap3A_281 = vector.shape_cast %swap3A_280 : vector<1x16xf32> to vector<16xf32>
        %swap3A_282 = vector.shape_cast %max3A_278 : vector<16xf32> to vector<1x16xf32>
        tpu.vector_store %arg15[%swap3A, %swap3A_279], %swap3A_282 {strides = array<i32>} : memref<40x128xf32, #tpu.memory_space<vmem>>, vector<1x16xf32>,
        %get3A_283 = arith.index_cast %scan3A_268 : i32 to index
        %get3A_284 = arith.constant 16 : index
        %get3A_285 = tpu.vector_load %arg15[%get3A_283, %get3A_284] {strides = array<i32>} : memref<40x128xf32, #tpu.memory_space<vmem>>, vector<1x16xf32>,
        %get3A_286 = vector.shape_cast %get3A_285 : vector<1x16xf32> to vector<16xf32>
        %get3A_287 = arith.index_cast %scan3A_268 : i32 to index
        %get3A_288 = arith.constant 16 : index
        %get3A_289 = tpu.vector_load %arg18[%get3A_287, %get3A_288] {strides = array<i32>} : memref<40x128xf32, #tpu.memory_space<vmem>>, vector<1x16xf32>,
        %get3A_290 = vector.shape_cast %get3A_289 : vector<1x16xf32> to vector<16xf32>
        %add3A_291 = arith.addf %get3A_286, %get3A_290 : vector<16xf32>
        %max3A_292 = arith.constant 0.000000e+00 : f32
        %max3A_293 = vector.broadcast %max3A_292 : f32 to vector<16xf32>
        %max3A_294 = arith.maximumf %add3A_291, %max3A_293 : vector<16xf32>
        %swap3A_295 = arith.index_cast %scan3A_268 : i32 to index
        %swap3A_296 = arith.constant 16 : index
        %swap3A_297 = tpu.vector_load %arg15[%swap3A_295, %swap3A_296] {strides = array<i32>} : memref<40x128xf32, #tpu.memory_space<vmem>>, vector<1x16xf32>,
        %swap3A_298 = vector.shape_cast %swap3A_297 : vector<1x16xf32> to vector<16xf32>
        %swap3A_299 = vector.shape_cast %max3A_294 : vector<16xf32> to vector<1x16xf32>
        tpu.vector_store %arg15[%swap3A_295, %swap3A_296], %swap3A_299 {strides = array<i32>} : memref<40x128xf32, #tpu.memory_space<vmem>>, vector<1x16xf32>,
        %get3A_300 = arith.index_cast %scan3A_268 : i32 to index
        %get3A_301 = arith.constant 32 : index
        %get3A_302 = tpu.vector_load %arg15[%get3A_300, %get3A_301] {strides = array<i32>} : memref<40x128xf32, #tpu.memory_space<vmem>>, vector<1x16xf32>,
        %get3A_303 = vector.shape_cast %get3A_302 : vector<1x16xf32> to vector<16xf32>
        %get3A_304 = arith.index_cast %scan3A_268 : i32 to index
        %get3A_305 = arith.constant 32 : index
        %get3A_306 = tpu.vector_load %arg18[%get3A_304, %get3A_305] {strides = array<i32>} : memref<40x128xf32, #tpu.memory_space<vmem>>, vector<1x16xf32>,
        %get3A_307 = vector.shape_cast %get3A_306 : vector<1x16xf32> to vector<16xf32>
        %add3A_308 = arith.addf %get3A_303, %get3A_307 : vector<16xf32>
        %max3A_309 = arith.constant 0.000000e+00 : f32
        %max3A_310 = vector.broadcast %max3A_309 : f32 to vector<16xf32>
        %max3A_311 = arith.maximumf %add3A_308, %max3A_310 : vector<16xf32>
        %swap3A_312 = arith.index_cast %scan3A_268 : i32 to index
        %swap3A_313 = arith.constant 32 : index
        %swap3A_314 = tpu.vector_load %arg15[%swap3A_312, %swap3A_313] {strides = array<i32>} : memref<40x128xf32, #tpu.memory_space<vmem>>, vector<1x16xf32>,
        %swap3A_315 = vector.shape_cast %swap3A_314 : vector<1x16xf32> to vector<16xf32>
        %swap3A_316 = vector.shape_cast %max3A_311 : vector<16xf32> to vector<1x16xf32>
        tpu.vector_store %arg15[%swap3A_312, %swap3A_313], %swap3A_316 {strides = array<i32>} : memref<40x128xf32, #tpu.memory_space<vmem>>, vector<1x16xf32>,
        %get3A_317 = arith.index_cast %scan3A_268 : i32 to index
        %get3A_318 = arith.constant 48 : index
        %get3A_319 = tpu.vector_load %arg15[%get3A_317, %get3A_318] {strides = array<i32>} : memref<40x128xf32, #tpu.memory_space<vmem>>, vector<1x16xf32>,
        %get3A_320 = vector.shape_cast %get3A_319 : vector<1x16xf32> to vector<16xf32>
        %get3A_321 = arith.index_cast %scan3A_268 : i32 to index
        %get3A_322 = arith.constant 48 : index
        %get3A_323 = tpu.vector_load %arg18[%get3A_321, %get3A_322] {strides = array<i32>} : memref<40x128xf32, #tpu.memory_space<vmem>>, vector<1x16xf32>,
        %get3A_324 = vector.shape_cast %get3A_323 : vector<1x16xf32> to vector<16xf32>
        %add3A_325 = arith.addf %get3A_320, %get3A_324 : vector<16xf32>
        %max3A_326 = arith.constant 0.000000e+00 : f32
        %max3A_327 = vector.broadcast %max3A_326 : f32 to vector<16xf32>
        %max3A_328 = arith.maximumf %add3A_325, %max3A_327 : vector<16xf32>
        %swap3A_329 = arith.index_cast %scan3A_268 : i32 to index
        %swap3A_330 = arith.constant 48 : index
        %swap3A_331 = tpu.vector_load %arg15[%swap3A_329, %swap3A_330] {strides = array<i32>} : memref<40x128xf32, #tpu.memory_space<vmem>>, vector<1x16xf32>,
        %swap3A_332 = vector.shape_cast %swap3A_331 : vector<1x16xf32> to vector<16xf32>
        %swap3A_333 = vector.shape_cast %max3A_328 : vector<16xf32> to vector<1x16xf32>
        tpu.vector_store %arg15[%swap3A_329, %swap3A_330], %swap3A_333 {strides = array<i32>} : memref<40x128xf32, #tpu.memory_space<vmem>>, vector<1x16xf32>,
        %get3A_334 = arith.index_cast %scan3A_268 : i32 to index
        %get3A_335 = arith.constant 64 : index
        %get3A_336 = tpu.vector_load %arg15[%get3A_334, %get3A_335] {strides = array<i32>} : memref<40x128xf32, #tpu.memory_space<vmem>>, vector<1x16xf32>,
        %get3A_337 = vector.shape_cast %get3A_336 : vector<1x16xf32> to vector<16xf32>
        %get3A_338 = arith.index_cast %scan3A_268 : i32 to index
        %get3A_339 = arith.constant 64 : index
        %get3A_340 = tpu.vector_load %arg18[%get3A_338, %get3A_339] {strides = array<i32>} : memref<40x128xf32, #tpu.memory_space<vmem>>, vector<1x16xf32>,
        %get3A_341 = vector.shape_cast %get3A_340 : vector<1x16xf32> to vector<16xf32>
        %add3A_342 = arith.addf %get3A_337, %get3A_341 : vector<16xf32>
        %max3A_343 = arith.constant 0.000000e+00 : f32
        %max3A_344 = vector.broadcast %max3A_343 : f32 to vector<16xf32>
        %max3A_345 = arith.maximumf %add3A_342, %max3A_344 : vector<16xf32>
        %swap3A_346 = arith.index_cast %scan3A_268 : i32 to index
        %swap3A_347 = arith.constant 64 : index
        %swap3A_348 = tpu.vector_load %arg15[%swap3A_346, %swap3A_347] {strides = array<i32>} : memref<40x128xf32, #tpu.memory_space<vmem>>, vector<1x16xf32>,
        %swap3A_349 = vector.shape_cast %swap3A_348 : vector<1x16xf32> to vector<16xf32>
        %swap3A_350 = vector.shape_cast %max3A_345 : vector<16xf32> to vector<1x16xf32>
        tpu.vector_store %arg15[%swap3A_346, %swap3A_347], %swap3A_350 {strides = array<i32>} : memref<40x128xf32, #tpu.memory_space<vmem>>, vector<1x16xf32>,
        %get3A_351 = arith.index_cast %scan3A_268 : i32 to index
        %get3A_352 = arith.constant 80 : index
        %get3A_353 = tpu.vector_load %arg15[%get3A_351, %get3A_352] {strides = array<i32>} : memref<40x128xf32, #tpu.memory_space<vmem>>, vector<1x16xf32>,
        %get3A_354 = vector.shape_cast %get3A_353 : vector<1x16xf32> to vector<16xf32>
        %get3A_355 = arith.index_cast %scan3A_268 : i32 to index
        %get3A_356 = arith.constant 80 : index
        %get3A_357 = tpu.vector_load %arg18[%get3A_355, %get3A_356] {strides = array<i32>} : memref<40x128xf32, #tpu.memory_space<vmem>>, vector<1x16xf32>,
        %get3A_358 = vector.shape_cast %get3A_357 : vector<1x16xf32> to vector<16xf32>
        %add3A_359 = arith.addf %get3A_354, %get3A_358 : vector<16xf32>
        %max3A_360 = arith.constant 0.000000e+00 : f32
        %max3A_361 = vector.broadcast %max3A_360 : f32 to vector<16xf32>
        %max3A_362 = arith.maximumf %add3A_359, %max3A_361 : vector<16xf32>
        %swap3A_363 = arith.index_cast %scan3A_268 : i32 to index
        %swap3A_364 = arith.constant 80 : index
        %swap3A_365 = tpu.vector_load %arg15[%swap3A_363, %swap3A_364] {strides = array<i32>} : memref<40x128xf32, #tpu.memory_space<vmem>>, vector<1x16xf32>,
        %swap3A_366 = vector.shape_cast %swap3A_365 : vector<1x16xf32> to vector<16xf32>
        %swap3A_367 = vector.shape_cast %max3A_362 : vector<16xf32> to vector<1x16xf32>
        tpu.vector_store %arg15[%swap3A_363, %swap3A_364], %swap3A_367 {strides = array<i32>} : memref<40x128xf32, #tpu.memory_space<vmem>>, vector<1x16xf32>,
        %get3A_368 = arith.index_cast %scan3A_268 : i32 to index
        %get3A_369 = arith.constant 96 : index
        %get3A_370 = tpu.vector_load %arg15[%get3A_368, %get3A_369] {strides = array<i32>} : memref<40x128xf32, #tpu.memory_space<vmem>>, vector<1x16xf32>,
        %get3A_371 = vector.shape_cast %get3A_370 : vector<1x16xf32> to vector<16xf32>
        %get3A_372 = arith.index_cast %scan3A_268 : i32 to index
        %get3A_373 = arith.constant 96 : index
        %get3A_374 = tpu.vector_load %arg18[%get3A_372, %get3A_373] {strides = array<i32>} : memref<40x128xf32, #tpu.memory_space<vmem>>, vector<1x16xf32>,
        %get3A_375 = vector.shape_cast %get3A_374 : vector<1x16xf32> to vector<16xf32>
        %add3A_376 = arith.addf %get3A_371, %get3A_375 : vector<16xf32>
        %max3A_377 = arith.constant 0.000000e+00 : f32
        %max3A_378 = vector.broadcast %max3A_377 : f32 to vector<16xf32>
        %max3A_379 = arith.maximumf %add3A_376, %max3A_378 : vector<16xf32>
        %swap3A_380 = arith.index_cast %scan3A_268 : i32 to index
        %swap3A_381 = arith.constant 96 : index
        %swap3A_382 = tpu.vector_load %arg15[%swap3A_380, %swap3A_381] {strides = array<i32>} : memref<40x128xf32, #tpu.memory_space<vmem>>, vector<1x16xf32>,
        %swap3A_383 = vector.shape_cast %swap3A_382 : vector<1x16xf32> to vector<16xf32>
        %swap3A_384 = vector.shape_cast %max3A_379 : vector<16xf32> to vector<1x16xf32>
        tpu.vector_store %arg15[%swap3A_380, %swap3A_381], %swap3A_384 {strides = array<i32>} : memref<40x128xf32, #tpu.memory_space<vmem>>, vector<1x16xf32>,
        %get3A_385 = arith.index_cast %scan3A_268 : i32 to index
        %get3A_386 = arith.constant 112 : index
        %get3A_387 = tpu.vector_load %arg15[%get3A_385, %get3A_386] {strides = array<i32>} : memref<40x128xf32, #tpu.memory_space<vmem>>, vector<1x16xf32>,
        %get3A_388 = vector.shape_cast %get3A_387 : vector<1x16xf32> to vector<16xf32>
        %get3A_389 = arith.index_cast %scan3A_268 : i32 to index
        %get3A_390 = arith.constant 112 : index
        %get3A_391 = tpu.vector_load %arg18[%get3A_389, %get3A_390] {strides = array<i32>} : memref<40x128xf32, #tpu.memory_space<vmem>>, vector<1x16xf32>,
        %get3A_392 = vector.shape_cast %get3A_391 : vector<1x16xf32> to vector<16xf32>
        %add3A_393 = arith.addf %get3A_388, %get3A_392 : vector<16xf32>
        %max3A_394 = arith.constant 0.000000e+00 : f32
        %max3A_395 = vector.broadcast %max3A_394 : f32 to vector<16xf32>
        %max3A_396 = arith.maximumf %add3A_393, %max3A_395 : vector<16xf32>
        %swap3A_397 = arith.index_cast %scan3A_268 : i32 to index
        %swap3A_398 = arith.constant 112 : index
        %swap3A_399 = tpu.vector_load %arg15[%swap3A_397, %swap3A_398] {strides = array<i32>} : memref<40x128xf32, #tpu.memory_space<vmem>>, vector<1x16xf32>,
        %swap3A_400 = vector.shape_cast %swap3A_399 : vector<1x16xf32> to vector<16xf32>
        %swap3A_401 = vector.shape_cast %max3A_396 : vector<16xf32> to vector<1x16xf32>
        tpu.vector_store %arg15[%swap3A_397, %swap3A_398], %swap3A_401 {strides = array<i32>} : memref<40x128xf32, #tpu.memory_space<vmem>>, vector<1x16xf32>,
      }
      %scan3A_227 = arith.constant 40 : i32
      "tpu.region"() ({
        %run_scoped3A = tpu.sem_alloc : memref<!tpu.dma_semaphore, #tpu.memory_space<semaphore_mem>>
        %dma_start3A_268 = arith.constant 0 : i32
        %dma_start3A_269 = arith.constant 0 : i32
        %dma_start3A_270 = tpu.memref_slice %arg20[%dma_start3A_268, %dma_start3A_269] : memref<10000x128xf32, #tpu.memory_space<vmem_shared>> -> memref<10000x128xf32, #tpu.memory_space<vmem_shared>>
        tpu.enqueue_indirect_dma source(%arg15 : memref<40x128xf32, #tpu.memory_space<vmem>>) target(%dma_start3A_270 : memref<10000x128xf32, #tpu.memory_space<vmem_shared>>) offsets(%arg12 : memref<40xi32, #tpu.memory_space<vmem>>) semaphore(%run_scoped3A : memref<!tpu.dma_semaphore, #tpu.memory_space<semaphore_mem>>) {add = true}
        %dma_wait3A_271 = arith.constant 0 : i32
        %dma_wait3A_272 = arith.constant 0 : i32
        %dma_wait3A_273 = tpu.memref_slice %arg20[%dma_wait3A_271, %dma_wait3A_272] : memref<10000x128xf32, #tpu.memory_space<vmem_shared>> -> memref<10000x128xf32, #tpu.memory_space<vmem_shared>>
        tpu.wait_indirect_dma semaphore(%run_scoped3A : memref<!tpu.dma_semaphore, #tpu.memory_space<semaphore_mem>>) src(%arg15 : memref<40x128xf32, #tpu.memory_space<vmem>>) dst(%dma_wait3A_273 : memref<10000x128xf32, #tpu.memory_space<vmem_shared>>)
        tpu.yield
      }) : () -> ()
      %add3A_228 = arith.constant 2 : i32
      %add3A_229 = arith.addi %mul3A_149, %add3A_228 : i32
      %add3A_230 = arith.constant 2 : i32
      %add3A_231 = arith.addi %add3A_229, %add3A_230 : i32
      %mul3A_232 = arith.constant 40 : i32
      %mul3A_233 = arith.muli %add3A_231, %mul3A_232 : i32
      %add3A_234 = arith.addi %add3A, %mul3A_233 : i32
      %dma_start3A_235 = tpu.memref_slice %arg4[%add3A_234] : memref<320000xi32, #tpu.memory_space<hbm>> -> memref<40xi32, #tpu.memory_space<hbm>>
      %dma_start3A_236 = tpu.memref_slice %arg4[%add3A_234] : memref<320000xi32, #tpu.memory_space<hbm>> -> memref<40xi32, #tpu.memory_space<hbm>>
      tpu.enqueue_dma source(%dma_start3A_236 : memref<40xi32, #tpu.memory_space<hbm>>) target(%arg9 : memref<40xi32, #tpu.memory_space<vmem>>) target_semaphore(%arg22 : memref<!tpu.dma_semaphore, #tpu.memory_space<semaphore_mem>>)
      %dma_start3A_237 = tpu.memref_slice %arg5[%add3A_234] : memref<320000xi32, #tpu.memory_space<hbm>> -> memref<40xi32, #tpu.memory_space<hbm>>
      %dma_start3A_238 = tpu.memref_slice %arg5[%add3A_234] : memref<320000xi32, #tpu.memory_space<hbm>> -> memref<40xi32, #tpu.memory_space<hbm>>
      tpu.enqueue_dma source(%dma_start3A_238 : memref<40xi32, #tpu.memory_space<hbm>>) target(%arg12 : memref<40xi32, #tpu.memory_space<vmem>>) target_semaphore(%arg22 : memref<!tpu.dma_semaphore, #tpu.memory_space<semaphore_mem>>)
      %dma_start3A_239 = arith.constant 0 : i32
      %dma_start3A_240 = tpu.memref_slice %arg3[%add3A_234, %dma_start3A_239] : memref<320000x128xf32, #tpu.memory_space<hbm>> -> memref<40x128xf32, #tpu.memory_space<hbm>>
      %dma_start3A_241 = arith.constant 0 : i32
      %dma_start3A_242 = tpu.memref_slice %arg3[%add3A_234, %dma_start3A_241] : memref<320000x128xf32, #tpu.memory_space<hbm>> -> memref<40x128xf32, #tpu.memory_space<hbm>>
      tpu.enqueue_dma source(%dma_start3A_242 : memref<40x128xf32, #tpu.memory_space<hbm>>) target(%arg18 : memref<40x128xf32, #tpu.memory_space<vmem>>) target_semaphore(%arg22 : memref<!tpu.dma_semaphore, #tpu.memory_space<semaphore_mem>>)
      %add3A_243 = arith.constant 1 : i32
      %add3A_244 = arith.addi %add3A_229, %add3A_243 : i32
      %mul3A_245 = arith.constant 40 : i32
      %mul3A_246 = arith.muli %add3A_244, %mul3A_245 : i32
      %add3A_247 = arith.addi %add3A, %mul3A_246 : i32
      %dma_wait3A_248 = tpu.memref_slice %arg4[%add3A_247] : memref<320000xi32, #tpu.memory_space<hbm>> -> memref<40xi32, #tpu.memory_space<hbm>>
      %dma_wait3A_249 = tpu.memref_slice %arg4[%add3A_247] : memref<320000xi32, #tpu.memory_space<hbm>> -> memref<40xi32, #tpu.memory_space<hbm>>
      tpu.wait_dma2 semaphore(%arg21 : memref<!tpu.dma_semaphore, #tpu.memory_space<semaphore_mem>>) src(%dma_wait3A_249 : memref<40xi32, #tpu.memory_space<hbm>>) dst(%arg8 : memref<40xi32, #tpu.memory_space<vmem>>)
      %dma_wait3A_250 = tpu.memref_slice %arg5[%add3A_247] : memref<320000xi32, #tpu.memory_space<hbm>> -> memref<40xi32, #tpu.memory_space<hbm>>
      %dma_wait3A_251 = tpu.memref_slice %arg5[%add3A_247] : memref<320000xi32, #tpu.memory_space<hbm>> -> memref<40xi32, #tpu.memory_space<hbm>>
      tpu.wait_dma2 semaphore(%arg21 : memref<!tpu.dma_semaphore, #tpu.memory_space<semaphore_mem>>) src(%dma_wait3A_251 : memref<40xi32, #tpu.memory_space<hbm>>) dst(%arg11 : memref<40xi32, #tpu.memory_space<vmem>>)
      %dma_wait3A_252 = arith.constant 0 : i32
      %dma_wait3A_253 = tpu.memref_slice %arg3[%add3A_247, %dma_wait3A_252] : memref<320000x128xf32, #tpu.memory_space<hbm>> -> memref<40x128xf32, #tpu.memory_space<hbm>>
      %dma_wait3A_254 = arith.constant 0 : i32
      %dma_wait3A_255 = tpu.memref_slice %arg3[%add3A_247, %dma_wait3A_254] : memref<320000x128xf32, #tpu.memory_space<hbm>> -> memref<40x128xf32, #tpu.memory_space<hbm>>
      tpu.wait_dma2 semaphore(%arg21 : memref<!tpu.dma_semaphore, #tpu.memory_space<semaphore_mem>>) src(%dma_wait3A_255 : memref<40x128xf32, #tpu.memory_space<hbm>>) dst(%arg17 : memref<40x128xf32, #tpu.memory_space<vmem>>)
      %dma_start3A_256 = arith.constant 0 : i32
      %dma_start3A_257 = arith.constant 0 : i32
      %dma_start3A_258 = tpu.memref_slice %arg2[%dma_start3A_256, %dma_start3A_257] : memref<10000x128xf32, #tpu.memory_space<hbm>> -> memref<10000x128xf32, #tpu.memory_space<hbm>>
      tpu.enqueue_indirect_dma source(%dma_start3A_258 : memref<10000x128xf32, #tpu.memory_space<hbm>>) target(%arg14 : memref<40x128xf32, #tpu.memory_space<vmem>>) offsets(%arg8 : memref<40xi32, #tpu.memory_space<vmem>>) semaphore(%arg24 : memref<!tpu.dma_semaphore, #tpu.memory_space<semaphore_mem>>)
      %dma_wait3A_259 = arith.constant 0 : i32
      %dma_wait3A_260 = arith.constant 0 : i32
      %dma_wait3A_261 = tpu.memref_slice %arg2[%dma_wait3A_259, %dma_wait3A_260] : memref<10000x128xf32, #tpu.memory_space<hbm>> -> memref<10000x128xf32, #tpu.memory_space<hbm>>
      tpu.wait_indirect_dma semaphore(%arg26 : memref<!tpu.dma_semaphore, #tpu.memory_space<semaphore_mem>>) src(%dma_wait3A_261 : memref<10000x128xf32, #tpu.memory_space<hbm>>) dst(%arg16 : memref<40x128xf32, #tpu.memory_space<vmem>>)
      %scan3A_262 = arith.constant 0 : i32
      %scan3A_263 = arith.constant 0 : i32
      %scan3A_264 = arith.constant 40 : i32
      %scan3A_265 = arith.addi %scan3A_263, %scan3A_264 : i32
      %scan3A_266 = arith.constant 1 : i32
      scf.for %scan3A_268 = %scan3A_263 to %scan3A_265 step %scan3A_266  : i32 {
        %get3A = arith.index_cast %scan3A_268 : i32 to index
        %get3A_269 = arith.constant 0 : index
        %get3A_270 = tpu.vector_load %arg16[%get3A, %get3A_269] {strides = array<i32>} : memref<40x128xf32, #tpu.memory_space<vmem>>, vector<1x16xf32>,
        %get3A_271 = vector.shape_cast %get3A_270 : vector<1x16xf32> to vector<16xf32>
        %get3A_272 = arith.index_cast %scan3A_268 : i32 to index
        %get3A_273 = arith.constant 0 : index
        %get3A_274 = tpu.vector_load %arg19[%get3A_272, %get3A_273] {strides = array<i32>} : memref<40x128xf32, #tpu.memory_space<vmem>>, vector<1x16xf32>,
        %get3A_275 = vector.shape_cast %get3A_274 : vector<1x16xf32> to vector<16xf32>
        %add3A_276 = arith.addf %get3A_271, %get3A_275 : vector<16xf32>
        %max3A = arith.constant 0.000000e+00 : f32
        %max3A_277 = vector.broadcast %max3A : f32 to vector<16xf32>
        %max3A_278 = arith.maximumf %add3A_276, %max3A_277 : vector<16xf32>
        %swap3A = arith.index_cast %scan3A_268 : i32 to index
        %swap3A_279 = arith.constant 0 : index
        %swap3A_280 = tpu.vector_load %arg16[%swap3A, %swap3A_279] {strides = array<i32>} : memref<40x128xf32, #tpu.memory_space<vmem>>, vector<1x16xf32>,
        %swap3A_281 = vector.shape_cast %swap3A_280 : vector<1x16xf32> to vector<16xf32>
        %swap3A_282 = vector.shape_cast %max3A_278 : vector<16xf32> to vector<1x16xf32>
        tpu.vector_store %arg16[%swap3A, %swap3A_279], %swap3A_282 {strides = array<i32>} : memref<40x128xf32, #tpu.memory_space<vmem>>, vector<1x16xf32>,
        %get3A_283 = arith.index_cast %scan3A_268 : i32 to index
        %get3A_284 = arith.constant 16 : index
        %get3A_285 = tpu.vector_load %arg16[%get3A_283, %get3A_284] {strides = array<i32>} : memref<40x128xf32, #tpu.memory_space<vmem>>, vector<1x16xf32>,
        %get3A_286 = vector.shape_cast %get3A_285 : vector<1x16xf32> to vector<16xf32>
        %get3A_287 = arith.index_cast %scan3A_268 : i32 to index
        %get3A_288 = arith.constant 16 : index
        %get3A_289 = tpu.vector_load %arg19[%get3A_287, %get3A_288] {strides = array<i32>} : memref<40x128xf32, #tpu.memory_space<vmem>>, vector<1x16xf32>,
        %get3A_290 = vector.shape_cast %get3A_289 : vector<1x16xf32> to vector<16xf32>
        %add3A_291 = arith.addf %get3A_286, %get3A_290 : vector<16xf32>
        %max3A_292 = arith.constant 0.000000e+00 : f32
        %max3A_293 = vector.broadcast %max3A_292 : f32 to vector<16xf32>
        %max3A_294 = arith.maximumf %add3A_291, %max3A_293 : vector<16xf32>
        %swap3A_295 = arith.index_cast %scan3A_268 : i32 to index
        %swap3A_296 = arith.constant 16 : index
        %swap3A_297 = tpu.vector_load %arg16[%swap3A_295, %swap3A_296] {strides = array<i32>} : memref<40x128xf32, #tpu.memory_space<vmem>>, vector<1x16xf32>,
        %swap3A_298 = vector.shape_cast %swap3A_297 : vector<1x16xf32> to vector<16xf32>
        %swap3A_299 = vector.shape_cast %max3A_294 : vector<16xf32> to vector<1x16xf32>
        tpu.vector_store %arg16[%swap3A_295, %swap3A_296], %swap3A_299 {strides = array<i32>} : memref<40x128xf32, #tpu.memory_space<vmem>>, vector<1x16xf32>,
        %get3A_300 = arith.index_cast %scan3A_268 : i32 to index
        %get3A_301 = arith.constant 32 : index
        %get3A_302 = tpu.vector_load %arg16[%get3A_300, %get3A_301] {strides = array<i32>} : memref<40x128xf32, #tpu.memory_space<vmem>>, vector<1x16xf32>,
        %get3A_303 = vector.shape_cast %get3A_302 : vector<1x16xf32> to vector<16xf32>
        %get3A_304 = arith.index_cast %scan3A_268 : i32 to index
        %get3A_305 = arith.constant 32 : index
        %get3A_306 = tpu.vector_load %arg19[%get3A_304, %get3A_305] {strides = array<i32>} : memref<40x128xf32, #tpu.memory_space<vmem>>, vector<1x16xf32>,
        %get3A_307 = vector.shape_cast %get3A_306 : vector<1x16xf32> to vector<16xf32>
        %add3A_308 = arith.addf %get3A_303, %get3A_307 : vector<16xf32>
        %max3A_309 = arith.constant 0.000000e+00 : f32
        %max3A_310 = vector.broadcast %max3A_309 : f32 to vector<16xf32>
        %max3A_311 = arith.maximumf %add3A_308, %max3A_310 : vector<16xf32>
        %swap3A_312 = arith.index_cast %scan3A_268 : i32 to index
        %swap3A_313 = arith.constant 32 : index
        %swap3A_314 = tpu.vector_load %arg16[%swap3A_312, %swap3A_313] {strides = array<i32>} : memref<40x128xf32, #tpu.memory_space<vmem>>, vector<1x16xf32>,
        %swap3A_315 = vector.shape_cast %swap3A_314 : vector<1x16xf32> to vector<16xf32>
        %swap3A_316 = vector.shape_cast %max3A_311 : vector<16xf32> to vector<1x16xf32>
        tpu.vector_store %arg16[%swap3A_312, %swap3A_313], %swap3A_316 {strides = array<i32>} : memref<40x128xf32, #tpu.memory_space<vmem>>, vector<1x16xf32>,
        %get3A_317 = arith.index_cast %scan3A_268 : i32 to index
        %get3A_318 = arith.constant 48 : index
        %get3A_319 = tpu.vector_load %arg16[%get3A_317, %get3A_318] {strides = array<i32>} : memref<40x128xf32, #tpu.memory_space<vmem>>, vector<1x16xf32>,
        %get3A_320 = vector.shape_cast %get3A_319 : vector<1x16xf32> to vector<16xf32>
        %get3A_321 = arith.index_cast %scan3A_268 : i32 to index
        %get3A_322 = arith.constant 48 : index
        %get3A_323 = tpu.vector_load %arg19[%get3A_321, %get3A_322] {strides = array<i32>} : memref<40x128xf32, #tpu.memory_space<vmem>>, vector<1x16xf32>,
        %get3A_324 = vector.shape_cast %get3A_323 : vector<1x16xf32> to vector<16xf32>
        %add3A_325 = arith.addf %get3A_320, %get3A_324 : vector<16xf32>
        %max3A_326 = arith.constant 0.000000e+00 : f32
        %max3A_327 = vector.broadcast %max3A_326 : f32 to vector<16xf32>
        %max3A_328 = arith.maximumf %add3A_325, %max3A_327 : vector<16xf32>
        %swap3A_329 = arith.index_cast %scan3A_268 : i32 to index
        %swap3A_330 = arith.constant 48 : index
        %swap3A_331 = tpu.vector_load %arg16[%swap3A_329, %swap3A_330] {strides = array<i32>} : memref<40x128xf32, #tpu.memory_space<vmem>>, vector<1x16xf32>,
        %swap3A_332 = vector.shape_cast %swap3A_331 : vector<1x16xf32> to vector<16xf32>
        %swap3A_333 = vector.shape_cast %max3A_328 : vector<16xf32> to vector<1x16xf32>
        tpu.vector_store %arg16[%swap3A_329, %swap3A_330], %swap3A_333 {strides = array<i32>} : memref<40x128xf32, #tpu.memory_space<vmem>>, vector<1x16xf32>,
        %get3A_334 = arith.index_cast %scan3A_268 : i32 to index
        %get3A_335 = arith.constant 64 : index
        %get3A_336 = tpu.vector_load %arg16[%get3A_334, %get3A_335] {strides = array<i32>} : memref<40x128xf32, #tpu.memory_space<vmem>>, vector<1x16xf32>,
        %get3A_337 = vector.shape_cast %get3A_336 : vector<1x16xf32> to vector<16xf32>
        %get3A_338 = arith.index_cast %scan3A_268 : i32 to index
        %get3A_339 = arith.constant 64 : index
        %get3A_340 = tpu.vector_load %arg19[%get3A_338, %get3A_339] {strides = array<i32>} : memref<40x128xf32, #tpu.memory_space<vmem>>, vector<1x16xf32>,
        %get3A_341 = vector.shape_cast %get3A_340 : vector<1x16xf32> to vector<16xf32>
        %add3A_342 = arith.addf %get3A_337, %get3A_341 : vector<16xf32>
        %max3A_343 = arith.constant 0.000000e+00 : f32
        %max3A_344 = vector.broadcast %max3A_343 : f32 to vector<16xf32>
        %max3A_345 = arith.maximumf %add3A_342, %max3A_344 : vector<16xf32>
        %swap3A_346 = arith.index_cast %scan3A_268 : i32 to index
        %swap3A_347 = arith.constant 64 : index
        %swap3A_348 = tpu.vector_load %arg16[%swap3A_346, %swap3A_347] {strides = array<i32>} : memref<40x128xf32, #tpu.memory_space<vmem>>, vector<1x16xf32>,
        %swap3A_349 = vector.shape_cast %swap3A_348 : vector<1x16xf32> to vector<16xf32>
        %swap3A_350 = vector.shape_cast %max3A_345 : vector<16xf32> to vector<1x16xf32>
        tpu.vector_store %arg16[%swap3A_346, %swap3A_347], %swap3A_350 {strides = array<i32>} : memref<40x128xf32, #tpu.memory_space<vmem>>, vector<1x16xf32>,
        %get3A_351 = arith.index_cast %scan3A_268 : i32 to index
        %get3A_352 = arith.constant 80 : index
        %get3A_353 = tpu.vector_load %arg16[%get3A_351, %get3A_352] {strides = array<i32>} : memref<40x128xf32, #tpu.memory_space<vmem>>, vector<1x16xf32>,
        %get3A_354 = vector.shape_cast %get3A_353 : vector<1x16xf32> to vector<16xf32>
        %get3A_355 = arith.index_cast %scan3A_268 : i32 to index
        %get3A_356 = arith.constant 80 : index
        %get3A_357 = tpu.vector_load %arg19[%get3A_355, %get3A_356] {strides = array<i32>} : memref<40x128xf32, #tpu.memory_space<vmem>>, vector<1x16xf32>,
        %get3A_358 = vector.shape_cast %get3A_357 : vector<1x16xf32> to vector<16xf32>
        %add3A_359 = arith.addf %get3A_354, %get3A_358 : vector<16xf32>
        %max3A_360 = arith.constant 0.000000e+00 : f32
        %max3A_361 = vector.broadcast %max3A_360 : f32 to vector<16xf32>
        %max3A_362 = arith.maximumf %add3A_359, %max3A_361 : vector<16xf32>
        %swap3A_363 = arith.index_cast %scan3A_268 : i32 to index
        %swap3A_364 = arith.constant 80 : index
        %swap3A_365 = tpu.vector_load %arg16[%swap3A_363, %swap3A_364] {strides = array<i32>} : memref<40x128xf32, #tpu.memory_space<vmem>>, vector<1x16xf32>,
        %swap3A_366 = vector.shape_cast %swap3A_365 : vector<1x16xf32> to vector<16xf32>
        %swap3A_367 = vector.shape_cast %max3A_362 : vector<16xf32> to vector<1x16xf32>
        tpu.vector_store %arg16[%swap3A_363, %swap3A_364], %swap3A_367 {strides = array<i32>} : memref<40x128xf32, #tpu.memory_space<vmem>>, vector<1x16xf32>,
        %get3A_368 = arith.index_cast %scan3A_268 : i32 to index
        %get3A_369 = arith.constant 96 : index
        %get3A_370 = tpu.vector_load %arg16[%get3A_368, %get3A_369] {strides = array<i32>} : memref<40x128xf32, #tpu.memory_space<vmem>>, vector<1x16xf32>,
        %get3A_371 = vector.shape_cast %get3A_370 : vector<1x16xf32> to vector<16xf32>
        %get3A_372 = arith.index_cast %scan3A_268 : i32 to index
        %get3A_373 = arith.constant 96 : index
        %get3A_374 = tpu.vector_load %arg19[%get3A_372, %get3A_373] {strides = array<i32>} : memref<40x128xf32, #tpu.memory_space<vmem>>, vector<1x16xf32>,
        %get3A_375 = vector.shape_cast %get3A_374 : vector<1x16xf32> to vector<16xf32>
        %add3A_376 = arith.addf %get3A_371, %get3A_375 : vector<16xf32>
        %max3A_377 = arith.constant 0.000000e+00 : f32
        %max3A_378 = vector.broadcast %max3A_377 : f32 to vector<16xf32>
        %max3A_379 = arith.maximumf %add3A_376, %max3A_378 : vector<16xf32>
        %swap3A_380 = arith.index_cast %scan3A_268 : i32 to index
        %swap3A_381 = arith.constant 96 : index
        %swap3A_382 = tpu.vector_load %arg16[%swap3A_380, %swap3A_381] {strides = array<i32>} : memref<40x128xf32, #tpu.memory_space<vmem>>, vector<1x16xf32>,
        %swap3A_383 = vector.shape_cast %swap3A_382 : vector<1x16xf32> to vector<16xf32>
        %swap3A_384 = vector.shape_cast %max3A_379 : vector<16xf32> to vector<1x16xf32>
        tpu.vector_store %arg16[%swap3A_380, %swap3A_381], %swap3A_384 {strides = array<i32>} : memref<40x128xf32, #tpu.memory_space<vmem>>, vector<1x16xf32>,
        %get3A_385 = arith.index_cast %scan3A_268 : i32 to index
        %get3A_386 = arith.constant 112 : index
        %get3A_387 = tpu.vector_load %arg16[%get3A_385, %get3A_386] {strides = array<i32>} : memref<40x128xf32, #tpu.memory_space<vmem>>, vector<1x16xf32>,
        %get3A_388 = vector.shape_cast %get3A_387 : vector<1x16xf32> to vector<16xf32>
        %get3A_389 = arith.index_cast %scan3A_268 : i32 to index
        %get3A_390 = arith.constant 112 : index
        %get3A_391 = tpu.vector_load %arg19[%get3A_389, %get3A_390] {strides = array<i32>} : memref<40x128xf32, #tpu.memory_space<vmem>>, vector<1x16xf32>,
        %get3A_392 = vector.shape_cast %get3A_391 : vector<1x16xf32> to vector<16xf32>
        %add3A_393 = arith.addf %get3A_388, %get3A_392 : vector<16xf32>
        %max3A_394 = arith.constant 0.000000e+00 : f32
        %max3A_395 = vector.broadcast %max3A_394 : f32 to vector<16xf32>
        %max3A_396 = arith.maximumf %add3A_393, %max3A_395 : vector<16xf32>
        %swap3A_397 = arith.index_cast %scan3A_268 : i32 to index
        %swap3A_398 = arith.constant 112 : index
        %swap3A_399 = tpu.vector_load %arg16[%swap3A_397, %swap3A_398] {strides = array<i32>} : memref<40x128xf32, #tpu.memory_space<vmem>>, vector<1x16xf32>,
        %swap3A_400 = vector.shape_cast %swap3A_399 : vector<1x16xf32> to vector<16xf32>
        %swap3A_401 = vector.shape_cast %max3A_396 : vector<16xf32> to vector<1x16xf32>
        tpu.vector_store %arg16[%swap3A_397, %swap3A_398], %swap3A_401 {strides = array<i32>} : memref<40x128xf32, #tpu.memory_space<vmem>>, vector<1x16xf32>,
      }
      %scan3A_267 = arith.constant 40 : i32
      "tpu.region"() ({
        %run_scoped3A = tpu.sem_alloc : memref<!tpu.dma_semaphore, #tpu.memory_space<semaphore_mem>>
        %dma_start3A_268 = arith.constant 0 : i32
        %dma_start3A_269 = arith.constant 0 : i32
        %dma_start3A_270 = tpu.memref_slice %arg20[%dma_start3A_268, %dma_start3A_269] : memref<10000x128xf32, #tpu.memory_space<vmem_shared>> -> memref<10000x128xf32, #tpu.memory_space<vmem_shared>>
        tpu.enqueue_indirect_dma source(%arg16 : memref<40x128xf32, #tpu.memory_space<vmem>>) target(%dma_start3A_270 : memref<10000x128xf32, #tpu.memory_space<vmem_shared>>) offsets(%arg13 : memref<40xi32, #tpu.memory_space<vmem>>) semaphore(%run_scoped3A : memref<!tpu.dma_semaphore, #tpu.memory_space<semaphore_mem>>) {add = true}
        %dma_wait3A_271 = arith.constant 0 : i32
        %dma_wait3A_272 = arith.constant 0 : i32
        %dma_wait3A_273 = tpu.memref_slice %arg20[%dma_wait3A_271, %dma_wait3A_272] : memref<10000x128xf32, #tpu.memory_space<vmem_shared>> -> memref<10000x128xf32, #tpu.memory_space<vmem_shared>>
        tpu.wait_indirect_dma semaphore(%run_scoped3A : memref<!tpu.dma_semaphore, #tpu.memory_space<semaphore_mem>>) src(%arg16 : memref<40x128xf32, #tpu.memory_space<vmem>>) dst(%dma_wait3A_273 : memref<10000x128xf32, #tpu.memory_space<vmem_shared>>)
        tpu.yield
      }) : () -> ()
    }
    %scan3A_42 = arith.constant 82 : i32
    %add3A_43 = arith.constant 9920 : i32
    %add3A_44 = arith.addi %add3A, %add3A_43 : i32
    %dma_start3A_45 = tpu.memref_slice %arg4[%add3A_44] : memref<320000xi32, #tpu.memory_space<hbm>> -> memref<40xi32, #tpu.memory_space<hbm>>
    %dma_start3A_46 = tpu.memref_slice %arg4[%add3A_44] : memref<320000xi32, #tpu.memory_space<hbm>> -> memref<40xi32, #tpu.memory_space<hbm>>
    tpu.enqueue_dma source(%dma_start3A_46 : memref<40xi32, #tpu.memory_space<hbm>>) target(%arg10 : memref<40xi32, #tpu.memory_space<vmem>>) target_semaphore(%arg23 : memref<!tpu.dma_semaphore, #tpu.memory_space<semaphore_mem>>)
    %dma_start3A_47 = tpu.memref_slice %arg5[%add3A_44] : memref<320000xi32, #tpu.memory_space<hbm>> -> memref<40xi32, #tpu.memory_space<hbm>>
    %dma_start3A_48 = tpu.memref_slice %arg5[%add3A_44] : memref<320000xi32, #tpu.memory_space<hbm>> -> memref<40xi32, #tpu.memory_space<hbm>>
    tpu.enqueue_dma source(%dma_start3A_48 : memref<40xi32, #tpu.memory_space<hbm>>) target(%arg13 : memref<40xi32, #tpu.memory_space<vmem>>) target_semaphore(%arg23 : memref<!tpu.dma_semaphore, #tpu.memory_space<semaphore_mem>>)
    %dma_start3A_49 = arith.constant 0 : i32
    %dma_start3A_50 = tpu.memref_slice %arg3[%add3A_44, %dma_start3A_49] : memref<320000x128xf32, #tpu.memory_space<hbm>> -> memref<40x128xf32, #tpu.memory_space<hbm>>
    %dma_start3A_51 = arith.constant 0 : i32
    %dma_start3A_52 = tpu.memref_slice %arg3[%add3A_44, %dma_start3A_51] : memref<320000x128xf32, #tpu.memory_space<hbm>> -> memref<40x128xf32, #tpu.memory_space<hbm>>
    tpu.enqueue_dma source(%dma_start3A_52 : memref<40x128xf32, #tpu.memory_space<hbm>>) target(%arg19 : memref<40x128xf32, #tpu.memory_space<vmem>>) target_semaphore(%arg23 : memref<!tpu.dma_semaphore, #tpu.memory_space<semaphore_mem>>)
    %add3A_53 = arith.constant 9880 : i32
    %add3A_54 = arith.addi %add3A, %add3A_53 : i32
    %dma_wait3A_55 = tpu.memref_slice %arg4[%add3A_54] : memref<320000xi32, #tpu.memory_space<hbm>> -> memref<40xi32, #tpu.memory_space<hbm>>
    %dma_wait3A_56 = tpu.memref_slice %arg4[%add3A_54] : memref<320000xi32, #tpu.memory_space<hbm>> -> memref<40xi32, #tpu.memory_space<hbm>>
    tpu.wait_dma2 semaphore(%arg22 : memref<!tpu.dma_semaphore, #tpu.memory_space<semaphore_mem>>) src(%dma_wait3A_56 : memref<40xi32, #tpu.memory_space<hbm>>) dst(%arg9 : memref<40xi32, #tpu.memory_space<vmem>>)
    %dma_wait3A_57 = tpu.memref_slice %arg5[%add3A_54] : memref<320000xi32, #tpu.memory_space<hbm>> -> memref<40xi32, #tpu.memory_space<hbm>>
    %dma_wait3A_58 = tpu.memref_slice %arg5[%add3A_54] : memref<320000xi32, #tpu.memory_space<hbm>> -> memref<40xi32, #tpu.memory_space<hbm>>
    tpu.wait_dma2 semaphore(%arg22 : memref<!tpu.dma_semaphore, #tpu.memory_space<semaphore_mem>>) src(%dma_wait3A_58 : memref<40xi32, #tpu.memory_space<hbm>>) dst(%arg12 : memref<40xi32, #tpu.memory_space<vmem>>)
    %dma_wait3A_59 = arith.constant 0 : i32
    %dma_wait3A_60 = tpu.memref_slice %arg3[%add3A_54, %dma_wait3A_59] : memref<320000x128xf32, #tpu.memory_space<hbm>> -> memref<40x128xf32, #tpu.memory_space<hbm>>
    %dma_wait3A_61 = arith.constant 0 : i32
    %dma_wait3A_62 = tpu.memref_slice %arg3[%add3A_54, %dma_wait3A_61] : memref<320000x128xf32, #tpu.memory_space<hbm>> -> memref<40x128xf32, #tpu.memory_space<hbm>>
    tpu.wait_dma2 semaphore(%arg22 : memref<!tpu.dma_semaphore, #tpu.memory_space<semaphore_mem>>) src(%dma_wait3A_62 : memref<40x128xf32, #tpu.memory_space<hbm>>) dst(%arg18 : memref<40x128xf32, #tpu.memory_space<vmem>>)
    %dma_start3A_63 = arith.constant 0 : i32
    %dma_start3A_64 = arith.constant 0 : i32
    %dma_start3A_65 = tpu.memref_slice %arg2[%dma_start3A_63, %dma_start3A_64] : memref<10000x128xf32, #tpu.memory_space<hbm>> -> memref<10000x128xf32, #tpu.memory_space<hbm>>
    tpu.enqueue_indirect_dma source(%dma_start3A_65 : memref<10000x128xf32, #tpu.memory_space<hbm>>) target(%arg15 : memref<40x128xf32, #tpu.memory_space<vmem>>) offsets(%arg9 : memref<40xi32, #tpu.memory_space<vmem>>) semaphore(%arg25 : memref<!tpu.dma_semaphore, #tpu.memory_space<semaphore_mem>>)
    %dma_wait3A_66 = arith.constant 0 : i32
    %dma_wait3A_67 = arith.constant 0 : i32
    %dma_wait3A_68 = tpu.memref_slice %arg2[%dma_wait3A_66, %dma_wait3A_67] : memref<10000x128xf32, #tpu.memory_space<hbm>> -> memref<10000x128xf32, #tpu.memory_space<hbm>>
    tpu.wait_indirect_dma semaphore(%arg24 : memref<!tpu.dma_semaphore, #tpu.memory_space<semaphore_mem>>) src(%dma_wait3A_68 : memref<10000x128xf32, #tpu.memory_space<hbm>>) dst(%arg14 : memref<40x128xf32, #tpu.memory_space<vmem>>)
    %scan3A_69 = arith.constant 0 : i32
    %scan3A_70 = arith.constant 0 : i32
    %scan3A_71 = arith.constant 40 : i32
    %scan3A_72 = arith.addi %scan3A_70, %scan3A_71 : i32
    %scan3A_73 = arith.constant 1 : i32
    scf.for %scan3A_147 = %scan3A_70 to %scan3A_72 step %scan3A_73  : i32 {
      %get3A = arith.index_cast %scan3A_147 : i32 to index
      %get3A_148 = arith.constant 0 : index
      %get3A_149 = tpu.vector_load %arg14[%get3A, %get3A_148] {strides = array<i32>} : memref<40x128xf32, #tpu.memory_space<vmem>>, vector<1x16xf32>,
      %get3A_150 = vector.shape_cast %get3A_149 : vector<1x16xf32> to vector<16xf32>
      %get3A_151 = arith.index_cast %scan3A_147 : i32 to index
      %get3A_152 = arith.constant 0 : index
      %get3A_153 = tpu.vector_load %arg17[%get3A_151, %get3A_152] {strides = array<i32>} : memref<40x128xf32, #tpu.memory_space<vmem>>, vector<1x16xf32>,
      %get3A_154 = vector.shape_cast %get3A_153 : vector<1x16xf32> to vector<16xf32>
      %add3A_155 = arith.addf %get3A_150, %get3A_154 : vector<16xf32>
      %max3A = arith.constant 0.000000e+00 : f32
      %max3A_156 = vector.broadcast %max3A : f32 to vector<16xf32>
      %max3A_157 = arith.maximumf %add3A_155, %max3A_156 : vector<16xf32>
      %swap3A = arith.index_cast %scan3A_147 : i32 to index
      %swap3A_158 = arith.constant 0 : index
      %swap3A_159 = tpu.vector_load %arg14[%swap3A, %swap3A_158] {strides = array<i32>} : memref<40x128xf32, #tpu.memory_space<vmem>>, vector<1x16xf32>,
      %swap3A_160 = vector.shape_cast %swap3A_159 : vector<1x16xf32> to vector<16xf32>
      %swap3A_161 = vector.shape_cast %max3A_157 : vector<16xf32> to vector<1x16xf32>
      tpu.vector_store %arg14[%swap3A, %swap3A_158], %swap3A_161 {strides = array<i32>} : memref<40x128xf32, #tpu.memory_space<vmem>>, vector<1x16xf32>,
      %get3A_162 = arith.index_cast %scan3A_147 : i32 to index
      %get3A_163 = arith.constant 16 : index
      %get3A_164 = tpu.vector_load %arg14[%get3A_162, %get3A_163] {strides = array<i32>} : memref<40x128xf32, #tpu.memory_space<vmem>>, vector<1x16xf32>,
      %get3A_165 = vector.shape_cast %get3A_164 : vector<1x16xf32> to vector<16xf32>
      %get3A_166 = arith.index_cast %scan3A_147 : i32 to index
      %get3A_167 = arith.constant 16 : index
      %get3A_168 = tpu.vector_load %arg17[%get3A_166, %get3A_167] {strides = array<i32>} : memref<40x128xf32, #tpu.memory_space<vmem>>, vector<1x16xf32>,
      %get3A_169 = vector.shape_cast %get3A_168 : vector<1x16xf32> to vector<16xf32>
      %add3A_170 = arith.addf %get3A_165, %get3A_169 : vector<16xf32>
      %max3A_171 = arith.constant 0.000000e+00 : f32
      %max3A_172 = vector.broadcast %max3A_171 : f32 to vector<16xf32>
      %max3A_173 = arith.maximumf %add3A_170, %max3A_172 : vector<16xf32>
      %swap3A_174 = arith.index_cast %scan3A_147 : i32 to index
      %swap3A_175 = arith.constant 16 : index
      %swap3A_176 = tpu.vector_load %arg14[%swap3A_174, %swap3A_175] {strides = array<i32>} : memref<40x128xf32, #tpu.memory_space<vmem>>, vector<1x16xf32>,
      %swap3A_177 = vector.shape_cast %swap3A_176 : vector<1x16xf32> to vector<16xf32>
      %swap3A_178 = vector.shape_cast %max3A_173 : vector<16xf32> to vector<1x16xf32>
      tpu.vector_store %arg14[%swap3A_174, %swap3A_175], %swap3A_178 {strides = array<i32>} : memref<40x128xf32, #tpu.memory_space<vmem>>, vector<1x16xf32>,
      %get3A_179 = arith.index_cast %scan3A_147 : i32 to index
      %get3A_180 = arith.constant 32 : index
      %get3A_181 = tpu.vector_load %arg14[%get3A_179, %get3A_180] {strides = array<i32>} : memref<40x128xf32, #tpu.memory_space<vmem>>, vector<1x16xf32>,
      %get3A_182 = vector.shape_cast %get3A_181 : vector<1x16xf32> to vector<16xf32>
      %get3A_183 = arith.index_cast %scan3A_147 : i32 to index
      %get3A_184 = arith.constant 32 : index
      %get3A_185 = tpu.vector_load %arg17[%get3A_183, %get3A_184] {strides = array<i32>} : memref<40x128xf32, #tpu.memory_space<vmem>>, vector<1x16xf32>,
      %get3A_186 = vector.shape_cast %get3A_185 : vector<1x16xf32> to vector<16xf32>
      %add3A_187 = arith.addf %get3A_182, %get3A_186 : vector<16xf32>
      %max3A_188 = arith.constant 0.000000e+00 : f32
      %max3A_189 = vector.broadcast %max3A_188 : f32 to vector<16xf32>
      %max3A_190 = arith.maximumf %add3A_187, %max3A_189 : vector<16xf32>
      %swap3A_191 = arith.index_cast %scan3A_147 : i32 to index
      %swap3A_192 = arith.constant 32 : index
      %swap3A_193 = tpu.vector_load %arg14[%swap3A_191, %swap3A_192] {strides = array<i32>} : memref<40x128xf32, #tpu.memory_space<vmem>>, vector<1x16xf32>,
      %swap3A_194 = vector.shape_cast %swap3A_193 : vector<1x16xf32> to vector<16xf32>
      %swap3A_195 = vector.shape_cast %max3A_190 : vector<16xf32> to vector<1x16xf32>
      tpu.vector_store %arg14[%swap3A_191, %swap3A_192], %swap3A_195 {strides = array<i32>} : memref<40x128xf32, #tpu.memory_space<vmem>>, vector<1x16xf32>,
      %get3A_196 = arith.index_cast %scan3A_147 : i32 to index
      %get3A_197 = arith.constant 48 : index
      %get3A_198 = tpu.vector_load %arg14[%get3A_196, %get3A_197] {strides = array<i32>} : memref<40x128xf32, #tpu.memory_space<vmem>>, vector<1x16xf32>,
      %get3A_199 = vector.shape_cast %get3A_198 : vector<1x16xf32> to vector<16xf32>
      %get3A_200 = arith.index_cast %scan3A_147 : i32 to index
      %get3A_201 = arith.constant 48 : index
      %get3A_202 = tpu.vector_load %arg17[%get3A_200, %get3A_201] {strides = array<i32>} : memref<40x128xf32, #tpu.memory_space<vmem>>, vector<1x16xf32>,
      %get3A_203 = vector.shape_cast %get3A_202 : vector<1x16xf32> to vector<16xf32>
      %add3A_204 = arith.addf %get3A_199, %get3A_203 : vector<16xf32>
      %max3A_205 = arith.constant 0.000000e+00 : f32
      %max3A_206 = vector.broadcast %max3A_205 : f32 to vector<16xf32>
      %max3A_207 = arith.maximumf %add3A_204, %max3A_206 : vector<16xf32>
      %swap3A_208 = arith.index_cast %scan3A_147 : i32 to index
      %swap3A_209 = arith.constant 48 : index
      %swap3A_210 = tpu.vector_load %arg14[%swap3A_208, %swap3A_209] {strides = array<i32>} : memref<40x128xf32, #tpu.memory_space<vmem>>, vector<1x16xf32>,
      %swap3A_211 = vector.shape_cast %swap3A_210 : vector<1x16xf32> to vector<16xf32>
      %swap3A_212 = vector.shape_cast %max3A_207 : vector<16xf32> to vector<1x16xf32>
      tpu.vector_store %arg14[%swap3A_208, %swap3A_209], %swap3A_212 {strides = array<i32>} : memref<40x128xf32, #tpu.memory_space<vmem>>, vector<1x16xf32>,
      %get3A_213 = arith.index_cast %scan3A_147 : i32 to index
      %get3A_214 = arith.constant 64 : index
      %get3A_215 = tpu.vector_load %arg14[%get3A_213, %get3A_214] {strides = array<i32>} : memref<40x128xf32, #tpu.memory_space<vmem>>, vector<1x16xf32>,
      %get3A_216 = vector.shape_cast %get3A_215 : vector<1x16xf32> to vector<16xf32>
      %get3A_217 = arith.index_cast %scan3A_147 : i32 to index
      %get3A_218 = arith.constant 64 : index
      %get3A_219 = tpu.vector_load %arg17[%get3A_217, %get3A_218] {strides = array<i32>} : memref<40x128xf32, #tpu.memory_space<vmem>>, vector<1x16xf32>,
      %get3A_220 = vector.shape_cast %get3A_219 : vector<1x16xf32> to vector<16xf32>
      %add3A_221 = arith.addf %get3A_216, %get3A_220 : vector<16xf32>
      %max3A_222 = arith.constant 0.000000e+00 : f32
      %max3A_223 = vector.broadcast %max3A_222 : f32 to vector<16xf32>
      %max3A_224 = arith.maximumf %add3A_221, %max3A_223 : vector<16xf32>
      %swap3A_225 = arith.index_cast %scan3A_147 : i32 to index
      %swap3A_226 = arith.constant 64 : index
      %swap3A_227 = tpu.vector_load %arg14[%swap3A_225, %swap3A_226] {strides = array<i32>} : memref<40x128xf32, #tpu.memory_space<vmem>>, vector<1x16xf32>,
      %swap3A_228 = vector.shape_cast %swap3A_227 : vector<1x16xf32> to vector<16xf32>
      %swap3A_229 = vector.shape_cast %max3A_224 : vector<16xf32> to vector<1x16xf32>
      tpu.vector_store %arg14[%swap3A_225, %swap3A_226], %swap3A_229 {strides = array<i32>} : memref<40x128xf32, #tpu.memory_space<vmem>>, vector<1x16xf32>,
      %get3A_230 = arith.index_cast %scan3A_147 : i32 to index
      %get3A_231 = arith.constant 80 : index
      %get3A_232 = tpu.vector_load %arg14[%get3A_230, %get3A_231] {strides = array<i32>} : memref<40x128xf32, #tpu.memory_space<vmem>>, vector<1x16xf32>,
      %get3A_233 = vector.shape_cast %get3A_232 : vector<1x16xf32> to vector<16xf32>
      %get3A_234 = arith.index_cast %scan3A_147 : i32 to index
      %get3A_235 = arith.constant 80 : index
      %get3A_236 = tpu.vector_load %arg17[%get3A_234, %get3A_235] {strides = array<i32>} : memref<40x128xf32, #tpu.memory_space<vmem>>, vector<1x16xf32>,
      %get3A_237 = vector.shape_cast %get3A_236 : vector<1x16xf32> to vector<16xf32>
      %add3A_238 = arith.addf %get3A_233, %get3A_237 : vector<16xf32>
      %max3A_239 = arith.constant 0.000000e+00 : f32
      %max3A_240 = vector.broadcast %max3A_239 : f32 to vector<16xf32>
      %max3A_241 = arith.maximumf %add3A_238, %max3A_240 : vector<16xf32>
      %swap3A_242 = arith.index_cast %scan3A_147 : i32 to index
      %swap3A_243 = arith.constant 80 : index
      %swap3A_244 = tpu.vector_load %arg14[%swap3A_242, %swap3A_243] {strides = array<i32>} : memref<40x128xf32, #tpu.memory_space<vmem>>, vector<1x16xf32>,
      %swap3A_245 = vector.shape_cast %swap3A_244 : vector<1x16xf32> to vector<16xf32>
      %swap3A_246 = vector.shape_cast %max3A_241 : vector<16xf32> to vector<1x16xf32>
      tpu.vector_store %arg14[%swap3A_242, %swap3A_243], %swap3A_246 {strides = array<i32>} : memref<40x128xf32, #tpu.memory_space<vmem>>, vector<1x16xf32>,
      %get3A_247 = arith.index_cast %scan3A_147 : i32 to index
      %get3A_248 = arith.constant 96 : index
      %get3A_249 = tpu.vector_load %arg14[%get3A_247, %get3A_248] {strides = array<i32>} : memref<40x128xf32, #tpu.memory_space<vmem>>, vector<1x16xf32>,
      %get3A_250 = vector.shape_cast %get3A_249 : vector<1x16xf32> to vector<16xf32>
      %get3A_251 = arith.index_cast %scan3A_147 : i32 to index
      %get3A_252 = arith.constant 96 : index
      %get3A_253 = tpu.vector_load %arg17[%get3A_251, %get3A_252] {strides = array<i32>} : memref<40x128xf32, #tpu.memory_space<vmem>>, vector<1x16xf32>,
      %get3A_254 = vector.shape_cast %get3A_253 : vector<1x16xf32> to vector<16xf32>
      %add3A_255 = arith.addf %get3A_250, %get3A_254 : vector<16xf32>
      %max3A_256 = arith.constant 0.000000e+00 : f32
      %max3A_257 = vector.broadcast %max3A_256 : f32 to vector<16xf32>
      %max3A_258 = arith.maximumf %add3A_255, %max3A_257 : vector<16xf32>
      %swap3A_259 = arith.index_cast %scan3A_147 : i32 to index
      %swap3A_260 = arith.constant 96 : index
      %swap3A_261 = tpu.vector_load %arg14[%swap3A_259, %swap3A_260] {strides = array<i32>} : memref<40x128xf32, #tpu.memory_space<vmem>>, vector<1x16xf32>,
      %swap3A_262 = vector.shape_cast %swap3A_261 : vector<1x16xf32> to vector<16xf32>
      %swap3A_263 = vector.shape_cast %max3A_258 : vector<16xf32> to vector<1x16xf32>
      tpu.vector_store %arg14[%swap3A_259, %swap3A_260], %swap3A_263 {strides = array<i32>} : memref<40x128xf32, #tpu.memory_space<vmem>>, vector<1x16xf32>,
      %get3A_264 = arith.index_cast %scan3A_147 : i32 to index
      %get3A_265 = arith.constant 112 : index
      %get3A_266 = tpu.vector_load %arg14[%get3A_264, %get3A_265] {strides = array<i32>} : memref<40x128xf32, #tpu.memory_space<vmem>>, vector<1x16xf32>,
      %get3A_267 = vector.shape_cast %get3A_266 : vector<1x16xf32> to vector<16xf32>
      %get3A_268 = arith.index_cast %scan3A_147 : i32 to index
      %get3A_269 = arith.constant 112 : index
      %get3A_270 = tpu.vector_load %arg17[%get3A_268, %get3A_269] {strides = array<i32>} : memref<40x128xf32, #tpu.memory_space<vmem>>, vector<1x16xf32>,
      %get3A_271 = vector.shape_cast %get3A_270 : vector<1x16xf32> to vector<16xf32>
      %add3A_272 = arith.addf %get3A_267, %get3A_271 : vector<16xf32>
      %max3A_273 = arith.constant 0.000000e+00 : f32
      %max3A_274 = vector.broadcast %max3A_273 : f32 to vector<16xf32>
      %max3A_275 = arith.maximumf %add3A_272, %max3A_274 : vector<16xf32>
      %swap3A_276 = arith.index_cast %scan3A_147 : i32 to index
      %swap3A_277 = arith.constant 112 : index
      %swap3A_278 = tpu.vector_load %arg14[%swap3A_276, %swap3A_277] {strides = array<i32>} : memref<40x128xf32, #tpu.memory_space<vmem>>, vector<1x16xf32>,
      %swap3A_279 = vector.shape_cast %swap3A_278 : vector<1x16xf32> to vector<16xf32>
      %swap3A_280 = vector.shape_cast %max3A_275 : vector<16xf32> to vector<1x16xf32>
      tpu.vector_store %arg14[%swap3A_276, %swap3A_277], %swap3A_280 {strides = array<i32>} : memref<40x128xf32, #tpu.memory_space<vmem>>, vector<1x16xf32>,
    }
    %scan3A_74 = arith.constant 40 : i32
    "tpu.region"() ({
      %run_scoped3A = tpu.sem_alloc : memref<!tpu.dma_semaphore, #tpu.memory_space<semaphore_mem>>
      %dma_start3A_147 = arith.constant 0 : i32
      %dma_start3A_148 = arith.constant 0 : i32
      %dma_start3A_149 = tpu.memref_slice %arg20[%dma_start3A_147, %dma_start3A_148] : memref<10000x128xf32, #tpu.memory_space<vmem_shared>> -> memref<10000x128xf32, #tpu.memory_space<vmem_shared>>
      tpu.enqueue_indirect_dma source(%arg14 : memref<40x128xf32, #tpu.memory_space<vmem>>) target(%dma_start3A_149 : memref<10000x128xf32, #tpu.memory_space<vmem_shared>>) offsets(%arg11 : memref<40xi32, #tpu.memory_space<vmem>>) semaphore(%run_scoped3A : memref<!tpu.dma_semaphore, #tpu.memory_space<semaphore_mem>>) {add = true}
      %dma_wait3A_150 = arith.constant 0 : i32
      %dma_wait3A_151 = arith.constant 0 : i32
      %dma_wait3A_152 = tpu.memref_slice %arg20[%dma_wait3A_150, %dma_wait3A_151] : memref<10000x128xf32, #tpu.memory_space<vmem_shared>> -> memref<10000x128xf32, #tpu.memory_space<vmem_shared>>
      tpu.wait_indirect_dma semaphore(%run_scoped3A : memref<!tpu.dma_semaphore, #tpu.memory_space<semaphore_mem>>) src(%arg14 : memref<40x128xf32, #tpu.memory_space<vmem>>) dst(%dma_wait3A_152 : memref<10000x128xf32, #tpu.memory_space<vmem_shared>>)
      tpu.yield
    }) : () -> ()
    %add3A_75 = arith.constant 9960 : i32
    %add3A_76 = arith.addi %add3A, %add3A_75 : i32
    %dma_start3A_77 = tpu.memref_slice %arg4[%add3A_76] : memref<320000xi32, #tpu.memory_space<hbm>> -> memref<40xi32, #tpu.memory_space<hbm>>
    %dma_start3A_78 = tpu.memref_slice %arg4[%add3A_76] : memref<320000xi32, #tpu.memory_space<hbm>> -> memref<40xi32, #tpu.memory_space<hbm>>
    tpu.enqueue_dma source(%dma_start3A_78 : memref<40xi32, #tpu.memory_space<hbm>>) target(%arg8 : memref<40xi32, #tpu.memory_space<vmem>>) target_semaphore(%arg21 : memref<!tpu.dma_semaphore, #tpu.memory_space<semaphore_mem>>)
    %dma_start3A_79 = tpu.memref_slice %arg5[%add3A_76] : memref<320000xi32, #tpu.memory_space<hbm>> -> memref<40xi32, #tpu.memory_space<hbm>>
    %dma_start3A_80 = tpu.memref_slice %arg5[%add3A_76] : memref<320000xi32, #tpu.memory_space<hbm>> -> memref<40xi32, #tpu.memory_space<hbm>>
    tpu.enqueue_dma source(%dma_start3A_80 : memref<40xi32, #tpu.memory_space<hbm>>) target(%arg11 : memref<40xi32, #tpu.memory_space<vmem>>) target_semaphore(%arg21 : memref<!tpu.dma_semaphore, #tpu.memory_space<semaphore_mem>>)
    %dma_start3A_81 = arith.constant 0 : i32
    %dma_start3A_82 = tpu.memref_slice %arg3[%add3A_76, %dma_start3A_81] : memref<320000x128xf32, #tpu.memory_space<hbm>> -> memref<40x128xf32, #tpu.memory_space<hbm>>
    %dma_start3A_83 = arith.constant 0 : i32
    %dma_start3A_84 = tpu.memref_slice %arg3[%add3A_76, %dma_start3A_83] : memref<320000x128xf32, #tpu.memory_space<hbm>> -> memref<40x128xf32, #tpu.memory_space<hbm>>
    tpu.enqueue_dma source(%dma_start3A_84 : memref<40x128xf32, #tpu.memory_space<hbm>>) target(%arg17 : memref<40x128xf32, #tpu.memory_space<vmem>>) target_semaphore(%arg21 : memref<!tpu.dma_semaphore, #tpu.memory_space<semaphore_mem>>)
    %add3A_85 = arith.constant 9920 : i32
    %add3A_86 = arith.addi %add3A, %add3A_85 : i32
    %dma_wait3A_87 = tpu.memref_slice %arg4[%add3A_86] : memref<320000xi32, #tpu.memory_space<hbm>> -> memref<40xi32, #tpu.memory_space<hbm>>
    %dma_wait3A_88 = tpu.memref_slice %arg4[%add3A_86] : memref<320000xi32, #tpu.memory_space<hbm>> -> memref<40xi32, #tpu.memory_space<hbm>>
    tpu.wait_dma2 semaphore(%arg23 : memref<!tpu.dma_semaphore, #tpu.memory_space<semaphore_mem>>) src(%dma_wait3A_88 : memref<40xi32, #tpu.memory_space<hbm>>) dst(%arg10 : memref<40xi32, #tpu.memory_space<vmem>>)
    %dma_wait3A_89 = tpu.memref_slice %arg5[%add3A_86] : memref<320000xi32, #tpu.memory_space<hbm>> -> memref<40xi32, #tpu.memory_space<hbm>>
    %dma_wait3A_90 = tpu.memref_slice %arg5[%add3A_86] : memref<320000xi32, #tpu.memory_space<hbm>> -> memref<40xi32, #tpu.memory_space<hbm>>
    tpu.wait_dma2 semaphore(%arg23 : memref<!tpu.dma_semaphore, #tpu.memory_space<semaphore_mem>>) src(%dma_wait3A_90 : memref<40xi32, #tpu.memory_space<hbm>>) dst(%arg13 : memref<40xi32, #tpu.memory_space<vmem>>)
    %dma_wait3A_91 = arith.constant 0 : i32
    %dma_wait3A_92 = tpu.memref_slice %arg3[%add3A_86, %dma_wait3A_91] : memref<320000x128xf32, #tpu.memory_space<hbm>> -> memref<40x128xf32, #tpu.memory_space<hbm>>
    %dma_wait3A_93 = arith.constant 0 : i32
    %dma_wait3A_94 = tpu.memref_slice %arg3[%add3A_86, %dma_wait3A_93] : memref<320000x128xf32, #tpu.memory_space<hbm>> -> memref<40x128xf32, #tpu.memory_space<hbm>>
    tpu.wait_dma2 semaphore(%arg23 : memref<!tpu.dma_semaphore, #tpu.memory_space<semaphore_mem>>) src(%dma_wait3A_94 : memref<40x128xf32, #tpu.memory_space<hbm>>) dst(%arg19 : memref<40x128xf32, #tpu.memory_space<vmem>>)
    %dma_start3A_95 = arith.constant 0 : i32
    %dma_start3A_96 = arith.constant 0 : i32
    %dma_start3A_97 = tpu.memref_slice %arg2[%dma_start3A_95, %dma_start3A_96] : memref<10000x128xf32, #tpu.memory_space<hbm>> -> memref<10000x128xf32, #tpu.memory_space<hbm>>
    tpu.enqueue_indirect_dma source(%dma_start3A_97 : memref<10000x128xf32, #tpu.memory_space<hbm>>) target(%arg16 : memref<40x128xf32, #tpu.memory_space<vmem>>) offsets(%arg10 : memref<40xi32, #tpu.memory_space<vmem>>) semaphore(%arg26 : memref<!tpu.dma_semaphore, #tpu.memory_space<semaphore_mem>>)
    %dma_wait3A_98 = arith.constant 0 : i32
    %dma_wait3A_99 = arith.constant 0 : i32
    %dma_wait3A_100 = tpu.memref_slice %arg2[%dma_wait3A_98, %dma_wait3A_99] : memref<10000x128xf32, #tpu.memory_space<hbm>> -> memref<10000x128xf32, #tpu.memory_space<hbm>>
    tpu.wait_indirect_dma semaphore(%arg25 : memref<!tpu.dma_semaphore, #tpu.memory_space<semaphore_mem>>) src(%dma_wait3A_100 : memref<10000x128xf32, #tpu.memory_space<hbm>>) dst(%arg15 : memref<40x128xf32, #tpu.memory_space<vmem>>)
    %scan3A_101 = arith.constant 0 : i32
    %scan3A_102 = arith.constant 0 : i32
    %scan3A_103 = arith.constant 40 : i32
    %scan3A_104 = arith.addi %scan3A_102, %scan3A_103 : i32
    %scan3A_105 = arith.constant 1 : i32
    scf.for %scan3A_147 = %scan3A_102 to %scan3A_104 step %scan3A_105  : i32 {
      %get3A = arith.index_cast %scan3A_147 : i32 to index
      %get3A_148 = arith.constant 0 : index
      %get3A_149 = tpu.vector_load %arg15[%get3A, %get3A_148] {strides = array<i32>} : memref<40x128xf32, #tpu.memory_space<vmem>>, vector<1x16xf32>,
      %get3A_150 = vector.shape_cast %get3A_149 : vector<1x16xf32> to vector<16xf32>
      %get3A_151 = arith.index_cast %scan3A_147 : i32 to index
      %get3A_152 = arith.constant 0 : index
      %get3A_153 = tpu.vector_load %arg18[%get3A_151, %get3A_152] {strides = array<i32>} : memref<40x128xf32, #tpu.memory_space<vmem>>, vector<1x16xf32>,
      %get3A_154 = vector.shape_cast %get3A_153 : vector<1x16xf32> to vector<16xf32>
      %add3A_155 = arith.addf %get3A_150, %get3A_154 : vector<16xf32>
      %max3A = arith.constant 0.000000e+00 : f32
      %max3A_156 = vector.broadcast %max3A : f32 to vector<16xf32>
      %max3A_157 = arith.maximumf %add3A_155, %max3A_156 : vector<16xf32>
      %swap3A = arith.index_cast %scan3A_147 : i32 to index
      %swap3A_158 = arith.constant 0 : index
      %swap3A_159 = tpu.vector_load %arg15[%swap3A, %swap3A_158] {strides = array<i32>} : memref<40x128xf32, #tpu.memory_space<vmem>>, vector<1x16xf32>,
      %swap3A_160 = vector.shape_cast %swap3A_159 : vector<1x16xf32> to vector<16xf32>
      %swap3A_161 = vector.shape_cast %max3A_157 : vector<16xf32> to vector<1x16xf32>
      tpu.vector_store %arg15[%swap3A, %swap3A_158], %swap3A_161 {strides = array<i32>} : memref<40x128xf32, #tpu.memory_space<vmem>>, vector<1x16xf32>,
      %get3A_162 = arith.index_cast %scan3A_147 : i32 to index
      %get3A_163 = arith.constant 16 : index
      %get3A_164 = tpu.vector_load %arg15[%get3A_162, %get3A_163] {strides = array<i32>} : memref<40x128xf32, #tpu.memory_space<vmem>>, vector<1x16xf32>,
      %get3A_165 = vector.shape_cast %get3A_164 : vector<1x16xf32> to vector<16xf32>
      %get3A_166 = arith.index_cast %scan3A_147 : i32 to index
      %get3A_167 = arith.constant 16 : index
      %get3A_168 = tpu.vector_load %arg18[%get3A_166, %get3A_167] {strides = array<i32>} : memref<40x128xf32, #tpu.memory_space<vmem>>, vector<1x16xf32>,
      %get3A_169 = vector.shape_cast %get3A_168 : vector<1x16xf32> to vector<16xf32>
      %add3A_170 = arith.addf %get3A_165, %get3A_169 : vector<16xf32>
      %max3A_171 = arith.constant 0.000000e+00 : f32
      %max3A_172 = vector.broadcast %max3A_171 : f32 to vector<16xf32>
      %max3A_173 = arith.maximumf %add3A_170, %max3A_172 : vector<16xf32>
      %swap3A_174 = arith.index_cast %scan3A_147 : i32 to index
      %swap3A_175 = arith.constant 16 : index
      %swap3A_176 = tpu.vector_load %arg15[%swap3A_174, %swap3A_175] {strides = array<i32>} : memref<40x128xf32, #tpu.memory_space<vmem>>, vector<1x16xf32>,
      %swap3A_177 = vector.shape_cast %swap3A_176 : vector<1x16xf32> to vector<16xf32>
      %swap3A_178 = vector.shape_cast %max3A_173 : vector<16xf32> to vector<1x16xf32>
      tpu.vector_store %arg15[%swap3A_174, %swap3A_175], %swap3A_178 {strides = array<i32>} : memref<40x128xf32, #tpu.memory_space<vmem>>, vector<1x16xf32>,
      %get3A_179 = arith.index_cast %scan3A_147 : i32 to index
      %get3A_180 = arith.constant 32 : index
      %get3A_181 = tpu.vector_load %arg15[%get3A_179, %get3A_180] {strides = array<i32>} : memref<40x128xf32, #tpu.memory_space<vmem>>, vector<1x16xf32>,
      %get3A_182 = vector.shape_cast %get3A_181 : vector<1x16xf32> to vector<16xf32>
      %get3A_183 = arith.index_cast %scan3A_147 : i32 to index
      %get3A_184 = arith.constant 32 : index
      %get3A_185 = tpu.vector_load %arg18[%get3A_183, %get3A_184] {strides = array<i32>} : memref<40x128xf32, #tpu.memory_space<vmem>>, vector<1x16xf32>,
      %get3A_186 = vector.shape_cast %get3A_185 : vector<1x16xf32> to vector<16xf32>
      %add3A_187 = arith.addf %get3A_182, %get3A_186 : vector<16xf32>
      %max3A_188 = arith.constant 0.000000e+00 : f32
      %max3A_189 = vector.broadcast %max3A_188 : f32 to vector<16xf32>
      %max3A_190 = arith.maximumf %add3A_187, %max3A_189 : vector<16xf32>
      %swap3A_191 = arith.index_cast %scan3A_147 : i32 to index
      %swap3A_192 = arith.constant 32 : index
      %swap3A_193 = tpu.vector_load %arg15[%swap3A_191, %swap3A_192] {strides = array<i32>} : memref<40x128xf32, #tpu.memory_space<vmem>>, vector<1x16xf32>,
      %swap3A_194 = vector.shape_cast %swap3A_193 : vector<1x16xf32> to vector<16xf32>
      %swap3A_195 = vector.shape_cast %max3A_190 : vector<16xf32> to vector<1x16xf32>
      tpu.vector_store %arg15[%swap3A_191, %swap3A_192], %swap3A_195 {strides = array<i32>} : memref<40x128xf32, #tpu.memory_space<vmem>>, vector<1x16xf32>,
      %get3A_196 = arith.index_cast %scan3A_147 : i32 to index
      %get3A_197 = arith.constant 48 : index
      %get3A_198 = tpu.vector_load %arg15[%get3A_196, %get3A_197] {strides = array<i32>} : memref<40x128xf32, #tpu.memory_space<vmem>>, vector<1x16xf32>,
      %get3A_199 = vector.shape_cast %get3A_198 : vector<1x16xf32> to vector<16xf32>
      %get3A_200 = arith.index_cast %scan3A_147 : i32 to index
      %get3A_201 = arith.constant 48 : index
      %get3A_202 = tpu.vector_load %arg18[%get3A_200, %get3A_201] {strides = array<i32>} : memref<40x128xf32, #tpu.memory_space<vmem>>, vector<1x16xf32>,
      %get3A_203 = vector.shape_cast %get3A_202 : vector<1x16xf32> to vector<16xf32>
      %add3A_204 = arith.addf %get3A_199, %get3A_203 : vector<16xf32>
      %max3A_205 = arith.constant 0.000000e+00 : f32
      %max3A_206 = vector.broadcast %max3A_205 : f32 to vector<16xf32>
      %max3A_207 = arith.maximumf %add3A_204, %max3A_206 : vector<16xf32>
      %swap3A_208 = arith.index_cast %scan3A_147 : i32 to index
      %swap3A_209 = arith.constant 48 : index
      %swap3A_210 = tpu.vector_load %arg15[%swap3A_208, %swap3A_209] {strides = array<i32>} : memref<40x128xf32, #tpu.memory_space<vmem>>, vector<1x16xf32>,
      %swap3A_211 = vector.shape_cast %swap3A_210 : vector<1x16xf32> to vector<16xf32>
      %swap3A_212 = vector.shape_cast %max3A_207 : vector<16xf32> to vector<1x16xf32>
      tpu.vector_store %arg15[%swap3A_208, %swap3A_209], %swap3A_212 {strides = array<i32>} : memref<40x128xf32, #tpu.memory_space<vmem>>, vector<1x16xf32>,
      %get3A_213 = arith.index_cast %scan3A_147 : i32 to index
      %get3A_214 = arith.constant 64 : index
      %get3A_215 = tpu.vector_load %arg15[%get3A_213, %get3A_214] {strides = array<i32>} : memref<40x128xf32, #tpu.memory_space<vmem>>, vector<1x16xf32>,
      %get3A_216 = vector.shape_cast %get3A_215 : vector<1x16xf32> to vector<16xf32>
      %get3A_217 = arith.index_cast %scan3A_147 : i32 to index
      %get3A_218 = arith.constant 64 : index
      %get3A_219 = tpu.vector_load %arg18[%get3A_217, %get3A_218] {strides = array<i32>} : memref<40x128xf32, #tpu.memory_space<vmem>>, vector<1x16xf32>,
      %get3A_220 = vector.shape_cast %get3A_219 : vector<1x16xf32> to vector<16xf32>
      %add3A_221 = arith.addf %get3A_216, %get3A_220 : vector<16xf32>
      %max3A_222 = arith.constant 0.000000e+00 : f32
      %max3A_223 = vector.broadcast %max3A_222 : f32 to vector<16xf32>
      %max3A_224 = arith.maximumf %add3A_221, %max3A_223 : vector<16xf32>
      %swap3A_225 = arith.index_cast %scan3A_147 : i32 to index
      %swap3A_226 = arith.constant 64 : index
      %swap3A_227 = tpu.vector_load %arg15[%swap3A_225, %swap3A_226] {strides = array<i32>} : memref<40x128xf32, #tpu.memory_space<vmem>>, vector<1x16xf32>,
      %swap3A_228 = vector.shape_cast %swap3A_227 : vector<1x16xf32> to vector<16xf32>
      %swap3A_229 = vector.shape_cast %max3A_224 : vector<16xf32> to vector<1x16xf32>
      tpu.vector_store %arg15[%swap3A_225, %swap3A_226], %swap3A_229 {strides = array<i32>} : memref<40x128xf32, #tpu.memory_space<vmem>>, vector<1x16xf32>,
      %get3A_230 = arith.index_cast %scan3A_147 : i32 to index
      %get3A_231 = arith.constant 80 : index
      %get3A_232 = tpu.vector_load %arg15[%get3A_230, %get3A_231] {strides = array<i32>} : memref<40x128xf32, #tpu.memory_space<vmem>>, vector<1x16xf32>,
      %get3A_233 = vector.shape_cast %get3A_232 : vector<1x16xf32> to vector<16xf32>
      %get3A_234 = arith.index_cast %scan3A_147 : i32 to index
      %get3A_235 = arith.constant 80 : index
      %get3A_236 = tpu.vector_load %arg18[%get3A_234, %get3A_235] {strides = array<i32>} : memref<40x128xf32, #tpu.memory_space<vmem>>, vector<1x16xf32>,
      %get3A_237 = vector.shape_cast %get3A_236 : vector<1x16xf32> to vector<16xf32>
      %add3A_238 = arith.addf %get3A_233, %get3A_237 : vector<16xf32>
      %max3A_239 = arith.constant 0.000000e+00 : f32
      %max3A_240 = vector.broadcast %max3A_239 : f32 to vector<16xf32>
      %max3A_241 = arith.maximumf %add3A_238, %max3A_240 : vector<16xf32>
      %swap3A_242 = arith.index_cast %scan3A_147 : i32 to index
      %swap3A_243 = arith.constant 80 : index
      %swap3A_244 = tpu.vector_load %arg15[%swap3A_242, %swap3A_243] {strides = array<i32>} : memref<40x128xf32, #tpu.memory_space<vmem>>, vector<1x16xf32>,
      %swap3A_245 = vector.shape_cast %swap3A_244 : vector<1x16xf32> to vector<16xf32>
      %swap3A_246 = vector.shape_cast %max3A_241 : vector<16xf32> to vector<1x16xf32>
      tpu.vector_store %arg15[%swap3A_242, %swap3A_243], %swap3A_246 {strides = array<i32>} : memref<40x128xf32, #tpu.memory_space<vmem>>, vector<1x16xf32>,
      %get3A_247 = arith.index_cast %scan3A_147 : i32 to index
      %get3A_248 = arith.constant 96 : index
      %get3A_249 = tpu.vector_load %arg15[%get3A_247, %get3A_248] {strides = array<i32>} : memref<40x128xf32, #tpu.memory_space<vmem>>, vector<1x16xf32>,
      %get3A_250 = vector.shape_cast %get3A_249 : vector<1x16xf32> to vector<16xf32>
      %get3A_251 = arith.index_cast %scan3A_147 : i32 to index
      %get3A_252 = arith.constant 96 : index
      %get3A_253 = tpu.vector_load %arg18[%get3A_251, %get3A_252] {strides = array<i32>} : memref<40x128xf32, #tpu.memory_space<vmem>>, vector<1x16xf32>,
      %get3A_254 = vector.shape_cast %get3A_253 : vector<1x16xf32> to vector<16xf32>
      %add3A_255 = arith.addf %get3A_250, %get3A_254 : vector<16xf32>
      %max3A_256 = arith.constant 0.000000e+00 : f32
      %max3A_257 = vector.broadcast %max3A_256 : f32 to vector<16xf32>
      %max3A_258 = arith.maximumf %add3A_255, %max3A_257 : vector<16xf32>
      %swap3A_259 = arith.index_cast %scan3A_147 : i32 to index
      %swap3A_260 = arith.constant 96 : index
      %swap3A_261 = tpu.vector_load %arg15[%swap3A_259, %swap3A_260] {strides = array<i32>} : memref<40x128xf32, #tpu.memory_space<vmem>>, vector<1x16xf32>,
      %swap3A_262 = vector.shape_cast %swap3A_261 : vector<1x16xf32> to vector<16xf32>
      %swap3A_263 = vector.shape_cast %max3A_258 : vector<16xf32> to vector<1x16xf32>
      tpu.vector_store %arg15[%swap3A_259, %swap3A_260], %swap3A_263 {strides = array<i32>} : memref<40x128xf32, #tpu.memory_space<vmem>>, vector<1x16xf32>,
      %get3A_264 = arith.index_cast %scan3A_147 : i32 to index
      %get3A_265 = arith.constant 112 : index
      %get3A_266 = tpu.vector_load %arg15[%get3A_264, %get3A_265] {strides = array<i32>} : memref<40x128xf32, #tpu.memory_space<vmem>>, vector<1x16xf32>,
      %get3A_267 = vector.shape_cast %get3A_266 : vector<1x16xf32> to vector<16xf32>
      %get3A_268 = arith.index_cast %scan3A_147 : i32 to index
      %get3A_269 = arith.constant 112 : index
      %get3A_270 = tpu.vector_load %arg18[%get3A_268, %get3A_269] {strides = array<i32>} : memref<40x128xf32, #tpu.memory_space<vmem>>, vector<1x16xf32>,
      %get3A_271 = vector.shape_cast %get3A_270 : vector<1x16xf32> to vector<16xf32>
      %add3A_272 = arith.addf %get3A_267, %get3A_271 : vector<16xf32>
      %max3A_273 = arith.constant 0.000000e+00 : f32
      %max3A_274 = vector.broadcast %max3A_273 : f32 to vector<16xf32>
      %max3A_275 = arith.maximumf %add3A_272, %max3A_274 : vector<16xf32>
      %swap3A_276 = arith.index_cast %scan3A_147 : i32 to index
      %swap3A_277 = arith.constant 112 : index
      %swap3A_278 = tpu.vector_load %arg15[%swap3A_276, %swap3A_277] {strides = array<i32>} : memref<40x128xf32, #tpu.memory_space<vmem>>, vector<1x16xf32>,
      %swap3A_279 = vector.shape_cast %swap3A_278 : vector<1x16xf32> to vector<16xf32>
      %swap3A_280 = vector.shape_cast %max3A_275 : vector<16xf32> to vector<1x16xf32>
      tpu.vector_store %arg15[%swap3A_276, %swap3A_277], %swap3A_280 {strides = array<i32>} : memref<40x128xf32, #tpu.memory_space<vmem>>, vector<1x16xf32>,
    }
    %scan3A_106 = arith.constant 40 : i32
    "tpu.region"() ({
      %run_scoped3A = tpu.sem_alloc : memref<!tpu.dma_semaphore, #tpu.memory_space<semaphore_mem>>
      %dma_start3A_147 = arith.constant 0 : i32
      %dma_start3A_148 = arith.constant 0 : i32
      %dma_start3A_149 = tpu.memref_slice %arg20[%dma_start3A_147, %dma_start3A_148] : memref<10000x128xf32, #tpu.memory_space<vmem_shared>> -> memref<10000x128xf32, #tpu.memory_space<vmem_shared>>
      tpu.enqueue_indirect_dma source(%arg15 : memref<40x128xf32, #tpu.memory_space<vmem>>) target(%dma_start3A_149 : memref<10000x128xf32, #tpu.memory_space<vmem_shared>>) offsets(%arg12 : memref<40xi32, #tpu.memory_space<vmem>>) semaphore(%run_scoped3A : memref<!tpu.dma_semaphore, #tpu.memory_space<semaphore_mem>>) {add = true}
      %dma_wait3A_150 = arith.constant 0 : i32
      %dma_wait3A_151 = arith.constant 0 : i32
      %dma_wait3A_152 = tpu.memref_slice %arg20[%dma_wait3A_150, %dma_wait3A_151] : memref<10000x128xf32, #tpu.memory_space<vmem_shared>> -> memref<10000x128xf32, #tpu.memory_space<vmem_shared>>
      tpu.wait_indirect_dma semaphore(%run_scoped3A : memref<!tpu.dma_semaphore, #tpu.memory_space<semaphore_mem>>) src(%arg15 : memref<40x128xf32, #tpu.memory_space<vmem>>) dst(%dma_wait3A_152 : memref<10000x128xf32, #tpu.memory_space<vmem_shared>>)
      tpu.yield
    }) : () -> ()
    %add3A_107 = arith.constant 9960 : i32
    %add3A_108 = arith.addi %add3A, %add3A_107 : i32
    %dma_wait3A_109 = tpu.memref_slice %arg4[%add3A_108] : memref<320000xi32, #tpu.memory_space<hbm>> -> memref<40xi32, #tpu.memory_space<hbm>>
    %dma_wait3A_110 = tpu.memref_slice %arg4[%add3A_108] : memref<320000xi32, #tpu.memory_space<hbm>> -> memref<40xi32, #tpu.memory_space<hbm>>
    tpu.wait_dma2 semaphore(%arg21 : memref<!tpu.dma_semaphore, #tpu.memory_space<semaphore_mem>>) src(%dma_wait3A_110 : memref<40xi32, #tpu.memory_space<hbm>>) dst(%arg8 : memref<40xi32, #tpu.memory_space<vmem>>)
    %dma_wait3A_111 = tpu.memref_slice %arg5[%add3A_108] : memref<320000xi32, #tpu.memory_space<hbm>> -> memref<40xi32, #tpu.memory_space<hbm>>
    %dma_wait3A_112 = tpu.memref_slice %arg5[%add3A_108] : memref<320000xi32, #tpu.memory_space<hbm>> -> memref<40xi32, #tpu.memory_space<hbm>>
    tpu.wait_dma2 semaphore(%arg21 : memref<!tpu.dma_semaphore, #tpu.memory_space<semaphore_mem>>) src(%dma_wait3A_112 : memref<40xi32, #tpu.memory_space<hbm>>) dst(%arg11 : memref<40xi32, #tpu.memory_space<vmem>>)
    %dma_wait3A_113 = arith.constant 0 : i32
    %dma_wait3A_114 = tpu.memref_slice %arg3[%add3A_108, %dma_wait3A_113] : memref<320000x128xf32, #tpu.memory_space<hbm>> -> memref<40x128xf32, #tpu.memory_space<hbm>>
    %dma_wait3A_115 = arith.constant 0 : i32
    %dma_wait3A_116 = tpu.memref_slice %arg3[%add3A_108, %dma_wait3A_115] : memref<320000x128xf32, #tpu.memory_space<hbm>> -> memref<40x128xf32, #tpu.memory_space<hbm>>
    tpu.wait_dma2 semaphore(%arg21 : memref<!tpu.dma_semaphore, #tpu.memory_space<semaphore_mem>>) src(%dma_wait3A_116 : memref<40x128xf32, #tpu.memory_space<hbm>>) dst(%arg17 : memref<40x128xf32, #tpu.memory_space<vmem>>)
    %dma_start3A_117 = arith.constant 0 : i32
    %dma_start3A_118 = arith.constant 0 : i32
    %dma_start3A_119 = tpu.memref_slice %arg2[%dma_start3A_117, %dma_start3A_118] : memref<10000x128xf32, #tpu.memory_space<hbm>> -> memref<10000x128xf32, #tpu.memory_space<hbm>>
    tpu.enqueue_indirect_dma source(%dma_start3A_119 : memref<10000x128xf32, #tpu.memory_space<hbm>>) target(%arg14 : memref<40x128xf32, #tpu.memory_space<vmem>>) offsets(%arg8 : memref<40xi32, #tpu.memory_space<vmem>>) semaphore(%arg24 : memref<!tpu.dma_semaphore, #tpu.memory_space<semaphore_mem>>)
    %dma_wait3A_120 = arith.constant 0 : i32
    %dma_wait3A_121 = arith.constant 0 : i32
    %dma_wait3A_122 = tpu.memref_slice %arg2[%dma_wait3A_120, %dma_wait3A_121] : memref<10000x128xf32, #tpu.memory_space<hbm>> -> memref<10000x128xf32, #tpu.memory_space<hbm>>
    tpu.wait_indirect_dma semaphore(%arg26 : memref<!tpu.dma_semaphore, #tpu.memory_space<semaphore_mem>>) src(%dma_wait3A_122 : memref<10000x128xf32, #tpu.memory_space<hbm>>) dst(%arg16 : memref<40x128xf32, #tpu.memory_space<vmem>>)
    %scan3A_123 = arith.constant 0 : i32
    %scan3A_124 = arith.constant 0 : i32
    %scan3A_125 = arith.constant 40 : i32
    %scan3A_126 = arith.addi %scan3A_124, %scan3A_125 : i32
    %scan3A_127 = arith.constant 1 : i32
    scf.for %scan3A_147 = %scan3A_124 to %scan3A_126 step %scan3A_127  : i32 {
      %get3A = arith.index_cast %scan3A_147 : i32 to index
      %get3A_148 = arith.constant 0 : index
      %get3A_149 = tpu.vector_load %arg16[%get3A, %get3A_148] {strides = array<i32>} : memref<40x128xf32, #tpu.memory_space<vmem>>, vector<1x16xf32>,
      %get3A_150 = vector.shape_cast %get3A_149 : vector<1x16xf32> to vector<16xf32>
      %get3A_151 = arith.index_cast %scan3A_147 : i32 to index
      %get3A_152 = arith.constant 0 : index
      %get3A_153 = tpu.vector_load %arg19[%get3A_151, %get3A_152] {strides = array<i32>} : memref<40x128xf32, #tpu.memory_space<vmem>>, vector<1x16xf32>,
      %get3A_154 = vector.shape_cast %get3A_153 : vector<1x16xf32> to vector<16xf32>
      %add3A_155 = arith.addf %get3A_150, %get3A_154 : vector<16xf32>
      %max3A = arith.constant 0.000000e+00 : f32
      %max3A_156 = vector.broadcast %max3A : f32 to vector<16xf32>
      %max3A_157 = arith.maximumf %add3A_155, %max3A_156 : vector<16xf32>
      %swap3A = arith.index_cast %scan3A_147 : i32 to index
      %swap3A_158 = arith.constant 0 : index
      %swap3A_159 = tpu.vector_load %arg16[%swap3A, %swap3A_158] {strides = array<i32>} : memref<40x128xf32, #tpu.memory_space<vmem>>, vector<1x16xf32>,
      %swap3A_160 = vector.shape_cast %swap3A_159 : vector<1x16xf32> to vector<16xf32>
      %swap3A_161 = vector.shape_cast %max3A_157 : vector<16xf32> to vector<1x16xf32>
      tpu.vector_store %arg16[%swap3A, %swap3A_158], %swap3A_161 {strides = array<i32>} : memref<40x128xf32, #tpu.memory_space<vmem>>, vector<1x16xf32>,
      %get3A_162 = arith.index_cast %scan3A_147 : i32 to index
      %get3A_163 = arith.constant 16 : index
      %get3A_164 = tpu.vector_load %arg16[%get3A_162, %get3A_163] {strides = array<i32>} : memref<40x128xf32, #tpu.memory_space<vmem>>, vector<1x16xf32>,
      %get3A_165 = vector.shape_cast %get3A_164 : vector<1x16xf32> to vector<16xf32>
      %get3A_166 = arith.index_cast %scan3A_147 : i32 to index
      %get3A_167 = arith.constant 16 : index
      %get3A_168 = tpu.vector_load %arg19[%get3A_166, %get3A_167] {strides = array<i32>} : memref<40x128xf32, #tpu.memory_space<vmem>>, vector<1x16xf32>,
      %get3A_169 = vector.shape_cast %get3A_168 : vector<1x16xf32> to vector<16xf32>
      %add3A_170 = arith.addf %get3A_165, %get3A_169 : vector<16xf32>
      %max3A_171 = arith.constant 0.000000e+00 : f32
      %max3A_172 = vector.broadcast %max3A_171 : f32 to vector<16xf32>
      %max3A_173 = arith.maximumf %add3A_170, %max3A_172 : vector<16xf32>
      %swap3A_174 = arith.index_cast %scan3A_147 : i32 to index
      %swap3A_175 = arith.constant 16 : index
      %swap3A_176 = tpu.vector_load %arg16[%swap3A_174, %swap3A_175] {strides = array<i32>} : memref<40x128xf32, #tpu.memory_space<vmem>>, vector<1x16xf32>,
      %swap3A_177 = vector.shape_cast %swap3A_176 : vector<1x16xf32> to vector<16xf32>
      %swap3A_178 = vector.shape_cast %max3A_173 : vector<16xf32> to vector<1x16xf32>
      tpu.vector_store %arg16[%swap3A_174, %swap3A_175], %swap3A_178 {strides = array<i32>} : memref<40x128xf32, #tpu.memory_space<vmem>>, vector<1x16xf32>,
      %get3A_179 = arith.index_cast %scan3A_147 : i32 to index
      %get3A_180 = arith.constant 32 : index
      %get3A_181 = tpu.vector_load %arg16[%get3A_179, %get3A_180] {strides = array<i32>} : memref<40x128xf32, #tpu.memory_space<vmem>>, vector<1x16xf32>,
      %get3A_182 = vector.shape_cast %get3A_181 : vector<1x16xf32> to vector<16xf32>
      %get3A_183 = arith.index_cast %scan3A_147 : i32 to index
      %get3A_184 = arith.constant 32 : index
      %get3A_185 = tpu.vector_load %arg19[%get3A_183, %get3A_184] {strides = array<i32>} : memref<40x128xf32, #tpu.memory_space<vmem>>, vector<1x16xf32>,
      %get3A_186 = vector.shape_cast %get3A_185 : vector<1x16xf32> to vector<16xf32>
      %add3A_187 = arith.addf %get3A_182, %get3A_186 : vector<16xf32>
      %max3A_188 = arith.constant 0.000000e+00 : f32
      %max3A_189 = vector.broadcast %max3A_188 : f32 to vector<16xf32>
      %max3A_190 = arith.maximumf %add3A_187, %max3A_189 : vector<16xf32>
      %swap3A_191 = arith.index_cast %scan3A_147 : i32 to index
      %swap3A_192 = arith.constant 32 : index
      %swap3A_193 = tpu.vector_load %arg16[%swap3A_191, %swap3A_192] {strides = array<i32>} : memref<40x128xf32, #tpu.memory_space<vmem>>, vector<1x16xf32>,
      %swap3A_194 = vector.shape_cast %swap3A_193 : vector<1x16xf32> to vector<16xf32>
      %swap3A_195 = vector.shape_cast %max3A_190 : vector<16xf32> to vector<1x16xf32>
      tpu.vector_store %arg16[%swap3A_191, %swap3A_192], %swap3A_195 {strides = array<i32>} : memref<40x128xf32, #tpu.memory_space<vmem>>, vector<1x16xf32>,
      %get3A_196 = arith.index_cast %scan3A_147 : i32 to index
      %get3A_197 = arith.constant 48 : index
      %get3A_198 = tpu.vector_load %arg16[%get3A_196, %get3A_197] {strides = array<i32>} : memref<40x128xf32, #tpu.memory_space<vmem>>, vector<1x16xf32>,
      %get3A_199 = vector.shape_cast %get3A_198 : vector<1x16xf32> to vector<16xf32>
      %get3A_200 = arith.index_cast %scan3A_147 : i32 to index
      %get3A_201 = arith.constant 48 : index
      %get3A_202 = tpu.vector_load %arg19[%get3A_200, %get3A_201] {strides = array<i32>} : memref<40x128xf32, #tpu.memory_space<vmem>>, vector<1x16xf32>,
      %get3A_203 = vector.shape_cast %get3A_202 : vector<1x16xf32> to vector<16xf32>
      %add3A_204 = arith.addf %get3A_199, %get3A_203 : vector<16xf32>
      %max3A_205 = arith.constant 0.000000e+00 : f32
      %max3A_206 = vector.broadcast %max3A_205 : f32 to vector<16xf32>
      %max3A_207 = arith.maximumf %add3A_204, %max3A_206 : vector<16xf32>
      %swap3A_208 = arith.index_cast %scan3A_147 : i32 to index
      %swap3A_209 = arith.constant 48 : index
      %swap3A_210 = tpu.vector_load %arg16[%swap3A_208, %swap3A_209] {strides = array<i32>} : memref<40x128xf32, #tpu.memory_space<vmem>>, vector<1x16xf32>,
      %swap3A_211 = vector.shape_cast %swap3A_210 : vector<1x16xf32> to vector<16xf32>
      %swap3A_212 = vector.shape_cast %max3A_207 : vector<16xf32> to vector<1x16xf32>
      tpu.vector_store %arg16[%swap3A_208, %swap3A_209], %swap3A_212 {strides = array<i32>} : memref<40x128xf32, #tpu.memory_space<vmem>>, vector<1x16xf32>,
      %get3A_213 = arith.index_cast %scan3A_147 : i32 to index
      %get3A_214 = arith.constant 64 : index
      %get3A_215 = tpu.vector_load %arg16[%get3A_213, %get3A_214] {strides = array<i32>} : memref<40x128xf32, #tpu.memory_space<vmem>>, vector<1x16xf32>,
      %get3A_216 = vector.shape_cast %get3A_215 : vector<1x16xf32> to vector<16xf32>
      %get3A_217 = arith.index_cast %scan3A_147 : i32 to index
      %get3A_218 = arith.constant 64 : index
      %get3A_219 = tpu.vector_load %arg19[%get3A_217, %get3A_218] {strides = array<i32>} : memref<40x128xf32, #tpu.memory_space<vmem>>, vector<1x16xf32>,
      %get3A_220 = vector.shape_cast %get3A_219 : vector<1x16xf32> to vector<16xf32>
      %add3A_221 = arith.addf %get3A_216, %get3A_220 : vector<16xf32>
      %max3A_222 = arith.constant 0.000000e+00 : f32
      %max3A_223 = vector.broadcast %max3A_222 : f32 to vector<16xf32>
      %max3A_224 = arith.maximumf %add3A_221, %max3A_223 : vector<16xf32>
      %swap3A_225 = arith.index_cast %scan3A_147 : i32 to index
      %swap3A_226 = arith.constant 64 : index
      %swap3A_227 = tpu.vector_load %arg16[%swap3A_225, %swap3A_226] {strides = array<i32>} : memref<40x128xf32, #tpu.memory_space<vmem>>, vector<1x16xf32>,
      %swap3A_228 = vector.shape_cast %swap3A_227 : vector<1x16xf32> to vector<16xf32>
      %swap3A_229 = vector.shape_cast %max3A_224 : vector<16xf32> to vector<1x16xf32>
      tpu.vector_store %arg16[%swap3A_225, %swap3A_226], %swap3A_229 {strides = array<i32>} : memref<40x128xf32, #tpu.memory_space<vmem>>, vector<1x16xf32>,
      %get3A_230 = arith.index_cast %scan3A_147 : i32 to index
      %get3A_231 = arith.constant 80 : index
      %get3A_232 = tpu.vector_load %arg16[%get3A_230, %get3A_231] {strides = array<i32>} : memref<40x128xf32, #tpu.memory_space<vmem>>, vector<1x16xf32>,
      %get3A_233 = vector.shape_cast %get3A_232 : vector<1x16xf32> to vector<16xf32>
      %get3A_234 = arith.index_cast %scan3A_147 : i32 to index
      %get3A_235 = arith.constant 80 : index
      %get3A_236 = tpu.vector_load %arg19[%get3A_234, %get3A_235] {strides = array<i32>} : memref<40x128xf32, #tpu.memory_space<vmem>>, vector<1x16xf32>,
      %get3A_237 = vector.shape_cast %get3A_236 : vector<1x16xf32> to vector<16xf32>
      %add3A_238 = arith.addf %get3A_233, %get3A_237 : vector<16xf32>
      %max3A_239 = arith.constant 0.000000e+00 : f32
      %max3A_240 = vector.broadcast %max3A_239 : f32 to vector<16xf32>
      %max3A_241 = arith.maximumf %add3A_238, %max3A_240 : vector<16xf32>
      %swap3A_242 = arith.index_cast %scan3A_147 : i32 to index
      %swap3A_243 = arith.constant 80 : index
      %swap3A_244 = tpu.vector_load %arg16[%swap3A_242, %swap3A_243] {strides = array<i32>} : memref<40x128xf32, #tpu.memory_space<vmem>>, vector<1x16xf32>,
      %swap3A_245 = vector.shape_cast %swap3A_244 : vector<1x16xf32> to vector<16xf32>
      %swap3A_246 = vector.shape_cast %max3A_241 : vector<16xf32> to vector<1x16xf32>
      tpu.vector_store %arg16[%swap3A_242, %swap3A_243], %swap3A_246 {strides = array<i32>} : memref<40x128xf32, #tpu.memory_space<vmem>>, vector<1x16xf32>,
      %get3A_247 = arith.index_cast %scan3A_147 : i32 to index
      %get3A_248 = arith.constant 96 : index
      %get3A_249 = tpu.vector_load %arg16[%get3A_247, %get3A_248] {strides = array<i32>} : memref<40x128xf32, #tpu.memory_space<vmem>>, vector<1x16xf32>,
      %get3A_250 = vector.shape_cast %get3A_249 : vector<1x16xf32> to vector<16xf32>
      %get3A_251 = arith.index_cast %scan3A_147 : i32 to index
      %get3A_252 = arith.constant 96 : index
      %get3A_253 = tpu.vector_load %arg19[%get3A_251, %get3A_252] {strides = array<i32>} : memref<40x128xf32, #tpu.memory_space<vmem>>, vector<1x16xf32>,
      %get3A_254 = vector.shape_cast %get3A_253 : vector<1x16xf32> to vector<16xf32>
      %add3A_255 = arith.addf %get3A_250, %get3A_254 : vector<16xf32>
      %max3A_256 = arith.constant 0.000000e+00 : f32
      %max3A_257 = vector.broadcast %max3A_256 : f32 to vector<16xf32>
      %max3A_258 = arith.maximumf %add3A_255, %max3A_257 : vector<16xf32>
      %swap3A_259 = arith.index_cast %scan3A_147 : i32 to index
      %swap3A_260 = arith.constant 96 : index
      %swap3A_261 = tpu.vector_load %arg16[%swap3A_259, %swap3A_260] {strides = array<i32>} : memref<40x128xf32, #tpu.memory_space<vmem>>, vector<1x16xf32>,
      %swap3A_262 = vector.shape_cast %swap3A_261 : vector<1x16xf32> to vector<16xf32>
      %swap3A_263 = vector.shape_cast %max3A_258 : vector<16xf32> to vector<1x16xf32>
      tpu.vector_store %arg16[%swap3A_259, %swap3A_260], %swap3A_263 {strides = array<i32>} : memref<40x128xf32, #tpu.memory_space<vmem>>, vector<1x16xf32>,
      %get3A_264 = arith.index_cast %scan3A_147 : i32 to index
      %get3A_265 = arith.constant 112 : index
      %get3A_266 = tpu.vector_load %arg16[%get3A_264, %get3A_265] {strides = array<i32>} : memref<40x128xf32, #tpu.memory_space<vmem>>, vector<1x16xf32>,
      %get3A_267 = vector.shape_cast %get3A_266 : vector<1x16xf32> to vector<16xf32>
      %get3A_268 = arith.index_cast %scan3A_147 : i32 to index
      %get3A_269 = arith.constant 112 : index
      %get3A_270 = tpu.vector_load %arg19[%get3A_268, %get3A_269] {strides = array<i32>} : memref<40x128xf32, #tpu.memory_space<vmem>>, vector<1x16xf32>,
      %get3A_271 = vector.shape_cast %get3A_270 : vector<1x16xf32> to vector<16xf32>
      %add3A_272 = arith.addf %get3A_267, %get3A_271 : vector<16xf32>
      %max3A_273 = arith.constant 0.000000e+00 : f32
      %max3A_274 = vector.broadcast %max3A_273 : f32 to vector<16xf32>
      %max3A_275 = arith.maximumf %add3A_272, %max3A_274 : vector<16xf32>
      %swap3A_276 = arith.index_cast %scan3A_147 : i32 to index
      %swap3A_277 = arith.constant 112 : index
      %swap3A_278 = tpu.vector_load %arg16[%swap3A_276, %swap3A_277] {strides = array<i32>} : memref<40x128xf32, #tpu.memory_space<vmem>>, vector<1x16xf32>,
      %swap3A_279 = vector.shape_cast %swap3A_278 : vector<1x16xf32> to vector<16xf32>
      %swap3A_280 = vector.shape_cast %max3A_275 : vector<16xf32> to vector<1x16xf32>
      tpu.vector_store %arg16[%swap3A_276, %swap3A_277], %swap3A_280 {strides = array<i32>} : memref<40x128xf32, #tpu.memory_space<vmem>>, vector<1x16xf32>,
    }
    %scan3A_128 = arith.constant 40 : i32
    "tpu.region"() ({
      %run_scoped3A = tpu.sem_alloc : memref<!tpu.dma_semaphore, #tpu.memory_space<semaphore_mem>>
      %dma_start3A_147 = arith.constant 0 : i32
      %dma_start3A_148 = arith.constant 0 : i32
      %dma_start3A_149 = tpu.memref_slice %arg20[%dma_start3A_147, %dma_start3A_148] : memref<10000x128xf32, #tpu.memory_space<vmem_shared>> -> memref<10000x128xf32, #tpu.memory_space<vmem_shared>>
      tpu.enqueue_indirect_dma source(%arg16 : memref<40x128xf32, #tpu.memory_space<vmem>>) target(%dma_start3A_149 : memref<10000x128xf32, #tpu.memory_space<vmem_shared>>) offsets(%arg13 : memref<40xi32, #tpu.memory_space<vmem>>) semaphore(%run_scoped3A : memref<!tpu.dma_semaphore, #tpu.memory_space<semaphore_mem>>) {add = true}
      %dma_wait3A_150 = arith.constant 0 : i32
      %dma_wait3A_151 = arith.constant 0 : i32
      %dma_wait3A_152 = tpu.memref_slice %arg20[%dma_wait3A_150, %dma_wait3A_151] : memref<10000x128xf32, #tpu.memory_space<vmem_shared>> -> memref<10000x128xf32, #tpu.memory_space<vmem_shared>>
      tpu.wait_indirect_dma semaphore(%run_scoped3A : memref<!tpu.dma_semaphore, #tpu.memory_space<semaphore_mem>>) src(%arg16 : memref<40x128xf32, #tpu.memory_space<vmem>>) dst(%dma_wait3A_152 : memref<10000x128xf32, #tpu.memory_space<vmem_shared>>)
      tpu.yield
    }) : () -> ()
    %dma_wait3A_129 = arith.constant 0 : i32
    %dma_wait3A_130 = arith.constant 0 : i32
    %dma_wait3A_131 = tpu.memref_slice %arg2[%dma_wait3A_129, %dma_wait3A_130] : memref<10000x128xf32, #tpu.memory_space<hbm>> -> memref<10000x128xf32, #tpu.memory_space<hbm>>
    tpu.wait_indirect_dma semaphore(%arg24 : memref<!tpu.dma_semaphore, #tpu.memory_space<semaphore_mem>>) src(%dma_wait3A_131 : memref<10000x128xf32, #tpu.memory_space<hbm>>) dst(%arg14 : memref<40x128xf32, #tpu.memory_space<vmem>>)
    %scan3A_132 = arith.constant 0 : i32
    %scan3A_133 = arith.constant 0 : i32
    %scan3A_134 = arith.constant 40 : i32
    %scan3A_135 = arith.addi %scan3A_133, %scan3A_134 : i32
    %scan3A_136 = arith.constant 1 : i32
    scf.for %scan3A_147 = %scan3A_133 to %scan3A_135 step %scan3A_136  : i32 {
      %get3A = arith.index_cast %scan3A_147 : i32 to index
      %get3A_148 = arith.constant 0 : index
      %get3A_149 = tpu.vector_load %arg14[%get3A, %get3A_148] {strides = array<i32>} : memref<40x128xf32, #tpu.memory_space<vmem>>, vector<1x16xf32>,
      %get3A_150 = vector.shape_cast %get3A_149 : vector<1x16xf32> to vector<16xf32>
      %get3A_151 = arith.index_cast %scan3A_147 : i32 to index
      %get3A_152 = arith.constant 0 : index
      %get3A_153 = tpu.vector_load %arg17[%get3A_151, %get3A_152] {strides = array<i32>} : memref<40x128xf32, #tpu.memory_space<vmem>>, vector<1x16xf32>,
      %get3A_154 = vector.shape_cast %get3A_153 : vector<1x16xf32> to vector<16xf32>
      %add3A_155 = arith.addf %get3A_150, %get3A_154 : vector<16xf32>
      %max3A = arith.constant 0.000000e+00 : f32
      %max3A_156 = vector.broadcast %max3A : f32 to vector<16xf32>
      %max3A_157 = arith.maximumf %add3A_155, %max3A_156 : vector<16xf32>
      %swap3A = arith.index_cast %scan3A_147 : i32 to index
      %swap3A_158 = arith.constant 0 : index
      %swap3A_159 = tpu.vector_load %arg14[%swap3A, %swap3A_158] {strides = array<i32>} : memref<40x128xf32, #tpu.memory_space<vmem>>, vector<1x16xf32>,
      %swap3A_160 = vector.shape_cast %swap3A_159 : vector<1x16xf32> to vector<16xf32>
      %swap3A_161 = vector.shape_cast %max3A_157 : vector<16xf32> to vector<1x16xf32>
      tpu.vector_store %arg14[%swap3A, %swap3A_158], %swap3A_161 {strides = array<i32>} : memref<40x128xf32, #tpu.memory_space<vmem>>, vector<1x16xf32>,
      %get3A_162 = arith.index_cast %scan3A_147 : i32 to index
      %get3A_163 = arith.constant 16 : index
      %get3A_164 = tpu.vector_load %arg14[%get3A_162, %get3A_163] {strides = array<i32>} : memref<40x128xf32, #tpu.memory_space<vmem>>, vector<1x16xf32>,
      %get3A_165 = vector.shape_cast %get3A_164 : vector<1x16xf32> to vector<16xf32>
      %get3A_166 = arith.index_cast %scan3A_147 : i32 to index
      %get3A_167 = arith.constant 16 : index
      %get3A_168 = tpu.vector_load %arg17[%get3A_166, %get3A_167] {strides = array<i32>} : memref<40x128xf32, #tpu.memory_space<vmem>>, vector<1x16xf32>,
      %get3A_169 = vector.shape_cast %get3A_168 : vector<1x16xf32> to vector<16xf32>
      %add3A_170 = arith.addf %get3A_165, %get3A_169 : vector<16xf32>
      %max3A_171 = arith.constant 0.000000e+00 : f32
      %max3A_172 = vector.broadcast %max3A_171 : f32 to vector<16xf32>
      %max3A_173 = arith.maximumf %add3A_170, %max3A_172 : vector<16xf32>
      %swap3A_174 = arith.index_cast %scan3A_147 : i32 to index
      %swap3A_175 = arith.constant 16 : index
      %swap3A_176 = tpu.vector_load %arg14[%swap3A_174, %swap3A_175] {strides = array<i32>} : memref<40x128xf32, #tpu.memory_space<vmem>>, vector<1x16xf32>,
      %swap3A_177 = vector.shape_cast %swap3A_176 : vector<1x16xf32> to vector<16xf32>
      %swap3A_178 = vector.shape_cast %max3A_173 : vector<16xf32> to vector<1x16xf32>
      tpu.vector_store %arg14[%swap3A_174, %swap3A_175], %swap3A_178 {strides = array<i32>} : memref<40x128xf32, #tpu.memory_space<vmem>>, vector<1x16xf32>,
      %get3A_179 = arith.index_cast %scan3A_147 : i32 to index
      %get3A_180 = arith.constant 32 : index
      %get3A_181 = tpu.vector_load %arg14[%get3A_179, %get3A_180] {strides = array<i32>} : memref<40x128xf32, #tpu.memory_space<vmem>>, vector<1x16xf32>,
      %get3A_182 = vector.shape_cast %get3A_181 : vector<1x16xf32> to vector<16xf32>
      %get3A_183 = arith.index_cast %scan3A_147 : i32 to index
      %get3A_184 = arith.constant 32 : index
      %get3A_185 = tpu.vector_load %arg17[%get3A_183, %get3A_184] {strides = array<i32>} : memref<40x128xf32, #tpu.memory_space<vmem>>, vector<1x16xf32>,
      %get3A_186 = vector.shape_cast %get3A_185 : vector<1x16xf32> to vector<16xf32>
      %add3A_187 = arith.addf %get3A_182, %get3A_186 : vector<16xf32>
      %max3A_188 = arith.constant 0.000000e+00 : f32
      %max3A_189 = vector.broadcast %max3A_188 : f32 to vector<16xf32>
      %max3A_190 = arith.maximumf %add3A_187, %max3A_189 : vector<16xf32>
      %swap3A_191 = arith.index_cast %scan3A_147 : i32 to index
      %swap3A_192 = arith.constant 32 : index
      %swap3A_193 = tpu.vector_load %arg14[%swap3A_191, %swap3A_192] {strides = array<i32>} : memref<40x128xf32, #tpu.memory_space<vmem>>, vector<1x16xf32>,
      %swap3A_194 = vector.shape_cast %swap3A_193 : vector<1x16xf32> to vector<16xf32>
      %swap3A_195 = vector.shape_cast %max3A_190 : vector<16xf32> to vector<1x16xf32>
      tpu.vector_store %arg14[%swap3A_191, %swap3A_192], %swap3A_195 {strides = array<i32>} : memref<40x128xf32, #tpu.memory_space<vmem>>, vector<1x16xf32>,
      %get3A_196 = arith.index_cast %scan3A_147 : i32 to index
      %get3A_197 = arith.constant 48 : index
      %get3A_198 = tpu.vector_load %arg14[%get3A_196, %get3A_197] {strides = array<i32>} : memref<40x128xf32, #tpu.memory_space<vmem>>, vector<1x16xf32>,
      %get3A_199 = vector.shape_cast %get3A_198 : vector<1x16xf32> to vector<16xf32>
      %get3A_200 = arith.index_cast %scan3A_147 : i32 to index
      %get3A_201 = arith.constant 48 : index
      %get3A_202 = tpu.vector_load %arg17[%get3A_200, %get3A_201] {strides = array<i32>} : memref<40x128xf32, #tpu.memory_space<vmem>>, vector<1x16xf32>,
      %get3A_203 = vector.shape_cast %get3A_202 : vector<1x16xf32> to vector<16xf32>
      %add3A_204 = arith.addf %get3A_199, %get3A_203 : vector<16xf32>
      %max3A_205 = arith.constant 0.000000e+00 : f32
      %max3A_206 = vector.broadcast %max3A_205 : f32 to vector<16xf32>
      %max3A_207 = arith.maximumf %add3A_204, %max3A_206 : vector<16xf32>
      %swap3A_208 = arith.index_cast %scan3A_147 : i32 to index
      %swap3A_209 = arith.constant 48 : index
      %swap3A_210 = tpu.vector_load %arg14[%swap3A_208, %swap3A_209] {strides = array<i32>} : memref<40x128xf32, #tpu.memory_space<vmem>>, vector<1x16xf32>,
      %swap3A_211 = vector.shape_cast %swap3A_210 : vector<1x16xf32> to vector<16xf32>
      %swap3A_212 = vector.shape_cast %max3A_207 : vector<16xf32> to vector<1x16xf32>
      tpu.vector_store %arg14[%swap3A_208, %swap3A_209], %swap3A_212 {strides = array<i32>} : memref<40x128xf32, #tpu.memory_space<vmem>>, vector<1x16xf32>,
      %get3A_213 = arith.index_cast %scan3A_147 : i32 to index
      %get3A_214 = arith.constant 64 : index
      %get3A_215 = tpu.vector_load %arg14[%get3A_213, %get3A_214] {strides = array<i32>} : memref<40x128xf32, #tpu.memory_space<vmem>>, vector<1x16xf32>,
      %get3A_216 = vector.shape_cast %get3A_215 : vector<1x16xf32> to vector<16xf32>
      %get3A_217 = arith.index_cast %scan3A_147 : i32 to index
      %get3A_218 = arith.constant 64 : index
      %get3A_219 = tpu.vector_load %arg17[%get3A_217, %get3A_218] {strides = array<i32>} : memref<40x128xf32, #tpu.memory_space<vmem>>, vector<1x16xf32>,
      %get3A_220 = vector.shape_cast %get3A_219 : vector<1x16xf32> to vector<16xf32>
      %add3A_221 = arith.addf %get3A_216, %get3A_220 : vector<16xf32>
      %max3A_222 = arith.constant 0.000000e+00 : f32
      %max3A_223 = vector.broadcast %max3A_222 : f32 to vector<16xf32>
      %max3A_224 = arith.maximumf %add3A_221, %max3A_223 : vector<16xf32>
      %swap3A_225 = arith.index_cast %scan3A_147 : i32 to index
      %swap3A_226 = arith.constant 64 : index
      %swap3A_227 = tpu.vector_load %arg14[%swap3A_225, %swap3A_226] {strides = array<i32>} : memref<40x128xf32, #tpu.memory_space<vmem>>, vector<1x16xf32>,
      %swap3A_228 = vector.shape_cast %swap3A_227 : vector<1x16xf32> to vector<16xf32>
      %swap3A_229 = vector.shape_cast %max3A_224 : vector<16xf32> to vector<1x16xf32>
      tpu.vector_store %arg14[%swap3A_225, %swap3A_226], %swap3A_229 {strides = array<i32>} : memref<40x128xf32, #tpu.memory_space<vmem>>, vector<1x16xf32>,
      %get3A_230 = arith.index_cast %scan3A_147 : i32 to index
      %get3A_231 = arith.constant 80 : index
      %get3A_232 = tpu.vector_load %arg14[%get3A_230, %get3A_231] {strides = array<i32>} : memref<40x128xf32, #tpu.memory_space<vmem>>, vector<1x16xf32>,
      %get3A_233 = vector.shape_cast %get3A_232 : vector<1x16xf32> to vector<16xf32>
      %get3A_234 = arith.index_cast %scan3A_147 : i32 to index
      %get3A_235 = arith.constant 80 : index
      %get3A_236 = tpu.vector_load %arg17[%get3A_234, %get3A_235] {strides = array<i32>} : memref<40x128xf32, #tpu.memory_space<vmem>>, vector<1x16xf32>,
      %get3A_237 = vector.shape_cast %get3A_236 : vector<1x16xf32> to vector<16xf32>
      %add3A_238 = arith.addf %get3A_233, %get3A_237 : vector<16xf32>
      %max3A_239 = arith.constant 0.000000e+00 : f32
      %max3A_240 = vector.broadcast %max3A_239 : f32 to vector<16xf32>
      %max3A_241 = arith.maximumf %add3A_238, %max3A_240 : vector<16xf32>
      %swap3A_242 = arith.index_cast %scan3A_147 : i32 to index
      %swap3A_243 = arith.constant 80 : index
      %swap3A_244 = tpu.vector_load %arg14[%swap3A_242, %swap3A_243] {strides = array<i32>} : memref<40x128xf32, #tpu.memory_space<vmem>>, vector<1x16xf32>,
      %swap3A_245 = vector.shape_cast %swap3A_244 : vector<1x16xf32> to vector<16xf32>
      %swap3A_246 = vector.shape_cast %max3A_241 : vector<16xf32> to vector<1x16xf32>
      tpu.vector_store %arg14[%swap3A_242, %swap3A_243], %swap3A_246 {strides = array<i32>} : memref<40x128xf32, #tpu.memory_space<vmem>>, vector<1x16xf32>,
      %get3A_247 = arith.index_cast %scan3A_147 : i32 to index
      %get3A_248 = arith.constant 96 : index
      %get3A_249 = tpu.vector_load %arg14[%get3A_247, %get3A_248] {strides = array<i32>} : memref<40x128xf32, #tpu.memory_space<vmem>>, vector<1x16xf32>,
      %get3A_250 = vector.shape_cast %get3A_249 : vector<1x16xf32> to vector<16xf32>
      %get3A_251 = arith.index_cast %scan3A_147 : i32 to index
      %get3A_252 = arith.constant 96 : index
      %get3A_253 = tpu.vector_load %arg17[%get3A_251, %get3A_252] {strides = array<i32>} : memref<40x128xf32, #tpu.memory_space<vmem>>, vector<1x16xf32>,
      %get3A_254 = vector.shape_cast %get3A_253 : vector<1x16xf32> to vector<16xf32>
      %add3A_255 = arith.addf %get3A_250, %get3A_254 : vector<16xf32>
      %max3A_256 = arith.constant 0.000000e+00 : f32
      %max3A_257 = vector.broadcast %max3A_256 : f32 to vector<16xf32>
      %max3A_258 = arith.maximumf %add3A_255, %max3A_257 : vector<16xf32>
      %swap3A_259 = arith.index_cast %scan3A_147 : i32 to index
      %swap3A_260 = arith.constant 96 : index
      %swap3A_261 = tpu.vector_load %arg14[%swap3A_259, %swap3A_260] {strides = array<i32>} : memref<40x128xf32, #tpu.memory_space<vmem>>, vector<1x16xf32>,
      %swap3A_262 = vector.shape_cast %swap3A_261 : vector<1x16xf32> to vector<16xf32>
      %swap3A_263 = vector.shape_cast %max3A_258 : vector<16xf32> to vector<1x16xf32>
      tpu.vector_store %arg14[%swap3A_259, %swap3A_260], %swap3A_263 {strides = array<i32>} : memref<40x128xf32, #tpu.memory_space<vmem>>, vector<1x16xf32>,
      %get3A_264 = arith.index_cast %scan3A_147 : i32 to index
      %get3A_265 = arith.constant 112 : index
      %get3A_266 = tpu.vector_load %arg14[%get3A_264, %get3A_265] {strides = array<i32>} : memref<40x128xf32, #tpu.memory_space<vmem>>, vector<1x16xf32>,
      %get3A_267 = vector.shape_cast %get3A_266 : vector<1x16xf32> to vector<16xf32>
      %get3A_268 = arith.index_cast %scan3A_147 : i32 to index
      %get3A_269 = arith.constant 112 : index
      %get3A_270 = tpu.vector_load %arg17[%get3A_268, %get3A_269] {strides = array<i32>} : memref<40x128xf32, #tpu.memory_space<vmem>>, vector<1x16xf32>,
      %get3A_271 = vector.shape_cast %get3A_270 : vector<1x16xf32> to vector<16xf32>
      %add3A_272 = arith.addf %get3A_267, %get3A_271 : vector<16xf32>
      %max3A_273 = arith.constant 0.000000e+00 : f32
      %max3A_274 = vector.broadcast %max3A_273 : f32 to vector<16xf32>
      %max3A_275 = arith.maximumf %add3A_272, %max3A_274 : vector<16xf32>
      %swap3A_276 = arith.index_cast %scan3A_147 : i32 to index
      %swap3A_277 = arith.constant 112 : index
      %swap3A_278 = tpu.vector_load %arg14[%swap3A_276, %swap3A_277] {strides = array<i32>} : memref<40x128xf32, #tpu.memory_space<vmem>>, vector<1x16xf32>,
      %swap3A_279 = vector.shape_cast %swap3A_278 : vector<1x16xf32> to vector<16xf32>
      %swap3A_280 = vector.shape_cast %max3A_275 : vector<16xf32> to vector<1x16xf32>
      tpu.vector_store %arg14[%swap3A_276, %swap3A_277], %swap3A_280 {strides = array<i32>} : memref<40x128xf32, #tpu.memory_space<vmem>>, vector<1x16xf32>,
    }
    %scan3A_137 = arith.constant 40 : i32
    "tpu.region"() ({
      %run_scoped3A = tpu.sem_alloc : memref<!tpu.dma_semaphore, #tpu.memory_space<semaphore_mem>>
      %dma_start3A_147 = arith.constant 0 : i32
      %dma_start3A_148 = arith.constant 0 : i32
      %dma_start3A_149 = tpu.memref_slice %arg20[%dma_start3A_147, %dma_start3A_148] : memref<10000x128xf32, #tpu.memory_space<vmem_shared>> -> memref<10000x128xf32, #tpu.memory_space<vmem_shared>>
      tpu.enqueue_indirect_dma source(%arg14 : memref<40x128xf32, #tpu.memory_space<vmem>>) target(%dma_start3A_149 : memref<10000x128xf32, #tpu.memory_space<vmem_shared>>) offsets(%arg11 : memref<40xi32, #tpu.memory_space<vmem>>) semaphore(%run_scoped3A : memref<!tpu.dma_semaphore, #tpu.memory_space<semaphore_mem>>) {add = true}
      %dma_wait3A_150 = arith.constant 0 : i32
      %dma_wait3A_151 = arith.constant 0 : i32
      %dma_wait3A_152 = tpu.memref_slice %arg20[%dma_wait3A_150, %dma_wait3A_151] : memref<10000x128xf32, #tpu.memory_space<vmem_shared>> -> memref<10000x128xf32, #tpu.memory_space<vmem_shared>>
      tpu.wait_indirect_dma semaphore(%run_scoped3A : memref<!tpu.dma_semaphore, #tpu.memory_space<semaphore_mem>>) src(%arg14 : memref<40x128xf32, #tpu.memory_space<vmem>>) dst(%dma_wait3A_152 : memref<10000x128xf32, #tpu.memory_space<vmem_shared>>)
      tpu.yield
    }) : () -> ()
    %barrier3A_138 = arith.constant 0 : index
    tpu.barrier barrier_id(%barrier3A_138)
    %mul3A_139 = arith.constant 10000 : i32
    %mul3A_140 = arith.muli %arg0, %mul3A_139 : i32
    %add3A_141 = arith.addi %mul3A_140, %mul3A_0 : i32
    "tpu.region"() ({
      %run_scoped3A = tpu.sem_alloc : memref<!tpu.dma_semaphore, #tpu.memory_space<semaphore_mem>>
      %dma_start3A_147 = arith.constant 0 : i32
      %dma_start3A_148 = tpu.memref_slice %arg7[%add3A_141, %dma_start3A_147] : memref<20000x128xf32, #tpu.memory_space<hbm>> -> memref<624x128xf32, #tpu.memory_space<hbm>>
      %dma_start3A_149 = arith.constant 0 : i32
      %dma_start3A_150 = tpu.memref_slice %arg20[%mul3A_0, %dma_start3A_149] : memref<10000x128xf32, #tpu.memory_space<vmem_shared>> -> memref<624x128xf32, #tpu.memory_space<vmem_shared>>
      tpu.enqueue_dma source(%dma_start3A_150 : memref<624x128xf32, #tpu.memory_space<vmem_shared>>) target(%dma_start3A_148 : memref<624x128xf32, #tpu.memory_space<hbm>>) target_semaphore(%run_scoped3A : memref<!tpu.dma_semaphore, #tpu.memory_space<semaphore_mem>>)
      %dma_wait3A_151 = arith.constant 0 : i32
      %dma_wait3A_152 = tpu.memref_slice %arg7[%add3A_141, %dma_wait3A_151] : memref<20000x128xf32, #tpu.memory_space<hbm>> -> memref<624x128xf32, #tpu.memory_space<hbm>>
      %dma_wait3A_153 = arith.constant 0 : i32
      %dma_wait3A_154 = tpu.memref_slice %arg20[%mul3A_0, %dma_wait3A_153] : memref<10000x128xf32, #tpu.memory_space<vmem_shared>> -> memref<624x128xf32, #tpu.memory_space<vmem_shared>>
      tpu.wait_dma2 semaphore(%run_scoped3A : memref<!tpu.dma_semaphore, #tpu.memory_space<semaphore_mem>>) src(%dma_wait3A_154 : memref<624x128xf32, #tpu.memory_space<vmem_shared>>) dst(%dma_wait3A_152 : memref<624x128xf32, #tpu.memory_space<hbm>>)
      tpu.yield
    }) : () -> ()
    %eq3A_142 = arith.constant 0 : i32
    %eq3A_143 = arith.cmpi eq, %arg1, %eq3A_142 : i32
    %convert_element_type3A_144 = arith.extui %eq3A_143 : i1 to i32
    %cond3A_145 = arith.constant 0 : i32
    %cond3A_146 = arith.cmpi ne, %convert_element_type3A_144, %cond3A_145 : i32
    scf.if %cond3A_146 {
      %mul3A_147 = arith.constant 10000 : i32
      %mul3A_148 = arith.muli %arg0, %mul3A_147 : i32
      %add3A_149 = arith.constant 9984 : i32
      %add3A_150 = arith.addi %mul3A_148, %add3A_149 : i32
      "tpu.region"() ({
        %run_scoped3A = tpu.sem_alloc : memref<!tpu.dma_semaphore, #tpu.memory_space<semaphore_mem>>
        %dma_start3A_151 = arith.constant 0 : i32
        %dma_start3A_152 = tpu.memref_slice %arg7[%add3A_150, %dma_start3A_151] : memref<20000x128xf32, #tpu.memory_space<hbm>> -> memref<16x128xf32, #tpu.memory_space<hbm>>
        %dma_start3A_153 = arith.constant 9984 : i32
        %dma_start3A_154 = arith.constant 0 : i32
        %dma_start3A_155 = tpu.memref_slice %arg20[%dma_start3A_153, %dma_start3A_154] : memref<10000x128xf32, #tpu.memory_space<vmem_shared>> -> memref<16x128xf32, #tpu.memory_space<vmem_shared>>
        tpu.enqueue_dma source(%dma_start3A_155 : memref<16x128xf32, #tpu.memory_space<vmem_shared>>) target(%dma_start3A_152 : memref<16x128xf32, #tpu.memory_space<hbm>>) target_semaphore(%run_scoped3A : memref<!tpu.dma_semaphore, #tpu.memory_space<semaphore_mem>>)
        %dma_wait3A_156 = arith.constant 0 : i32
        %dma_wait3A_157 = tpu.memref_slice %arg7[%add3A_150, %dma_wait3A_156] : memref<20000x128xf32, #tpu.memory_space<hbm>> -> memref<16x128xf32, #tpu.memory_space<hbm>>
        %dma_wait3A_158 = arith.constant 9984 : i32
        %dma_wait3A_159 = arith.constant 0 : i32
        %dma_wait3A_160 = tpu.memref_slice %arg20[%dma_wait3A_158, %dma_wait3A_159] : memref<10000x128xf32, #tpu.memory_space<vmem_shared>> -> memref<16x128xf32, #tpu.memory_space<vmem_shared>>
        tpu.wait_dma2 semaphore(%run_scoped3A : memref<!tpu.dma_semaphore, #tpu.memory_space<semaphore_mem>>) src(%dma_wait3A_160 : memref<16x128xf32, #tpu.memory_space<vmem_shared>>) dst(%dma_wait3A_157 : memref<16x128xf32, #tpu.memory_space<hbm>>)
        tpu.yield
      }) : () -> ()
    } else {
    }
    return
  }
}

#map = affine_map<(d0, d1) -> (0, 0)>
#map1 = affine_map<(d0, d1) -> (0)>
module attributes {stable_mosaic.version = 14 : i64} {
  func.func @k(%arg0: i32, %arg1: i32, %arg2: memref<10000x128xf32, #tpu.memory_space<hbm>>, %arg3: memref<320000x128xf32, #tpu.memory_space<hbm>>, %arg4: memref<320000xi32, #tpu.memory_space<hbm>>, %arg5: memref<320000xi32, #tpu.memory_space<hbm>>, %arg6: memref<10000x128xf32, #tpu.memory_space<hbm>>, %arg7: memref<20000x128xf32, #tpu.memory_space<hbm>>, %arg8: memref<40xi32, #tpu.memory_space<vmem>>, %arg9: memref<40xi32, #tpu.memory_space<vmem>>, %arg10: memref<40xi32, #tpu.memory_space<vmem>>, %arg11: memref<40xi32, #tpu.memory_space<vmem>>, %arg12: memref<40xi32, #tpu.memory_space<vmem>>, %arg13: memref<40xi32, #tpu.memory_space<vmem>>, %arg14: memref<40x128xf32, #tpu.memory_space<vmem>>, %arg15: memref<40x128xf32, #tpu.memory_space<vmem>>, %arg16: memref<40x128xf32, #tpu.memory_space<vmem>>, %arg17: memref<40x128xf32, #tpu.memory_space<vmem>>, %arg18: memref<40x128xf32, #tpu.memory_space<vmem>>, %arg19: memref<40x128xf32, #tpu.memory_space<vmem>>, %arg20: memref<10000x128xf32, #tpu.memory_space<vmem_shared>>, %arg21: memref<!tpu.dma_semaphore, #tpu.memory_space<semaphore_mem>>, %arg22: memref<!tpu.dma_semaphore, #tpu.memory_space<semaphore_mem>>, %arg23: memref<!tpu.dma_semaphore, #tpu.memory_space<semaphore_mem>>, %arg24: memref<!tpu.dma_semaphore, #tpu.memory_space<semaphore_mem>>, %arg25: memref<!tpu.dma_semaphore, #tpu.memory_space<semaphore_mem>>, %arg26: memref<!tpu.dma_semaphore, #tpu.memory_space<semaphore_mem>>) attributes {dimension_semantics = [#tpu.dimension_semantics<core_parallel>, #tpu.dimension_semantics<subcore_parallel>], iteration_bounds = array<i64: 2, 16>, scalar_prefetch = 0 : i64, scratch_operands = 19 : i64, tpu.core_type = #tpu.core_type<sc_vector_subcore>, window_params = [{transform_indices = #map}, {transform_indices = #map}, {transform_indices = #map1}, {transform_indices = #map1}, {transform_indices = #map}, {transform_indices = #map}]} {
    %mul3A = arith.constant 624 : i32
    %mul3A_0 = arith.muli %arg1, %mul3A : i32
    %mul3A_1 = arith.constant 160000 : i32
    %mul3A_2 = arith.muli %arg0, %mul3A_1 : i32
    %mul3A_3 = arith.constant 10000 : i32
    %mul3A_4 = arith.muli %arg1, %mul3A_3 : i32
    %add3A = arith.addi %mul3A_2, %mul3A_4 : i32
    "tpu.region"() ({
      %run_scoped3A = tpu.sem_alloc : memref<!tpu.dma_semaphore, #tpu.memory_space<semaphore_mem>>
      %dma_start3A_147 = arith.constant 0 : i32
      %dma_start3A_148 = tpu.memref_slice %arg20[%mul3A_0, %dma_start3A_147] : memref<10000x128xf32, #tpu.memory_space<vmem_shared>> -> memref<624x128xf32, #tpu.memory_space<vmem_shared>>
      %dma_start3A_149 = arith.constant 0 : i32
      %dma_start3A_150 = tpu.memref_slice %arg6[%mul3A_0, %dma_start3A_149] : memref<10000x128xf32, #tpu.memory_space<hbm>> -> memref<624x128xf32, #tpu.memory_space<hbm>>
      tpu.enqueue_dma source(%dma_start3A_150 : memref<624x128xf32, #tpu.memory_space<hbm>>) target(%dma_start3A_148 : memref<624x128xf32, #tpu.memory_space<vmem_shared>>) target_semaphore(%run_scoped3A : memref<!tpu.dma_semaphore, #tpu.memory_space<semaphore_mem>>)
      %dma_wait3A_151 = arith.constant 0 : i32
      %dma_wait3A_152 = tpu.memref_slice %arg20[%mul3A_0, %dma_wait3A_151] : memref<10000x128xf32, #tpu.memory_space<vmem_shared>> -> memref<624x128xf32, #tpu.memory_space<vmem_shared>>
      %dma_wait3A_153 = arith.constant 0 : i32
      %dma_wait3A_154 = tpu.memref_slice %arg6[%mul3A_0, %dma_wait3A_153] : memref<10000x128xf32, #tpu.memory_space<hbm>> -> memref<624x128xf32, #tpu.memory_space<hbm>>
      tpu.wait_dma2 semaphore(%run_scoped3A : memref<!tpu.dma_semaphore, #tpu.memory_space<semaphore_mem>>) src(%dma_wait3A_154 : memref<624x128xf32, #tpu.memory_space<hbm>>) dst(%dma_wait3A_152 : memref<624x128xf32, #tpu.memory_space<vmem_shared>>)
      tpu.yield
    }) : () -> ()
    %eq3A = arith.constant 0 : i32
    %eq3A_5 = arith.cmpi eq, %arg1, %eq3A : i32
    %convert_element_type3A = arith.extui %eq3A_5 : i1 to i32
    %cond3A = arith.constant 0 : i32
    %cond3A_6 = arith.cmpi ne, %convert_element_type3A, %cond3A : i32
    scf.if %cond3A_6 {
      "tpu.region"() ({
        %run_scoped3A = tpu.sem_alloc : memref<!tpu.dma_semaphore, #tpu.memory_space<semaphore_mem>>
        %dma_start3A_147 = arith.constant 9984 : i32
        %dma_start3A_148 = arith.constant 0 : i32
        %dma_start3A_149 = tpu.memref_slice %arg20[%dma_start3A_147, %dma_start3A_148] : memref<10000x128xf32, #tpu.memory_space<vmem_shared>> -> memref<16x128xf32, #tpu.memory_space<vmem_shared>>
        %dma_start3A_150 = arith.constant 9984 : i32
        %dma_start3A_151 = arith.constant 0 : i32
        %dma_start3A_152 = tpu.memref_slice %arg6[%dma_start3A_150, %dma_start3A_151] : memref<10000x128xf32, #tpu.memory_space<hbm>> -> memref<16x128xf32, #tpu.memory_space<hbm>>
        tpu.enqueue_dma source(%dma_start3A_152 : memref<16x128xf32, #tpu.memory_space<hbm>>) target(%dma_start3A_149 : memref<16x128xf32, #tpu.memory_space<vmem_shared>>) target_semaphore(%run_scoped3A : memref<!tpu.dma_semaphore, #tpu.memory_space<semaphore_mem>>)
        %dma_wait3A_153 = arith.constant 9984 : i32
        %dma_wait3A_154 = arith.constant 0 : i32
        %dma_wait3A_155 = tpu.memref_slice %arg20[%dma_wait3A_153, %dma_wait3A_154] : memref<10000x128xf32, #tpu.memory_space<vmem_shared>> -> memref<16x128xf32, #tpu.memory_space<vmem_shared>>
        %dma_wait3A_156 = arith.constant 9984 : i32
        %dma_wait3A_157 = arith.constant 0 : i32
        %dma_wait3A_158 = tpu.memref_slice %arg6[%dma_wait3A_156, %dma_wait3A_157] : memref<10000x128xf32, #tpu.memory_space<hbm>> -> memref<16x128xf32, #tpu.memory_space<hbm>>
        tpu.wait_dma2 semaphore(%run_scoped3A : memref<!tpu.dma_semaphore, #tpu.memory_space<semaphore_mem>>) src(%dma_wait3A_158 : memref<16x128xf32, #tpu.memory_space<hbm>>) dst(%dma_wait3A_155 : memref<16x128xf32, #tpu.memory_space<vmem_shared>>)
        tpu.yield
      }) : () -> ()
    } else {
    }
    %barrier3A = arith.constant 0 : index
    tpu.barrier barrier_id(%barrier3A)
    %add3A_7 = arith.constant 0 : i32
    %add3A_8 = arith.addi %add3A, %add3A_7 : i32
    %dma_start3A = tpu.memref_slice %arg4[%add3A_8] : memref<320000xi32, #tpu.memory_space<hbm>> -> memref<40xi32, #tpu.memory_space<hbm>>
    %dma_start3A_9 = tpu.memref_slice %arg4[%add3A_8] : memref<320000xi32, #tpu.memory_space<hbm>> -> memref<40xi32, #tpu.memory_space<hbm>>
    tpu.enqueue_dma source(%dma_start3A_9 : memref<40xi32, #tpu.memory_space<hbm>>) target(%arg8 : memref<40xi32, #tpu.memory_space<vmem>>) target_semaphore(%arg21 : memref<!tpu.dma_semaphore, #tpu.memory_space<semaphore_mem>>)
    %dma_start3A_10 = tpu.memref_slice %arg5[%add3A_8] : memref<320000xi32, #tpu.memory_space<hbm>> -> memref<40xi32, #tpu.memory_space<hbm>>
    %dma_start3A_11 = tpu.memref_slice %arg5[%add3A_8] : memref<320000xi32, #tpu.memory_space<hbm>> -> memref<40xi32, #tpu.memory_space<hbm>>
    tpu.enqueue_dma source(%dma_start3A_11 : memref<40xi32, #tpu.memory_space<hbm>>) target(%arg11 : memref<40xi32, #tpu.memory_space<vmem>>) target_semaphore(%arg21 : memref<!tpu.dma_semaphore, #tpu.memory_space<semaphore_mem>>)
    %dma_start3A_12 = arith.constant 0 : i32
    %dma_start3A_13 = tpu.memref_slice %arg3[%add3A_8, %dma_start3A_12] : memref<320000x128xf32, #tpu.memory_space<hbm>> -> memref<40x128xf32, #tpu.memory_space<hbm>>
    %dma_start3A_14 = arith.constant 0 : i32
    %dma_start3A_15 = tpu.memref_slice %arg3[%add3A_8, %dma_start3A_14] : memref<320000x128xf32, #tpu.memory_space<hbm>> -> memref<40x128xf32, #tpu.memory_space<hbm>>
    tpu.enqueue_dma source(%dma_start3A_15 : memref<40x128xf32, #tpu.memory_space<hbm>>) target(%arg17 : memref<40x128xf32, #tpu.memory_space<vmem>>) target_semaphore(%arg21 : memref<!tpu.dma_semaphore, #tpu.memory_space<semaphore_mem>>)
    %add3A_16 = arith.constant 40 : i32
    %add3A_17 = arith.addi %add3A, %add3A_16 : i32
    %dma_start3A_18 = tpu.memref_slice %arg4[%add3A_17] : memref<320000xi32, #tpu.memory_space<hbm>> -> memref<40xi32, #tpu.memory_space<hbm>>
    %dma_start3A_19 = tpu.memref_slice %arg4[%add3A_17] : memref<320000xi32, #tpu.memory_space<hbm>> -> memref<40xi32, #tpu.memory_space<hbm>>
    tpu.enqueue_dma source(%dma_start3A_19 : memref<40xi32, #tpu.memory_space<hbm>>) target(%arg9 : memref<40xi32, #tpu.memory_space<vmem>>) target_semaphore(%arg22 : memref<!tpu.dma_semaphore, #tpu.memory_space<semaphore_mem>>)
    %dma_start3A_20 = tpu.memref_slice %arg5[%add3A_17] : memref<320000xi32, #tpu.memory_space<hbm>> -> memref<40xi32, #tpu.memory_space<hbm>>
    %dma_start3A_21 = tpu.memref_slice %arg5[%add3A_17] : memref<320000xi32, #tpu.memory_space<hbm>> -> memref<40xi32, #tpu.memory_space<hbm>>
    tpu.enqueue_dma source(%dma_start3A_21 : memref<40xi32, #tpu.memory_space<hbm>>) target(%arg12 : memref<40xi32, #tpu.memory_space<vmem>>) target_semaphore(%arg22 : memref<!tpu.dma_semaphore, #tpu.memory_space<semaphore_mem>>)
    %dma_start3A_22 = arith.constant 0 : i32
    %dma_start3A_23 = tpu.memref_slice %arg3[%add3A_17, %dma_start3A_22] : memref<320000x128xf32, #tpu.memory_space<hbm>> -> memref<40x128xf32, #tpu.memory_space<hbm>>
    %dma_start3A_24 = arith.constant 0 : i32
    %dma_start3A_25 = tpu.memref_slice %arg3[%add3A_17, %dma_start3A_24] : memref<320000x128xf32, #tpu.memory_space<hbm>> -> memref<40x128xf32, #tpu.memory_space<hbm>>
    tpu.enqueue_dma source(%dma_start3A_25 : memref<40x128xf32, #tpu.memory_space<hbm>>) target(%arg18 : memref<40x128xf32, #tpu.memory_space<vmem>>) target_semaphore(%arg22 : memref<!tpu.dma_semaphore, #tpu.memory_space<semaphore_mem>>)
    %add3A_26 = arith.constant 0 : i32
    %add3A_27 = arith.addi %add3A, %add3A_26 : i32
    %dma_wait3A = tpu.memref_slice %arg4[%add3A_27] : memref<320000xi32, #tpu.memory_space<hbm>> -> memref<40xi32, #tpu.memory_space<hbm>>
    %dma_wait3A_28 = tpu.memref_slice %arg4[%add3A_27] : memref<320000xi32, #tpu.memory_space<hbm>> -> memref<40xi32, #tpu.memory_space<hbm>>
    tpu.wait_dma2 semaphore(%arg21 : memref<!tpu.dma_semaphore, #tpu.memory_space<semaphore_mem>>) src(%dma_wait3A_28 : memref<40xi32, #tpu.memory_space<hbm>>) dst(%arg8 : memref<40xi32, #tpu.memory_space<vmem>>)
    %dma_wait3A_29 = tpu.memref_slice %arg5[%add3A_27] : memref<320000xi32, #tpu.memory_space<hbm>> -> memref<40xi32, #tpu.memory_space<hbm>>
    %dma_wait3A_30 = tpu.memref_slice %arg5[%add3A_27] : memref<320000xi32, #tpu.memory_space<hbm>> -> memref<40xi32, #tpu.memory_space<hbm>>
    tpu.wait_dma2 semaphore(%arg21 : memref<!tpu.dma_semaphore, #tpu.memory_space<semaphore_mem>>) src(%dma_wait3A_30 : memref<40xi32, #tpu.memory_space<hbm>>) dst(%arg11 : memref<40xi32, #tpu.memory_space<vmem>>)
    %dma_wait3A_31 = arith.constant 0 : i32
    %dma_wait3A_32 = tpu.memref_slice %arg3[%add3A_27, %dma_wait3A_31] : memref<320000x128xf32, #tpu.memory_space<hbm>> -> memref<40x128xf32, #tpu.memory_space<hbm>>
    %dma_wait3A_33 = arith.constant 0 : i32
    %dma_wait3A_34 = tpu.memref_slice %arg3[%add3A_27, %dma_wait3A_33] : memref<320000x128xf32, #tpu.memory_space<hbm>> -> memref<40x128xf32, #tpu.memory_space<hbm>>
    tpu.wait_dma2 semaphore(%arg21 : memref<!tpu.dma_semaphore, #tpu.memory_space<semaphore_mem>>) src(%dma_wait3A_34 : memref<40x128xf32, #tpu.memory_space<hbm>>) dst(%arg17 : memref<40x128xf32, #tpu.memory_space<vmem>>)
    %dma_start3A_35 = arith.constant 0 : i32
    %dma_start3A_36 = arith.constant 0 : i32
    %dma_start3A_37 = tpu.memref_slice %arg2[%dma_start3A_35, %dma_start3A_36] : memref<10000x128xf32, #tpu.memory_space<hbm>> -> memref<10000x128xf32, #tpu.memory_space<hbm>>
    tpu.enqueue_indirect_dma source(%dma_start3A_37 : memref<10000x128xf32, #tpu.memory_space<hbm>>) target(%arg14 : memref<40x128xf32, #tpu.memory_space<vmem>>) offsets(%arg8 : memref<40xi32, #tpu.memory_space<vmem>>) semaphore(%arg24 : memref<!tpu.dma_semaphore, #tpu.memory_space<semaphore_mem>>)
    %scan3A = arith.constant 0 : i32
    %scan3A_38 = arith.constant 0 : i32
    %scan3A_39 = arith.constant 82 : i32
    %scan3A_40 = arith.addi %scan3A_38, %scan3A_39 : i32
    %scan3A_41 = arith.constant 1 : i32
    scf.for %scan3A_147 = %scan3A_38 to %scan3A_40 step %scan3A_41  : i32 {
      %mul3A_148 = arith.constant 3 : i32
      %mul3A_149 = arith.muli %mul3A_148, %scan3A_147 : i32
      %add3A_150 = arith.constant 2 : i32
      %add3A_151 = arith.addi %mul3A_149, %add3A_150 : i32
      %mul3A_152 = arith.constant 40 : i32
      %mul3A_153 = arith.muli %add3A_151, %mul3A_152 : i32
      %add3A_154 = arith.addi %add3A, %mul3A_153 : i32
      %dma_start3A_155 = tpu.memref_slice %arg4[%add3A_154] : memref<320000xi32, #tpu.memory_space<hbm>> -> memref<40xi32, #tpu.memory_space<hbm>>
      %dma_start3A_156 = tpu.memref_slice %arg4[%add3A_154] : memref<320000xi32, #tpu.memory_space<hbm>> -> memref<40xi32, #tpu.memory_space<hbm>>
      tpu.enqueue_dma source(%dma_start3A_156 : memref<40xi32, #tpu.memory_space<hbm>>) target(%arg10 : memref<40xi32, #tpu.memory_space<vmem>>) target_semaphore(%arg23 : memref<!tpu.dma_semaphore, #tpu.memory_space<semaphore_mem>>)
      %dma_start3A_157 = tpu.memref_slice %arg5[%add3A_154] : memref<320000xi32, #tpu.memory_space<hbm>> -> memref<40xi32, #tpu.memory_space<hbm>>
      %dma_start3A_158 = tpu.memref_slice %arg5[%add3A_154] : memref<320000xi32, #tpu.memory_space<hbm>> -> memref<40xi32, #tpu.memory_space<hbm>>
      tpu.enqueue_dma source(%dma_start3A_158 : memref<40xi32, #tpu.memory_space<hbm>>) target(%arg13 : memref<40xi32, #tpu.memory_space<vmem>>) target_semaphore(%arg23 : memref<!tpu.dma_semaphore, #tpu.memory_space<semaphore_mem>>)
      %dma_start3A_159 = arith.constant 0 : i32
      %dma_start3A_160 = tpu.memref_slice %arg3[%add3A_154, %dma_start3A_159] : memref<320000x128xf32, #tpu.memory_space<hbm>> -> memref<40x128xf32, #tpu.memory_space<hbm>>
      %dma_start3A_161 = arith.constant 0 : i32
      %dma_start3A_162 = tpu.memref_slice %arg3[%add3A_154, %dma_start3A_161] : memref<320000x128xf32, #tpu.memory_space<hbm>> -> memref<40x128xf32, #tpu.memory_space<hbm>>
      tpu.enqueue_dma source(%dma_start3A_162 : memref<40x128xf32, #tpu.memory_space<hbm>>) target(%arg19 : memref<40x128xf32, #tpu.memory_space<vmem>>) target_semaphore(%arg23 : memref<!tpu.dma_semaphore, #tpu.memory_space<semaphore_mem>>)
      %add3A_163 = arith.constant 1 : i32
      %add3A_164 = arith.addi %mul3A_149, %add3A_163 : i32
      %mul3A_165 = arith.constant 40 : i32
      %mul3A_166 = arith.muli %add3A_164, %mul3A_165 : i32
      %add3A_167 = arith.addi %add3A, %mul3A_166 : i32
      %dma_wait3A_168 = tpu.memref_slice %arg4[%add3A_167] : memref<320000xi32, #tpu.memory_space<hbm>> -> memref<40xi32, #tpu.memory_space<hbm>>
      %dma_wait3A_169 = tpu.memref_slice %arg4[%add3A_167] : memref<320000xi32, #tpu.memory_space<hbm>> -> memref<40xi32, #tpu.memory_space<hbm>>
      tpu.wait_dma2 semaphore(%arg22 : memref<!tpu.dma_semaphore, #tpu.memory_space<semaphore_mem>>) src(%dma_wait3A_169 : memref<40xi32, #tpu.memory_space<hbm>>) dst(%arg9 : memref<40xi32, #tpu.memory_space<vmem>>)
      %dma_wait3A_170 = tpu.memref_slice %arg5[%add3A_167] : memref<320000xi32, #tpu.memory_space<hbm>> -> memref<40xi32, #tpu.memory_space<hbm>>
      %dma_wait3A_171 = tpu.memref_slice %arg5[%add3A_167] : memref<320000xi32, #tpu.memory_space<hbm>> -> memref<40xi32, #tpu.memory_space<hbm>>
      tpu.wait_dma2 semaphore(%arg22 : memref<!tpu.dma_semaphore, #tpu.memory_space<semaphore_mem>>) src(%dma_wait3A_171 : memref<40xi32, #tpu.memory_space<hbm>>) dst(%arg12 : memref<40xi32, #tpu.memory_space<vmem>>)
      %dma_wait3A_172 = arith.constant 0 : i32
      %dma_wait3A_173 = tpu.memref_slice %arg3[%add3A_167, %dma_wait3A_172] : memref<320000x128xf32, #tpu.memory_space<hbm>> -> memref<40x128xf32, #tpu.memory_space<hbm>>
      %dma_wait3A_174 = arith.constant 0 : i32
      %dma_wait3A_175 = tpu.memref_slice %arg3[%add3A_167, %dma_wait3A_174] : memref<320000x128xf32, #tpu.memory_space<hbm>> -> memref<40x128xf32, #tpu.memory_space<hbm>>
      tpu.wait_dma2 semaphore(%arg22 : memref<!tpu.dma_semaphore, #tpu.memory_space<semaphore_mem>>) src(%dma_wait3A_175 : memref<40x128xf32, #tpu.memory_space<hbm>>) dst(%arg18 : memref<40x128xf32, #tpu.memory_space<vmem>>)
      %dma_start3A_176 = arith.constant 0 : i32
      %dma_start3A_177 = arith.constant 0 : i32
      %dma_start3A_178 = tpu.memref_slice %arg2[%dma_start3A_176, %dma_start3A_177] : memref<10000x128xf32, #tpu.memory_space<hbm>> -> memref<10000x128xf32, #tpu.memory_space<hbm>>
      tpu.enqueue_indirect_dma source(%dma_start3A_178 : memref<10000x128xf32, #tpu.memory_space<hbm>>) target(%arg15 : memref<40x128xf32, #tpu.memory_space<vmem>>) offsets(%arg9 : memref<40xi32, #tpu.memory_space<vmem>>) semaphore(%arg25 : memref<!tpu.dma_semaphore, #tpu.memory_space<semaphore_mem>>)
      %dma_wait3A_179 = arith.constant 0 : i32
      %dma_wait3A_180 = arith.constant 0 : i32
      %dma_wait3A_181 = tpu.memref_slice %arg2[%dma_wait3A_179, %dma_wait3A_180] : memref<10000x128xf32, #tpu.memory_space<hbm>> -> memref<10000x128xf32, #tpu.memory_space<hbm>>
      tpu.wait_indirect_dma semaphore(%arg24 : memref<!tpu.dma_semaphore, #tpu.memory_space<semaphore_mem>>) src(%dma_wait3A_181 : memref<10000x128xf32, #tpu.memory_space<hbm>>) dst(%arg14 : memref<40x128xf32, #tpu.memory_space<vmem>>)
      %scan3A_182 = arith.constant 0 : i32
      %scan3A_183 = arith.constant 0 : i32
      %scan3A_184 = arith.constant 40 : i32
      %scan3A_185 = arith.addi %scan3A_183, %scan3A_184 : i32
      %scan3A_186 = arith.constant 1 : i32
      scf.for %scan3A_268 = %scan3A_183 to %scan3A_185 step %scan3A_186  : i32 {
        %get3A = arith.index_cast %scan3A_268 : i32 to index
        %get3A_269 = arith.constant 0 : index
        %get3A_270 = tpu.vector_load %arg14[%get3A, %get3A_269] {strides = array<i32>} : memref<40x128xf32, #tpu.memory_space<vmem>>, vector<1x16xf32>,
        %get3A_271 = vector.shape_cast %get3A_270 : vector<1x16xf32> to vector<16xf32>
        %get3A_272 = arith.index_cast %scan3A_268 : i32 to index
        %get3A_273 = arith.constant 0 : index
        %get3A_274 = tpu.vector_load %arg17[%get3A_272, %get3A_273] {strides = array<i32>} : memref<40x128xf32, #tpu.memory_space<vmem>>, vector<1x16xf32>,
        %get3A_275 = vector.shape_cast %get3A_274 : vector<1x16xf32> to vector<16xf32>
        %add3A_276 = arith.addf %get3A_271, %get3A_275 : vector<16xf32>
        %max3A = arith.constant 0.000000e+00 : f32
        %max3A_277 = vector.broadcast %max3A : f32 to vector<16xf32>
        %max3A_278 = arith.maximumf %add3A_276, %max3A_277 : vector<16xf32>
        %swap3A = arith.index_cast %scan3A_268 : i32 to index
        %swap3A_279 = arith.constant 0 : index
        %swap3A_280 = tpu.vector_load %arg14[%swap3A, %swap3A_279] {strides = array<i32>} : memref<40x128xf32, #tpu.memory_space<vmem>>, vector<1x16xf32>,
        %swap3A_281 = vector.shape_cast %swap3A_280 : vector<1x16xf32> to vector<16xf32>
        %swap3A_282 = vector.shape_cast %max3A_278 : vector<16xf32> to vector<1x16xf32>
        tpu.vector_store %arg14[%swap3A, %swap3A_279], %swap3A_282 {strides = array<i32>} : memref<40x128xf32, #tpu.memory_space<vmem>>, vector<1x16xf32>,
        %get3A_283 = arith.index_cast %scan3A_268 : i32 to index
        %get3A_284 = arith.constant 16 : index
        %get3A_285 = tpu.vector_load %arg14[%get3A_283, %get3A_284] {strides = array<i32>} : memref<40x128xf32, #tpu.memory_space<vmem>>, vector<1x16xf32>,
        %get3A_286 = vector.shape_cast %get3A_285 : vector<1x16xf32> to vector<16xf32>
        %get3A_287 = arith.index_cast %scan3A_268 : i32 to index
        %get3A_288 = arith.constant 16 : index
        %get3A_289 = tpu.vector_load %arg17[%get3A_287, %get3A_288] {strides = array<i32>} : memref<40x128xf32, #tpu.memory_space<vmem>>, vector<1x16xf32>,
        %get3A_290 = vector.shape_cast %get3A_289 : vector<1x16xf32> to vector<16xf32>
        %add3A_291 = arith.addf %get3A_286, %get3A_290 : vector<16xf32>
        %max3A_292 = arith.constant 0.000000e+00 : f32
        %max3A_293 = vector.broadcast %max3A_292 : f32 to vector<16xf32>
        %max3A_294 = arith.maximumf %add3A_291, %max3A_293 : vector<16xf32>
        %swap3A_295 = arith.index_cast %scan3A_268 : i32 to index
        %swap3A_296 = arith.constant 16 : index
        %swap3A_297 = tpu.vector_load %arg14[%swap3A_295, %swap3A_296] {strides = array<i32>} : memref<40x128xf32, #tpu.memory_space<vmem>>, vector<1x16xf32>,
        %swap3A_298 = vector.shape_cast %swap3A_297 : vector<1x16xf32> to vector<16xf32>
        %swap3A_299 = vector.shape_cast %max3A_294 : vector<16xf32> to vector<1x16xf32>
        tpu.vector_store %arg14[%swap3A_295, %swap3A_296], %swap3A_299 {strides = array<i32>} : memref<40x128xf32, #tpu.memory_space<vmem>>, vector<1x16xf32>,
        %get3A_300 = arith.index_cast %scan3A_268 : i32 to index
        %get3A_301 = arith.constant 32 : index
        %get3A_302 = tpu.vector_load %arg14[%get3A_300, %get3A_301] {strides = array<i32>} : memref<40x128xf32, #tpu.memory_space<vmem>>, vector<1x16xf32>,
        %get3A_303 = vector.shape_cast %get3A_302 : vector<1x16xf32> to vector<16xf32>
        %get3A_304 = arith.index_cast %scan3A_268 : i32 to index
        %get3A_305 = arith.constant 32 : index
        %get3A_306 = tpu.vector_load %arg17[%get3A_304, %get3A_305] {strides = array<i32>} : memref<40x128xf32, #tpu.memory_space<vmem>>, vector<1x16xf32>,
        %get3A_307 = vector.shape_cast %get3A_306 : vector<1x16xf32> to vector<16xf32>
        %add3A_308 = arith.addf %get3A_303, %get3A_307 : vector<16xf32>
        %max3A_309 = arith.constant 0.000000e+00 : f32
        %max3A_310 = vector.broadcast %max3A_309 : f32 to vector<16xf32>
        %max3A_311 = arith.maximumf %add3A_308, %max3A_310 : vector<16xf32>
        %swap3A_312 = arith.index_cast %scan3A_268 : i32 to index
        %swap3A_313 = arith.constant 32 : index
        %swap3A_314 = tpu.vector_load %arg14[%swap3A_312, %swap3A_313] {strides = array<i32>} : memref<40x128xf32, #tpu.memory_space<vmem>>, vector<1x16xf32>,
        %swap3A_315 = vector.shape_cast %swap3A_314 : vector<1x16xf32> to vector<16xf32>
        %swap3A_316 = vector.shape_cast %max3A_311 : vector<16xf32> to vector<1x16xf32>
        tpu.vector_store %arg14[%swap3A_312, %swap3A_313], %swap3A_316 {strides = array<i32>} : memref<40x128xf32, #tpu.memory_space<vmem>>, vector<1x16xf32>,
        %get3A_317 = arith.index_cast %scan3A_268 : i32 to index
        %get3A_318 = arith.constant 48 : index
        %get3A_319 = tpu.vector_load %arg14[%get3A_317, %get3A_318] {strides = array<i32>} : memref<40x128xf32, #tpu.memory_space<vmem>>, vector<1x16xf32>,
        %get3A_320 = vector.shape_cast %get3A_319 : vector<1x16xf32> to vector<16xf32>
        %get3A_321 = arith.index_cast %scan3A_268 : i32 to index
        %get3A_322 = arith.constant 48 : index
        %get3A_323 = tpu.vector_load %arg17[%get3A_321, %get3A_322] {strides = array<i32>} : memref<40x128xf32, #tpu.memory_space<vmem>>, vector<1x16xf32>,
        %get3A_324 = vector.shape_cast %get3A_323 : vector<1x16xf32> to vector<16xf32>
        %add3A_325 = arith.addf %get3A_320, %get3A_324 : vector<16xf32>
        %max3A_326 = arith.constant 0.000000e+00 : f32
        %max3A_327 = vector.broadcast %max3A_326 : f32 to vector<16xf32>
        %max3A_328 = arith.maximumf %add3A_325, %max3A_327 : vector<16xf32>
        %swap3A_329 = arith.index_cast %scan3A_268 : i32 to index
        %swap3A_330 = arith.constant 48 : index
        %swap3A_331 = tpu.vector_load %arg14[%swap3A_329, %swap3A_330] {strides = array<i32>} : memref<40x128xf32, #tpu.memory_space<vmem>>, vector<1x16xf32>,
        %swap3A_332 = vector.shape_cast %swap3A_331 : vector<1x16xf32> to vector<16xf32>
        %swap3A_333 = vector.shape_cast %max3A_328 : vector<16xf32> to vector<1x16xf32>
        tpu.vector_store %arg14[%swap3A_329, %swap3A_330], %swap3A_333 {strides = array<i32>} : memref<40x128xf32, #tpu.memory_space<vmem>>, vector<1x16xf32>,
        %get3A_334 = arith.index_cast %scan3A_268 : i32 to index
        %get3A_335 = arith.constant 64 : index
        %get3A_336 = tpu.vector_load %arg14[%get3A_334, %get3A_335] {strides = array<i32>} : memref<40x128xf32, #tpu.memory_space<vmem>>, vector<1x16xf32>,
        %get3A_337 = vector.shape_cast %get3A_336 : vector<1x16xf32> to vector<16xf32>
        %get3A_338 = arith.index_cast %scan3A_268 : i32 to index
        %get3A_339 = arith.constant 64 : index
        %get3A_340 = tpu.vector_load %arg17[%get3A_338, %get3A_339] {strides = array<i32>} : memref<40x128xf32, #tpu.memory_space<vmem>>, vector<1x16xf32>,
        %get3A_341 = vector.shape_cast %get3A_340 : vector<1x16xf32> to vector<16xf32>
        %add3A_342 = arith.addf %get3A_337, %get3A_341 : vector<16xf32>
        %max3A_343 = arith.constant 0.000000e+00 : f32
        %max3A_344 = vector.broadcast %max3A_343 : f32 to vector<16xf32>
        %max3A_345 = arith.maximumf %add3A_342, %max3A_344 : vector<16xf32>
        %swap3A_346 = arith.index_cast %scan3A_268 : i32 to index
        %swap3A_347 = arith.constant 64 : index
        %swap3A_348 = tpu.vector_load %arg14[%swap3A_346, %swap3A_347] {strides = array<i32>} : memref<40x128xf32, #tpu.memory_space<vmem>>, vector<1x16xf32>,
        %swap3A_349 = vector.shape_cast %swap3A_348 : vector<1x16xf32> to vector<16xf32>
        %swap3A_350 = vector.shape_cast %max3A_345 : vector<16xf32> to vector<1x16xf32>
        tpu.vector_store %arg14[%swap3A_346, %swap3A_347], %swap3A_350 {strides = array<i32>} : memref<40x128xf32, #tpu.memory_space<vmem>>, vector<1x16xf32>,
        %get3A_351 = arith.index_cast %scan3A_268 : i32 to index
        %get3A_352 = arith.constant 80 : index
        %get3A_353 = tpu.vector_load %arg14[%get3A_351, %get3A_352] {strides = array<i32>} : memref<40x128xf32, #tpu.memory_space<vmem>>, vector<1x16xf32>,
        %get3A_354 = vector.shape_cast %get3A_353 : vector<1x16xf32> to vector<16xf32>
        %get3A_355 = arith.index_cast %scan3A_268 : i32 to index
        %get3A_356 = arith.constant 80 : index
        %get3A_357 = tpu.vector_load %arg17[%get3A_355, %get3A_356] {strides = array<i32>} : memref<40x128xf32, #tpu.memory_space<vmem>>, vector<1x16xf32>,
        %get3A_358 = vector.shape_cast %get3A_357 : vector<1x16xf32> to vector<16xf32>
        %add3A_359 = arith.addf %get3A_354, %get3A_358 : vector<16xf32>
        %max3A_360 = arith.constant 0.000000e+00 : f32
        %max3A_361 = vector.broadcast %max3A_360 : f32 to vector<16xf32>
        %max3A_362 = arith.maximumf %add3A_359, %max3A_361 : vector<16xf32>
        %swap3A_363 = arith.index_cast %scan3A_268 : i32 to index
        %swap3A_364 = arith.constant 80 : index
        %swap3A_365 = tpu.vector_load %arg14[%swap3A_363, %swap3A_364] {strides = array<i32>} : memref<40x128xf32, #tpu.memory_space<vmem>>, vector<1x16xf32>,
        %swap3A_366 = vector.shape_cast %swap3A_365 : vector<1x16xf32> to vector<16xf32>
        %swap3A_367 = vector.shape_cast %max3A_362 : vector<16xf32> to vector<1x16xf32>
        tpu.vector_store %arg14[%swap3A_363, %swap3A_364], %swap3A_367 {strides = array<i32>} : memref<40x128xf32, #tpu.memory_space<vmem>>, vector<1x16xf32>,
        %get3A_368 = arith.index_cast %scan3A_268 : i32 to index
        %get3A_369 = arith.constant 96 : index
        %get3A_370 = tpu.vector_load %arg14[%get3A_368, %get3A_369] {strides = array<i32>} : memref<40x128xf32, #tpu.memory_space<vmem>>, vector<1x16xf32>,
        %get3A_371 = vector.shape_cast %get3A_370 : vector<1x16xf32> to vector<16xf32>
        %get3A_372 = arith.index_cast %scan3A_268 : i32 to index
        %get3A_373 = arith.constant 96 : index
        %get3A_374 = tpu.vector_load %arg17[%get3A_372, %get3A_373] {strides = array<i32>} : memref<40x128xf32, #tpu.memory_space<vmem>>, vector<1x16xf32>,
        %get3A_375 = vector.shape_cast %get3A_374 : vector<1x16xf32> to vector<16xf32>
        %add3A_376 = arith.addf %get3A_371, %get3A_375 : vector<16xf32>
        %max3A_377 = arith.constant 0.000000e+00 : f32
        %max3A_378 = vector.broadcast %max3A_377 : f32 to vector<16xf32>
        %max3A_379 = arith.maximumf %add3A_376, %max3A_378 : vector<16xf32>
        %swap3A_380 = arith.index_cast %scan3A_268 : i32 to index
        %swap3A_381 = arith.constant 96 : index
        %swap3A_382 = tpu.vector_load %arg14[%swap3A_380, %swap3A_381] {strides = array<i32>} : memref<40x128xf32, #tpu.memory_space<vmem>>, vector<1x16xf32>,
        %swap3A_383 = vector.shape_cast %swap3A_382 : vector<1x16xf32> to vector<16xf32>
        %swap3A_384 = vector.shape_cast %max3A_379 : vector<16xf32> to vector<1x16xf32>
        tpu.vector_store %arg14[%swap3A_380, %swap3A_381], %swap3A_384 {strides = array<i32>} : memref<40x128xf32, #tpu.memory_space<vmem>>, vector<1x16xf32>,
        %get3A_385 = arith.index_cast %scan3A_268 : i32 to index
        %get3A_386 = arith.constant 112 : index
        %get3A_387 = tpu.vector_load %arg14[%get3A_385, %get3A_386] {strides = array<i32>} : memref<40x128xf32, #tpu.memory_space<vmem>>, vector<1x16xf32>,
        %get3A_388 = vector.shape_cast %get3A_387 : vector<1x16xf32> to vector<16xf32>
        %get3A_389 = arith.index_cast %scan3A_268 : i32 to index
        %get3A_390 = arith.constant 112 : index
        %get3A_391 = tpu.vector_load %arg17[%get3A_389, %get3A_390] {strides = array<i32>} : memref<40x128xf32, #tpu.memory_space<vmem>>, vector<1x16xf32>,
        %get3A_392 = vector.shape_cast %get3A_391 : vector<1x16xf32> to vector<16xf32>
        %add3A_393 = arith.addf %get3A_388, %get3A_392 : vector<16xf32>
        %max3A_394 = arith.constant 0.000000e+00 : f32
        %max3A_395 = vector.broadcast %max3A_394 : f32 to vector<16xf32>
        %max3A_396 = arith.maximumf %add3A_393, %max3A_395 : vector<16xf32>
        %swap3A_397 = arith.index_cast %scan3A_268 : i32 to index
        %swap3A_398 = arith.constant 112 : index
        %swap3A_399 = tpu.vector_load %arg14[%swap3A_397, %swap3A_398] {strides = array<i32>} : memref<40x128xf32, #tpu.memory_space<vmem>>, vector<1x16xf32>,
        %swap3A_400 = vector.shape_cast %swap3A_399 : vector<1x16xf32> to vector<16xf32>
        %swap3A_401 = vector.shape_cast %max3A_396 : vector<16xf32> to vector<1x16xf32>
        tpu.vector_store %arg14[%swap3A_397, %swap3A_398], %swap3A_401 {strides = array<i32>} : memref<40x128xf32, #tpu.memory_space<vmem>>, vector<1x16xf32>,
      }
      %scan3A_187 = arith.constant 40 : i32
      "tpu.region"() ({
        %run_scoped3A = tpu.sem_alloc : memref<!tpu.dma_semaphore, #tpu.memory_space<semaphore_mem>>
        %dma_start3A_268 = arith.constant 0 : i32
        %dma_start3A_269 = arith.constant 0 : i32
        %dma_start3A_270 = tpu.memref_slice %arg20[%dma_start3A_268, %dma_start3A_269] : memref<10000x128xf32, #tpu.memory_space<vmem_shared>> -> memref<10000x128xf32, #tpu.memory_space<vmem_shared>>
        tpu.enqueue_indirect_dma source(%arg14 : memref<40x128xf32, #tpu.memory_space<vmem>>) target(%dma_start3A_270 : memref<10000x128xf32, #tpu.memory_space<vmem_shared>>) offsets(%arg11 : memref<40xi32, #tpu.memory_space<vmem>>) semaphore(%run_scoped3A : memref<!tpu.dma_semaphore, #tpu.memory_space<semaphore_mem>>) {add = true}
        %dma_wait3A_271 = arith.constant 0 : i32
        %dma_wait3A_272 = arith.constant 0 : i32
        %dma_wait3A_273 = tpu.memref_slice %arg20[%dma_wait3A_271, %dma_wait3A_272] : memref<10000x128xf32, #tpu.memory_space<vmem_shared>> -> memref<10000x128xf32, #tpu.memory_space<vmem_shared>>
        tpu.wait_indirect_dma semaphore(%run_scoped3A : memref<!tpu.dma_semaphore, #tpu.memory_space<semaphore_mem>>) src(%arg14 : memref<40x128xf32, #tpu.memory_space<vmem>>) dst(%dma_wait3A_273 : memref<10000x128xf32, #tpu.memory_space<vmem_shared>>)
        tpu.yield
      }) : () -> ()
      %add3A_188 = arith.constant 1 : i32
      %add3A_189 = arith.addi %mul3A_149, %add3A_188 : i32
      %add3A_190 = arith.constant 2 : i32
      %add3A_191 = arith.addi %add3A_189, %add3A_190 : i32
      %mul3A_192 = arith.constant 40 : i32
      %mul3A_193 = arith.muli %add3A_191, %mul3A_192 : i32
      %add3A_194 = arith.addi %add3A, %mul3A_193 : i32
      %dma_start3A_195 = tpu.memref_slice %arg4[%add3A_194] : memref<320000xi32, #tpu.memory_space<hbm>> -> memref<40xi32, #tpu.memory_space<hbm>>
      %dma_start3A_196 = tpu.memref_slice %arg4[%add3A_194] : memref<320000xi32, #tpu.memory_space<hbm>> -> memref<40xi32, #tpu.memory_space<hbm>>
      tpu.enqueue_dma source(%dma_start3A_196 : memref<40xi32, #tpu.memory_space<hbm>>) target(%arg8 : memref<40xi32, #tpu.memory_space<vmem>>) target_semaphore(%arg21 : memref<!tpu.dma_semaphore, #tpu.memory_space<semaphore_mem>>)
      %dma_start3A_197 = tpu.memref_slice %arg5[%add3A_194] : memref<320000xi32, #tpu.memory_space<hbm>> -> memref<40xi32, #tpu.memory_space<hbm>>
      %dma_start3A_198 = tpu.memref_slice %arg5[%add3A_194] : memref<320000xi32, #tpu.memory_space<hbm>> -> memref<40xi32, #tpu.memory_space<hbm>>
      tpu.enqueue_dma source(%dma_start3A_198 : memref<40xi32, #tpu.memory_space<hbm>>) target(%arg11 : memref<40xi32, #tpu.memory_space<vmem>>) target_semaphore(%arg21 : memref<!tpu.dma_semaphore, #tpu.memory_space<semaphore_mem>>)
      %dma_start3A_199 = arith.constant 0 : i32
      %dma_start3A_200 = tpu.memref_slice %arg3[%add3A_194, %dma_start3A_199] : memref<320000x128xf32, #tpu.memory_space<hbm>> -> memref<40x128xf32, #tpu.memory_space<hbm>>
      %dma_start3A_201 = arith.constant 0 : i32
      %dma_start3A_202 = tpu.memref_slice %arg3[%add3A_194, %dma_start3A_201] : memref<320000x128xf32, #tpu.memory_space<hbm>> -> memref<40x128xf32, #tpu.memory_space<hbm>>
      tpu.enqueue_dma source(%dma_start3A_202 : memref<40x128xf32, #tpu.memory_space<hbm>>) target(%arg17 : memref<40x128xf32, #tpu.memory_space<vmem>>) target_semaphore(%arg21 : memref<!tpu.dma_semaphore, #tpu.memory_space<semaphore_mem>>)
      %add3A_203 = arith.constant 1 : i32
      %add3A_204 = arith.addi %add3A_189, %add3A_203 : i32
      %mul3A_205 = arith.constant 40 : i32
      %mul3A_206 = arith.muli %add3A_204, %mul3A_205 : i32
      %add3A_207 = arith.addi %add3A, %mul3A_206 : i32
      %dma_wait3A_208 = tpu.memref_slice %arg4[%add3A_207] : memref<320000xi32, #tpu.memory_space<hbm>> -> memref<40xi32, #tpu.memory_space<hbm>>
      %dma_wait3A_209 = tpu.memref_slice %arg4[%add3A_207] : memref<320000xi32, #tpu.memory_space<hbm>> -> memref<40xi32, #tpu.memory_space<hbm>>
      tpu.wait_dma2 semaphore(%arg23 : memref<!tpu.dma_semaphore, #tpu.memory_space<semaphore_mem>>) src(%dma_wait3A_209 : memref<40xi32, #tpu.memory_space<hbm>>) dst(%arg10 : memref<40xi32, #tpu.memory_space<vmem>>)
      %dma_wait3A_210 = tpu.memref_slice %arg5[%add3A_207] : memref<320000xi32, #tpu.memory_space<hbm>> -> memref<40xi32, #tpu.memory_space<hbm>>
      %dma_wait3A_211 = tpu.memref_slice %arg5[%add3A_207] : memref<320000xi32, #tpu.memory_space<hbm>> -> memref<40xi32, #tpu.memory_space<hbm>>
      tpu.wait_dma2 semaphore(%arg23 : memref<!tpu.dma_semaphore, #tpu.memory_space<semaphore_mem>>) src(%dma_wait3A_211 : memref<40xi32, #tpu.memory_space<hbm>>) dst(%arg13 : memref<40xi32, #tpu.memory_space<vmem>>)
      %dma_wait3A_212 = arith.constant 0 : i32
      %dma_wait3A_213 = tpu.memref_slice %arg3[%add3A_207, %dma_wait3A_212] : memref<320000x128xf32, #tpu.memory_space<hbm>> -> memref<40x128xf32, #tpu.memory_space<hbm>>
      %dma_wait3A_214 = arith.constant 0 : i32
      %dma_wait3A_215 = tpu.memref_slice %arg3[%add3A_207, %dma_wait3A_214] : memref<320000x128xf32, #tpu.memory_space<hbm>> -> memref<40x128xf32, #tpu.memory_space<hbm>>
      tpu.wait_dma2 semaphore(%arg23 : memref<!tpu.dma_semaphore, #tpu.memory_space<semaphore_mem>>) src(%dma_wait3A_215 : memref<40x128xf32, #tpu.memory_space<hbm>>) dst(%arg19 : memref<40x128xf32, #tpu.memory_space<vmem>>)
      %dma_start3A_216 = arith.constant 0 : i32
      %dma_start3A_217 = arith.constant 0 : i32
      %dma_start3A_218 = tpu.memref_slice %arg2[%dma_start3A_216, %dma_start3A_217] : memref<10000x128xf32, #tpu.memory_space<hbm>> -> memref<10000x128xf32, #tpu.memory_space<hbm>>
      tpu.enqueue_indirect_dma source(%dma_start3A_218 : memref<10000x128xf32, #tpu.memory_space<hbm>>) target(%arg16 : memref<40x128xf32, #tpu.memory_space<vmem>>) offsets(%arg10 : memref<40xi32, #tpu.memory_space<vmem>>) semaphore(%arg26 : memref<!tpu.dma_semaphore, #tpu.memory_space<semaphore_mem>>)
      %dma_wait3A_219 = arith.constant 0 : i32
      %dma_wait3A_220 = arith.constant 0 : i32
      %dma_wait3A_221 = tpu.memref_slice %arg2[%dma_wait3A_219, %dma_wait3A_220] : memref<10000x128xf32, #tpu.memory_space<hbm>> -> memref<10000x128xf32, #tpu.memory_space<hbm>>
      tpu.wait_indirect_dma semaphore(%arg25 : memref<!tpu.dma_semaphore, #tpu.memory_space<semaphore_mem>>) src(%dma_wait3A_221 : memref<10000x128xf32, #tpu.memory_space<hbm>>) dst(%arg15 : memref<40x128xf32, #tpu.memory_space<vmem>>)
      %scan3A_222 = arith.constant 0 : i32
      %scan3A_223 = arith.constant 0 : i32
      %scan3A_224 = arith.constant 40 : i32
      %scan3A_225 = arith.addi %scan3A_223, %scan3A_224 : i32
      %scan3A_226 = arith.constant 1 : i32
      scf.for %scan3A_268 = %scan3A_223 to %scan3A_225 step %scan3A_226  : i32 {
        %get3A = arith.index_cast %scan3A_268 : i32 to index
        %get3A_269 = arith.constant 0 : index
        %get3A_270 = tpu.vector_load %arg15[%get3A, %get3A_269] {strides = array<i32>} : memref<40x128xf32, #tpu.memory_space<vmem>>, vector<1x16xf32>,
        %get3A_271 = vector.shape_cast %get3A_270 : vector<1x16xf32> to vector<16xf32>
        %get3A_272 = arith.index_cast %scan3A_268 : i32 to index
        %get3A_273 = arith.constant 0 : index
        %get3A_274 = tpu.vector_load %arg18[%get3A_272, %get3A_273] {strides = array<i32>} : memref<40x128xf32, #tpu.memory_space<vmem>>, vector<1x16xf32>,
        %get3A_275 = vector.shape_cast %get3A_274 : vector<1x16xf32> to vector<16xf32>
        %add3A_276 = arith.addf %get3A_271, %get3A_275 : vector<16xf32>
        %max3A = arith.constant 0.000000e+00 : f32
        %max3A_277 = vector.broadcast %max3A : f32 to vector<16xf32>
        %max3A_278 = arith.maximumf %add3A_276, %max3A_277 : vector<16xf32>
        %swap3A = arith.index_cast %scan3A_268 : i32 to index
        %swap3A_279 = arith.constant 0 : index
        %swap3A_280 = tpu.vector_load %arg15[%swap3A, %swap3A_279] {strides = array<i32>} : memref<40x128xf32, #tpu.memory_space<vmem>>, vector<1x16xf32>,
        %swap3A_281 = vector.shape_cast %swap3A_280 : vector<1x16xf32> to vector<16xf32>
        %swap3A_282 = vector.shape_cast %max3A_278 : vector<16xf32> to vector<1x16xf32>
        tpu.vector_store %arg15[%swap3A, %swap3A_279], %swap3A_282 {strides = array<i32>} : memref<40x128xf32, #tpu.memory_space<vmem>>, vector<1x16xf32>,
        %get3A_283 = arith.index_cast %scan3A_268 : i32 to index
        %get3A_284 = arith.constant 16 : index
        %get3A_285 = tpu.vector_load %arg15[%get3A_283, %get3A_284] {strides = array<i32>} : memref<40x128xf32, #tpu.memory_space<vmem>>, vector<1x16xf32>,
        %get3A_286 = vector.shape_cast %get3A_285 : vector<1x16xf32> to vector<16xf32>
        %get3A_287 = arith.index_cast %scan3A_268 : i32 to index
        %get3A_288 = arith.constant 16 : index
        %get3A_289 = tpu.vector_load %arg18[%get3A_287, %get3A_288] {strides = array<i32>} : memref<40x128xf32, #tpu.memory_space<vmem>>, vector<1x16xf32>,
        %get3A_290 = vector.shape_cast %get3A_289 : vector<1x16xf32> to vector<16xf32>
        %add3A_291 = arith.addf %get3A_286, %get3A_290 : vector<16xf32>
        %max3A_292 = arith.constant 0.000000e+00 : f32
        %max3A_293 = vector.broadcast %max3A_292 : f32 to vector<16xf32>
        %max3A_294 = arith.maximumf %add3A_291, %max3A_293 : vector<16xf32>
        %swap3A_295 = arith.index_cast %scan3A_268 : i32 to index
        %swap3A_296 = arith.constant 16 : index
        %swap3A_297 = tpu.vector_load %arg15[%swap3A_295, %swap3A_296] {strides = array<i32>} : memref<40x128xf32, #tpu.memory_space<vmem>>, vector<1x16xf32>,
        %swap3A_298 = vector.shape_cast %swap3A_297 : vector<1x16xf32> to vector<16xf32>
        %swap3A_299 = vector.shape_cast %max3A_294 : vector<16xf32> to vector<1x16xf32>
        tpu.vector_store %arg15[%swap3A_295, %swap3A_296], %swap3A_299 {strides = array<i32>} : memref<40x128xf32, #tpu.memory_space<vmem>>, vector<1x16xf32>,
        %get3A_300 = arith.index_cast %scan3A_268 : i32 to index
        %get3A_301 = arith.constant 32 : index
        %get3A_302 = tpu.vector_load %arg15[%get3A_300, %get3A_301] {strides = array<i32>} : memref<40x128xf32, #tpu.memory_space<vmem>>, vector<1x16xf32>,
        %get3A_303 = vector.shape_cast %get3A_302 : vector<1x16xf32> to vector<16xf32>
        %get3A_304 = arith.index_cast %scan3A_268 : i32 to index
        %get3A_305 = arith.constant 32 : index
        %get3A_306 = tpu.vector_load %arg18[%get3A_304, %get3A_305] {strides = array<i32>} : memref<40x128xf32, #tpu.memory_space<vmem>>, vector<1x16xf32>,
        %get3A_307 = vector.shape_cast %get3A_306 : vector<1x16xf32> to vector<16xf32>
        %add3A_308 = arith.addf %get3A_303, %get3A_307 : vector<16xf32>
        %max3A_309 = arith.constant 0.000000e+00 : f32
        %max3A_310 = vector.broadcast %max3A_309 : f32 to vector<16xf32>
        %max3A_311 = arith.maximumf %add3A_308, %max3A_310 : vector<16xf32>
        %swap3A_312 = arith.index_cast %scan3A_268 : i32 to index
        %swap3A_313 = arith.constant 32 : index
        %swap3A_314 = tpu.vector_load %arg15[%swap3A_312, %swap3A_313] {strides = array<i32>} : memref<40x128xf32, #tpu.memory_space<vmem>>, vector<1x16xf32>,
        %swap3A_315 = vector.shape_cast %swap3A_314 : vector<1x16xf32> to vector<16xf32>
        %swap3A_316 = vector.shape_cast %max3A_311 : vector<16xf32> to vector<1x16xf32>
        tpu.vector_store %arg15[%swap3A_312, %swap3A_313], %swap3A_316 {strides = array<i32>} : memref<40x128xf32, #tpu.memory_space<vmem>>, vector<1x16xf32>,
        %get3A_317 = arith.index_cast %scan3A_268 : i32 to index
        %get3A_318 = arith.constant 48 : index
        %get3A_319 = tpu.vector_load %arg15[%get3A_317, %get3A_318] {strides = array<i32>} : memref<40x128xf32, #tpu.memory_space<vmem>>, vector<1x16xf32>,
        %get3A_320 = vector.shape_cast %get3A_319 : vector<1x16xf32> to vector<16xf32>
        %get3A_321 = arith.index_cast %scan3A_268 : i32 to index
        %get3A_322 = arith.constant 48 : index
        %get3A_323 = tpu.vector_load %arg18[%get3A_321, %get3A_322] {strides = array<i32>} : memref<40x128xf32, #tpu.memory_space<vmem>>, vector<1x16xf32>,
        %get3A_324 = vector.shape_cast %get3A_323 : vector<1x16xf32> to vector<16xf32>
        %add3A_325 = arith.addf %get3A_320, %get3A_324 : vector<16xf32>
        %max3A_326 = arith.constant 0.000000e+00 : f32
        %max3A_327 = vector.broadcast %max3A_326 : f32 to vector<16xf32>
        %max3A_328 = arith.maximumf %add3A_325, %max3A_327 : vector<16xf32>
        %swap3A_329 = arith.index_cast %scan3A_268 : i32 to index
        %swap3A_330 = arith.constant 48 : index
        %swap3A_331 = tpu.vector_load %arg15[%swap3A_329, %swap3A_330] {strides = array<i32>} : memref<40x128xf32, #tpu.memory_space<vmem>>, vector<1x16xf32>,
        %swap3A_332 = vector.shape_cast %swap3A_331 : vector<1x16xf32> to vector<16xf32>
        %swap3A_333 = vector.shape_cast %max3A_328 : vector<16xf32> to vector<1x16xf32>
        tpu.vector_store %arg15[%swap3A_329, %swap3A_330], %swap3A_333 {strides = array<i32>} : memref<40x128xf32, #tpu.memory_space<vmem>>, vector<1x16xf32>,
        %get3A_334 = arith.index_cast %scan3A_268 : i32 to index
        %get3A_335 = arith.constant 64 : index
        %get3A_336 = tpu.vector_load %arg15[%get3A_334, %get3A_335] {strides = array<i32>} : memref<40x128xf32, #tpu.memory_space<vmem>>, vector<1x16xf32>,
        %get3A_337 = vector.shape_cast %get3A_336 : vector<1x16xf32> to vector<16xf32>
        %get3A_338 = arith.index_cast %scan3A_268 : i32 to index
        %get3A_339 = arith.constant 64 : index
        %get3A_340 = tpu.vector_load %arg18[%get3A_338, %get3A_339] {strides = array<i32>} : memref<40x128xf32, #tpu.memory_space<vmem>>, vector<1x16xf32>,
        %get3A_341 = vector.shape_cast %get3A_340 : vector<1x16xf32> to vector<16xf32>
        %add3A_342 = arith.addf %get3A_337, %get3A_341 : vector<16xf32>
        %max3A_343 = arith.constant 0.000000e+00 : f32
        %max3A_344 = vector.broadcast %max3A_343 : f32 to vector<16xf32>
        %max3A_345 = arith.maximumf %add3A_342, %max3A_344 : vector<16xf32>
        %swap3A_346 = arith.index_cast %scan3A_268 : i32 to index
        %swap3A_347 = arith.constant 64 : index
        %swap3A_348 = tpu.vector_load %arg15[%swap3A_346, %swap3A_347] {strides = array<i32>} : memref<40x128xf32, #tpu.memory_space<vmem>>, vector<1x16xf32>,
        %swap3A_349 = vector.shape_cast %swap3A_348 : vector<1x16xf32> to vector<16xf32>
        %swap3A_350 = vector.shape_cast %max3A_345 : vector<16xf32> to vector<1x16xf32>
        tpu.vector_store %arg15[%swap3A_346, %swap3A_347], %swap3A_350 {strides = array<i32>} : memref<40x128xf32, #tpu.memory_space<vmem>>, vector<1x16xf32>,
        %get3A_351 = arith.index_cast %scan3A_268 : i32 to index
        %get3A_352 = arith.constant 80 : index
        %get3A_353 = tpu.vector_load %arg15[%get3A_351, %get3A_352] {strides = array<i32>} : memref<40x128xf32, #tpu.memory_space<vmem>>, vector<1x16xf32>,
        %get3A_354 = vector.shape_cast %get3A_353 : vector<1x16xf32> to vector<16xf32>
        %get3A_355 = arith.index_cast %scan3A_268 : i32 to index
        %get3A_356 = arith.constant 80 : index
        %get3A_357 = tpu.vector_load %arg18[%get3A_355, %get3A_356] {strides = array<i32>} : memref<40x128xf32, #tpu.memory_space<vmem>>, vector<1x16xf32>,
        %get3A_358 = vector.shape_cast %get3A_357 : vector<1x16xf32> to vector<16xf32>
        %add3A_359 = arith.addf %get3A_354, %get3A_358 : vector<16xf32>
        %max3A_360 = arith.constant 0.000000e+00 : f32
        %max3A_361 = vector.broadcast %max3A_360 : f32 to vector<16xf32>
        %max3A_362 = arith.maximumf %add3A_359, %max3A_361 : vector<16xf32>
        %swap3A_363 = arith.index_cast %scan3A_268 : i32 to index
        %swap3A_364 = arith.constant 80 : index
        %swap3A_365 = tpu.vector_load %arg15[%swap3A_363, %swap3A_364] {strides = array<i32>} : memref<40x128xf32, #tpu.memory_space<vmem>>, vector<1x16xf32>,
        %swap3A_366 = vector.shape_cast %swap3A_365 : vector<1x16xf32> to vector<16xf32>
        %swap3A_367 = vector.shape_cast %max3A_362 : vector<16xf32> to vector<1x16xf32>
        tpu.vector_store %arg15[%swap3A_363, %swap3A_364], %swap3A_367 {strides = array<i32>} : memref<40x128xf32, #tpu.memory_space<vmem>>, vector<1x16xf32>,
        %get3A_368 = arith.index_cast %scan3A_268 : i32 to index
        %get3A_369 = arith.constant 96 : index
        %get3A_370 = tpu.vector_load %arg15[%get3A_368, %get3A_369] {strides = array<i32>} : memref<40x128xf32, #tpu.memory_space<vmem>>, vector<1x16xf32>,
        %get3A_371 = vector.shape_cast %get3A_370 : vector<1x16xf32> to vector<16xf32>
        %get3A_372 = arith.index_cast %scan3A_268 : i32 to index
        %get3A_373 = arith.constant 96 : index
        %get3A_374 = tpu.vector_load %arg18[%get3A_372, %get3A_373] {strides = array<i32>} : memref<40x128xf32, #tpu.memory_space<vmem>>, vector<1x16xf32>,
        %get3A_375 = vector.shape_cast %get3A_374 : vector<1x16xf32> to vector<16xf32>
        %add3A_376 = arith.addf %get3A_371, %get3A_375 : vector<16xf32>
        %max3A_377 = arith.constant 0.000000e+00 : f32
        %max3A_378 = vector.broadcast %max3A_377 : f32 to vector<16xf32>
        %max3A_379 = arith.maximumf %add3A_376, %max3A_378 : vector<16xf32>
        %swap3A_380 = arith.index_cast %scan3A_268 : i32 to index
        %swap3A_381 = arith.constant 96 : index
        %swap3A_382 = tpu.vector_load %arg15[%swap3A_380, %swap3A_381] {strides = array<i32>} : memref<40x128xf32, #tpu.memory_space<vmem>>, vector<1x16xf32>,
        %swap3A_383 = vector.shape_cast %swap3A_382 : vector<1x16xf32> to vector<16xf32>
        %swap3A_384 = vector.shape_cast %max3A_379 : vector<16xf32> to vector<1x16xf32>
        tpu.vector_store %arg15[%swap3A_380, %swap3A_381], %swap3A_384 {strides = array<i32>} : memref<40x128xf32, #tpu.memory_space<vmem>>, vector<1x16xf32>,
        %get3A_385 = arith.index_cast %scan3A_268 : i32 to index
        %get3A_386 = arith.constant 112 : index
        %get3A_387 = tpu.vector_load %arg15[%get3A_385, %get3A_386] {strides = array<i32>} : memref<40x128xf32, #tpu.memory_space<vmem>>, vector<1x16xf32>,
        %get3A_388 = vector.shape_cast %get3A_387 : vector<1x16xf32> to vector<16xf32>
        %get3A_389 = arith.index_cast %scan3A_268 : i32 to index
        %get3A_390 = arith.constant 112 : index
        %get3A_391 = tpu.vector_load %arg18[%get3A_389, %get3A_390] {strides = array<i32>} : memref<40x128xf32, #tpu.memory_space<vmem>>, vector<1x16xf32>,
        %get3A_392 = vector.shape_cast %get3A_391 : vector<1x16xf32> to vector<16xf32>
        %add3A_393 = arith.addf %get3A_388, %get3A_392 : vector<16xf32>
        %max3A_394 = arith.constant 0.000000e+00 : f32
        %max3A_395 = vector.broadcast %max3A_394 : f32 to vector<16xf32>
        %max3A_396 = arith.maximumf %add3A_393, %max3A_395 : vector<16xf32>
        %swap3A_397 = arith.index_cast %scan3A_268 : i32 to index
        %swap3A_398 = arith.constant 112 : index
        %swap3A_399 = tpu.vector_load %arg15[%swap3A_397, %swap3A_398] {strides = array<i32>} : memref<40x128xf32, #tpu.memory_space<vmem>>, vector<1x16xf32>,
        %swap3A_400 = vector.shape_cast %swap3A_399 : vector<1x16xf32> to vector<16xf32>
        %swap3A_401 = vector.shape_cast %max3A_396 : vector<16xf32> to vector<1x16xf32>
        tpu.vector_store %arg15[%swap3A_397, %swap3A_398], %swap3A_401 {strides = array<i32>} : memref<40x128xf32, #tpu.memory_space<vmem>>, vector<1x16xf32>,
      }
      %scan3A_227 = arith.constant 40 : i32
      "tpu.region"() ({
        %run_scoped3A = tpu.sem_alloc : memref<!tpu.dma_semaphore, #tpu.memory_space<semaphore_mem>>
        %dma_start3A_268 = arith.constant 0 : i32
        %dma_start3A_269 = arith.constant 0 : i32
        %dma_start3A_270 = tpu.memref_slice %arg20[%dma_start3A_268, %dma_start3A_269] : memref<10000x128xf32, #tpu.memory_space<vmem_shared>> -> memref<10000x128xf32, #tpu.memory_space<vmem_shared>>
        tpu.enqueue_indirect_dma source(%arg15 : memref<40x128xf32, #tpu.memory_space<vmem>>) target(%dma_start3A_270 : memref<10000x128xf32, #tpu.memory_space<vmem_shared>>) offsets(%arg12 : memref<40xi32, #tpu.memory_space<vmem>>) semaphore(%run_scoped3A : memref<!tpu.dma_semaphore, #tpu.memory_space<semaphore_mem>>) {add = true}
        %dma_wait3A_271 = arith.constant 0 : i32
        %dma_wait3A_272 = arith.constant 0 : i32
        %dma_wait3A_273 = tpu.memref_slice %arg20[%dma_wait3A_271, %dma_wait3A_272] : memref<10000x128xf32, #tpu.memory_space<vmem_shared>> -> memref<10000x128xf32, #tpu.memory_space<vmem_shared>>
        tpu.wait_indirect_dma semaphore(%run_scoped3A : memref<!tpu.dma_semaphore, #tpu.memory_space<semaphore_mem>>) src(%arg15 : memref<40x128xf32, #tpu.memory_space<vmem>>) dst(%dma_wait3A_273 : memref<10000x128xf32, #tpu.memory_space<vmem_shared>>)
        tpu.yield
      }) : () -> ()
      %add3A_228 = arith.constant 2 : i32
      %add3A_229 = arith.addi %mul3A_149, %add3A_228 : i32
      %add3A_230 = arith.constant 2 : i32
      %add3A_231 = arith.addi %add3A_229, %add3A_230 : i32
      %mul3A_232 = arith.constant 40 : i32
      %mul3A_233 = arith.muli %add3A_231, %mul3A_232 : i32
      %add3A_234 = arith.addi %add3A, %mul3A_233 : i32
      %dma_start3A_235 = tpu.memref_slice %arg4[%add3A_234] : memref<320000xi32, #tpu.memory_space<hbm>> -> memref<40xi32, #tpu.memory_space<hbm>>
      %dma_start3A_236 = tpu.memref_slice %arg4[%add3A_234] : memref<320000xi32, #tpu.memory_space<hbm>> -> memref<40xi32, #tpu.memory_space<hbm>>
      tpu.enqueue_dma source(%dma_start3A_236 : memref<40xi32, #tpu.memory_space<hbm>>) target(%arg9 : memref<40xi32, #tpu.memory_space<vmem>>) target_semaphore(%arg22 : memref<!tpu.dma_semaphore, #tpu.memory_space<semaphore_mem>>)
      %dma_start3A_237 = tpu.memref_slice %arg5[%add3A_234] : memref<320000xi32, #tpu.memory_space<hbm>> -> memref<40xi32, #tpu.memory_space<hbm>>
      %dma_start3A_238 = tpu.memref_slice %arg5[%add3A_234] : memref<320000xi32, #tpu.memory_space<hbm>> -> memref<40xi32, #tpu.memory_space<hbm>>
      tpu.enqueue_dma source(%dma_start3A_238 : memref<40xi32, #tpu.memory_space<hbm>>) target(%arg12 : memref<40xi32, #tpu.memory_space<vmem>>) target_semaphore(%arg22 : memref<!tpu.dma_semaphore, #tpu.memory_space<semaphore_mem>>)
      %dma_start3A_239 = arith.constant 0 : i32
      %dma_start3A_240 = tpu.memref_slice %arg3[%add3A_234, %dma_start3A_239] : memref<320000x128xf32, #tpu.memory_space<hbm>> -> memref<40x128xf32, #tpu.memory_space<hbm>>
      %dma_start3A_241 = arith.constant 0 : i32
      %dma_start3A_242 = tpu.memref_slice %arg3[%add3A_234, %dma_start3A_241] : memref<320000x128xf32, #tpu.memory_space<hbm>> -> memref<40x128xf32, #tpu.memory_space<hbm>>
      tpu.enqueue_dma source(%dma_start3A_242 : memref<40x128xf32, #tpu.memory_space<hbm>>) target(%arg18 : memref<40x128xf32, #tpu.memory_space<vmem>>) target_semaphore(%arg22 : memref<!tpu.dma_semaphore, #tpu.memory_space<semaphore_mem>>)
      %add3A_243 = arith.constant 1 : i32
      %add3A_244 = arith.addi %add3A_229, %add3A_243 : i32
      %mul3A_245 = arith.constant 40 : i32
      %mul3A_246 = arith.muli %add3A_244, %mul3A_245 : i32
      %add3A_247 = arith.addi %add3A, %mul3A_246 : i32
      %dma_wait3A_248 = tpu.memref_slice %arg4[%add3A_247] : memref<320000xi32, #tpu.memory_space<hbm>> -> memref<40xi32, #tpu.memory_space<hbm>>
      %dma_wait3A_249 = tpu.memref_slice %arg4[%add3A_247] : memref<320000xi32, #tpu.memory_space<hbm>> -> memref<40xi32, #tpu.memory_space<hbm>>
      tpu.wait_dma2 semaphore(%arg21 : memref<!tpu.dma_semaphore, #tpu.memory_space<semaphore_mem>>) src(%dma_wait3A_249 : memref<40xi32, #tpu.memory_space<hbm>>) dst(%arg8 : memref<40xi32, #tpu.memory_space<vmem>>)
      %dma_wait3A_250 = tpu.memref_slice %arg5[%add3A_247] : memref<320000xi32, #tpu.memory_space<hbm>> -> memref<40xi32, #tpu.memory_space<hbm>>
      %dma_wait3A_251 = tpu.memref_slice %arg5[%add3A_247] : memref<320000xi32, #tpu.memory_space<hbm>> -> memref<40xi32, #tpu.memory_space<hbm>>
      tpu.wait_dma2 semaphore(%arg21 : memref<!tpu.dma_semaphore, #tpu.memory_space<semaphore_mem>>) src(%dma_wait3A_251 : memref<40xi32, #tpu.memory_space<hbm>>) dst(%arg11 : memref<40xi32, #tpu.memory_space<vmem>>)
      %dma_wait3A_252 = arith.constant 0 : i32
      %dma_wait3A_253 = tpu.memref_slice %arg3[%add3A_247, %dma_wait3A_252] : memref<320000x128xf32, #tpu.memory_space<hbm>> -> memref<40x128xf32, #tpu.memory_space<hbm>>
      %dma_wait3A_254 = arith.constant 0 : i32
      %dma_wait3A_255 = tpu.memref_slice %arg3[%add3A_247, %dma_wait3A_254] : memref<320000x128xf32, #tpu.memory_space<hbm>> -> memref<40x128xf32, #tpu.memory_space<hbm>>
      tpu.wait_dma2 semaphore(%arg21 : memref<!tpu.dma_semaphore, #tpu.memory_space<semaphore_mem>>) src(%dma_wait3A_255 : memref<40x128xf32, #tpu.memory_space<hbm>>) dst(%arg17 : memref<40x128xf32, #tpu.memory_space<vmem>>)
      %dma_start3A_256 = arith.constant 0 : i32
      %dma_start3A_257 = arith.constant 0 : i32
      %dma_start3A_258 = tpu.memref_slice %arg2[%dma_start3A_256, %dma_start3A_257] : memref<10000x128xf32, #tpu.memory_space<hbm>> -> memref<10000x128xf32, #tpu.memory_space<hbm>>
      tpu.enqueue_indirect_dma source(%dma_start3A_258 : memref<10000x128xf32, #tpu.memory_space<hbm>>) target(%arg14 : memref<40x128xf32, #tpu.memory_space<vmem>>) offsets(%arg8 : memref<40xi32, #tpu.memory_space<vmem>>) semaphore(%arg24 : memref<!tpu.dma_semaphore, #tpu.memory_space<semaphore_mem>>)
      %dma_wait3A_259 = arith.constant 0 : i32
      %dma_wait3A_260 = arith.constant 0 : i32
      %dma_wait3A_261 = tpu.memref_slice %arg2[%dma_wait3A_259, %dma_wait3A_260] : memref<10000x128xf32, #tpu.memory_space<hbm>> -> memref<10000x128xf32, #tpu.memory_space<hbm>>
      tpu.wait_indirect_dma semaphore(%arg26 : memref<!tpu.dma_semaphore, #tpu.memory_space<semaphore_mem>>) src(%dma_wait3A_261 : memref<10000x128xf32, #tpu.memory_space<hbm>>) dst(%arg16 : memref<40x128xf32, #tpu.memory_space<vmem>>)
      %scan3A_262 = arith.constant 0 : i32
      %scan3A_263 = arith.constant 0 : i32
      %scan3A_264 = arith.constant 40 : i32
      %scan3A_265 = arith.addi %scan3A_263, %scan3A_264 : i32
      %scan3A_266 = arith.constant 1 : i32
      scf.for %scan3A_268 = %scan3A_263 to %scan3A_265 step %scan3A_266  : i32 {
        %get3A = arith.index_cast %scan3A_268 : i32 to index
        %get3A_269 = arith.constant 0 : index
        %get3A_270 = tpu.vector_load %arg16[%get3A, %get3A_269] {strides = array<i32>} : memref<40x128xf32, #tpu.memory_space<vmem>>, vector<1x16xf32>,
        %get3A_271 = vector.shape_cast %get3A_270 : vector<1x16xf32> to vector<16xf32>
        %get3A_272 = arith.index_cast %scan3A_268 : i32 to index
        %get3A_273 = arith.constant 0 : index
        %get3A_274 = tpu.vector_load %arg19[%get3A_272, %get3A_273] {strides = array<i32>} : memref<40x128xf32, #tpu.memory_space<vmem>>, vector<1x16xf32>,
        %get3A_275 = vector.shape_cast %get3A_274 : vector<1x16xf32> to vector<16xf32>
        %add3A_276 = arith.addf %get3A_271, %get3A_275 : vector<16xf32>
        %max3A = arith.constant 0.000000e+00 : f32
        %max3A_277 = vector.broadcast %max3A : f32 to vector<16xf32>
        %max3A_278 = arith.maximumf %add3A_276, %max3A_277 : vector<16xf32>
        %swap3A = arith.index_cast %scan3A_268 : i32 to index
        %swap3A_279 = arith.constant 0 : index
        %swap3A_280 = tpu.vector_load %arg16[%swap3A, %swap3A_279] {strides = array<i32>} : memref<40x128xf32, #tpu.memory_space<vmem>>, vector<1x16xf32>,
        %swap3A_281 = vector.shape_cast %swap3A_280 : vector<1x16xf32> to vector<16xf32>
        %swap3A_282 = vector.shape_cast %max3A_278 : vector<16xf32> to vector<1x16xf32>
        tpu.vector_store %arg16[%swap3A, %swap3A_279], %swap3A_282 {strides = array<i32>} : memref<40x128xf32, #tpu.memory_space<vmem>>, vector<1x16xf32>,
        %get3A_283 = arith.index_cast %scan3A_268 : i32 to index
        %get3A_284 = arith.constant 16 : index
        %get3A_285 = tpu.vector_load %arg16[%get3A_283, %get3A_284] {strides = array<i32>} : memref<40x128xf32, #tpu.memory_space<vmem>>, vector<1x16xf32>,
        %get3A_286 = vector.shape_cast %get3A_285 : vector<1x16xf32> to vector<16xf32>
        %get3A_287 = arith.index_cast %scan3A_268 : i32 to index
        %get3A_288 = arith.constant 16 : index
        %get3A_289 = tpu.vector_load %arg19[%get3A_287, %get3A_288] {strides = array<i32>} : memref<40x128xf32, #tpu.memory_space<vmem>>, vector<1x16xf32>,
        %get3A_290 = vector.shape_cast %get3A_289 : vector<1x16xf32> to vector<16xf32>
        %add3A_291 = arith.addf %get3A_286, %get3A_290 : vector<16xf32>
        %max3A_292 = arith.constant 0.000000e+00 : f32
        %max3A_293 = vector.broadcast %max3A_292 : f32 to vector<16xf32>
        %max3A_294 = arith.maximumf %add3A_291, %max3A_293 : vector<16xf32>
        %swap3A_295 = arith.index_cast %scan3A_268 : i32 to index
        %swap3A_296 = arith.constant 16 : index
        %swap3A_297 = tpu.vector_load %arg16[%swap3A_295, %swap3A_296] {strides = array<i32>} : memref<40x128xf32, #tpu.memory_space<vmem>>, vector<1x16xf32>,
        %swap3A_298 = vector.shape_cast %swap3A_297 : vector<1x16xf32> to vector<16xf32>
        %swap3A_299 = vector.shape_cast %max3A_294 : vector<16xf32> to vector<1x16xf32>
        tpu.vector_store %arg16[%swap3A_295, %swap3A_296], %swap3A_299 {strides = array<i32>} : memref<40x128xf32, #tpu.memory_space<vmem>>, vector<1x16xf32>,
        %get3A_300 = arith.index_cast %scan3A_268 : i32 to index
        %get3A_301 = arith.constant 32 : index
        %get3A_302 = tpu.vector_load %arg16[%get3A_300, %get3A_301] {strides = array<i32>} : memref<40x128xf32, #tpu.memory_space<vmem>>, vector<1x16xf32>,
        %get3A_303 = vector.shape_cast %get3A_302 : vector<1x16xf32> to vector<16xf32>
        %get3A_304 = arith.index_cast %scan3A_268 : i32 to index
        %get3A_305 = arith.constant 32 : index
        %get3A_306 = tpu.vector_load %arg19[%get3A_304, %get3A_305] {strides = array<i32>} : memref<40x128xf32, #tpu.memory_space<vmem>>, vector<1x16xf32>,
        %get3A_307 = vector.shape_cast %get3A_306 : vector<1x16xf32> to vector<16xf32>
        %add3A_308 = arith.addf %get3A_303, %get3A_307 : vector<16xf32>
        %max3A_309 = arith.constant 0.000000e+00 : f32
        %max3A_310 = vector.broadcast %max3A_309 : f32 to vector<16xf32>
        %max3A_311 = arith.maximumf %add3A_308, %max3A_310 : vector<16xf32>
        %swap3A_312 = arith.index_cast %scan3A_268 : i32 to index
        %swap3A_313 = arith.constant 32 : index
        %swap3A_314 = tpu.vector_load %arg16[%swap3A_312, %swap3A_313] {strides = array<i32>} : memref<40x128xf32, #tpu.memory_space<vmem>>, vector<1x16xf32>,
        %swap3A_315 = vector.shape_cast %swap3A_314 : vector<1x16xf32> to vector<16xf32>
        %swap3A_316 = vector.shape_cast %max3A_311 : vector<16xf32> to vector<1x16xf32>
        tpu.vector_store %arg16[%swap3A_312, %swap3A_313], %swap3A_316 {strides = array<i32>} : memref<40x128xf32, #tpu.memory_space<vmem>>, vector<1x16xf32>,
        %get3A_317 = arith.index_cast %scan3A_268 : i32 to index
        %get3A_318 = arith.constant 48 : index
        %get3A_319 = tpu.vector_load %arg16[%get3A_317, %get3A_318] {strides = array<i32>} : memref<40x128xf32, #tpu.memory_space<vmem>>, vector<1x16xf32>,
        %get3A_320 = vector.shape_cast %get3A_319 : vector<1x16xf32> to vector<16xf32>
        %get3A_321 = arith.index_cast %scan3A_268 : i32 to index
        %get3A_322 = arith.constant 48 : index
        %get3A_323 = tpu.vector_load %arg19[%get3A_321, %get3A_322] {strides = array<i32>} : memref<40x128xf32, #tpu.memory_space<vmem>>, vector<1x16xf32>,
        %get3A_324 = vector.shape_cast %get3A_323 : vector<1x16xf32> to vector<16xf32>
        %add3A_325 = arith.addf %get3A_320, %get3A_324 : vector<16xf32>
        %max3A_326 = arith.constant 0.000000e+00 : f32
        %max3A_327 = vector.broadcast %max3A_326 : f32 to vector<16xf32>
        %max3A_328 = arith.maximumf %add3A_325, %max3A_327 : vector<16xf32>
        %swap3A_329 = arith.index_cast %scan3A_268 : i32 to index
        %swap3A_330 = arith.constant 48 : index
        %swap3A_331 = tpu.vector_load %arg16[%swap3A_329, %swap3A_330] {strides = array<i32>} : memref<40x128xf32, #tpu.memory_space<vmem>>, vector<1x16xf32>,
        %swap3A_332 = vector.shape_cast %swap3A_331 : vector<1x16xf32> to vector<16xf32>
        %swap3A_333 = vector.shape_cast %max3A_328 : vector<16xf32> to vector<1x16xf32>
        tpu.vector_store %arg16[%swap3A_329, %swap3A_330], %swap3A_333 {strides = array<i32>} : memref<40x128xf32, #tpu.memory_space<vmem>>, vector<1x16xf32>,
        %get3A_334 = arith.index_cast %scan3A_268 : i32 to index
        %get3A_335 = arith.constant 64 : index
        %get3A_336 = tpu.vector_load %arg16[%get3A_334, %get3A_335] {strides = array<i32>} : memref<40x128xf32, #tpu.memory_space<vmem>>, vector<1x16xf32>,
        %get3A_337 = vector.shape_cast %get3A_336 : vector<1x16xf32> to vector<16xf32>
        %get3A_338 = arith.index_cast %scan3A_268 : i32 to index
        %get3A_339 = arith.constant 64 : index
        %get3A_340 = tpu.vector_load %arg19[%get3A_338, %get3A_339] {strides = array<i32>} : memref<40x128xf32, #tpu.memory_space<vmem>>, vector<1x16xf32>,
        %get3A_341 = vector.shape_cast %get3A_340 : vector<1x16xf32> to vector<16xf32>
        %add3A_342 = arith.addf %get3A_337, %get3A_341 : vector<16xf32>
        %max3A_343 = arith.constant 0.000000e+00 : f32
        %max3A_344 = vector.broadcast %max3A_343 : f32 to vector<16xf32>
        %max3A_345 = arith.maximumf %add3A_342, %max3A_344 : vector<16xf32>
        %swap3A_346 = arith.index_cast %scan3A_268 : i32 to index
        %swap3A_347 = arith.constant 64 : index
        %swap3A_348 = tpu.vector_load %arg16[%swap3A_346, %swap3A_347] {strides = array<i32>} : memref<40x128xf32, #tpu.memory_space<vmem>>, vector<1x16xf32>,
        %swap3A_349 = vector.shape_cast %swap3A_348 : vector<1x16xf32> to vector<16xf32>
        %swap3A_350 = vector.shape_cast %max3A_345 : vector<16xf32> to vector<1x16xf32>
        tpu.vector_store %arg16[%swap3A_346, %swap3A_347], %swap3A_350 {strides = array<i32>} : memref<40x128xf32, #tpu.memory_space<vmem>>, vector<1x16xf32>,
        %get3A_351 = arith.index_cast %scan3A_268 : i32 to index
        %get3A_352 = arith.constant 80 : index
        %get3A_353 = tpu.vector_load %arg16[%get3A_351, %get3A_352] {strides = array<i32>} : memref<40x128xf32, #tpu.memory_space<vmem>>, vector<1x16xf32>,
        %get3A_354 = vector.shape_cast %get3A_353 : vector<1x16xf32> to vector<16xf32>
        %get3A_355 = arith.index_cast %scan3A_268 : i32 to index
        %get3A_356 = arith.constant 80 : index
        %get3A_357 = tpu.vector_load %arg19[%get3A_355, %get3A_356] {strides = array<i32>} : memref<40x128xf32, #tpu.memory_space<vmem>>, vector<1x16xf32>,
        %get3A_358 = vector.shape_cast %get3A_357 : vector<1x16xf32> to vector<16xf32>
        %add3A_359 = arith.addf %get3A_354, %get3A_358 : vector<16xf32>
        %max3A_360 = arith.constant 0.000000e+00 : f32
        %max3A_361 = vector.broadcast %max3A_360 : f32 to vector<16xf32>
        %max3A_362 = arith.maximumf %add3A_359, %max3A_361 : vector<16xf32>
        %swap3A_363 = arith.index_cast %scan3A_268 : i32 to index
        %swap3A_364 = arith.constant 80 : index
        %swap3A_365 = tpu.vector_load %arg16[%swap3A_363, %swap3A_364] {strides = array<i32>} : memref<40x128xf32, #tpu.memory_space<vmem>>, vector<1x16xf32>,
        %swap3A_366 = vector.shape_cast %swap3A_365 : vector<1x16xf32> to vector<16xf32>
        %swap3A_367 = vector.shape_cast %max3A_362 : vector<16xf32> to vector<1x16xf32>
        tpu.vector_store %arg16[%swap3A_363, %swap3A_364], %swap3A_367 {strides = array<i32>} : memref<40x128xf32, #tpu.memory_space<vmem>>, vector<1x16xf32>,
        %get3A_368 = arith.index_cast %scan3A_268 : i32 to index
        %get3A_369 = arith.constant 96 : index
        %get3A_370 = tpu.vector_load %arg16[%get3A_368, %get3A_369] {strides = array<i32>} : memref<40x128xf32, #tpu.memory_space<vmem>>, vector<1x16xf32>,
        %get3A_371 = vector.shape_cast %get3A_370 : vector<1x16xf32> to vector<16xf32>
        %get3A_372 = arith.index_cast %scan3A_268 : i32 to index
        %get3A_373 = arith.constant 96 : index
        %get3A_374 = tpu.vector_load %arg19[%get3A_372, %get3A_373] {strides = array<i32>} : memref<40x128xf32, #tpu.memory_space<vmem>>, vector<1x16xf32>,
        %get3A_375 = vector.shape_cast %get3A_374 : vector<1x16xf32> to vector<16xf32>
        %add3A_376 = arith.addf %get3A_371, %get3A_375 : vector<16xf32>
        %max3A_377 = arith.constant 0.000000e+00 : f32
        %max3A_378 = vector.broadcast %max3A_377 : f32 to vector<16xf32>
        %max3A_379 = arith.maximumf %add3A_376, %max3A_378 : vector<16xf32>
        %swap3A_380 = arith.index_cast %scan3A_268 : i32 to index
        %swap3A_381 = arith.constant 96 : index
        %swap3A_382 = tpu.vector_load %arg16[%swap3A_380, %swap3A_381] {strides = array<i32>} : memref<40x128xf32, #tpu.memory_space<vmem>>, vector<1x16xf32>,
        %swap3A_383 = vector.shape_cast %swap3A_382 : vector<1x16xf32> to vector<16xf32>
        %swap3A_384 = vector.shape_cast %max3A_379 : vector<16xf32> to vector<1x16xf32>
        tpu.vector_store %arg16[%swap3A_380, %swap3A_381], %swap3A_384 {strides = array<i32>} : memref<40x128xf32, #tpu.memory_space<vmem>>, vector<1x16xf32>,
        %get3A_385 = arith.index_cast %scan3A_268 : i32 to index
        %get3A_386 = arith.constant 112 : index
        %get3A_387 = tpu.vector_load %arg16[%get3A_385, %get3A_386] {strides = array<i32>} : memref<40x128xf32, #tpu.memory_space<vmem>>, vector<1x16xf32>,
        %get3A_388 = vector.shape_cast %get3A_387 : vector<1x16xf32> to vector<16xf32>
        %get3A_389 = arith.index_cast %scan3A_268 : i32 to index
        %get3A_390 = arith.constant 112 : index
        %get3A_391 = tpu.vector_load %arg19[%get3A_389, %get3A_390] {strides = array<i32>} : memref<40x128xf32, #tpu.memory_space<vmem>>, vector<1x16xf32>,
        %get3A_392 = vector.shape_cast %get3A_391 : vector<1x16xf32> to vector<16xf32>
        %add3A_393 = arith.addf %get3A_388, %get3A_392 : vector<16xf32>
        %max3A_394 = arith.constant 0.000000e+00 : f32
        %max3A_395 = vector.broadcast %max3A_394 : f32 to vector<16xf32>
        %max3A_396 = arith.maximumf %add3A_393, %max3A_395 : vector<16xf32>
        %swap3A_397 = arith.index_cast %scan3A_268 : i32 to index
        %swap3A_398 = arith.constant 112 : index
        %swap3A_399 = tpu.vector_load %arg16[%swap3A_397, %swap3A_398] {strides = array<i32>} : memref<40x128xf32, #tpu.memory_space<vmem>>, vector<1x16xf32>,
        %swap3A_400 = vector.shape_cast %swap3A_399 : vector<1x16xf32> to vector<16xf32>
        %swap3A_401 = vector.shape_cast %max3A_396 : vector<16xf32> to vector<1x16xf32>
        tpu.vector_store %arg16[%swap3A_397, %swap3A_398], %swap3A_401 {strides = array<i32>} : memref<40x128xf32, #tpu.memory_space<vmem>>, vector<1x16xf32>,
      }
      %scan3A_267 = arith.constant 40 : i32
      "tpu.region"() ({
        %run_scoped3A = tpu.sem_alloc : memref<!tpu.dma_semaphore, #tpu.memory_space<semaphore_mem>>
        %dma_start3A_268 = arith.constant 0 : i32
        %dma_start3A_269 = arith.constant 0 : i32
        %dma_start3A_270 = tpu.memref_slice %arg20[%dma_start3A_268, %dma_start3A_269] : memref<10000x128xf32, #tpu.memory_space<vmem_shared>> -> memref<10000x128xf32, #tpu.memory_space<vmem_shared>>
        tpu.enqueue_indirect_dma source(%arg16 : memref<40x128xf32, #tpu.memory_space<vmem>>) target(%dma_start3A_270 : memref<10000x128xf32, #tpu.memory_space<vmem_shared>>) offsets(%arg13 : memref<40xi32, #tpu.memory_space<vmem>>) semaphore(%run_scoped3A : memref<!tpu.dma_semaphore, #tpu.memory_space<semaphore_mem>>) {add = true}
        %dma_wait3A_271 = arith.constant 0 : i32
        %dma_wait3A_272 = arith.constant 0 : i32
        %dma_wait3A_273 = tpu.memref_slice %arg20[%dma_wait3A_271, %dma_wait3A_272] : memref<10000x128xf32, #tpu.memory_space<vmem_shared>> -> memref<10000x128xf32, #tpu.memory_space<vmem_shared>>
        tpu.wait_indirect_dma semaphore(%run_scoped3A : memref<!tpu.dma_semaphore, #tpu.memory_space<semaphore_mem>>) src(%arg16 : memref<40x128xf32, #tpu.memory_space<vmem>>) dst(%dma_wait3A_273 : memref<10000x128xf32, #tpu.memory_space<vmem_shared>>)
        tpu.yield
      }) : () -> ()
    }
    %scan3A_42 = arith.constant 82 : i32
    %add3A_43 = arith.constant 9920 : i32
    %add3A_44 = arith.addi %add3A, %add3A_43 : i32
    %dma_start3A_45 = tpu.memref_slice %arg4[%add3A_44] : memref<320000xi32, #tpu.memory_space<hbm>> -> memref<40xi32, #tpu.memory_space<hbm>>
    %dma_start3A_46 = tpu.memref_slice %arg4[%add3A_44] : memref<320000xi32, #tpu.memory_space<hbm>> -> memref<40xi32, #tpu.memory_space<hbm>>
    tpu.enqueue_dma source(%dma_start3A_46 : memref<40xi32, #tpu.memory_space<hbm>>) target(%arg10 : memref<40xi32, #tpu.memory_space<vmem>>) target_semaphore(%arg23 : memref<!tpu.dma_semaphore, #tpu.memory_space<semaphore_mem>>)
    %dma_start3A_47 = tpu.memref_slice %arg5[%add3A_44] : memref<320000xi32, #tpu.memory_space<hbm>> -> memref<40xi32, #tpu.memory_space<hbm>>
    %dma_start3A_48 = tpu.memref_slice %arg5[%add3A_44] : memref<320000xi32, #tpu.memory_space<hbm>> -> memref<40xi32, #tpu.memory_space<hbm>>
    tpu.enqueue_dma source(%dma_start3A_48 : memref<40xi32, #tpu.memory_space<hbm>>) target(%arg13 : memref<40xi32, #tpu.memory_space<vmem>>) target_semaphore(%arg23 : memref<!tpu.dma_semaphore, #tpu.memory_space<semaphore_mem>>)
    %dma_start3A_49 = arith.constant 0 : i32
    %dma_start3A_50 = tpu.memref_slice %arg3[%add3A_44, %dma_start3A_49] : memref<320000x128xf32, #tpu.memory_space<hbm>> -> memref<40x128xf32, #tpu.memory_space<hbm>>
    %dma_start3A_51 = arith.constant 0 : i32
    %dma_start3A_52 = tpu.memref_slice %arg3[%add3A_44, %dma_start3A_51] : memref<320000x128xf32, #tpu.memory_space<hbm>> -> memref<40x128xf32, #tpu.memory_space<hbm>>
    tpu.enqueue_dma source(%dma_start3A_52 : memref<40x128xf32, #tpu.memory_space<hbm>>) target(%arg19 : memref<40x128xf32, #tpu.memory_space<vmem>>) target_semaphore(%arg23 : memref<!tpu.dma_semaphore, #tpu.memory_space<semaphore_mem>>)
    %add3A_53 = arith.constant 9880 : i32
    %add3A_54 = arith.addi %add3A, %add3A_53 : i32
    %dma_wait3A_55 = tpu.memref_slice %arg4[%add3A_54] : memref<320000xi32, #tpu.memory_space<hbm>> -> memref<40xi32, #tpu.memory_space<hbm>>
    %dma_wait3A_56 = tpu.memref_slice %arg4[%add3A_54] : memref<320000xi32, #tpu.memory_space<hbm>> -> memref<40xi32, #tpu.memory_space<hbm>>
    tpu.wait_dma2 semaphore(%arg22 : memref<!tpu.dma_semaphore, #tpu.memory_space<semaphore_mem>>) src(%dma_wait3A_56 : memref<40xi32, #tpu.memory_space<hbm>>) dst(%arg9 : memref<40xi32, #tpu.memory_space<vmem>>)
    %dma_wait3A_57 = tpu.memref_slice %arg5[%add3A_54] : memref<320000xi32, #tpu.memory_space<hbm>> -> memref<40xi32, #tpu.memory_space<hbm>>
    %dma_wait3A_58 = tpu.memref_slice %arg5[%add3A_54] : memref<320000xi32, #tpu.memory_space<hbm>> -> memref<40xi32, #tpu.memory_space<hbm>>
    tpu.wait_dma2 semaphore(%arg22 : memref<!tpu.dma_semaphore, #tpu.memory_space<semaphore_mem>>) src(%dma_wait3A_58 : memref<40xi32, #tpu.memory_space<hbm>>) dst(%arg12 : memref<40xi32, #tpu.memory_space<vmem>>)
    %dma_wait3A_59 = arith.constant 0 : i32
    %dma_wait3A_60 = tpu.memref_slice %arg3[%add3A_54, %dma_wait3A_59] : memref<320000x128xf32, #tpu.memory_space<hbm>> -> memref<40x128xf32, #tpu.memory_space<hbm>>
    %dma_wait3A_61 = arith.constant 0 : i32
    %dma_wait3A_62 = tpu.memref_slice %arg3[%add3A_54, %dma_wait3A_61] : memref<320000x128xf32, #tpu.memory_space<hbm>> -> memref<40x128xf32, #tpu.memory_space<hbm>>
    tpu.wait_dma2 semaphore(%arg22 : memref<!tpu.dma_semaphore, #tpu.memory_space<semaphore_mem>>) src(%dma_wait3A_62 : memref<40x128xf32, #tpu.memory_space<hbm>>) dst(%arg18 : memref<40x128xf32, #tpu.memory_space<vmem>>)
    %dma_start3A_63 = arith.constant 0 : i32
    %dma_start3A_64 = arith.constant 0 : i32
    %dma_start3A_65 = tpu.memref_slice %arg2[%dma_start3A_63, %dma_start3A_64] : memref<10000x128xf32, #tpu.memory_space<hbm>> -> memref<10000x128xf32, #tpu.memory_space<hbm>>
    tpu.enqueue_indirect_dma source(%dma_start3A_65 : memref<10000x128xf32, #tpu.memory_space<hbm>>) target(%arg15 : memref<40x128xf32, #tpu.memory_space<vmem>>) offsets(%arg9 : memref<40xi32, #tpu.memory_space<vmem>>) semaphore(%arg25 : memref<!tpu.dma_semaphore, #tpu.memory_space<semaphore_mem>>)
    %dma_wait3A_66 = arith.constant 0 : i32
    %dma_wait3A_67 = arith.constant 0 : i32
    %dma_wait3A_68 = tpu.memref_slice %arg2[%dma_wait3A_66, %dma_wait3A_67] : memref<10000x128xf32, #tpu.memory_space<hbm>> -> memref<10000x128xf32, #tpu.memory_space<hbm>>
    tpu.wait_indirect_dma semaphore(%arg24 : memref<!tpu.dma_semaphore, #tpu.memory_space<semaphore_mem>>) src(%dma_wait3A_68 : memref<10000x128xf32, #tpu.memory_space<hbm>>) dst(%arg14 : memref<40x128xf32, #tpu.memory_space<vmem>>)
    %scan3A_69 = arith.constant 0 : i32
    %scan3A_70 = arith.constant 0 : i32
    %scan3A_71 = arith.constant 40 : i32
    %scan3A_72 = arith.addi %scan3A_70, %scan3A_71 : i32
    %scan3A_73 = arith.constant 1 : i32
    scf.for %scan3A_147 = %scan3A_70 to %scan3A_72 step %scan3A_73  : i32 {
      %get3A = arith.index_cast %scan3A_147 : i32 to index
      %get3A_148 = arith.constant 0 : index
      %get3A_149 = tpu.vector_load %arg14[%get3A, %get3A_148] {strides = array<i32>} : memref<40x128xf32, #tpu.memory_space<vmem>>, vector<1x16xf32>,
      %get3A_150 = vector.shape_cast %get3A_149 : vector<1x16xf32> to vector<16xf32>
      %get3A_151 = arith.index_cast %scan3A_147 : i32 to index
      %get3A_152 = arith.constant 0 : index
      %get3A_153 = tpu.vector_load %arg17[%get3A_151, %get3A_152] {strides = array<i32>} : memref<40x128xf32, #tpu.memory_space<vmem>>, vector<1x16xf32>,
      %get3A_154 = vector.shape_cast %get3A_153 : vector<1x16xf32> to vector<16xf32>
      %add3A_155 = arith.addf %get3A_150, %get3A_154 : vector<16xf32>
      %max3A = arith.constant 0.000000e+00 : f32
      %max3A_156 = vector.broadcast %max3A : f32 to vector<16xf32>
      %max3A_157 = arith.maximumf %add3A_155, %max3A_156 : vector<16xf32>
      %swap3A = arith.index_cast %scan3A_147 : i32 to index
      %swap3A_158 = arith.constant 0 : index
      %swap3A_159 = tpu.vector_load %arg14[%swap3A, %swap3A_158] {strides = array<i32>} : memref<40x128xf32, #tpu.memory_space<vmem>>, vector<1x16xf32>,
      %swap3A_160 = vector.shape_cast %swap3A_159 : vector<1x16xf32> to vector<16xf32>
      %swap3A_161 = vector.shape_cast %max3A_157 : vector<16xf32> to vector<1x16xf32>
      tpu.vector_store %arg14[%swap3A, %swap3A_158], %swap3A_161 {strides = array<i32>} : memref<40x128xf32, #tpu.memory_space<vmem>>, vector<1x16xf32>,
      %get3A_162 = arith.index_cast %scan3A_147 : i32 to index
      %get3A_163 = arith.constant 16 : index
      %get3A_164 = tpu.vector_load %arg14[%get3A_162, %get3A_163] {strides = array<i32>} : memref<40x128xf32, #tpu.memory_space<vmem>>, vector<1x16xf32>,
      %get3A_165 = vector.shape_cast %get3A_164 : vector<1x16xf32> to vector<16xf32>
      %get3A_166 = arith.index_cast %scan3A_147 : i32 to index
      %get3A_167 = arith.constant 16 : index
      %get3A_168 = tpu.vector_load %arg17[%get3A_166, %get3A_167] {strides = array<i32>} : memref<40x128xf32, #tpu.memory_space<vmem>>, vector<1x16xf32>,
      %get3A_169 = vector.shape_cast %get3A_168 : vector<1x16xf32> to vector<16xf32>
      %add3A_170 = arith.addf %get3A_165, %get3A_169 : vector<16xf32>
      %max3A_171 = arith.constant 0.000000e+00 : f32
      %max3A_172 = vector.broadcast %max3A_171 : f32 to vector<16xf32>
      %max3A_173 = arith.maximumf %add3A_170, %max3A_172 : vector<16xf32>
      %swap3A_174 = arith.index_cast %scan3A_147 : i32 to index
      %swap3A_175 = arith.constant 16 : index
      %swap3A_176 = tpu.vector_load %arg14[%swap3A_174, %swap3A_175] {strides = array<i32>} : memref<40x128xf32, #tpu.memory_space<vmem>>, vector<1x16xf32>,
      %swap3A_177 = vector.shape_cast %swap3A_176 : vector<1x16xf32> to vector<16xf32>
      %swap3A_178 = vector.shape_cast %max3A_173 : vector<16xf32> to vector<1x16xf32>
      tpu.vector_store %arg14[%swap3A_174, %swap3A_175], %swap3A_178 {strides = array<i32>} : memref<40x128xf32, #tpu.memory_space<vmem>>, vector<1x16xf32>,
      %get3A_179 = arith.index_cast %scan3A_147 : i32 to index
      %get3A_180 = arith.constant 32 : index
      %get3A_181 = tpu.vector_load %arg14[%get3A_179, %get3A_180] {strides = array<i32>} : memref<40x128xf32, #tpu.memory_space<vmem>>, vector<1x16xf32>,
      %get3A_182 = vector.shape_cast %get3A_181 : vector<1x16xf32> to vector<16xf32>
      %get3A_183 = arith.index_cast %scan3A_147 : i32 to index
      %get3A_184 = arith.constant 32 : index
      %get3A_185 = tpu.vector_load %arg17[%get3A_183, %get3A_184] {strides = array<i32>} : memref<40x128xf32, #tpu.memory_space<vmem>>, vector<1x16xf32>,
      %get3A_186 = vector.shape_cast %get3A_185 : vector<1x16xf32> to vector<16xf32>
      %add3A_187 = arith.addf %get3A_182, %get3A_186 : vector<16xf32>
      %max3A_188 = arith.constant 0.000000e+00 : f32
      %max3A_189 = vector.broadcast %max3A_188 : f32 to vector<16xf32>
      %max3A_190 = arith.maximumf %add3A_187, %max3A_189 : vector<16xf32>
      %swap3A_191 = arith.index_cast %scan3A_147 : i32 to index
      %swap3A_192 = arith.constant 32 : index
      %swap3A_193 = tpu.vector_load %arg14[%swap3A_191, %swap3A_192] {strides = array<i32>} : memref<40x128xf32, #tpu.memory_space<vmem>>, vector<1x16xf32>,
      %swap3A_194 = vector.shape_cast %swap3A_193 : vector<1x16xf32> to vector<16xf32>
      %swap3A_195 = vector.shape_cast %max3A_190 : vector<16xf32> to vector<1x16xf32>
      tpu.vector_store %arg14[%swap3A_191, %swap3A_192], %swap3A_195 {strides = array<i32>} : memref<40x128xf32, #tpu.memory_space<vmem>>, vector<1x16xf32>,
      %get3A_196 = arith.index_cast %scan3A_147 : i32 to index
      %get3A_197 = arith.constant 48 : index
      %get3A_198 = tpu.vector_load %arg14[%get3A_196, %get3A_197] {strides = array<i32>} : memref<40x128xf32, #tpu.memory_space<vmem>>, vector<1x16xf32>,
      %get3A_199 = vector.shape_cast %get3A_198 : vector<1x16xf32> to vector<16xf32>
      %get3A_200 = arith.index_cast %scan3A_147 : i32 to index
      %get3A_201 = arith.constant 48 : index
      %get3A_202 = tpu.vector_load %arg17[%get3A_200, %get3A_201] {strides = array<i32>} : memref<40x128xf32, #tpu.memory_space<vmem>>, vector<1x16xf32>,
      %get3A_203 = vector.shape_cast %get3A_202 : vector<1x16xf32> to vector<16xf32>
      %add3A_204 = arith.addf %get3A_199, %get3A_203 : vector<16xf32>
      %max3A_205 = arith.constant 0.000000e+00 : f32
      %max3A_206 = vector.broadcast %max3A_205 : f32 to vector<16xf32>
      %max3A_207 = arith.maximumf %add3A_204, %max3A_206 : vector<16xf32>
      %swap3A_208 = arith.index_cast %scan3A_147 : i32 to index
      %swap3A_209 = arith.constant 48 : index
      %swap3A_210 = tpu.vector_load %arg14[%swap3A_208, %swap3A_209] {strides = array<i32>} : memref<40x128xf32, #tpu.memory_space<vmem>>, vector<1x16xf32>,
      %swap3A_211 = vector.shape_cast %swap3A_210 : vector<1x16xf32> to vector<16xf32>
      %swap3A_212 = vector.shape_cast %max3A_207 : vector<16xf32> to vector<1x16xf32>
      tpu.vector_store %arg14[%swap3A_208, %swap3A_209], %swap3A_212 {strides = array<i32>} : memref<40x128xf32, #tpu.memory_space<vmem>>, vector<1x16xf32>,
      %get3A_213 = arith.index_cast %scan3A_147 : i32 to index
      %get3A_214 = arith.constant 64 : index
      %get3A_215 = tpu.vector_load %arg14[%get3A_213, %get3A_214] {strides = array<i32>} : memref<40x128xf32, #tpu.memory_space<vmem>>, vector<1x16xf32>,
      %get3A_216 = vector.shape_cast %get3A_215 : vector<1x16xf32> to vector<16xf32>
      %get3A_217 = arith.index_cast %scan3A_147 : i32 to index
      %get3A_218 = arith.constant 64 : index
      %get3A_219 = tpu.vector_load %arg17[%get3A_217, %get3A_218] {strides = array<i32>} : memref<40x128xf32, #tpu.memory_space<vmem>>, vector<1x16xf32>,
      %get3A_220 = vector.shape_cast %get3A_219 : vector<1x16xf32> to vector<16xf32>
      %add3A_221 = arith.addf %get3A_216, %get3A_220 : vector<16xf32>
      %max3A_222 = arith.constant 0.000000e+00 : f32
      %max3A_223 = vector.broadcast %max3A_222 : f32 to vector<16xf32>
      %max3A_224 = arith.maximumf %add3A_221, %max3A_223 : vector<16xf32>
      %swap3A_225 = arith.index_cast %scan3A_147 : i32 to index
      %swap3A_226 = arith.constant 64 : index
      %swap3A_227 = tpu.vector_load %arg14[%swap3A_225, %swap3A_226] {strides = array<i32>} : memref<40x128xf32, #tpu.memory_space<vmem>>, vector<1x16xf32>,
      %swap3A_228 = vector.shape_cast %swap3A_227 : vector<1x16xf32> to vector<16xf32>
      %swap3A_229 = vector.shape_cast %max3A_224 : vector<16xf32> to vector<1x16xf32>
      tpu.vector_store %arg14[%swap3A_225, %swap3A_226], %swap3A_229 {strides = array<i32>} : memref<40x128xf32, #tpu.memory_space<vmem>>, vector<1x16xf32>,
      %get3A_230 = arith.index_cast %scan3A_147 : i32 to index
      %get3A_231 = arith.constant 80 : index
      %get3A_232 = tpu.vector_load %arg14[%get3A_230, %get3A_231] {strides = array<i32>} : memref<40x128xf32, #tpu.memory_space<vmem>>, vector<1x16xf32>,
      %get3A_233 = vector.shape_cast %get3A_232 : vector<1x16xf32> to vector<16xf32>
      %get3A_234 = arith.index_cast %scan3A_147 : i32 to index
      %get3A_235 = arith.constant 80 : index
      %get3A_236 = tpu.vector_load %arg17[%get3A_234, %get3A_235] {strides = array<i32>} : memref<40x128xf32, #tpu.memory_space<vmem>>, vector<1x16xf32>,
      %get3A_237 = vector.shape_cast %get3A_236 : vector<1x16xf32> to vector<16xf32>
      %add3A_238 = arith.addf %get3A_233, %get3A_237 : vector<16xf32>
      %max3A_239 = arith.constant 0.000000e+00 : f32
      %max3A_240 = vector.broadcast %max3A_239 : f32 to vector<16xf32>
      %max3A_241 = arith.maximumf %add3A_238, %max3A_240 : vector<16xf32>
      %swap3A_242 = arith.index_cast %scan3A_147 : i32 to index
      %swap3A_243 = arith.constant 80 : index
      %swap3A_244 = tpu.vector_load %arg14[%swap3A_242, %swap3A_243] {strides = array<i32>} : memref<40x128xf32, #tpu.memory_space<vmem>>, vector<1x16xf32>,
      %swap3A_245 = vector.shape_cast %swap3A_244 : vector<1x16xf32> to vector<16xf32>
      %swap3A_246 = vector.shape_cast %max3A_241 : vector<16xf32> to vector<1x16xf32>
      tpu.vector_store %arg14[%swap3A_242, %swap3A_243], %swap3A_246 {strides = array<i32>} : memref<40x128xf32, #tpu.memory_space<vmem>>, vector<1x16xf32>,
      %get3A_247 = arith.index_cast %scan3A_147 : i32 to index
      %get3A_248 = arith.constant 96 : index
      %get3A_249 = tpu.vector_load %arg14[%get3A_247, %get3A_248] {strides = array<i32>} : memref<40x128xf32, #tpu.memory_space<vmem>>, vector<1x16xf32>,
      %get3A_250 = vector.shape_cast %get3A_249 : vector<1x16xf32> to vector<16xf32>
      %get3A_251 = arith.index_cast %scan3A_147 : i32 to index
      %get3A_252 = arith.constant 96 : index
      %get3A_253 = tpu.vector_load %arg17[%get3A_251, %get3A_252] {strides = array<i32>} : memref<40x128xf32, #tpu.memory_space<vmem>>, vector<1x16xf32>,
      %get3A_254 = vector.shape_cast %get3A_253 : vector<1x16xf32> to vector<16xf32>
      %add3A_255 = arith.addf %get3A_250, %get3A_254 : vector<16xf32>
      %max3A_256 = arith.constant 0.000000e+00 : f32
      %max3A_257 = vector.broadcast %max3A_256 : f32 to vector<16xf32>
      %max3A_258 = arith.maximumf %add3A_255, %max3A_257 : vector<16xf32>
      %swap3A_259 = arith.index_cast %scan3A_147 : i32 to index
      %swap3A_260 = arith.constant 96 : index
      %swap3A_261 = tpu.vector_load %arg14[%swap3A_259, %swap3A_260] {strides = array<i32>} : memref<40x128xf32, #tpu.memory_space<vmem>>, vector<1x16xf32>,
      %swap3A_262 = vector.shape_cast %swap3A_261 : vector<1x16xf32> to vector<16xf32>
      %swap3A_263 = vector.shape_cast %max3A_258 : vector<16xf32> to vector<1x16xf32>
      tpu.vector_store %arg14[%swap3A_259, %swap3A_260], %swap3A_263 {strides = array<i32>} : memref<40x128xf32, #tpu.memory_space<vmem>>, vector<1x16xf32>,
      %get3A_264 = arith.index_cast %scan3A_147 : i32 to index
      %get3A_265 = arith.constant 112 : index
      %get3A_266 = tpu.vector_load %arg14[%get3A_264, %get3A_265] {strides = array<i32>} : memref<40x128xf32, #tpu.memory_space<vmem>>, vector<1x16xf32>,
      %get3A_267 = vector.shape_cast %get3A_266 : vector<1x16xf32> to vector<16xf32>
      %get3A_268 = arith.index_cast %scan3A_147 : i32 to index
      %get3A_269 = arith.constant 112 : index
      %get3A_270 = tpu.vector_load %arg17[%get3A_268, %get3A_269] {strides = array<i32>} : memref<40x128xf32, #tpu.memory_space<vmem>>, vector<1x16xf32>,
      %get3A_271 = vector.shape_cast %get3A_270 : vector<1x16xf32> to vector<16xf32>
      %add3A_272 = arith.addf %get3A_267, %get3A_271 : vector<16xf32>
      %max3A_273 = arith.constant 0.000000e+00 : f32
      %max3A_274 = vector.broadcast %max3A_273 : f32 to vector<16xf32>
      %max3A_275 = arith.maximumf %add3A_272, %max3A_274 : vector<16xf32>
      %swap3A_276 = arith.index_cast %scan3A_147 : i32 to index
      %swap3A_277 = arith.constant 112 : index
      %swap3A_278 = tpu.vector_load %arg14[%swap3A_276, %swap3A_277] {strides = array<i32>} : memref<40x128xf32, #tpu.memory_space<vmem>>, vector<1x16xf32>,
      %swap3A_279 = vector.shape_cast %swap3A_278 : vector<1x16xf32> to vector<16xf32>
      %swap3A_280 = vector.shape_cast %max3A_275 : vector<16xf32> to vector<1x16xf32>
      tpu.vector_store %arg14[%swap3A_276, %swap3A_277], %swap3A_280 {strides = array<i32>} : memref<40x128xf32, #tpu.memory_space<vmem>>, vector<1x16xf32>,
    }
    %scan3A_74 = arith.constant 40 : i32
    "tpu.region"() ({
      %run_scoped3A = tpu.sem_alloc : memref<!tpu.dma_semaphore, #tpu.memory_space<semaphore_mem>>
      %dma_start3A_147 = arith.constant 0 : i32
      %dma_start3A_148 = arith.constant 0 : i32
      %dma_start3A_149 = tpu.memref_slice %arg20[%dma_start3A_147, %dma_start3A_148] : memref<10000x128xf32, #tpu.memory_space<vmem_shared>> -> memref<10000x128xf32, #tpu.memory_space<vmem_shared>>
      tpu.enqueue_indirect_dma source(%arg14 : memref<40x128xf32, #tpu.memory_space<vmem>>) target(%dma_start3A_149 : memref<10000x128xf32, #tpu.memory_space<vmem_shared>>) offsets(%arg11 : memref<40xi32, #tpu.memory_space<vmem>>) semaphore(%run_scoped3A : memref<!tpu.dma_semaphore, #tpu.memory_space<semaphore_mem>>) {add = true}
      %dma_wait3A_150 = arith.constant 0 : i32
      %dma_wait3A_151 = arith.constant 0 : i32
      %dma_wait3A_152 = tpu.memref_slice %arg20[%dma_wait3A_150, %dma_wait3A_151] : memref<10000x128xf32, #tpu.memory_space<vmem_shared>> -> memref<10000x128xf32, #tpu.memory_space<vmem_shared>>
      tpu.wait_indirect_dma semaphore(%run_scoped3A : memref<!tpu.dma_semaphore, #tpu.memory_space<semaphore_mem>>) src(%arg14 : memref<40x128xf32, #tpu.memory_space<vmem>>) dst(%dma_wait3A_152 : memref<10000x128xf32, #tpu.memory_space<vmem_shared>>)
      tpu.yield
    }) : () -> ()
    %add3A_75 = arith.constant 9960 : i32
    %add3A_76 = arith.addi %add3A, %add3A_75 : i32
    %dma_start3A_77 = tpu.memref_slice %arg4[%add3A_76] : memref<320000xi32, #tpu.memory_space<hbm>> -> memref<40xi32, #tpu.memory_space<hbm>>
    %dma_start3A_78 = tpu.memref_slice %arg4[%add3A_76] : memref<320000xi32, #tpu.memory_space<hbm>> -> memref<40xi32, #tpu.memory_space<hbm>>
    tpu.enqueue_dma source(%dma_start3A_78 : memref<40xi32, #tpu.memory_space<hbm>>) target(%arg8 : memref<40xi32, #tpu.memory_space<vmem>>) target_semaphore(%arg21 : memref<!tpu.dma_semaphore, #tpu.memory_space<semaphore_mem>>)
    %dma_start3A_79 = tpu.memref_slice %arg5[%add3A_76] : memref<320000xi32, #tpu.memory_space<hbm>> -> memref<40xi32, #tpu.memory_space<hbm>>
    %dma_start3A_80 = tpu.memref_slice %arg5[%add3A_76] : memref<320000xi32, #tpu.memory_space<hbm>> -> memref<40xi32, #tpu.memory_space<hbm>>
    tpu.enqueue_dma source(%dma_start3A_80 : memref<40xi32, #tpu.memory_space<hbm>>) target(%arg11 : memref<40xi32, #tpu.memory_space<vmem>>) target_semaphore(%arg21 : memref<!tpu.dma_semaphore, #tpu.memory_space<semaphore_mem>>)
    %dma_start3A_81 = arith.constant 0 : i32
    %dma_start3A_82 = tpu.memref_slice %arg3[%add3A_76, %dma_start3A_81] : memref<320000x128xf32, #tpu.memory_space<hbm>> -> memref<40x128xf32, #tpu.memory_space<hbm>>
    %dma_start3A_83 = arith.constant 0 : i32
    %dma_start3A_84 = tpu.memref_slice %arg3[%add3A_76, %dma_start3A_83] : memref<320000x128xf32, #tpu.memory_space<hbm>> -> memref<40x128xf32, #tpu.memory_space<hbm>>
    tpu.enqueue_dma source(%dma_start3A_84 : memref<40x128xf32, #tpu.memory_space<hbm>>) target(%arg17 : memref<40x128xf32, #tpu.memory_space<vmem>>) target_semaphore(%arg21 : memref<!tpu.dma_semaphore, #tpu.memory_space<semaphore_mem>>)
    %add3A_85 = arith.constant 9920 : i32
    %add3A_86 = arith.addi %add3A, %add3A_85 : i32
    %dma_wait3A_87 = tpu.memref_slice %arg4[%add3A_86] : memref<320000xi32, #tpu.memory_space<hbm>> -> memref<40xi32, #tpu.memory_space<hbm>>
    %dma_wait3A_88 = tpu.memref_slice %arg4[%add3A_86] : memref<320000xi32, #tpu.memory_space<hbm>> -> memref<40xi32, #tpu.memory_space<hbm>>
    tpu.wait_dma2 semaphore(%arg23 : memref<!tpu.dma_semaphore, #tpu.memory_space<semaphore_mem>>) src(%dma_wait3A_88 : memref<40xi32, #tpu.memory_space<hbm>>) dst(%arg10 : memref<40xi32, #tpu.memory_space<vmem>>)
    %dma_wait3A_89 = tpu.memref_slice %arg5[%add3A_86] : memref<320000xi32, #tpu.memory_space<hbm>> -> memref<40xi32, #tpu.memory_space<hbm>>
    %dma_wait3A_90 = tpu.memref_slice %arg5[%add3A_86] : memref<320000xi32, #tpu.memory_space<hbm>> -> memref<40xi32, #tpu.memory_space<hbm>>
    tpu.wait_dma2 semaphore(%arg23 : memref<!tpu.dma_semaphore, #tpu.memory_space<semaphore_mem>>) src(%dma_wait3A_90 : memref<40xi32, #tpu.memory_space<hbm>>) dst(%arg13 : memref<40xi32, #tpu.memory_space<vmem>>)
    %dma_wait3A_91 = arith.constant 0 : i32
    %dma_wait3A_92 = tpu.memref_slice %arg3[%add3A_86, %dma_wait3A_91] : memref<320000x128xf32, #tpu.memory_space<hbm>> -> memref<40x128xf32, #tpu.memory_space<hbm>>
    %dma_wait3A_93 = arith.constant 0 : i32
    %dma_wait3A_94 = tpu.memref_slice %arg3[%add3A_86, %dma_wait3A_93] : memref<320000x128xf32, #tpu.memory_space<hbm>> -> memref<40x128xf32, #tpu.memory_space<hbm>>
    tpu.wait_dma2 semaphore(%arg23 : memref<!tpu.dma_semaphore, #tpu.memory_space<semaphore_mem>>) src(%dma_wait3A_94 : memref<40x128xf32, #tpu.memory_space<hbm>>) dst(%arg19 : memref<40x128xf32, #tpu.memory_space<vmem>>)
    %dma_start3A_95 = arith.constant 0 : i32
    %dma_start3A_96 = arith.constant 0 : i32
    %dma_start3A_97 = tpu.memref_slice %arg2[%dma_start3A_95, %dma_start3A_96] : memref<10000x128xf32, #tpu.memory_space<hbm>> -> memref<10000x128xf32, #tpu.memory_space<hbm>>
    tpu.enqueue_indirect_dma source(%dma_start3A_97 : memref<10000x128xf32, #tpu.memory_space<hbm>>) target(%arg16 : memref<40x128xf32, #tpu.memory_space<vmem>>) offsets(%arg10 : memref<40xi32, #tpu.memory_space<vmem>>) semaphore(%arg26 : memref<!tpu.dma_semaphore, #tpu.memory_space<semaphore_mem>>)
    %dma_wait3A_98 = arith.constant 0 : i32
    %dma_wait3A_99 = arith.constant 0 : i32
    %dma_wait3A_100 = tpu.memref_slice %arg2[%dma_wait3A_98, %dma_wait3A_99] : memref<10000x128xf32, #tpu.memory_space<hbm>> -> memref<10000x128xf32, #tpu.memory_space<hbm>>
    tpu.wait_indirect_dma semaphore(%arg25 : memref<!tpu.dma_semaphore, #tpu.memory_space<semaphore_mem>>) src(%dma_wait3A_100 : memref<10000x128xf32, #tpu.memory_space<hbm>>) dst(%arg15 : memref<40x128xf32, #tpu.memory_space<vmem>>)
    %scan3A_101 = arith.constant 0 : i32
    %scan3A_102 = arith.constant 0 : i32
    %scan3A_103 = arith.constant 40 : i32
    %scan3A_104 = arith.addi %scan3A_102, %scan3A_103 : i32
    %scan3A_105 = arith.constant 1 : i32
    scf.for %scan3A_147 = %scan3A_102 to %scan3A_104 step %scan3A_105  : i32 {
      %get3A = arith.index_cast %scan3A_147 : i32 to index
      %get3A_148 = arith.constant 0 : index
      %get3A_149 = tpu.vector_load %arg15[%get3A, %get3A_148] {strides = array<i32>} : memref<40x128xf32, #tpu.memory_space<vmem>>, vector<1x16xf32>,
      %get3A_150 = vector.shape_cast %get3A_149 : vector<1x16xf32> to vector<16xf32>
      %get3A_151 = arith.index_cast %scan3A_147 : i32 to index
      %get3A_152 = arith.constant 0 : index
      %get3A_153 = tpu.vector_load %arg18[%get3A_151, %get3A_152] {strides = array<i32>} : memref<40x128xf32, #tpu.memory_space<vmem>>, vector<1x16xf32>,
      %get3A_154 = vector.shape_cast %get3A_153 : vector<1x16xf32> to vector<16xf32>
      %add3A_155 = arith.addf %get3A_150, %get3A_154 : vector<16xf32>
      %max3A = arith.constant 0.000000e+00 : f32
      %max3A_156 = vector.broadcast %max3A : f32 to vector<16xf32>
      %max3A_157 = arith.maximumf %add3A_155, %max3A_156 : vector<16xf32>
      %swap3A = arith.index_cast %scan3A_147 : i32 to index
      %swap3A_158 = arith.constant 0 : index
      %swap3A_159 = tpu.vector_load %arg15[%swap3A, %swap3A_158] {strides = array<i32>} : memref<40x128xf32, #tpu.memory_space<vmem>>, vector<1x16xf32>,
      %swap3A_160 = vector.shape_cast %swap3A_159 : vector<1x16xf32> to vector<16xf32>
      %swap3A_161 = vector.shape_cast %max3A_157 : vector<16xf32> to vector<1x16xf32>
      tpu.vector_store %arg15[%swap3A, %swap3A_158], %swap3A_161 {strides = array<i32>} : memref<40x128xf32, #tpu.memory_space<vmem>>, vector<1x16xf32>,
      %get3A_162 = arith.index_cast %scan3A_147 : i32 to index
      %get3A_163 = arith.constant 16 : index
      %get3A_164 = tpu.vector_load %arg15[%get3A_162, %get3A_163] {strides = array<i32>} : memref<40x128xf32, #tpu.memory_space<vmem>>, vector<1x16xf32>,
      %get3A_165 = vector.shape_cast %get3A_164 : vector<1x16xf32> to vector<16xf32>
      %get3A_166 = arith.index_cast %scan3A_147 : i32 to index
      %get3A_167 = arith.constant 16 : index
      %get3A_168 = tpu.vector_load %arg18[%get3A_166, %get3A_167] {strides = array<i32>} : memref<40x128xf32, #tpu.memory_space<vmem>>, vector<1x16xf32>,
      %get3A_169 = vector.shape_cast %get3A_168 : vector<1x16xf32> to vector<16xf32>
      %add3A_170 = arith.addf %get3A_165, %get3A_169 : vector<16xf32>
      %max3A_171 = arith.constant 0.000000e+00 : f32
      %max3A_172 = vector.broadcast %max3A_171 : f32 to vector<16xf32>
      %max3A_173 = arith.maximumf %add3A_170, %max3A_172 : vector<16xf32>
      %swap3A_174 = arith.index_cast %scan3A_147 : i32 to index
      %swap3A_175 = arith.constant 16 : index
      %swap3A_176 = tpu.vector_load %arg15[%swap3A_174, %swap3A_175] {strides = array<i32>} : memref<40x128xf32, #tpu.memory_space<vmem>>, vector<1x16xf32>,
      %swap3A_177 = vector.shape_cast %swap3A_176 : vector<1x16xf32> to vector<16xf32>
      %swap3A_178 = vector.shape_cast %max3A_173 : vector<16xf32> to vector<1x16xf32>
      tpu.vector_store %arg15[%swap3A_174, %swap3A_175], %swap3A_178 {strides = array<i32>} : memref<40x128xf32, #tpu.memory_space<vmem>>, vector<1x16xf32>,
      %get3A_179 = arith.index_cast %scan3A_147 : i32 to index
      %get3A_180 = arith.constant 32 : index
      %get3A_181 = tpu.vector_load %arg15[%get3A_179, %get3A_180] {strides = array<i32>} : memref<40x128xf32, #tpu.memory_space<vmem>>, vector<1x16xf32>,
      %get3A_182 = vector.shape_cast %get3A_181 : vector<1x16xf32> to vector<16xf32>
      %get3A_183 = arith.index_cast %scan3A_147 : i32 to index
      %get3A_184 = arith.constant 32 : index
      %get3A_185 = tpu.vector_load %arg18[%get3A_183, %get3A_184] {strides = array<i32>} : memref<40x128xf32, #tpu.memory_space<vmem>>, vector<1x16xf32>,
      %get3A_186 = vector.shape_cast %get3A_185 : vector<1x16xf32> to vector<16xf32>
      %add3A_187 = arith.addf %get3A_182, %get3A_186 : vector<16xf32>
      %max3A_188 = arith.constant 0.000000e+00 : f32
      %max3A_189 = vector.broadcast %max3A_188 : f32 to vector<16xf32>
      %max3A_190 = arith.maximumf %add3A_187, %max3A_189 : vector<16xf32>
      %swap3A_191 = arith.index_cast %scan3A_147 : i32 to index
      %swap3A_192 = arith.constant 32 : index
      %swap3A_193 = tpu.vector_load %arg15[%swap3A_191, %swap3A_192] {strides = array<i32>} : memref<40x128xf32, #tpu.memory_space<vmem>>, vector<1x16xf32>,
      %swap3A_194 = vector.shape_cast %swap3A_193 : vector<1x16xf32> to vector<16xf32>
      %swap3A_195 = vector.shape_cast %max3A_190 : vector<16xf32> to vector<1x16xf32>
      tpu.vector_store %arg15[%swap3A_191, %swap3A_192], %swap3A_195 {strides = array<i32>} : memref<40x128xf32, #tpu.memory_space<vmem>>, vector<1x16xf32>,
      %get3A_196 = arith.index_cast %scan3A_147 : i32 to index
      %get3A_197 = arith.constant 48 : index
      %get3A_198 = tpu.vector_load %arg15[%get3A_196, %get3A_197] {strides = array<i32>} : memref<40x128xf32, #tpu.memory_space<vmem>>, vector<1x16xf32>,
      %get3A_199 = vector.shape_cast %get3A_198 : vector<1x16xf32> to vector<16xf32>
      %get3A_200 = arith.index_cast %scan3A_147 : i32 to index
      %get3A_201 = arith.constant 48 : index
      %get3A_202 = tpu.vector_load %arg18[%get3A_200, %get3A_201] {strides = array<i32>} : memref<40x128xf32, #tpu.memory_space<vmem>>, vector<1x16xf32>,
      %get3A_203 = vector.shape_cast %get3A_202 : vector<1x16xf32> to vector<16xf32>
      %add3A_204 = arith.addf %get3A_199, %get3A_203 : vector<16xf32>
      %max3A_205 = arith.constant 0.000000e+00 : f32
      %max3A_206 = vector.broadcast %max3A_205 : f32 to vector<16xf32>
      %max3A_207 = arith.maximumf %add3A_204, %max3A_206 : vector<16xf32>
      %swap3A_208 = arith.index_cast %scan3A_147 : i32 to index
      %swap3A_209 = arith.constant 48 : index
      %swap3A_210 = tpu.vector_load %arg15[%swap3A_208, %swap3A_209] {strides = array<i32>} : memref<40x128xf32, #tpu.memory_space<vmem>>, vector<1x16xf32>,
      %swap3A_211 = vector.shape_cast %swap3A_210 : vector<1x16xf32> to vector<16xf32>
      %swap3A_212 = vector.shape_cast %max3A_207 : vector<16xf32> to vector<1x16xf32>
      tpu.vector_store %arg15[%swap3A_208, %swap3A_209], %swap3A_212 {strides = array<i32>} : memref<40x128xf32, #tpu.memory_space<vmem>>, vector<1x16xf32>,
      %get3A_213 = arith.index_cast %scan3A_147 : i32 to index
      %get3A_214 = arith.constant 64 : index
      %get3A_215 = tpu.vector_load %arg15[%get3A_213, %get3A_214] {strides = array<i32>} : memref<40x128xf32, #tpu.memory_space<vmem>>, vector<1x16xf32>,
      %get3A_216 = vector.shape_cast %get3A_215 : vector<1x16xf32> to vector<16xf32>
      %get3A_217 = arith.index_cast %scan3A_147 : i32 to index
      %get3A_218 = arith.constant 64 : index
      %get3A_219 = tpu.vector_load %arg18[%get3A_217, %get3A_218] {strides = array<i32>} : memref<40x128xf32, #tpu.memory_space<vmem>>, vector<1x16xf32>,
      %get3A_220 = vector.shape_cast %get3A_219 : vector<1x16xf32> to vector<16xf32>
      %add3A_221 = arith.addf %get3A_216, %get3A_220 : vector<16xf32>
      %max3A_222 = arith.constant 0.000000e+00 : f32
      %max3A_223 = vector.broadcast %max3A_222 : f32 to vector<16xf32>
      %max3A_224 = arith.maximumf %add3A_221, %max3A_223 : vector<16xf32>
      %swap3A_225 = arith.index_cast %scan3A_147 : i32 to index
      %swap3A_226 = arith.constant 64 : index
      %swap3A_227 = tpu.vector_load %arg15[%swap3A_225, %swap3A_226] {strides = array<i32>} : memref<40x128xf32, #tpu.memory_space<vmem>>, vector<1x16xf32>,
      %swap3A_228 = vector.shape_cast %swap3A_227 : vector<1x16xf32> to vector<16xf32>
      %swap3A_229 = vector.shape_cast %max3A_224 : vector<16xf32> to vector<1x16xf32>
      tpu.vector_store %arg15[%swap3A_225, %swap3A_226], %swap3A_229 {strides = array<i32>} : memref<40x128xf32, #tpu.memory_space<vmem>>, vector<1x16xf32>,
      %get3A_230 = arith.index_cast %scan3A_147 : i32 to index
      %get3A_231 = arith.constant 80 : index
      %get3A_232 = tpu.vector_load %arg15[%get3A_230, %get3A_231] {strides = array<i32>} : memref<40x128xf32, #tpu.memory_space<vmem>>, vector<1x16xf32>,
      %get3A_233 = vector.shape_cast %get3A_232 : vector<1x16xf32> to vector<16xf32>
      %get3A_234 = arith.index_cast %scan3A_147 : i32 to index
      %get3A_235 = arith.constant 80 : index
      %get3A_236 = tpu.vector_load %arg18[%get3A_234, %get3A_235] {strides = array<i32>} : memref<40x128xf32, #tpu.memory_space<vmem>>, vector<1x16xf32>,
      %get3A_237 = vector.shape_cast %get3A_236 : vector<1x16xf32> to vector<16xf32>
      %add3A_238 = arith.addf %get3A_233, %get3A_237 : vector<16xf32>
      %max3A_239 = arith.constant 0.000000e+00 : f32
      %max3A_240 = vector.broadcast %max3A_239 : f32 to vector<16xf32>
      %max3A_241 = arith.maximumf %add3A_238, %max3A_240 : vector<16xf32>
      %swap3A_242 = arith.index_cast %scan3A_147 : i32 to index
      %swap3A_243 = arith.constant 80 : index
      %swap3A_244 = tpu.vector_load %arg15[%swap3A_242, %swap3A_243] {strides = array<i32>} : memref<40x128xf32, #tpu.memory_space<vmem>>, vector<1x16xf32>,
      %swap3A_245 = vector.shape_cast %swap3A_244 : vector<1x16xf32> to vector<16xf32>
      %swap3A_246 = vector.shape_cast %max3A_241 : vector<16xf32> to vector<1x16xf32>
      tpu.vector_store %arg15[%swap3A_242, %swap3A_243], %swap3A_246 {strides = array<i32>} : memref<40x128xf32, #tpu.memory_space<vmem>>, vector<1x16xf32>,
      %get3A_247 = arith.index_cast %scan3A_147 : i32 to index
      %get3A_248 = arith.constant 96 : index
      %get3A_249 = tpu.vector_load %arg15[%get3A_247, %get3A_248] {strides = array<i32>} : memref<40x128xf32, #tpu.memory_space<vmem>>, vector<1x16xf32>,
      %get3A_250 = vector.shape_cast %get3A_249 : vector<1x16xf32> to vector<16xf32>
      %get3A_251 = arith.index_cast %scan3A_147 : i32 to index
      %get3A_252 = arith.constant 96 : index
      %get3A_253 = tpu.vector_load %arg18[%get3A_251, %get3A_252] {strides = array<i32>} : memref<40x128xf32, #tpu.memory_space<vmem>>, vector<1x16xf32>,
      %get3A_254 = vector.shape_cast %get3A_253 : vector<1x16xf32> to vector<16xf32>
      %add3A_255 = arith.addf %get3A_250, %get3A_254 : vector<16xf32>
      %max3A_256 = arith.constant 0.000000e+00 : f32
      %max3A_257 = vector.broadcast %max3A_256 : f32 to vector<16xf32>
      %max3A_258 = arith.maximumf %add3A_255, %max3A_257 : vector<16xf32>
      %swap3A_259 = arith.index_cast %scan3A_147 : i32 to index
      %swap3A_260 = arith.constant 96 : index
      %swap3A_261 = tpu.vector_load %arg15[%swap3A_259, %swap3A_260] {strides = array<i32>} : memref<40x128xf32, #tpu.memory_space<vmem>>, vector<1x16xf32>,
      %swap3A_262 = vector.shape_cast %swap3A_261 : vector<1x16xf32> to vector<16xf32>
      %swap3A_263 = vector.shape_cast %max3A_258 : vector<16xf32> to vector<1x16xf32>
      tpu.vector_store %arg15[%swap3A_259, %swap3A_260], %swap3A_263 {strides = array<i32>} : memref<40x128xf32, #tpu.memory_space<vmem>>, vector<1x16xf32>,
      %get3A_264 = arith.index_cast %scan3A_147 : i32 to index
      %get3A_265 = arith.constant 112 : index
      %get3A_266 = tpu.vector_load %arg15[%get3A_264, %get3A_265] {strides = array<i32>} : memref<40x128xf32, #tpu.memory_space<vmem>>, vector<1x16xf32>,
      %get3A_267 = vector.shape_cast %get3A_266 : vector<1x16xf32> to vector<16xf32>
      %get3A_268 = arith.index_cast %scan3A_147 : i32 to index
      %get3A_269 = arith.constant 112 : index
      %get3A_270 = tpu.vector_load %arg18[%get3A_268, %get3A_269] {strides = array<i32>} : memref<40x128xf32, #tpu.memory_space<vmem>>, vector<1x16xf32>,
      %get3A_271 = vector.shape_cast %get3A_270 : vector<1x16xf32> to vector<16xf32>
      %add3A_272 = arith.addf %get3A_267, %get3A_271 : vector<16xf32>
      %max3A_273 = arith.constant 0.000000e+00 : f32
      %max3A_274 = vector.broadcast %max3A_273 : f32 to vector<16xf32>
      %max3A_275 = arith.maximumf %add3A_272, %max3A_274 : vector<16xf32>
      %swap3A_276 = arith.index_cast %scan3A_147 : i32 to index
      %swap3A_277 = arith.constant 112 : index
      %swap3A_278 = tpu.vector_load %arg15[%swap3A_276, %swap3A_277] {strides = array<i32>} : memref<40x128xf32, #tpu.memory_space<vmem>>, vector<1x16xf32>,
      %swap3A_279 = vector.shape_cast %swap3A_278 : vector<1x16xf32> to vector<16xf32>
      %swap3A_280 = vector.shape_cast %max3A_275 : vector<16xf32> to vector<1x16xf32>
      tpu.vector_store %arg15[%swap3A_276, %swap3A_277], %swap3A_280 {strides = array<i32>} : memref<40x128xf32, #tpu.memory_space<vmem>>, vector<1x16xf32>,
    }
    %scan3A_106 = arith.constant 40 : i32
    "tpu.region"() ({
      %run_scoped3A = tpu.sem_alloc : memref<!tpu.dma_semaphore, #tpu.memory_space<semaphore_mem>>
      %dma_start3A_147 = arith.constant 0 : i32
      %dma_start3A_148 = arith.constant 0 : i32
      %dma_start3A_149 = tpu.memref_slice %arg20[%dma_start3A_147, %dma_start3A_148] : memref<10000x128xf32, #tpu.memory_space<vmem_shared>> -> memref<10000x128xf32, #tpu.memory_space<vmem_shared>>
      tpu.enqueue_indirect_dma source(%arg15 : memref<40x128xf32, #tpu.memory_space<vmem>>) target(%dma_start3A_149 : memref<10000x128xf32, #tpu.memory_space<vmem_shared>>) offsets(%arg12 : memref<40xi32, #tpu.memory_space<vmem>>) semaphore(%run_scoped3A : memref<!tpu.dma_semaphore, #tpu.memory_space<semaphore_mem>>) {add = true}
      %dma_wait3A_150 = arith.constant 0 : i32
      %dma_wait3A_151 = arith.constant 0 : i32
      %dma_wait3A_152 = tpu.memref_slice %arg20[%dma_wait3A_150, %dma_wait3A_151] : memref<10000x128xf32, #tpu.memory_space<vmem_shared>> -> memref<10000x128xf32, #tpu.memory_space<vmem_shared>>
      tpu.wait_indirect_dma semaphore(%run_scoped3A : memref<!tpu.dma_semaphore, #tpu.memory_space<semaphore_mem>>) src(%arg15 : memref<40x128xf32, #tpu.memory_space<vmem>>) dst(%dma_wait3A_152 : memref<10000x128xf32, #tpu.memory_space<vmem_shared>>)
      tpu.yield
    }) : () -> ()
    %add3A_107 = arith.constant 9960 : i32
    %add3A_108 = arith.addi %add3A, %add3A_107 : i32
    %dma_wait3A_109 = tpu.memref_slice %arg4[%add3A_108] : memref<320000xi32, #tpu.memory_space<hbm>> -> memref<40xi32, #tpu.memory_space<hbm>>
    %dma_wait3A_110 = tpu.memref_slice %arg4[%add3A_108] : memref<320000xi32, #tpu.memory_space<hbm>> -> memref<40xi32, #tpu.memory_space<hbm>>
    tpu.wait_dma2 semaphore(%arg21 : memref<!tpu.dma_semaphore, #tpu.memory_space<semaphore_mem>>) src(%dma_wait3A_110 : memref<40xi32, #tpu.memory_space<hbm>>) dst(%arg8 : memref<40xi32, #tpu.memory_space<vmem>>)
    %dma_wait3A_111 = tpu.memref_slice %arg5[%add3A_108] : memref<320000xi32, #tpu.memory_space<hbm>> -> memref<40xi32, #tpu.memory_space<hbm>>
    %dma_wait3A_112 = tpu.memref_slice %arg5[%add3A_108] : memref<320000xi32, #tpu.memory_space<hbm>> -> memref<40xi32, #tpu.memory_space<hbm>>
    tpu.wait_dma2 semaphore(%arg21 : memref<!tpu.dma_semaphore, #tpu.memory_space<semaphore_mem>>) src(%dma_wait3A_112 : memref<40xi32, #tpu.memory_space<hbm>>) dst(%arg11 : memref<40xi32, #tpu.memory_space<vmem>>)
    %dma_wait3A_113 = arith.constant 0 : i32
    %dma_wait3A_114 = tpu.memref_slice %arg3[%add3A_108, %dma_wait3A_113] : memref<320000x128xf32, #tpu.memory_space<hbm>> -> memref<40x128xf32, #tpu.memory_space<hbm>>
    %dma_wait3A_115 = arith.constant 0 : i32
    %dma_wait3A_116 = tpu.memref_slice %arg3[%add3A_108, %dma_wait3A_115] : memref<320000x128xf32, #tpu.memory_space<hbm>> -> memref<40x128xf32, #tpu.memory_space<hbm>>
    tpu.wait_dma2 semaphore(%arg21 : memref<!tpu.dma_semaphore, #tpu.memory_space<semaphore_mem>>) src(%dma_wait3A_116 : memref<40x128xf32, #tpu.memory_space<hbm>>) dst(%arg17 : memref<40x128xf32, #tpu.memory_space<vmem>>)
    %dma_start3A_117 = arith.constant 0 : i32
    %dma_start3A_118 = arith.constant 0 : i32
    %dma_start3A_119 = tpu.memref_slice %arg2[%dma_start3A_117, %dma_start3A_118] : memref<10000x128xf32, #tpu.memory_space<hbm>> -> memref<10000x128xf32, #tpu.memory_space<hbm>>
    tpu.enqueue_indirect_dma source(%dma_start3A_119 : memref<10000x128xf32, #tpu.memory_space<hbm>>) target(%arg14 : memref<40x128xf32, #tpu.memory_space<vmem>>) offsets(%arg8 : memref<40xi32, #tpu.memory_space<vmem>>) semaphore(%arg24 : memref<!tpu.dma_semaphore, #tpu.memory_space<semaphore_mem>>)
    %dma_wait3A_120 = arith.constant 0 : i32
    %dma_wait3A_121 = arith.constant 0 : i32
    %dma_wait3A_122 = tpu.memref_slice %arg2[%dma_wait3A_120, %dma_wait3A_121] : memref<10000x128xf32, #tpu.memory_space<hbm>> -> memref<10000x128xf32, #tpu.memory_space<hbm>>
    tpu.wait_indirect_dma semaphore(%arg26 : memref<!tpu.dma_semaphore, #tpu.memory_space<semaphore_mem>>) src(%dma_wait3A_122 : memref<10000x128xf32, #tpu.memory_space<hbm>>) dst(%arg16 : memref<40x128xf32, #tpu.memory_space<vmem>>)
    %scan3A_123 = arith.constant 0 : i32
    %scan3A_124 = arith.constant 0 : i32
    %scan3A_125 = arith.constant 40 : i32
    %scan3A_126 = arith.addi %scan3A_124, %scan3A_125 : i32
    %scan3A_127 = arith.constant 1 : i32
    scf.for %scan3A_147 = %scan3A_124 to %scan3A_126 step %scan3A_127  : i32 {
      %get3A = arith.index_cast %scan3A_147 : i32 to index
      %get3A_148 = arith.constant 0 : index
      %get3A_149 = tpu.vector_load %arg16[%get3A, %get3A_148] {strides = array<i32>} : memref<40x128xf32, #tpu.memory_space<vmem>>, vector<1x16xf32>,
      %get3A_150 = vector.shape_cast %get3A_149 : vector<1x16xf32> to vector<16xf32>
      %get3A_151 = arith.index_cast %scan3A_147 : i32 to index
      %get3A_152 = arith.constant 0 : index
      %get3A_153 = tpu.vector_load %arg19[%get3A_151, %get3A_152] {strides = array<i32>} : memref<40x128xf32, #tpu.memory_space<vmem>>, vector<1x16xf32>,
      %get3A_154 = vector.shape_cast %get3A_153 : vector<1x16xf32> to vector<16xf32>
      %add3A_155 = arith.addf %get3A_150, %get3A_154 : vector<16xf32>
      %max3A = arith.constant 0.000000e+00 : f32
      %max3A_156 = vector.broadcast %max3A : f32 to vector<16xf32>
      %max3A_157 = arith.maximumf %add3A_155, %max3A_156 : vector<16xf32>
      %swap3A = arith.index_cast %scan3A_147 : i32 to index
      %swap3A_158 = arith.constant 0 : index
      %swap3A_159 = tpu.vector_load %arg16[%swap3A, %swap3A_158] {strides = array<i32>} : memref<40x128xf32, #tpu.memory_space<vmem>>, vector<1x16xf32>,
      %swap3A_160 = vector.shape_cast %swap3A_159 : vector<1x16xf32> to vector<16xf32>
      %swap3A_161 = vector.shape_cast %max3A_157 : vector<16xf32> to vector<1x16xf32>
      tpu.vector_store %arg16[%swap3A, %swap3A_158], %swap3A_161 {strides = array<i32>} : memref<40x128xf32, #tpu.memory_space<vmem>>, vector<1x16xf32>,
      %get3A_162 = arith.index_cast %scan3A_147 : i32 to index
      %get3A_163 = arith.constant 16 : index
      %get3A_164 = tpu.vector_load %arg16[%get3A_162, %get3A_163] {strides = array<i32>} : memref<40x128xf32, #tpu.memory_space<vmem>>, vector<1x16xf32>,
      %get3A_165 = vector.shape_cast %get3A_164 : vector<1x16xf32> to vector<16xf32>
      %get3A_166 = arith.index_cast %scan3A_147 : i32 to index
      %get3A_167 = arith.constant 16 : index
      %get3A_168 = tpu.vector_load %arg19[%get3A_166, %get3A_167] {strides = array<i32>} : memref<40x128xf32, #tpu.memory_space<vmem>>, vector<1x16xf32>,
      %get3A_169 = vector.shape_cast %get3A_168 : vector<1x16xf32> to vector<16xf32>
      %add3A_170 = arith.addf %get3A_165, %get3A_169 : vector<16xf32>
      %max3A_171 = arith.constant 0.000000e+00 : f32
      %max3A_172 = vector.broadcast %max3A_171 : f32 to vector<16xf32>
      %max3A_173 = arith.maximumf %add3A_170, %max3A_172 : vector<16xf32>
      %swap3A_174 = arith.index_cast %scan3A_147 : i32 to index
      %swap3A_175 = arith.constant 16 : index
      %swap3A_176 = tpu.vector_load %arg16[%swap3A_174, %swap3A_175] {strides = array<i32>} : memref<40x128xf32, #tpu.memory_space<vmem>>, vector<1x16xf32>,
      %swap3A_177 = vector.shape_cast %swap3A_176 : vector<1x16xf32> to vector<16xf32>
      %swap3A_178 = vector.shape_cast %max3A_173 : vector<16xf32> to vector<1x16xf32>
      tpu.vector_store %arg16[%swap3A_174, %swap3A_175], %swap3A_178 {strides = array<i32>} : memref<40x128xf32, #tpu.memory_space<vmem>>, vector<1x16xf32>,
      %get3A_179 = arith.index_cast %scan3A_147 : i32 to index
      %get3A_180 = arith.constant 32 : index
      %get3A_181 = tpu.vector_load %arg16[%get3A_179, %get3A_180] {strides = array<i32>} : memref<40x128xf32, #tpu.memory_space<vmem>>, vector<1x16xf32>,
      %get3A_182 = vector.shape_cast %get3A_181 : vector<1x16xf32> to vector<16xf32>
      %get3A_183 = arith.index_cast %scan3A_147 : i32 to index
      %get3A_184 = arith.constant 32 : index
      %get3A_185 = tpu.vector_load %arg19[%get3A_183, %get3A_184] {strides = array<i32>} : memref<40x128xf32, #tpu.memory_space<vmem>>, vector<1x16xf32>,
      %get3A_186 = vector.shape_cast %get3A_185 : vector<1x16xf32> to vector<16xf32>
      %add3A_187 = arith.addf %get3A_182, %get3A_186 : vector<16xf32>
      %max3A_188 = arith.constant 0.000000e+00 : f32
      %max3A_189 = vector.broadcast %max3A_188 : f32 to vector<16xf32>
      %max3A_190 = arith.maximumf %add3A_187, %max3A_189 : vector<16xf32>
      %swap3A_191 = arith.index_cast %scan3A_147 : i32 to index
      %swap3A_192 = arith.constant 32 : index
      %swap3A_193 = tpu.vector_load %arg16[%swap3A_191, %swap3A_192] {strides = array<i32>} : memref<40x128xf32, #tpu.memory_space<vmem>>, vector<1x16xf32>,
      %swap3A_194 = vector.shape_cast %swap3A_193 : vector<1x16xf32> to vector<16xf32>
      %swap3A_195 = vector.shape_cast %max3A_190 : vector<16xf32> to vector<1x16xf32>
      tpu.vector_store %arg16[%swap3A_191, %swap3A_192], %swap3A_195 {strides = array<i32>} : memref<40x128xf32, #tpu.memory_space<vmem>>, vector<1x16xf32>,
      %get3A_196 = arith.index_cast %scan3A_147 : i32 to index
      %get3A_197 = arith.constant 48 : index
      %get3A_198 = tpu.vector_load %arg16[%get3A_196, %get3A_197] {strides = array<i32>} : memref<40x128xf32, #tpu.memory_space<vmem>>, vector<1x16xf32>,
      %get3A_199 = vector.shape_cast %get3A_198 : vector<1x16xf32> to vector<16xf32>
      %get3A_200 = arith.index_cast %scan3A_147 : i32 to index
      %get3A_201 = arith.constant 48 : index
      %get3A_202 = tpu.vector_load %arg19[%get3A_200, %get3A_201] {strides = array<i32>} : memref<40x128xf32, #tpu.memory_space<vmem>>, vector<1x16xf32>,
      %get3A_203 = vector.shape_cast %get3A_202 : vector<1x16xf32> to vector<16xf32>
      %add3A_204 = arith.addf %get3A_199, %get3A_203 : vector<16xf32>
      %max3A_205 = arith.constant 0.000000e+00 : f32
      %max3A_206 = vector.broadcast %max3A_205 : f32 to vector<16xf32>
      %max3A_207 = arith.maximumf %add3A_204, %max3A_206 : vector<16xf32>
      %swap3A_208 = arith.index_cast %scan3A_147 : i32 to index
      %swap3A_209 = arith.constant 48 : index
      %swap3A_210 = tpu.vector_load %arg16[%swap3A_208, %swap3A_209] {strides = array<i32>} : memref<40x128xf32, #tpu.memory_space<vmem>>, vector<1x16xf32>,
      %swap3A_211 = vector.shape_cast %swap3A_210 : vector<1x16xf32> to vector<16xf32>
      %swap3A_212 = vector.shape_cast %max3A_207 : vector<16xf32> to vector<1x16xf32>
      tpu.vector_store %arg16[%swap3A_208, %swap3A_209], %swap3A_212 {strides = array<i32>} : memref<40x128xf32, #tpu.memory_space<vmem>>, vector<1x16xf32>,
      %get3A_213 = arith.index_cast %scan3A_147 : i32 to index
      %get3A_214 = arith.constant 64 : index
      %get3A_215 = tpu.vector_load %arg16[%get3A_213, %get3A_214] {strides = array<i32>} : memref<40x128xf32, #tpu.memory_space<vmem>>, vector<1x16xf32>,
      %get3A_216 = vector.shape_cast %get3A_215 : vector<1x16xf32> to vector<16xf32>
      %get3A_217 = arith.index_cast %scan3A_147 : i32 to index
      %get3A_218 = arith.constant 64 : index
      %get3A_219 = tpu.vector_load %arg19[%get3A_217, %get3A_218] {strides = array<i32>} : memref<40x128xf32, #tpu.memory_space<vmem>>, vector<1x16xf32>,
      %get3A_220 = vector.shape_cast %get3A_219 : vector<1x16xf32> to vector<16xf32>
      %add3A_221 = arith.addf %get3A_216, %get3A_220 : vector<16xf32>
      %max3A_222 = arith.constant 0.000000e+00 : f32
      %max3A_223 = vector.broadcast %max3A_222 : f32 to vector<16xf32>
      %max3A_224 = arith.maximumf %add3A_221, %max3A_223 : vector<16xf32>
      %swap3A_225 = arith.index_cast %scan3A_147 : i32 to index
      %swap3A_226 = arith.constant 64 : index
      %swap3A_227 = tpu.vector_load %arg16[%swap3A_225, %swap3A_226] {strides = array<i32>} : memref<40x128xf32, #tpu.memory_space<vmem>>, vector<1x16xf32>,
      %swap3A_228 = vector.shape_cast %swap3A_227 : vector<1x16xf32> to vector<16xf32>
      %swap3A_229 = vector.shape_cast %max3A_224 : vector<16xf32> to vector<1x16xf32>
      tpu.vector_store %arg16[%swap3A_225, %swap3A_226], %swap3A_229 {strides = array<i32>} : memref<40x128xf32, #tpu.memory_space<vmem>>, vector<1x16xf32>,
      %get3A_230 = arith.index_cast %scan3A_147 : i32 to index
      %get3A_231 = arith.constant 80 : index
      %get3A_232 = tpu.vector_load %arg16[%get3A_230, %get3A_231] {strides = array<i32>} : memref<40x128xf32, #tpu.memory_space<vmem>>, vector<1x16xf32>,
      %get3A_233 = vector.shape_cast %get3A_232 : vector<1x16xf32> to vector<16xf32>
      %get3A_234 = arith.index_cast %scan3A_147 : i32 to index
      %get3A_235 = arith.constant 80 : index
      %get3A_236 = tpu.vector_load %arg19[%get3A_234, %get3A_235] {strides = array<i32>} : memref<40x128xf32, #tpu.memory_space<vmem>>, vector<1x16xf32>,
      %get3A_237 = vector.shape_cast %get3A_236 : vector<1x16xf32> to vector<16xf32>
      %add3A_238 = arith.addf %get3A_233, %get3A_237 : vector<16xf32>
      %max3A_239 = arith.constant 0.000000e+00 : f32
      %max3A_240 = vector.broadcast %max3A_239 : f32 to vector<16xf32>
      %max3A_241 = arith.maximumf %add3A_238, %max3A_240 : vector<16xf32>
      %swap3A_242 = arith.index_cast %scan3A_147 : i32 to index
      %swap3A_243 = arith.constant 80 : index
      %swap3A_244 = tpu.vector_load %arg16[%swap3A_242, %swap3A_243] {strides = array<i32>} : memref<40x128xf32, #tpu.memory_space<vmem>>, vector<1x16xf32>,
      %swap3A_245 = vector.shape_cast %swap3A_244 : vector<1x16xf32> to vector<16xf32>
      %swap3A_246 = vector.shape_cast %max3A_241 : vector<16xf32> to vector<1x16xf32>
      tpu.vector_store %arg16[%swap3A_242, %swap3A_243], %swap3A_246 {strides = array<i32>} : memref<40x128xf32, #tpu.memory_space<vmem>>, vector<1x16xf32>,
      %get3A_247 = arith.index_cast %scan3A_147 : i32 to index
      %get3A_248 = arith.constant 96 : index
      %get3A_249 = tpu.vector_load %arg16[%get3A_247, %get3A_248] {strides = array<i32>} : memref<40x128xf32, #tpu.memory_space<vmem>>, vector<1x16xf32>,
      %get3A_250 = vector.shape_cast %get3A_249 : vector<1x16xf32> to vector<16xf32>
      %get3A_251 = arith.index_cast %scan3A_147 : i32 to index
      %get3A_252 = arith.constant 96 : index
      %get3A_253 = tpu.vector_load %arg19[%get3A_251, %get3A_252] {strides = array<i32>} : memref<40x128xf32, #tpu.memory_space<vmem>>, vector<1x16xf32>,
      %get3A_254 = vector.shape_cast %get3A_253 : vector<1x16xf32> to vector<16xf32>
      %add3A_255 = arith.addf %get3A_250, %get3A_254 : vector<16xf32>
      %max3A_256 = arith.constant 0.000000e+00 : f32
      %max3A_257 = vector.broadcast %max3A_256 : f32 to vector<16xf32>
      %max3A_258 = arith.maximumf %add3A_255, %max3A_257 : vector<16xf32>
      %swap3A_259 = arith.index_cast %scan3A_147 : i32 to index
      %swap3A_260 = arith.constant 96 : index
      %swap3A_261 = tpu.vector_load %arg16[%swap3A_259, %swap3A_260] {strides = array<i32>} : memref<40x128xf32, #tpu.memory_space<vmem>>, vector<1x16xf32>,
      %swap3A_262 = vector.shape_cast %swap3A_261 : vector<1x16xf32> to vector<16xf32>
      %swap3A_263 = vector.shape_cast %max3A_258 : vector<16xf32> to vector<1x16xf32>
      tpu.vector_store %arg16[%swap3A_259, %swap3A_260], %swap3A_263 {strides = array<i32>} : memref<40x128xf32, #tpu.memory_space<vmem>>, vector<1x16xf32>,
      %get3A_264 = arith.index_cast %scan3A_147 : i32 to index
      %get3A_265 = arith.constant 112 : index
      %get3A_266 = tpu.vector_load %arg16[%get3A_264, %get3A_265] {strides = array<i32>} : memref<40x128xf32, #tpu.memory_space<vmem>>, vector<1x16xf32>,
      %get3A_267 = vector.shape_cast %get3A_266 : vector<1x16xf32> to vector<16xf32>
      %get3A_268 = arith.index_cast %scan3A_147 : i32 to index
      %get3A_269 = arith.constant 112 : index
      %get3A_270 = tpu.vector_load %arg19[%get3A_268, %get3A_269] {strides = array<i32>} : memref<40x128xf32, #tpu.memory_space<vmem>>, vector<1x16xf32>,
      %get3A_271 = vector.shape_cast %get3A_270 : vector<1x16xf32> to vector<16xf32>
      %add3A_272 = arith.addf %get3A_267, %get3A_271 : vector<16xf32>
      %max3A_273 = arith.constant 0.000000e+00 : f32
      %max3A_274 = vector.broadcast %max3A_273 : f32 to vector<16xf32>
      %max3A_275 = arith.maximumf %add3A_272, %max3A_274 : vector<16xf32>
      %swap3A_276 = arith.index_cast %scan3A_147 : i32 to index
      %swap3A_277 = arith.constant 112 : index
      %swap3A_278 = tpu.vector_load %arg16[%swap3A_276, %swap3A_277] {strides = array<i32>} : memref<40x128xf32, #tpu.memory_space<vmem>>, vector<1x16xf32>,
      %swap3A_279 = vector.shape_cast %swap3A_278 : vector<1x16xf32> to vector<16xf32>
      %swap3A_280 = vector.shape_cast %max3A_275 : vector<16xf32> to vector<1x16xf32>
      tpu.vector_store %arg16[%swap3A_276, %swap3A_277], %swap3A_280 {strides = array<i32>} : memref<40x128xf32, #tpu.memory_space<vmem>>, vector<1x16xf32>,
    }
    %scan3A_128 = arith.constant 40 : i32
    "tpu.region"() ({
      %run_scoped3A = tpu.sem_alloc : memref<!tpu.dma_semaphore, #tpu.memory_space<semaphore_mem>>
      %dma_start3A_147 = arith.constant 0 : i32
      %dma_start3A_148 = arith.constant 0 : i32
      %dma_start3A_149 = tpu.memref_slice %arg20[%dma_start3A_147, %dma_start3A_148] : memref<10000x128xf32, #tpu.memory_space<vmem_shared>> -> memref<10000x128xf32, #tpu.memory_space<vmem_shared>>
      tpu.enqueue_indirect_dma source(%arg16 : memref<40x128xf32, #tpu.memory_space<vmem>>) target(%dma_start3A_149 : memref<10000x128xf32, #tpu.memory_space<vmem_shared>>) offsets(%arg13 : memref<40xi32, #tpu.memory_space<vmem>>) semaphore(%run_scoped3A : memref<!tpu.dma_semaphore, #tpu.memory_space<semaphore_mem>>) {add = true}
      %dma_wait3A_150 = arith.constant 0 : i32
      %dma_wait3A_151 = arith.constant 0 : i32
      %dma_wait3A_152 = tpu.memref_slice %arg20[%dma_wait3A_150, %dma_wait3A_151] : memref<10000x128xf32, #tpu.memory_space<vmem_shared>> -> memref<10000x128xf32, #tpu.memory_space<vmem_shared>>
      tpu.wait_indirect_dma semaphore(%run_scoped3A : memref<!tpu.dma_semaphore, #tpu.memory_space<semaphore_mem>>) src(%arg16 : memref<40x128xf32, #tpu.memory_space<vmem>>) dst(%dma_wait3A_152 : memref<10000x128xf32, #tpu.memory_space<vmem_shared>>)
      tpu.yield
    }) : () -> ()
    %dma_wait3A_129 = arith.constant 0 : i32
    %dma_wait3A_130 = arith.constant 0 : i32
    %dma_wait3A_131 = tpu.memref_slice %arg2[%dma_wait3A_129, %dma_wait3A_130] : memref<10000x128xf32, #tpu.memory_space<hbm>> -> memref<10000x128xf32, #tpu.memory_space<hbm>>
    tpu.wait_indirect_dma semaphore(%arg24 : memref<!tpu.dma_semaphore, #tpu.memory_space<semaphore_mem>>) src(%dma_wait3A_131 : memref<10000x128xf32, #tpu.memory_space<hbm>>) dst(%arg14 : memref<40x128xf32, #tpu.memory_space<vmem>>)
    %scan3A_132 = arith.constant 0 : i32
    %scan3A_133 = arith.constant 0 : i32
    %scan3A_134 = arith.constant 40 : i32
    %scan3A_135 = arith.addi %scan3A_133, %scan3A_134 : i32
    %scan3A_136 = arith.constant 1 : i32
    scf.for %scan3A_147 = %scan3A_133 to %scan3A_135 step %scan3A_136  : i32 {
      %get3A = arith.index_cast %scan3A_147 : i32 to index
      %get3A_148 = arith.constant 0 : index
      %get3A_149 = tpu.vector_load %arg14[%get3A, %get3A_148] {strides = array<i32>} : memref<40x128xf32, #tpu.memory_space<vmem>>, vector<1x16xf32>,
      %get3A_150 = vector.shape_cast %get3A_149 : vector<1x16xf32> to vector<16xf32>
      %get3A_151 = arith.index_cast %scan3A_147 : i32 to index
      %get3A_152 = arith.constant 0 : index
      %get3A_153 = tpu.vector_load %arg17[%get3A_151, %get3A_152] {strides = array<i32>} : memref<40x128xf32, #tpu.memory_space<vmem>>, vector<1x16xf32>,
      %get3A_154 = vector.shape_cast %get3A_153 : vector<1x16xf32> to vector<16xf32>
      %add3A_155 = arith.addf %get3A_150, %get3A_154 : vector<16xf32>
      %max3A = arith.constant 0.000000e+00 : f32
      %max3A_156 = vector.broadcast %max3A : f32 to vector<16xf32>
      %max3A_157 = arith.maximumf %add3A_155, %max3A_156 : vector<16xf32>
      %swap3A = arith.index_cast %scan3A_147 : i32 to index
      %swap3A_158 = arith.constant 0 : index
      %swap3A_159 = tpu.vector_load %arg14[%swap3A, %swap3A_158] {strides = array<i32>} : memref<40x128xf32, #tpu.memory_space<vmem>>, vector<1x16xf32>,
      %swap3A_160 = vector.shape_cast %swap3A_159 : vector<1x16xf32> to vector<16xf32>
      %swap3A_161 = vector.shape_cast %max3A_157 : vector<16xf32> to vector<1x16xf32>
      tpu.vector_store %arg14[%swap3A, %swap3A_158], %swap3A_161 {strides = array<i32>} : memref<40x128xf32, #tpu.memory_space<vmem>>, vector<1x16xf32>,
      %get3A_162 = arith.index_cast %scan3A_147 : i32 to index
      %get3A_163 = arith.constant 16 : index
      %get3A_164 = tpu.vector_load %arg14[%get3A_162, %get3A_163] {strides = array<i32>} : memref<40x128xf32, #tpu.memory_space<vmem>>, vector<1x16xf32>,
      %get3A_165 = vector.shape_cast %get3A_164 : vector<1x16xf32> to vector<16xf32>
      %get3A_166 = arith.index_cast %scan3A_147 : i32 to index
      %get3A_167 = arith.constant 16 : index
      %get3A_168 = tpu.vector_load %arg17[%get3A_166, %get3A_167] {strides = array<i32>} : memref<40x128xf32, #tpu.memory_space<vmem>>, vector<1x16xf32>,
      %get3A_169 = vector.shape_cast %get3A_168 : vector<1x16xf32> to vector<16xf32>
      %add3A_170 = arith.addf %get3A_165, %get3A_169 : vector<16xf32>
      %max3A_171 = arith.constant 0.000000e+00 : f32
      %max3A_172 = vector.broadcast %max3A_171 : f32 to vector<16xf32>
      %max3A_173 = arith.maximumf %add3A_170, %max3A_172 : vector<16xf32>
      %swap3A_174 = arith.index_cast %scan3A_147 : i32 to index
      %swap3A_175 = arith.constant 16 : index
      %swap3A_176 = tpu.vector_load %arg14[%swap3A_174, %swap3A_175] {strides = array<i32>} : memref<40x128xf32, #tpu.memory_space<vmem>>, vector<1x16xf32>,
      %swap3A_177 = vector.shape_cast %swap3A_176 : vector<1x16xf32> to vector<16xf32>
      %swap3A_178 = vector.shape_cast %max3A_173 : vector<16xf32> to vector<1x16xf32>
      tpu.vector_store %arg14[%swap3A_174, %swap3A_175], %swap3A_178 {strides = array<i32>} : memref<40x128xf32, #tpu.memory_space<vmem>>, vector<1x16xf32>,
      %get3A_179 = arith.index_cast %scan3A_147 : i32 to index
      %get3A_180 = arith.constant 32 : index
      %get3A_181 = tpu.vector_load %arg14[%get3A_179, %get3A_180] {strides = array<i32>} : memref<40x128xf32, #tpu.memory_space<vmem>>, vector<1x16xf32>,
      %get3A_182 = vector.shape_cast %get3A_181 : vector<1x16xf32> to vector<16xf32>
      %get3A_183 = arith.index_cast %scan3A_147 : i32 to index
      %get3A_184 = arith.constant 32 : index
      %get3A_185 = tpu.vector_load %arg17[%get3A_183, %get3A_184] {strides = array<i32>} : memref<40x128xf32, #tpu.memory_space<vmem>>, vector<1x16xf32>,
      %get3A_186 = vector.shape_cast %get3A_185 : vector<1x16xf32> to vector<16xf32>
      %add3A_187 = arith.addf %get3A_182, %get3A_186 : vector<16xf32>
      %max3A_188 = arith.constant 0.000000e+00 : f32
      %max3A_189 = vector.broadcast %max3A_188 : f32 to vector<16xf32>
      %max3A_190 = arith.maximumf %add3A_187, %max3A_189 : vector<16xf32>
      %swap3A_191 = arith.index_cast %scan3A_147 : i32 to index
      %swap3A_192 = arith.constant 32 : index
      %swap3A_193 = tpu.vector_load %arg14[%swap3A_191, %swap3A_192] {strides = array<i32>} : memref<40x128xf32, #tpu.memory_space<vmem>>, vector<1x16xf32>,
      %swap3A_194 = vector.shape_cast %swap3A_193 : vector<1x16xf32> to vector<16xf32>
      %swap3A_195 = vector.shape_cast %max3A_190 : vector<16xf32> to vector<1x16xf32>
      tpu.vector_store %arg14[%swap3A_191, %swap3A_192], %swap3A_195 {strides = array<i32>} : memref<40x128xf32, #tpu.memory_space<vmem>>, vector<1x16xf32>,
      %get3A_196 = arith.index_cast %scan3A_147 : i32 to index
      %get3A_197 = arith.constant 48 : index
      %get3A_198 = tpu.vector_load %arg14[%get3A_196, %get3A_197] {strides = array<i32>} : memref<40x128xf32, #tpu.memory_space<vmem>>, vector<1x16xf32>,
      %get3A_199 = vector.shape_cast %get3A_198 : vector<1x16xf32> to vector<16xf32>
      %get3A_200 = arith.index_cast %scan3A_147 : i32 to index
      %get3A_201 = arith.constant 48 : index
      %get3A_202 = tpu.vector_load %arg17[%get3A_200, %get3A_201] {strides = array<i32>} : memref<40x128xf32, #tpu.memory_space<vmem>>, vector<1x16xf32>,
      %get3A_203 = vector.shape_cast %get3A_202 : vector<1x16xf32> to vector<16xf32>
      %add3A_204 = arith.addf %get3A_199, %get3A_203 : vector<16xf32>
      %max3A_205 = arith.constant 0.000000e+00 : f32
      %max3A_206 = vector.broadcast %max3A_205 : f32 to vector<16xf32>
      %max3A_207 = arith.maximumf %add3A_204, %max3A_206 : vector<16xf32>
      %swap3A_208 = arith.index_cast %scan3A_147 : i32 to index
      %swap3A_209 = arith.constant 48 : index
      %swap3A_210 = tpu.vector_load %arg14[%swap3A_208, %swap3A_209] {strides = array<i32>} : memref<40x128xf32, #tpu.memory_space<vmem>>, vector<1x16xf32>,
      %swap3A_211 = vector.shape_cast %swap3A_210 : vector<1x16xf32> to vector<16xf32>
      %swap3A_212 = vector.shape_cast %max3A_207 : vector<16xf32> to vector<1x16xf32>
      tpu.vector_store %arg14[%swap3A_208, %swap3A_209], %swap3A_212 {strides = array<i32>} : memref<40x128xf32, #tpu.memory_space<vmem>>, vector<1x16xf32>,
      %get3A_213 = arith.index_cast %scan3A_147 : i32 to index
      %get3A_214 = arith.constant 64 : index
      %get3A_215 = tpu.vector_load %arg14[%get3A_213, %get3A_214] {strides = array<i32>} : memref<40x128xf32, #tpu.memory_space<vmem>>, vector<1x16xf32>,
      %get3A_216 = vector.shape_cast %get3A_215 : vector<1x16xf32> to vector<16xf32>
      %get3A_217 = arith.index_cast %scan3A_147 : i32 to index
      %get3A_218 = arith.constant 64 : index
      %get3A_219 = tpu.vector_load %arg17[%get3A_217, %get3A_218] {strides = array<i32>} : memref<40x128xf32, #tpu.memory_space<vmem>>, vector<1x16xf32>,
      %get3A_220 = vector.shape_cast %get3A_219 : vector<1x16xf32> to vector<16xf32>
      %add3A_221 = arith.addf %get3A_216, %get3A_220 : vector<16xf32>
      %max3A_222 = arith.constant 0.000000e+00 : f32
      %max3A_223 = vector.broadcast %max3A_222 : f32 to vector<16xf32>
      %max3A_224 = arith.maximumf %add3A_221, %max3A_223 : vector<16xf32>
      %swap3A_225 = arith.index_cast %scan3A_147 : i32 to index
      %swap3A_226 = arith.constant 64 : index
      %swap3A_227 = tpu.vector_load %arg14[%swap3A_225, %swap3A_226] {strides = array<i32>} : memref<40x128xf32, #tpu.memory_space<vmem>>, vector<1x16xf32>,
      %swap3A_228 = vector.shape_cast %swap3A_227 : vector<1x16xf32> to vector<16xf32>
      %swap3A_229 = vector.shape_cast %max3A_224 : vector<16xf32> to vector<1x16xf32>
      tpu.vector_store %arg14[%swap3A_225, %swap3A_226], %swap3A_229 {strides = array<i32>} : memref<40x128xf32, #tpu.memory_space<vmem>>, vector<1x16xf32>,
      %get3A_230 = arith.index_cast %scan3A_147 : i32 to index
      %get3A_231 = arith.constant 80 : index
      %get3A_232 = tpu.vector_load %arg14[%get3A_230, %get3A_231] {strides = array<i32>} : memref<40x128xf32, #tpu.memory_space<vmem>>, vector<1x16xf32>,
      %get3A_233 = vector.shape_cast %get3A_232 : vector<1x16xf32> to vector<16xf32>
      %get3A_234 = arith.index_cast %scan3A_147 : i32 to index
      %get3A_235 = arith.constant 80 : index
      %get3A_236 = tpu.vector_load %arg17[%get3A_234, %get3A_235] {strides = array<i32>} : memref<40x128xf32, #tpu.memory_space<vmem>>, vector<1x16xf32>,
      %get3A_237 = vector.shape_cast %get3A_236 : vector<1x16xf32> to vector<16xf32>
      %add3A_238 = arith.addf %get3A_233, %get3A_237 : vector<16xf32>
      %max3A_239 = arith.constant 0.000000e+00 : f32
      %max3A_240 = vector.broadcast %max3A_239 : f32 to vector<16xf32>
      %max3A_241 = arith.maximumf %add3A_238, %max3A_240 : vector<16xf32>
      %swap3A_242 = arith.index_cast %scan3A_147 : i32 to index
      %swap3A_243 = arith.constant 80 : index
      %swap3A_244 = tpu.vector_load %arg14[%swap3A_242, %swap3A_243] {strides = array<i32>} : memref<40x128xf32, #tpu.memory_space<vmem>>, vector<1x16xf32>,
      %swap3A_245 = vector.shape_cast %swap3A_244 : vector<1x16xf32> to vector<16xf32>
      %swap3A_246 = vector.shape_cast %max3A_241 : vector<16xf32> to vector<1x16xf32>
      tpu.vector_store %arg14[%swap3A_242, %swap3A_243], %swap3A_246 {strides = array<i32>} : memref<40x128xf32, #tpu.memory_space<vmem>>, vector<1x16xf32>,
      %get3A_247 = arith.index_cast %scan3A_147 : i32 to index
      %get3A_248 = arith.constant 96 : index
      %get3A_249 = tpu.vector_load %arg14[%get3A_247, %get3A_248] {strides = array<i32>} : memref<40x128xf32, #tpu.memory_space<vmem>>, vector<1x16xf32>,
      %get3A_250 = vector.shape_cast %get3A_249 : vector<1x16xf32> to vector<16xf32>
      %get3A_251 = arith.index_cast %scan3A_147 : i32 to index
      %get3A_252 = arith.constant 96 : index
      %get3A_253 = tpu.vector_load %arg17[%get3A_251, %get3A_252] {strides = array<i32>} : memref<40x128xf32, #tpu.memory_space<vmem>>, vector<1x16xf32>,
      %get3A_254 = vector.shape_cast %get3A_253 : vector<1x16xf32> to vector<16xf32>
      %add3A_255 = arith.addf %get3A_250, %get3A_254 : vector<16xf32>
      %max3A_256 = arith.constant 0.000000e+00 : f32
      %max3A_257 = vector.broadcast %max3A_256 : f32 to vector<16xf32>
      %max3A_258 = arith.maximumf %add3A_255, %max3A_257 : vector<16xf32>
      %swap3A_259 = arith.index_cast %scan3A_147 : i32 to index
      %swap3A_260 = arith.constant 96 : index
      %swap3A_261 = tpu.vector_load %arg14[%swap3A_259, %swap3A_260] {strides = array<i32>} : memref<40x128xf32, #tpu.memory_space<vmem>>, vector<1x16xf32>,
      %swap3A_262 = vector.shape_cast %swap3A_261 : vector<1x16xf32> to vector<16xf32>
      %swap3A_263 = vector.shape_cast %max3A_258 : vector<16xf32> to vector<1x16xf32>
      tpu.vector_store %arg14[%swap3A_259, %swap3A_260], %swap3A_263 {strides = array<i32>} : memref<40x128xf32, #tpu.memory_space<vmem>>, vector<1x16xf32>,
      %get3A_264 = arith.index_cast %scan3A_147 : i32 to index
      %get3A_265 = arith.constant 112 : index
      %get3A_266 = tpu.vector_load %arg14[%get3A_264, %get3A_265] {strides = array<i32>} : memref<40x128xf32, #tpu.memory_space<vmem>>, vector<1x16xf32>,
      %get3A_267 = vector.shape_cast %get3A_266 : vector<1x16xf32> to vector<16xf32>
      %get3A_268 = arith.index_cast %scan3A_147 : i32 to index
      %get3A_269 = arith.constant 112 : index
      %get3A_270 = tpu.vector_load %arg17[%get3A_268, %get3A_269] {strides = array<i32>} : memref<40x128xf32, #tpu.memory_space<vmem>>, vector<1x16xf32>,
      %get3A_271 = vector.shape_cast %get3A_270 : vector<1x16xf32> to vector<16xf32>
      %add3A_272 = arith.addf %get3A_267, %get3A_271 : vector<16xf32>
      %max3A_273 = arith.constant 0.000000e+00 : f32
      %max3A_274 = vector.broadcast %max3A_273 : f32 to vector<16xf32>
      %max3A_275 = arith.maximumf %add3A_272, %max3A_274 : vector<16xf32>
      %swap3A_276 = arith.index_cast %scan3A_147 : i32 to index
      %swap3A_277 = arith.constant 112 : index
      %swap3A_278 = tpu.vector_load %arg14[%swap3A_276, %swap3A_277] {strides = array<i32>} : memref<40x128xf32, #tpu.memory_space<vmem>>, vector<1x16xf32>,
      %swap3A_279 = vector.shape_cast %swap3A_278 : vector<1x16xf32> to vector<16xf32>
      %swap3A_280 = vector.shape_cast %max3A_275 : vector<16xf32> to vector<1x16xf32>
      tpu.vector_store %arg14[%swap3A_276, %swap3A_277], %swap3A_280 {strides = array<i32>} : memref<40x128xf32, #tpu.memory_space<vmem>>, vector<1x16xf32>,
    }
    %scan3A_137 = arith.constant 40 : i32
    "tpu.region"() ({
      %run_scoped3A = tpu.sem_alloc : memref<!tpu.dma_semaphore, #tpu.memory_space<semaphore_mem>>
      %dma_start3A_147 = arith.constant 0 : i32
      %dma_start3A_148 = arith.constant 0 : i32
      %dma_start3A_149 = tpu.memref_slice %arg20[%dma_start3A_147, %dma_start3A_148] : memref<10000x128xf32, #tpu.memory_space<vmem_shared>> -> memref<10000x128xf32, #tpu.memory_space<vmem_shared>>
      tpu.enqueue_indirect_dma source(%arg14 : memref<40x128xf32, #tpu.memory_space<vmem>>) target(%dma_start3A_149 : memref<10000x128xf32, #tpu.memory_space<vmem_shared>>) offsets(%arg11 : memref<40xi32, #tpu.memory_space<vmem>>) semaphore(%run_scoped3A : memref<!tpu.dma_semaphore, #tpu.memory_space<semaphore_mem>>) {add = true}
      %dma_wait3A_150 = arith.constant 0 : i32
      %dma_wait3A_151 = arith.constant 0 : i32
      %dma_wait3A_152 = tpu.memref_slice %arg20[%dma_wait3A_150, %dma_wait3A_151] : memref<10000x128xf32, #tpu.memory_space<vmem_shared>> -> memref<10000x128xf32, #tpu.memory_space<vmem_shared>>
      tpu.wait_indirect_dma semaphore(%run_scoped3A : memref<!tpu.dma_semaphore, #tpu.memory_space<semaphore_mem>>) src(%arg14 : memref<40x128xf32, #tpu.memory_space<vmem>>) dst(%dma_wait3A_152 : memref<10000x128xf32, #tpu.memory_space<vmem_shared>>)
      tpu.yield
    }) : () -> ()
    %barrier3A_138 = arith.constant 0 : index
    tpu.barrier barrier_id(%barrier3A_138)
    %mul3A_139 = arith.constant 10000 : i32
    %mul3A_140 = arith.muli %arg0, %mul3A_139 : i32
    %add3A_141 = arith.addi %mul3A_140, %mul3A_0 : i32
    "tpu.region"() ({
      %run_scoped3A = tpu.sem_alloc : memref<!tpu.dma_semaphore, #tpu.memory_space<semaphore_mem>>
      %dma_start3A_147 = arith.constant 0 : i32
      %dma_start3A_148 = tpu.memref_slice %arg7[%add3A_141, %dma_start3A_147] : memref<20000x128xf32, #tpu.memory_space<hbm>> -> memref<624x128xf32, #tpu.memory_space<hbm>>
      %dma_start3A_149 = arith.constant 0 : i32
      %dma_start3A_150 = tpu.memref_slice %arg20[%mul3A_0, %dma_start3A_149] : memref<10000x128xf32, #tpu.memory_space<vmem_shared>> -> memref<624x128xf32, #tpu.memory_space<vmem_shared>>
      tpu.enqueue_dma source(%dma_start3A_150 : memref<624x128xf32, #tpu.memory_space<vmem_shared>>) target(%dma_start3A_148 : memref<624x128xf32, #tpu.memory_space<hbm>>) target_semaphore(%run_scoped3A : memref<!tpu.dma_semaphore, #tpu.memory_space<semaphore_mem>>)
      %dma_wait3A_151 = arith.constant 0 : i32
      %dma_wait3A_152 = tpu.memref_slice %arg7[%add3A_141, %dma_wait3A_151] : memref<20000x128xf32, #tpu.memory_space<hbm>> -> memref<624x128xf32, #tpu.memory_space<hbm>>
      %dma_wait3A_153 = arith.constant 0 : i32
      %dma_wait3A_154 = tpu.memref_slice %arg20[%mul3A_0, %dma_wait3A_153] : memref<10000x128xf32, #tpu.memory_space<vmem_shared>> -> memref<624x128xf32, #tpu.memory_space<vmem_shared>>
      tpu.wait_dma2 semaphore(%run_scoped3A : memref<!tpu.dma_semaphore, #tpu.memory_space<semaphore_mem>>) src(%dma_wait3A_154 : memref<624x128xf32, #tpu.memory_space<vmem_shared>>) dst(%dma_wait3A_152 : memref<624x128xf32, #tpu.memory_space<hbm>>)
      tpu.yield
    }) : () -> ()
    %eq3A_142 = arith.constant 0 : i32
    %eq3A_143 = arith.cmpi eq, %arg1, %eq3A_142 : i32
    %convert_element_type3A_144 = arith.extui %eq3A_143 : i1 to i32
    %cond3A_145 = arith.constant 0 : i32
    %cond3A_146 = arith.cmpi ne, %convert_element_type3A_144, %cond3A_145 : i32
    scf.if %cond3A_146 {
      %mul3A_147 = arith.constant 10000 : i32
      %mul3A_148 = arith.muli %arg0, %mul3A_147 : i32
      %add3A_149 = arith.constant 9984 : i32
      %add3A_150 = arith.addi %mul3A_148, %add3A_149 : i32
      "tpu.region"() ({
        %run_scoped3A = tpu.sem_alloc : memref<!tpu.dma_semaphore, #tpu.memory_space<semaphore_mem>>
        %dma_start3A_151 = arith.constant 0 : i32
        %dma_start3A_152 = tpu.memref_slice %arg7[%add3A_150, %dma_start3A_151] : memref<20000x128xf32, #tpu.memory_space<hbm>> -> memref<16x128xf32, #tpu.memory_space<hbm>>
        %dma_start3A_153 = arith.constant 9984 : i32
        %dma_start3A_154 = arith.constant 0 : i32
        %dma_start3A_155 = tpu.memref_slice %arg20[%dma_start3A_153, %dma_start3A_154] : memref<10000x128xf32, #tpu.memory_space<vmem_shared>> -> memref<16x128xf32, #tpu.memory_space<vmem_shared>>
        tpu.enqueue_dma source(%dma_start3A_155 : memref<16x128xf32, #tpu.memory_space<vmem_shared>>) target(%dma_start3A_152 : memref<16x128xf32, #tpu.memory_space<hbm>>) target_semaphore(%run_scoped3A : memref<!tpu.dma_semaphore, #tpu.memory_space<semaphore_mem>>)
        %dma_wait3A_156 = arith.constant 0 : i32
        %dma_wait3A_157 = tpu.memref_slice %arg7[%add3A_150, %dma_wait3A_156] : memref<20000x128xf32, #tpu.memory_space<hbm>> -> memref<16x128xf32, #tpu.memory_space<hbm>>
        %dma_wait3A_158 = arith.constant 9984 : i32
        %dma_wait3A_159 = arith.constant 0 : i32
        %dma_wait3A_160 = tpu.memref_slice %arg20[%dma_wait3A_158, %dma_wait3A_159] : memref<10000x128xf32, #tpu.memory_space<vmem_shared>> -> memref<16x128xf32, #tpu.memory_space<vmem_shared>>
        tpu.wait_dma2 semaphore(%run_scoped3A : memref<!tpu.dma_semaphore, #tpu.memory_space<semaphore_mem>>) src(%dma_wait3A_160 : memref<16x128xf32, #tpu.memory_space<vmem_shared>>) dst(%dma_wait3A_157 : memref<16x128xf32, #tpu.memory_space<hbm>>)
        tpu.yield
      }) : () -> ()
    } else {
    }
    return
  }
}

module attributes {stable_mosaic.version = 14 : i64} {
  func.func @_ea_proj_body(%arg0: i32, %arg1: memref<8000x16xf32, #tpu.memory_space<vmem>>, %arg2: memref<16x128xf32, #tpu.memory_space<vmem>>, %arg3: memref<1x128xf32, #tpu.memory_space<vmem>>, %arg4: memref<16x128xf32, #tpu.memory_space<vmem>>, %arg5: memref<1x128xf32, #tpu.memory_space<vmem>>, %arg6: memref<8000x128xf32, #tpu.memory_space<vmem>>, %arg7: memref<8000x128xf32, #tpu.memory_space<vmem>>) attributes {dimension_semantics = [#tpu.dimension_semantics<arbitrary>], iteration_bounds = array<i64: 40>, scalar_prefetch = 0 : i64, scratch_operands = 0 : i64, tpu.core_type = #tpu.core_type<tc>, window_params = [{transform_indices = @transform_0, window_bounds = array<i64: 8000, 16>}, {pipeline_mode = #tpu.pipeline_mode<synchronous>, transform_indices = @transform_1, window_bounds = array<i64: 16, 128>}, {pipeline_mode = #tpu.pipeline_mode<synchronous>, transform_indices = @transform_2, window_bounds = array<i64: 1, 128>}, {pipeline_mode = #tpu.pipeline_mode<synchronous>, transform_indices = @transform_3, window_bounds = array<i64: 16, 128>}, {pipeline_mode = #tpu.pipeline_mode<synchronous>, transform_indices = @transform_4, window_bounds = array<i64: 1, 128>}, {transform_indices = @transform_5, window_bounds = array<i64: 8000, 128>}, {transform_indices = @transform_6, window_bounds = array<i64: 8000, 128>}]} {
    %get3A = arith.constant 0 : index
    %get3A_0 = arith.constant 0 : index
    %get3A_1 = vector.load %arg1[%get3A, %get3A_0] : memref<8000x16xf32, #tpu.memory_space<vmem>>, vector<8000x16xf32>
    %get3A_2 = arith.constant 0 : index
    %get3A_3 = arith.constant 0 : index
    %get3A_4 = vector.load %arg2[%get3A_2, %get3A_3] : memref<16x128xf32, #tpu.memory_space<vmem>>, vector<16x128xf32>
    %dot_general3A = arith.constant dense<0.000000e+00> : vector<8000x128xf32>
    %dot_general3A_5 = tpu.matmul %get3A_1, %get3A_4, %dot_general3A {dimension_numbers = #tpu.dot_dimension_numbers<[1], [0], [0], [1], [0, 0, 1, 1], [], []>, transpose_lhs_hint = false} : vector<8000x16xf32>, vector<16x128xf32>, vector<8000x128xf32> -> vector<8000x128xf32>
    %get3A_6 = arith.constant 0 : index
    %get3A_7 = arith.constant 0 : index
    %get3A_8 = vector.load %arg3[%get3A_6, %get3A_7] : memref<1x128xf32, #tpu.memory_space<vmem>>, vector<1x128xf32>
    %add3A = vector.broadcast %get3A_8 : vector<1x128xf32> to vector<8000x128xf32>
    %add3A_9 = arith.addf %dot_general3A_5, %add3A : vector<8000x128xf32>
    %swap3A = arith.constant 0 : index
    %swap3A_10 = arith.constant 0 : index
    %swap3A_11 = vector.load %arg6[%swap3A, %swap3A_10] : memref<8000x128xf32, #tpu.memory_space<vmem>>, vector<8000x128xf32>
    tpu.vector_store %arg6[%swap3A, %swap3A_10], %add3A_9 {strides = array<i32>} : memref<8000x128xf32, #tpu.memory_space<vmem>>, vector<8000x128xf32>,
    %get3A_12 = arith.constant 0 : index
    %get3A_13 = arith.constant 0 : index
    %get3A_14 = vector.load %arg4[%get3A_12, %get3A_13] : memref<16x128xf32, #tpu.memory_space<vmem>>, vector<16x128xf32>
    %dot_general3A_15 = arith.constant dense<0.000000e+00> : vector<8000x128xf32>
    %dot_general3A_16 = tpu.matmul %get3A_1, %get3A_14, %dot_general3A_15 {dimension_numbers = #tpu.dot_dimension_numbers<[1], [0], [0], [1], [0, 0, 1, 1], [], []>, transpose_lhs_hint = false} : vector<8000x16xf32>, vector<16x128xf32>, vector<8000x128xf32> -> vector<8000x128xf32>
    %get3A_17 = arith.constant 0 : index
    %get3A_18 = arith.constant 0 : index
    %get3A_19 = vector.load %arg5[%get3A_17, %get3A_18] : memref<1x128xf32, #tpu.memory_space<vmem>>, vector<1x128xf32>
    %add3A_20 = vector.broadcast %get3A_19 : vector<1x128xf32> to vector<8000x128xf32>
    %add3A_21 = arith.addf %dot_general3A_16, %add3A_20 : vector<8000x128xf32>
    %swap3A_22 = arith.constant 0 : index
    %swap3A_23 = arith.constant 0 : index
    %swap3A_24 = vector.load %arg7[%swap3A_22, %swap3A_23] : memref<8000x128xf32, #tpu.memory_space<vmem>>, vector<8000x128xf32>
    tpu.vector_store %arg7[%swap3A_22, %swap3A_23], %add3A_21 {strides = array<i32>} : memref<8000x128xf32, #tpu.memory_space<vmem>>, vector<8000x128xf32>,
    return
  }
  func.func @transform_0(%arg0: i32) -> (i32, i32) {
    %c0_i32 = arith.constant 0 : i32
    %c0_i32_0 = arith.constant 0 : i32
    return %arg0, %c0_i32 : i32, i32
  }
  func.func @transform_1(%arg0: i32) -> (i32, i32) {
    %c0_i32 = arith.constant 0 : i32
    %c0_i32_0 = arith.constant 0 : i32
    %c0_i32_1 = arith.constant 0 : i32
    return %c0_i32, %c0_i32_0 : i32, i32
  }
  func.func @transform_2(%arg0: i32) -> (i32, i32) {
    %c0_i32 = arith.constant 0 : i32
    %c0_i32_0 = arith.constant 0 : i32
    %c0_i32_1 = arith.constant 0 : i32
    return %c0_i32, %c0_i32_0 : i32, i32
  }
  func.func @transform_3(%arg0: i32) -> (i32, i32) {
    %c0_i32 = arith.constant 0 : i32
    %c0_i32_0 = arith.constant 0 : i32
    %c0_i32_1 = arith.constant 0 : i32
    return %c0_i32, %c0_i32_0 : i32, i32
  }
  func.func @transform_4(%arg0: i32) -> (i32, i32) {
    %c0_i32 = arith.constant 0 : i32
    %c0_i32_0 = arith.constant 0 : i32
    %c0_i32_1 = arith.constant 0 : i32
    return %c0_i32, %c0_i32_0 : i32, i32
  }
  func.func @transform_5(%arg0: i32) -> (i32, i32) {
    %c0_i32 = arith.constant 0 : i32
    %c0_i32_0 = arith.constant 0 : i32
    return %arg0, %c0_i32 : i32, i32
  }
  func.func @transform_6(%arg0: i32) -> (i32, i32) {
    %c0_i32 = arith.constant 0 : i32
    %c0_i32_0 = arith.constant 0 : i32
    return %arg0, %c0_i32 : i32, i32
  }
}

module attributes {stable_mosaic.version = 14 : i64} {
  func.func @_qkv_body(%arg0: memref<10000x128xf32, #tpu.memory_space<vmem>>, %arg1: memref<128x128xf32, #tpu.memory_space<vmem>>, %arg2: memref<1x128xf32, #tpu.memory_space<vmem>>, %arg3: memref<128x128xf32, #tpu.memory_space<vmem>>, %arg4: memref<1x128xf32, #tpu.memory_space<vmem>>, %arg5: memref<128x128xf32, #tpu.memory_space<vmem>>, %arg6: memref<1x128xf32, #tpu.memory_space<vmem>>, %arg7: memref<10000x128xbf16, #tpu.memory_space<vmem>>, %arg8: memref<10000x128xbf16, #tpu.memory_space<vmem>>, %arg9: memref<10000x128xbf16, #tpu.memory_space<vmem>>) attributes {dimension_semantics = [], scalar_prefetch = 0 : i64, scratch_operands = 0 : i64, tpu.core_type = #tpu.core_type<tc>} {
    %get3A = arith.constant 0 : index
    %get3A_0 = arith.constant 0 : index
    %get3A_1 = vector.load %arg0[%get3A, %get3A_0] : memref<10000x128xf32, #tpu.memory_space<vmem>>, vector<10000x128xf32>
    %get3A_2 = arith.constant 0 : index
    %get3A_3 = arith.constant 0 : index
    %get3A_4 = vector.load %arg1[%get3A_2, %get3A_3] : memref<128x128xf32, #tpu.memory_space<vmem>>, vector<128x128xf32>
    %dot_general3A = arith.constant dense<0.000000e+00> : vector<10000x128xf32>
    %dot_general3A_5 = tpu.matmul %get3A_1, %get3A_4, %dot_general3A {dimension_numbers = #tpu.dot_dimension_numbers<[1], [0], [0], [1], [0, 0, 1, 1], [], []>, transpose_lhs_hint = false} : vector<10000x128xf32>, vector<128x128xf32>, vector<10000x128xf32> -> vector<10000x128xf32>
    %get3A_6 = arith.constant 0 : index
    %get3A_7 = arith.constant 0 : index
    %get3A_8 = vector.load %arg2[%get3A_6, %get3A_7] : memref<1x128xf32, #tpu.memory_space<vmem>>, vector<1x128xf32>
    %add3A = vector.broadcast %get3A_8 : vector<1x128xf32> to vector<10000x128xf32>
    %add3A_9 = arith.addf %dot_general3A_5, %add3A : vector<10000x128xf32>
    %mul3A = arith.constant 1.250000e-01 : f32
    %mul3A_10 = vector.broadcast %mul3A : f32 to vector<10000x128xf32>
    %mul3A_11 = arith.mulf %add3A_9, %mul3A_10 : vector<10000x128xf32>
    %convert_element_type3A = arith.truncf %mul3A_11 : vector<10000x128xf32> to vector<10000x128xbf16>
    %swap3A = arith.constant 0 : index
    %swap3A_12 = arith.constant 0 : index
    %swap3A_13 = vector.load %arg7[%swap3A, %swap3A_12] : memref<10000x128xbf16, #tpu.memory_space<vmem>>, vector<10000x128xbf16>
    tpu.vector_store %arg7[%swap3A, %swap3A_12], %convert_element_type3A {strides = array<i32>} : memref<10000x128xbf16, #tpu.memory_space<vmem>>, vector<10000x128xbf16>,
    %get3A_14 = arith.constant 0 : index
    %get3A_15 = arith.constant 0 : index
    %get3A_16 = vector.load %arg3[%get3A_14, %get3A_15] : memref<128x128xf32, #tpu.memory_space<vmem>>, vector<128x128xf32>
    %dot_general3A_17 = arith.constant dense<0.000000e+00> : vector<10000x128xf32>
    %dot_general3A_18 = tpu.matmul %get3A_1, %get3A_16, %dot_general3A_17 {dimension_numbers = #tpu.dot_dimension_numbers<[1], [0], [0], [1], [0, 0, 1, 1], [], []>, transpose_lhs_hint = false} : vector<10000x128xf32>, vector<128x128xf32>, vector<10000x128xf32> -> vector<10000x128xf32>
    %get3A_19 = arith.constant 0 : index
    %get3A_20 = arith.constant 0 : index
    %get3A_21 = vector.load %arg4[%get3A_19, %get3A_20] : memref<1x128xf32, #tpu.memory_space<vmem>>, vector<1x128xf32>
    %add3A_22 = vector.broadcast %get3A_21 : vector<1x128xf32> to vector<10000x128xf32>
    %add3A_23 = arith.addf %dot_general3A_18, %add3A_22 : vector<10000x128xf32>
    %convert_element_type3A_24 = arith.truncf %add3A_23 : vector<10000x128xf32> to vector<10000x128xbf16>
    %swap3A_25 = arith.constant 0 : index
    %swap3A_26 = arith.constant 0 : index
    %swap3A_27 = vector.load %arg8[%swap3A_25, %swap3A_26] : memref<10000x128xbf16, #tpu.memory_space<vmem>>, vector<10000x128xbf16>
    tpu.vector_store %arg8[%swap3A_25, %swap3A_26], %convert_element_type3A_24 {strides = array<i32>} : memref<10000x128xbf16, #tpu.memory_space<vmem>>, vector<10000x128xbf16>,
    %get3A_28 = arith.constant 0 : index
    %get3A_29 = arith.constant 0 : index
    %get3A_30 = vector.load %arg5[%get3A_28, %get3A_29] : memref<128x128xf32, #tpu.memory_space<vmem>>, vector<128x128xf32>
    %dot_general3A_31 = arith.constant dense<0.000000e+00> : vector<10000x128xf32>
    %dot_general3A_32 = tpu.matmul %get3A_1, %get3A_30, %dot_general3A_31 {dimension_numbers = #tpu.dot_dimension_numbers<[1], [0], [0], [1], [0, 0, 1, 1], [], []>, transpose_lhs_hint = false} : vector<10000x128xf32>, vector<128x128xf32>, vector<10000x128xf32> -> vector<10000x128xf32>
    %get3A_33 = arith.constant 0 : index
    %get3A_34 = arith.constant 0 : index
    %get3A_35 = vector.load %arg6[%get3A_33, %get3A_34] : memref<1x128xf32, #tpu.memory_space<vmem>>, vector<1x128xf32>
    %add3A_36 = vector.broadcast %get3A_35 : vector<1x128xf32> to vector<10000x128xf32>
    %add3A_37 = arith.addf %dot_general3A_32, %add3A_36 : vector<10000x128xf32>
    %convert_element_type3A_38 = arith.truncf %add3A_37 : vector<10000x128xf32> to vector<10000x128xbf16>
    %swap3A_39 = arith.constant 0 : index
    %swap3A_40 = arith.constant 0 : index
    %swap3A_41 = vector.load %arg9[%swap3A_39, %swap3A_40] : memref<10000x128xbf16, #tpu.memory_space<vmem>>, vector<10000x128xbf16>
    tpu.vector_store %arg9[%swap3A_39, %swap3A_40], %convert_element_type3A_38 {strides = array<i32>} : memref<10000x128xbf16, #tpu.memory_space<vmem>>, vector<10000x128xbf16>,
    return
  }
}

module attributes {stable_mosaic.version = 14 : i64} {
  func.func @_attn_body(%arg0: i32, %arg1: memref<400x128xbf16, #tpu.memory_space<vmem>>, %arg2: memref<10000x128xbf16, #tpu.memory_space<vmem>>, %arg3: memref<10000x128xbf16, #tpu.memory_space<vmem>>, %arg4: memref<400x128xf32, #tpu.memory_space<vmem>>) attributes {dimension_semantics = [#tpu.dimension_semantics<arbitrary>], iteration_bounds = array<i64: 25>, scalar_prefetch = 0 : i64, scratch_operands = 0 : i64, tpu.core_type = #tpu.core_type<tc>, window_params = [{transform_indices = @transform_0, window_bounds = array<i64: 400, 128>}, {pipeline_mode = #tpu.pipeline_mode<synchronous>, transform_indices = @transform_1, window_bounds = array<i64: 10000, 128>}, {pipeline_mode = #tpu.pipeline_mode<synchronous>, transform_indices = @transform_2, window_bounds = array<i64: 10000, 128>}, {transform_indices = @transform_3, window_bounds = array<i64: 400, 128>}]} {
    %get3A = arith.constant 0 : index
    %get3A_0 = arith.constant 0 : index
    %get3A_1 = vector.load %arg1[%get3A, %get3A_0] : memref<400x128xbf16, #tpu.memory_space<vmem>>, vector<400x128xbf16>
    %get3A_2 = arith.constant 0 : index
    %get3A_3 = arith.constant 0 : index
    %get3A_4 = vector.load %arg2[%get3A_2, %get3A_3] : memref<10000x128xbf16, #tpu.memory_space<vmem>>, vector<10000x128xbf16>
    %get3A_5 = arith.constant 0 : index
    %get3A_6 = arith.constant 0 : index
    %get3A_7 = vector.load %arg3[%get3A_5, %get3A_6] : memref<10000x128xbf16, #tpu.memory_space<vmem>>, vector<10000x128xbf16>
    %slice3A = vector.extract_strided_slice %get3A_1 {offsets = [0, 0], sizes = [400, 64], strides = [1, 1]} : vector<400x128xbf16> to vector<400x64xbf16>
    %slice3A_8 = vector.extract_strided_slice %get3A_4 {offsets = [0, 0], sizes = [10000, 64], strides = [1, 1]} : vector<10000x128xbf16> to vector<10000x64xbf16>
    %dot_general3A = arith.constant dense<0.000000e+00> : vector<400x10000xf32>
    %dot_general3A_9 = tpu.matmul %slice3A, %slice3A_8, %dot_general3A {dimension_numbers = #tpu.dot_dimension_numbers<[1], [1], [0], [0], [0, 0, 1, 0], [], []>, transpose_lhs_hint = false} : vector<400x64xbf16>, vector<10000x64xbf16>, vector<400x10000xf32> -> vector<400x10000xf32>
    %reduce_max3A = arith.constant dense<0xFF800000> : vector<400xf32>
    %reduce_max3A_10 = vector.multi_reduction <maximumf>, %dot_general3A_9, %reduce_max3A [1] : vector<400x10000xf32> to vector<400xf32>
    %broadcast_in_dim3A = vector.shape_cast %reduce_max3A_10 : vector<400xf32> to vector<400x1xf32>
    %sub3A = vector.broadcast %broadcast_in_dim3A : vector<400x1xf32> to vector<400x10000xf32>
    %sub3A_11 = arith.subf %dot_general3A_9, %sub3A : vector<400x10000xf32>
    %exp3A = math.exp %sub3A_11 : vector<400x10000xf32>
    %reduce_sum3A = arith.constant dense<0.000000e+00> : vector<400xf32>
    %reduce_sum3A_12 = vector.multi_reduction <add>, %exp3A, %reduce_sum3A [1] : vector<400x10000xf32> to vector<400xf32>
    %broadcast_in_dim3A_13 = vector.shape_cast %reduce_sum3A_12 : vector<400xf32> to vector<400x1xf32>
    %convert_element_type3A = arith.truncf %exp3A : vector<400x10000xf32> to vector<400x10000xbf16>
    %slice3A_14 = vector.extract_strided_slice %get3A_7 {offsets = [0, 0], sizes = [10000, 64], strides = [1, 1]} : vector<10000x128xbf16> to vector<10000x64xbf16>
    %dot_general3A_15 = arith.constant dense<0.000000e+00> : vector<400x64xf32>
    %dot_general3A_16 = tpu.matmul %convert_element_type3A, %slice3A_14, %dot_general3A_15 {dimension_numbers = #tpu.dot_dimension_numbers<[1], [0], [0], [1], [0, 0, 1, 1], [], []>, transpose_lhs_hint = false} : vector<400x10000xbf16>, vector<10000x64xbf16>, vector<400x64xf32> -> vector<400x64xf32>
    %div3A = vector.broadcast %broadcast_in_dim3A_13 : vector<400x1xf32> to vector<400x64xf32>
    %div3A_17 = arith.divf %dot_general3A_16, %div3A : vector<400x64xf32>
    %slice3A_18 = vector.extract_strided_slice %get3A_1 {offsets = [0, 64], sizes = [400, 64], strides = [1, 1]} : vector<400x128xbf16> to vector<400x64xbf16>
    %slice3A_19 = vector.extract_strided_slice %get3A_4 {offsets = [0, 64], sizes = [10000, 64], strides = [1, 1]} : vector<10000x128xbf16> to vector<10000x64xbf16>
    %dot_general3A_20 = arith.constant dense<0.000000e+00> : vector<400x10000xf32>
    %dot_general3A_21 = tpu.matmul %slice3A_18, %slice3A_19, %dot_general3A_20 {dimension_numbers = #tpu.dot_dimension_numbers<[1], [1], [0], [0], [0, 0, 1, 0], [], []>, transpose_lhs_hint = false} : vector<400x64xbf16>, vector<10000x64xbf16>, vector<400x10000xf32> -> vector<400x10000xf32>
    %reduce_max3A_22 = arith.constant dense<0xFF800000> : vector<400xf32>
    %reduce_max3A_23 = vector.multi_reduction <maximumf>, %dot_general3A_21, %reduce_max3A_22 [1] : vector<400x10000xf32> to vector<400xf32>
    %broadcast_in_dim3A_24 = vector.shape_cast %reduce_max3A_23 : vector<400xf32> to vector<400x1xf32>
    %sub3A_25 = vector.broadcast %broadcast_in_dim3A_24 : vector<400x1xf32> to vector<400x10000xf32>
    %sub3A_26 = arith.subf %dot_general3A_21, %sub3A_25 : vector<400x10000xf32>
    %exp3A_27 = math.exp %sub3A_26 : vector<400x10000xf32>
    %reduce_sum3A_28 = arith.constant dense<0.000000e+00> : vector<400xf32>
    %reduce_sum3A_29 = vector.multi_reduction <add>, %exp3A_27, %reduce_sum3A_28 [1] : vector<400x10000xf32> to vector<400xf32>
    %broadcast_in_dim3A_30 = vector.shape_cast %reduce_sum3A_29 : vector<400xf32> to vector<400x1xf32>
    %convert_element_type3A_31 = arith.truncf %exp3A_27 : vector<400x10000xf32> to vector<400x10000xbf16>
    %slice3A_32 = vector.extract_strided_slice %get3A_7 {offsets = [0, 64], sizes = [10000, 64], strides = [1, 1]} : vector<10000x128xbf16> to vector<10000x64xbf16>
    %dot_general3A_33 = arith.constant dense<0.000000e+00> : vector<400x64xf32>
    %dot_general3A_34 = tpu.matmul %convert_element_type3A_31, %slice3A_32, %dot_general3A_33 {dimension_numbers = #tpu.dot_dimension_numbers<[1], [0], [0], [1], [0, 0, 1, 1], [], []>, transpose_lhs_hint = false} : vector<400x10000xbf16>, vector<10000x64xbf16>, vector<400x64xf32> -> vector<400x64xf32>
    %div3A_35 = vector.broadcast %broadcast_in_dim3A_30 : vector<400x1xf32> to vector<400x64xf32>
    %div3A_36 = arith.divf %dot_general3A_34, %div3A_35 : vector<400x64xf32>
    %concatenate3A = tpu.concatenate %div3A_17, %div3A_36 in 1 : vector<400x64xf32>, vector<400x64xf32> -> vector<400x128xf32>
    %swap3A = arith.constant 0 : index
    %swap3A_37 = arith.constant 0 : index
    %swap3A_38 = vector.load %arg4[%swap3A, %swap3A_37] : memref<400x128xf32, #tpu.memory_space<vmem>>, vector<400x128xf32>
    tpu.vector_store %arg4[%swap3A, %swap3A_37], %concatenate3A {strides = array<i32>} : memref<400x128xf32, #tpu.memory_space<vmem>>, vector<400x128xf32>,
    return
  }
  func.func @transform_0(%arg0: i32) -> (i32, i32) {
    %c0_i32 = arith.constant 0 : i32
    %c0_i32_0 = arith.constant 0 : i32
    return %arg0, %c0_i32 : i32, i32
  }
  func.func @transform_1(%arg0: i32) -> (i32, i32) {
    %c0_i32 = arith.constant 0 : i32
    %c0_i32_0 = arith.constant 0 : i32
    %c0_i32_1 = arith.constant 0 : i32
    return %c0_i32, %c0_i32_0 : i32, i32
  }
  func.func @transform_2(%arg0: i32) -> (i32, i32) {
    %c0_i32 = arith.constant 0 : i32
    %c0_i32_0 = arith.constant 0 : i32
    %c0_i32_1 = arith.constant 0 : i32
    return %c0_i32, %c0_i32_0 : i32, i32
  }
  func.func @transform_3(%arg0: i32) -> (i32, i32) {
    %c0_i32 = arith.constant 0 : i32
    %c0_i32_0 = arith.constant 0 : i32
    return %arg0, %c0_i32 : i32, i32
  }
}

module attributes {stable_mosaic.version = 14 : i64} {
  func.func @_post1_body(%arg0: memref<10000x128xf32, #tpu.memory_space<vmem>>, %arg1: memref<2x10000x128xf32, #tpu.memory_space<vmem>>, %arg2: memref<10000x128xf32, #tpu.memory_space<vmem>>, %arg3: memref<128x128xf32, #tpu.memory_space<vmem>>, %arg4: memref<1x128xf32, #tpu.memory_space<vmem>>, %arg5: memref<128x128xf32, #tpu.memory_space<vmem>>, %arg6: memref<1x128xf32, #tpu.memory_space<vmem>>, %arg7: memref<128x128xf32, #tpu.memory_space<vmem>>, %arg8: memref<1x128xf32, #tpu.memory_space<vmem>>, %arg9: memref<1x128xf32, #tpu.memory_space<vmem>>, %arg10: memref<1x128xf32, #tpu.memory_space<vmem>>, %arg11: memref<1x128xf32, #tpu.memory_space<vmem>>, %arg12: memref<1x128xf32, #tpu.memory_space<vmem>>, %arg13: memref<10000x128xf32, #tpu.memory_space<vmem>>) attributes {dimension_semantics = [], scalar_prefetch = 0 : i64, scratch_operands = 0 : i64, tpu.core_type = #tpu.core_type<tc>} {
    %get3A = arith.constant 0 : index
    %get3A_0 = arith.constant 0 : index
    %get3A_1 = vector.load %arg0[%get3A, %get3A_0] : memref<10000x128xf32, #tpu.memory_space<vmem>>, vector<10000x128xf32>
    %get3A_2 = arith.constant 0 : index
    %get3A_3 = arith.constant 0 : index
    %get3A_4 = arith.constant 0 : index
    %get3A_5 = vector.load %arg1[%get3A_2, %get3A_3, %get3A_4] : memref<2x10000x128xf32, #tpu.memory_space<vmem>>, vector<1x10000x128xf32>
    %get3A_6 = vector.shape_cast %get3A_5 : vector<1x10000x128xf32> to vector<10000x128xf32>
    %add3A = arith.addf %get3A_1, %get3A_6 : vector<10000x128xf32>
    %get3A_7 = arith.constant 1 : index
    %get3A_8 = arith.constant 0 : index
    %get3A_9 = arith.constant 0 : index
    %get3A_10 = vector.load %arg1[%get3A_7, %get3A_8, %get3A_9] : memref<2x10000x128xf32, #tpu.memory_space<vmem>>, vector<1x10000x128xf32>
    %get3A_11 = vector.shape_cast %get3A_10 : vector<1x10000x128xf32> to vector<10000x128xf32>
    %add3A_12 = arith.addf %add3A, %get3A_11 : vector<10000x128xf32>
    %get3A_13 = arith.constant 0 : index
    %get3A_14 = arith.constant 0 : index
    %get3A_15 = vector.load %arg3[%get3A_13, %get3A_14] : memref<128x128xf32, #tpu.memory_space<vmem>>, vector<128x128xf32>
    %dot_general3A = arith.constant dense<0.000000e+00> : vector<10000x128xf32>
    %dot_general3A_16 = tpu.matmul %add3A_12, %get3A_15, %dot_general3A {dimension_numbers = #tpu.dot_dimension_numbers<[1], [0], [0], [1], [0, 0, 1, 1], [], []>, transpose_lhs_hint = false} : vector<10000x128xf32>, vector<128x128xf32>, vector<10000x128xf32> -> vector<10000x128xf32>
    %get3A_17 = arith.constant 0 : index
    %get3A_18 = arith.constant 0 : index
    %get3A_19 = vector.load %arg4[%get3A_17, %get3A_18] : memref<1x128xf32, #tpu.memory_space<vmem>>, vector<1x128xf32>
    %add3A_20 = vector.broadcast %get3A_19 : vector<1x128xf32> to vector<10000x128xf32>
    %add3A_21 = arith.addf %dot_general3A_16, %add3A_20 : vector<10000x128xf32>
    %max3A = arith.constant 0.000000e+00 : f32
    %max3A_22 = vector.broadcast %max3A : f32 to vector<10000x128xf32>
    %max3A_23 = arith.maximumf %add3A_21, %max3A_22 : vector<10000x128xf32>
    %get3A_24 = arith.constant 0 : index
    %get3A_25 = arith.constant 0 : index
    %get3A_26 = vector.load %arg5[%get3A_24, %get3A_25] : memref<128x128xf32, #tpu.memory_space<vmem>>, vector<128x128xf32>
    %dot_general3A_27 = arith.constant dense<0.000000e+00> : vector<10000x128xf32>
    %dot_general3A_28 = tpu.matmul %max3A_23, %get3A_26, %dot_general3A_27 {dimension_numbers = #tpu.dot_dimension_numbers<[1], [0], [0], [1], [0, 0, 1, 1], [], []>, transpose_lhs_hint = false} : vector<10000x128xf32>, vector<128x128xf32>, vector<10000x128xf32> -> vector<10000x128xf32>
    %get3A_29 = arith.constant 0 : index
    %get3A_30 = arith.constant 0 : index
    %get3A_31 = vector.load %arg6[%get3A_29, %get3A_30] : memref<1x128xf32, #tpu.memory_space<vmem>>, vector<1x128xf32>
    %add3A_32 = vector.broadcast %get3A_31 : vector<1x128xf32> to vector<10000x128xf32>
    %add3A_33 = arith.addf %dot_general3A_28, %add3A_32 : vector<10000x128xf32>
    %add3A_34 = arith.addf %add3A_33, %get3A_1 : vector<10000x128xf32>
    %get3A_35 = arith.constant 0 : index
    %get3A_36 = arith.constant 0 : index
    %get3A_37 = vector.load %arg9[%get3A_35, %get3A_36] : memref<1x128xf32, #tpu.memory_space<vmem>>, vector<1x128xf32>
    %get3A_38 = arith.constant 0 : index
    %get3A_39 = arith.constant 0 : index
    %get3A_40 = vector.load %arg10[%get3A_38, %get3A_39] : memref<1x128xf32, #tpu.memory_space<vmem>>, vector<1x128xf32>
    %reduce_sum3A = arith.constant dense<0.000000e+00> : vector<128xf32>
    %reduce_sum3A_41 = vector.multi_reduction <add>, %add3A_34, %reduce_sum3A [0] : vector<10000x128xf32> to vector<128xf32>
    %broadcast_in_dim3A = vector.shape_cast %reduce_sum3A_41 : vector<128xf32> to vector<1x128xf32>
    %div3A = arith.constant 1.000000e+04 : f32
    %div3A_42 = vector.broadcast %div3A : f32 to vector<1x128xf32>
    %div3A_43 = arith.divf %broadcast_in_dim3A, %div3A_42 : vector<1x128xf32>
    %sub3A = vector.broadcast %div3A_43 : vector<1x128xf32> to vector<10000x128xf32>
    %sub3A_44 = arith.subf %add3A_34, %sub3A : vector<10000x128xf32>
    %mul3A = arith.mulf %sub3A_44, %sub3A_44 : vector<10000x128xf32>
    %reduce_sum3A_45 = arith.constant dense<0.000000e+00> : vector<128xf32>
    %reduce_sum3A_46 = vector.multi_reduction <add>, %mul3A, %reduce_sum3A_45 [0] : vector<10000x128xf32> to vector<128xf32>
    %broadcast_in_dim3A_47 = vector.shape_cast %reduce_sum3A_46 : vector<128xf32> to vector<1x128xf32>
    %div3A_48 = arith.constant 1.000000e+04 : f32
    %div3A_49 = vector.broadcast %div3A_48 : f32 to vector<1x128xf32>
    %div3A_50 = arith.divf %broadcast_in_dim3A_47, %div3A_49 : vector<1x128xf32>
    %add3A_51 = arith.constant 9.99999974E-6 : f32
    %add3A_52 = vector.broadcast %add3A_51 : f32 to vector<1x128xf32>
    %add3A_53 = arith.addf %div3A_50, %add3A_52 : vector<1x128xf32>
    %rsqrt3A = math.rsqrt %add3A_53 : vector<1x128xf32>
    %mul3A_54 = vector.broadcast %rsqrt3A : vector<1x128xf32> to vector<10000x128xf32>
    %mul3A_55 = arith.mulf %sub3A_44, %mul3A_54 : vector<10000x128xf32>
    %mul3A_56 = vector.broadcast %get3A_37 : vector<1x128xf32> to vector<10000x128xf32>
    %mul3A_57 = arith.mulf %mul3A_55, %mul3A_56 : vector<10000x128xf32>
    %add3A_58 = vector.broadcast %get3A_40 : vector<1x128xf32> to vector<10000x128xf32>
    %add3A_59 = arith.addf %mul3A_57, %add3A_58 : vector<10000x128xf32>
    %get3A_60 = arith.constant 0 : index
    %get3A_61 = arith.constant 0 : index
    %get3A_62 = vector.load %arg2[%get3A_60, %get3A_61] : memref<10000x128xf32, #tpu.memory_space<vmem>>, vector<10000x128xf32>
    %get3A_63 = arith.constant 0 : index
    %get3A_64 = arith.constant 0 : index
    %get3A_65 = vector.load %arg7[%get3A_63, %get3A_64] : memref<128x128xf32, #tpu.memory_space<vmem>>, vector<128x128xf32>
    %dot_general3A_66 = arith.constant dense<0.000000e+00> : vector<10000x128xf32>
    %dot_general3A_67 = tpu.matmul %get3A_62, %get3A_65, %dot_general3A_66 {dimension_numbers = #tpu.dot_dimension_numbers<[1], [0], [0], [1], [0, 0, 1, 1], [], []>, transpose_lhs_hint = false} : vector<10000x128xf32>, vector<128x128xf32>, vector<10000x128xf32> -> vector<10000x128xf32>
    %get3A_68 = arith.constant 0 : index
    %get3A_69 = arith.constant 0 : index
    %get3A_70 = vector.load %arg8[%get3A_68, %get3A_69] : memref<1x128xf32, #tpu.memory_space<vmem>>, vector<1x128xf32>
    %add3A_71 = vector.broadcast %get3A_70 : vector<1x128xf32> to vector<10000x128xf32>
    %add3A_72 = arith.addf %dot_general3A_67, %add3A_71 : vector<10000x128xf32>
    %add3A_73 = arith.addf %add3A_72, %get3A_1 : vector<10000x128xf32>
    %get3A_74 = arith.constant 0 : index
    %get3A_75 = arith.constant 0 : index
    %get3A_76 = vector.load %arg11[%get3A_74, %get3A_75] : memref<1x128xf32, #tpu.memory_space<vmem>>, vector<1x128xf32>
    %get3A_77 = arith.constant 0 : index
    %get3A_78 = arith.constant 0 : index
    %get3A_79 = vector.load %arg12[%get3A_77, %get3A_78] : memref<1x128xf32, #tpu.memory_space<vmem>>, vector<1x128xf32>
    %reduce_sum3A_80 = arith.constant dense<0.000000e+00> : vector<128xf32>
    %reduce_sum3A_81 = vector.multi_reduction <add>, %add3A_73, %reduce_sum3A_80 [0] : vector<10000x128xf32> to vector<128xf32>
    %broadcast_in_dim3A_82 = vector.shape_cast %reduce_sum3A_81 : vector<128xf32> to vector<1x128xf32>
    %div3A_83 = arith.constant 1.000000e+04 : f32
    %div3A_84 = vector.broadcast %div3A_83 : f32 to vector<1x128xf32>
    %div3A_85 = arith.divf %broadcast_in_dim3A_82, %div3A_84 : vector<1x128xf32>
    %sub3A_86 = vector.broadcast %div3A_85 : vector<1x128xf32> to vector<10000x128xf32>
    %sub3A_87 = arith.subf %add3A_73, %sub3A_86 : vector<10000x128xf32>
    %mul3A_88 = arith.mulf %sub3A_87, %sub3A_87 : vector<10000x128xf32>
    %reduce_sum3A_89 = arith.constant dense<0.000000e+00> : vector<128xf32>
    %reduce_sum3A_90 = vector.multi_reduction <add>, %mul3A_88, %reduce_sum3A_89 [0] : vector<10000x128xf32> to vector<128xf32>
    %broadcast_in_dim3A_91 = vector.shape_cast %reduce_sum3A_90 : vector<128xf32> to vector<1x128xf32>
    %div3A_92 = arith.constant 1.000000e+04 : f32
    %div3A_93 = vector.broadcast %div3A_92 : f32 to vector<1x128xf32>
    %div3A_94 = arith.divf %broadcast_in_dim3A_91, %div3A_93 : vector<1x128xf32>
    %add3A_95 = arith.constant 9.99999974E-6 : f32
    %add3A_96 = vector.broadcast %add3A_95 : f32 to vector<1x128xf32>
    %add3A_97 = arith.addf %div3A_94, %add3A_96 : vector<1x128xf32>
    %rsqrt3A_98 = math.rsqrt %add3A_97 : vector<1x128xf32>
    %mul3A_99 = vector.broadcast %rsqrt3A_98 : vector<1x128xf32> to vector<10000x128xf32>
    %mul3A_100 = arith.mulf %sub3A_87, %mul3A_99 : vector<10000x128xf32>
    %mul3A_101 = vector.broadcast %get3A_76 : vector<1x128xf32> to vector<10000x128xf32>
    %mul3A_102 = arith.mulf %mul3A_100, %mul3A_101 : vector<10000x128xf32>
    %add3A_103 = vector.broadcast %get3A_79 : vector<1x128xf32> to vector<10000x128xf32>
    %add3A_104 = arith.addf %mul3A_102, %add3A_103 : vector<10000x128xf32>
    %add3A_105 = arith.addf %add3A_59, %add3A_104 : vector<10000x128xf32>
    %swap3A = arith.constant 0 : index
    %swap3A_106 = arith.constant 0 : index
    %swap3A_107 = vector.load %arg13[%swap3A, %swap3A_106] : memref<10000x128xf32, #tpu.memory_space<vmem>>, vector<10000x128xf32>
    tpu.vector_store %arg13[%swap3A, %swap3A_106], %add3A_105 {strides = array<i32>} : memref<10000x128xf32, #tpu.memory_space<vmem>>, vector<10000x128xf32>,
    return
  }
}

module attributes {stable_mosaic.version = 14 : i64} {
  func.func @_post2_body(%arg0: memref<10000x128xf32, #tpu.memory_space<vmem>>, %arg1: memref<128x256xf32, #tpu.memory_space<vmem>>, %arg2: memref<1x256xf32, #tpu.memory_space<vmem>>, %arg3: memref<256x128xf32, #tpu.memory_space<vmem>>, %arg4: memref<1x128xf32, #tpu.memory_space<vmem>>, %arg5: memref<1x128xf32, #tpu.memory_space<vmem>>, %arg6: memref<1x128xf32, #tpu.memory_space<vmem>>, %arg7: memref<1x128xf32, #tpu.memory_space<vmem>>, %arg8: memref<1x128xf32, #tpu.memory_space<vmem>>, %arg9: memref<128x128xf32, #tpu.memory_space<vmem>>, %arg10: memref<1x128xf32, #tpu.memory_space<vmem>>, %arg11: memref<1x128xf32, #tpu.memory_space<vmem>>, %arg12: memref<1x128xf32, #tpu.memory_space<vmem>>, %arg13: memref<10000x128xf32, #tpu.memory_space<vmem>>) attributes {dimension_semantics = [], scalar_prefetch = 0 : i64, scratch_operands = 0 : i64, tpu.core_type = #tpu.core_type<tc>} {
    %get3A = arith.constant 0 : index
    %get3A_0 = arith.constant 0 : index
    %get3A_1 = vector.load %arg0[%get3A, %get3A_0] : memref<10000x128xf32, #tpu.memory_space<vmem>>, vector<10000x128xf32>
    %get3A_2 = arith.constant 0 : index
    %get3A_3 = arith.constant 0 : index
    %get3A_4 = vector.load %arg1[%get3A_2, %get3A_3] : memref<128x256xf32, #tpu.memory_space<vmem>>, vector<128x256xf32>
    %dot_general3A = arith.constant dense<0.000000e+00> : vector<10000x256xf32>
    %dot_general3A_5 = tpu.matmul %get3A_1, %get3A_4, %dot_general3A {dimension_numbers = #tpu.dot_dimension_numbers<[1], [0], [0], [1], [0, 0, 1, 1], [], []>, transpose_lhs_hint = false} : vector<10000x128xf32>, vector<128x256xf32>, vector<10000x256xf32> -> vector<10000x256xf32>
    %get3A_6 = arith.constant 0 : index
    %get3A_7 = arith.constant 0 : index
    %get3A_8 = vector.load %arg2[%get3A_6, %get3A_7] : memref<1x256xf32, #tpu.memory_space<vmem>>, vector<1x256xf32>
    %add3A = vector.broadcast %get3A_8 : vector<1x256xf32> to vector<10000x256xf32>
    %add3A_9 = arith.addf %dot_general3A_5, %add3A : vector<10000x256xf32>
    %max3A = arith.constant 0.000000e+00 : f32
    %max3A_10 = vector.broadcast %max3A : f32 to vector<10000x256xf32>
    %max3A_11 = arith.maximumf %add3A_9, %max3A_10 : vector<10000x256xf32>
    %get3A_12 = arith.constant 0 : index
    %get3A_13 = arith.constant 0 : index
    %get3A_14 = vector.load %arg3[%get3A_12, %get3A_13] : memref<256x128xf32, #tpu.memory_space<vmem>>, vector<256x128xf32>
    %dot_general3A_15 = arith.constant dense<0.000000e+00> : vector<10000x128xf32>
    %dot_general3A_16 = tpu.matmul %max3A_11, %get3A_14, %dot_general3A_15 {dimension_numbers = #tpu.dot_dimension_numbers<[1], [0], [0], [1], [0, 0, 1, 1], [], []>, transpose_lhs_hint = false} : vector<10000x256xf32>, vector<256x128xf32>, vector<10000x128xf32> -> vector<10000x128xf32>
    %add3A_17 = arith.addf %get3A_1, %dot_general3A_16 : vector<10000x128xf32>
    %get3A_18 = arith.constant 0 : index
    %get3A_19 = arith.constant 0 : index
    %get3A_20 = vector.load %arg4[%get3A_18, %get3A_19] : memref<1x128xf32, #tpu.memory_space<vmem>>, vector<1x128xf32>
    %add3A_21 = vector.broadcast %get3A_20 : vector<1x128xf32> to vector<10000x128xf32>
    %add3A_22 = arith.addf %add3A_17, %add3A_21 : vector<10000x128xf32>
    %get3A_23 = arith.constant 0 : index
    %get3A_24 = arith.constant 0 : index
    %get3A_25 = vector.load %arg5[%get3A_23, %get3A_24] : memref<1x128xf32, #tpu.memory_space<vmem>>, vector<1x128xf32>
    %get3A_26 = arith.constant 0 : index
    %get3A_27 = arith.constant 0 : index
    %get3A_28 = vector.load %arg6[%get3A_26, %get3A_27] : memref<1x128xf32, #tpu.memory_space<vmem>>, vector<1x128xf32>
    %reduce_sum3A = arith.constant dense<0.000000e+00> : vector<128xf32>
    %reduce_sum3A_29 = vector.multi_reduction <add>, %add3A_22, %reduce_sum3A [0] : vector<10000x128xf32> to vector<128xf32>
    %broadcast_in_dim3A = vector.shape_cast %reduce_sum3A_29 : vector<128xf32> to vector<1x128xf32>
    %div3A = arith.constant 1.000000e+04 : f32
    %div3A_30 = vector.broadcast %div3A : f32 to vector<1x128xf32>
    %div3A_31 = arith.divf %broadcast_in_dim3A, %div3A_30 : vector<1x128xf32>
    %sub3A = vector.broadcast %div3A_31 : vector<1x128xf32> to vector<10000x128xf32>
    %sub3A_32 = arith.subf %add3A_22, %sub3A : vector<10000x128xf32>
    %mul3A = arith.mulf %sub3A_32, %sub3A_32 : vector<10000x128xf32>
    %reduce_sum3A_33 = arith.constant dense<0.000000e+00> : vector<128xf32>
    %reduce_sum3A_34 = vector.multi_reduction <add>, %mul3A, %reduce_sum3A_33 [0] : vector<10000x128xf32> to vector<128xf32>
    %broadcast_in_dim3A_35 = vector.shape_cast %reduce_sum3A_34 : vector<128xf32> to vector<1x128xf32>
    %div3A_36 = arith.constant 1.000000e+04 : f32
    %div3A_37 = vector.broadcast %div3A_36 : f32 to vector<1x128xf32>
    %div3A_38 = arith.divf %broadcast_in_dim3A_35, %div3A_37 : vector<1x128xf32>
    %add3A_39 = arith.constant 9.99999974E-6 : f32
    %add3A_40 = vector.broadcast %add3A_39 : f32 to vector<1x128xf32>
    %add3A_41 = arith.addf %div3A_38, %add3A_40 : vector<1x128xf32>
    %rsqrt3A = math.rsqrt %add3A_41 : vector<1x128xf32>
    %mul3A_42 = vector.broadcast %rsqrt3A : vector<1x128xf32> to vector<10000x128xf32>
    %mul3A_43 = arith.mulf %sub3A_32, %mul3A_42 : vector<10000x128xf32>
    %mul3A_44 = vector.broadcast %get3A_25 : vector<1x128xf32> to vector<10000x128xf32>
    %mul3A_45 = arith.mulf %mul3A_43, %mul3A_44 : vector<10000x128xf32>
    %add3A_46 = vector.broadcast %get3A_28 : vector<1x128xf32> to vector<10000x128xf32>
    %add3A_47 = arith.addf %mul3A_45, %add3A_46 : vector<10000x128xf32>
    %get3A_48 = arith.constant 0 : index
    %get3A_49 = arith.constant 0 : index
    %get3A_50 = vector.load %arg7[%get3A_48, %get3A_49] : memref<1x128xf32, #tpu.memory_space<vmem>>, vector<1x128xf32>
    %get3A_51 = arith.constant 0 : index
    %get3A_52 = arith.constant 0 : index
    %get3A_53 = vector.load %arg8[%get3A_51, %get3A_52] : memref<1x128xf32, #tpu.memory_space<vmem>>, vector<1x128xf32>
    %reduce_sum3A_54 = arith.constant dense<0.000000e+00> : vector<128xf32>
    %reduce_sum3A_55 = vector.multi_reduction <add>, %add3A_47, %reduce_sum3A_54 [0] : vector<10000x128xf32> to vector<128xf32>
    %broadcast_in_dim3A_56 = vector.shape_cast %reduce_sum3A_55 : vector<128xf32> to vector<1x128xf32>
    %div3A_57 = arith.constant 1.000000e+04 : f32
    %div3A_58 = vector.broadcast %div3A_57 : f32 to vector<1x128xf32>
    %div3A_59 = arith.divf %broadcast_in_dim3A_56, %div3A_58 : vector<1x128xf32>
    %sub3A_60 = vector.broadcast %div3A_59 : vector<1x128xf32> to vector<10000x128xf32>
    %sub3A_61 = arith.subf %add3A_47, %sub3A_60 : vector<10000x128xf32>
    %mul3A_62 = arith.mulf %sub3A_61, %sub3A_61 : vector<10000x128xf32>
    %reduce_sum3A_63 = arith.constant dense<0.000000e+00> : vector<128xf32>
    %reduce_sum3A_64 = vector.multi_reduction <add>, %mul3A_62, %reduce_sum3A_63 [0] : vector<10000x128xf32> to vector<128xf32>
    %broadcast_in_dim3A_65 = vector.shape_cast %reduce_sum3A_64 : vector<128xf32> to vector<1x128xf32>
    %div3A_66 = arith.constant 1.000000e+04 : f32
    %div3A_67 = vector.broadcast %div3A_66 : f32 to vector<1x128xf32>
    %div3A_68 = arith.divf %broadcast_in_dim3A_65, %div3A_67 : vector<1x128xf32>
    %add3A_69 = arith.constant 9.99999974E-6 : f32
    %add3A_70 = vector.broadcast %add3A_69 : f32 to vector<1x128xf32>
    %add3A_71 = arith.addf %div3A_68, %add3A_70 : vector<1x128xf32>
    %rsqrt3A_72 = math.rsqrt %add3A_71 : vector<1x128xf32>
    %mul3A_73 = vector.broadcast %rsqrt3A_72 : vector<1x128xf32> to vector<10000x128xf32>
    %mul3A_74 = arith.mulf %sub3A_61, %mul3A_73 : vector<10000x128xf32>
    %mul3A_75 = vector.broadcast %get3A_50 : vector<1x128xf32> to vector<10000x128xf32>
    %mul3A_76 = arith.mulf %mul3A_74, %mul3A_75 : vector<10000x128xf32>
    %add3A_77 = vector.broadcast %get3A_53 : vector<1x128xf32> to vector<10000x128xf32>
    %add3A_78 = arith.addf %mul3A_76, %add3A_77 : vector<10000x128xf32>
    %max3A_79 = arith.constant 0.000000e+00 : f32
    %max3A_80 = vector.broadcast %max3A_79 : f32 to vector<10000x128xf32>
    %max3A_81 = arith.maximumf %add3A_78, %max3A_80 : vector<10000x128xf32>
    %get3A_82 = arith.constant 0 : index
    %get3A_83 = arith.constant 0 : index
    %get3A_84 = vector.load %arg9[%get3A_82, %get3A_83] : memref<128x128xf32, #tpu.memory_space<vmem>>, vector<128x128xf32>
    %dot_general3A_85 = arith.constant dense<0.000000e+00> : vector<10000x128xf32>
    %dot_general3A_86 = tpu.matmul %max3A_81, %get3A_84, %dot_general3A_85 {dimension_numbers = #tpu.dot_dimension_numbers<[1], [0], [0], [1], [0, 0, 1, 1], [], []>, transpose_lhs_hint = false} : vector<10000x128xf32>, vector<128x128xf32>, vector<10000x128xf32> -> vector<10000x128xf32>
    %get3A_87 = arith.constant 0 : index
    %get3A_88 = arith.constant 0 : index
    %get3A_89 = vector.load %arg10[%get3A_87, %get3A_88] : memref<1x128xf32, #tpu.memory_space<vmem>>, vector<1x128xf32>
    %add3A_90 = vector.broadcast %get3A_89 : vector<1x128xf32> to vector<10000x128xf32>
    %add3A_91 = arith.addf %dot_general3A_86, %add3A_90 : vector<10000x128xf32>
    %get3A_92 = arith.constant 0 : index
    %get3A_93 = arith.constant 0 : index
    %get3A_94 = vector.load %arg11[%get3A_92, %get3A_93] : memref<1x128xf32, #tpu.memory_space<vmem>>, vector<1x128xf32>
    %get3A_95 = arith.constant 0 : index
    %get3A_96 = arith.constant 0 : index
    %get3A_97 = vector.load %arg12[%get3A_95, %get3A_96] : memref<1x128xf32, #tpu.memory_space<vmem>>, vector<1x128xf32>
    %reduce_sum3A_98 = arith.constant dense<0.000000e+00> : vector<128xf32>
    %reduce_sum3A_99 = vector.multi_reduction <add>, %add3A_91, %reduce_sum3A_98 [0] : vector<10000x128xf32> to vector<128xf32>
    %broadcast_in_dim3A_100 = vector.shape_cast %reduce_sum3A_99 : vector<128xf32> to vector<1x128xf32>
    %div3A_101 = arith.constant 1.000000e+04 : f32
    %div3A_102 = vector.broadcast %div3A_101 : f32 to vector<1x128xf32>
    %div3A_103 = arith.divf %broadcast_in_dim3A_100, %div3A_102 : vector<1x128xf32>
    %sub3A_104 = vector.broadcast %div3A_103 : vector<1x128xf32> to vector<10000x128xf32>
    %sub3A_105 = arith.subf %add3A_91, %sub3A_104 : vector<10000x128xf32>
    %mul3A_106 = arith.mulf %sub3A_105, %sub3A_105 : vector<10000x128xf32>
    %reduce_sum3A_107 = arith.constant dense<0.000000e+00> : vector<128xf32>
    %reduce_sum3A_108 = vector.multi_reduction <add>, %mul3A_106, %reduce_sum3A_107 [0] : vector<10000x128xf32> to vector<128xf32>
    %broadcast_in_dim3A_109 = vector.shape_cast %reduce_sum3A_108 : vector<128xf32> to vector<1x128xf32>
    %div3A_110 = arith.constant 1.000000e+04 : f32
    %div3A_111 = vector.broadcast %div3A_110 : f32 to vector<1x128xf32>
    %div3A_112 = arith.divf %broadcast_in_dim3A_109, %div3A_111 : vector<1x128xf32>
    %add3A_113 = arith.constant 9.99999974E-6 : f32
    %add3A_114 = vector.broadcast %add3A_113 : f32 to vector<1x128xf32>
    %add3A_115 = arith.addf %div3A_112, %add3A_114 : vector<1x128xf32>
    %rsqrt3A_116 = math.rsqrt %add3A_115 : vector<1x128xf32>
    %mul3A_117 = vector.broadcast %rsqrt3A_116 : vector<1x128xf32> to vector<10000x128xf32>
    %mul3A_118 = arith.mulf %sub3A_105, %mul3A_117 : vector<10000x128xf32>
    %mul3A_119 = vector.broadcast %get3A_94 : vector<1x128xf32> to vector<10000x128xf32>
    %mul3A_120 = arith.mulf %mul3A_118, %mul3A_119 : vector<10000x128xf32>
    %add3A_121 = vector.broadcast %get3A_97 : vector<1x128xf32> to vector<10000x128xf32>
    %add3A_122 = arith.addf %mul3A_120, %add3A_121 : vector<10000x128xf32>
    %max3A_123 = arith.constant 0.000000e+00 : f32
    %max3A_124 = vector.broadcast %max3A_123 : f32 to vector<10000x128xf32>
    %max3A_125 = arith.maximumf %add3A_122, %max3A_124 : vector<10000x128xf32>
    %swap3A = arith.constant 0 : index
    %swap3A_126 = arith.constant 0 : index
    %swap3A_127 = vector.load %arg13[%swap3A, %swap3A_126] : memref<10000x128xf32, #tpu.memory_space<vmem>>, vector<10000x128xf32>
    tpu.vector_store %arg13[%swap3A, %swap3A_126], %max3A_125 {strides = array<i32>} : memref<10000x128xf32, #tpu.memory_space<vmem>>, vector<10000x128xf32>,
    return
  }
}

module attributes {stable_mosaic.version = 14 : i64} {
  func.func @_qkv_body(%arg0: memref<10000x128xf32, #tpu.memory_space<vmem>>, %arg1: memref<128x128xf32, #tpu.memory_space<vmem>>, %arg2: memref<1x128xf32, #tpu.memory_space<vmem>>, %arg3: memref<128x128xf32, #tpu.memory_space<vmem>>, %arg4: memref<1x128xf32, #tpu.memory_space<vmem>>, %arg5: memref<128x128xf32, #tpu.memory_space<vmem>>, %arg6: memref<1x128xf32, #tpu.memory_space<vmem>>, %arg7: memref<10000x128xbf16, #tpu.memory_space<vmem>>, %arg8: memref<10000x128xbf16, #tpu.memory_space<vmem>>, %arg9: memref<10000x128xbf16, #tpu.memory_space<vmem>>) attributes {dimension_semantics = [], scalar_prefetch = 0 : i64, scratch_operands = 0 : i64, tpu.core_type = #tpu.core_type<tc>} {
    %get3A = arith.constant 0 : index
    %get3A_0 = arith.constant 0 : index
    %get3A_1 = vector.load %arg0[%get3A, %get3A_0] : memref<10000x128xf32, #tpu.memory_space<vmem>>, vector<10000x128xf32>
    %get3A_2 = arith.constant 0 : index
    %get3A_3 = arith.constant 0 : index
    %get3A_4 = vector.load %arg1[%get3A_2, %get3A_3] : memref<128x128xf32, #tpu.memory_space<vmem>>, vector<128x128xf32>
    %dot_general3A = arith.constant dense<0.000000e+00> : vector<10000x128xf32>
    %dot_general3A_5 = tpu.matmul %get3A_1, %get3A_4, %dot_general3A {dimension_numbers = #tpu.dot_dimension_numbers<[1], [0], [0], [1], [0, 0, 1, 1], [], []>, transpose_lhs_hint = false} : vector<10000x128xf32>, vector<128x128xf32>, vector<10000x128xf32> -> vector<10000x128xf32>
    %get3A_6 = arith.constant 0 : index
    %get3A_7 = arith.constant 0 : index
    %get3A_8 = vector.load %arg2[%get3A_6, %get3A_7] : memref<1x128xf32, #tpu.memory_space<vmem>>, vector<1x128xf32>
    %add3A = vector.broadcast %get3A_8 : vector<1x128xf32> to vector<10000x128xf32>
    %add3A_9 = arith.addf %dot_general3A_5, %add3A : vector<10000x128xf32>
    %mul3A = arith.constant 0.0883883461 : f32
    %mul3A_10 = vector.broadcast %mul3A : f32 to vector<10000x128xf32>
    %mul3A_11 = arith.mulf %add3A_9, %mul3A_10 : vector<10000x128xf32>
    %convert_element_type3A = arith.truncf %mul3A_11 : vector<10000x128xf32> to vector<10000x128xbf16>
    %swap3A = arith.constant 0 : index
    %swap3A_12 = arith.constant 0 : index
    %swap3A_13 = vector.load %arg7[%swap3A, %swap3A_12] : memref<10000x128xbf16, #tpu.memory_space<vmem>>, vector<10000x128xbf16>
    tpu.vector_store %arg7[%swap3A, %swap3A_12], %convert_element_type3A {strides = array<i32>} : memref<10000x128xbf16, #tpu.memory_space<vmem>>, vector<10000x128xbf16>,
    %get3A_14 = arith.constant 0 : index
    %get3A_15 = arith.constant 0 : index
    %get3A_16 = vector.load %arg3[%get3A_14, %get3A_15] : memref<128x128xf32, #tpu.memory_space<vmem>>, vector<128x128xf32>
    %dot_general3A_17 = arith.constant dense<0.000000e+00> : vector<10000x128xf32>
    %dot_general3A_18 = tpu.matmul %get3A_1, %get3A_16, %dot_general3A_17 {dimension_numbers = #tpu.dot_dimension_numbers<[1], [0], [0], [1], [0, 0, 1, 1], [], []>, transpose_lhs_hint = false} : vector<10000x128xf32>, vector<128x128xf32>, vector<10000x128xf32> -> vector<10000x128xf32>
    %get3A_19 = arith.constant 0 : index
    %get3A_20 = arith.constant 0 : index
    %get3A_21 = vector.load %arg4[%get3A_19, %get3A_20] : memref<1x128xf32, #tpu.memory_space<vmem>>, vector<1x128xf32>
    %add3A_22 = vector.broadcast %get3A_21 : vector<1x128xf32> to vector<10000x128xf32>
    %add3A_23 = arith.addf %dot_general3A_18, %add3A_22 : vector<10000x128xf32>
    %convert_element_type3A_24 = arith.truncf %add3A_23 : vector<10000x128xf32> to vector<10000x128xbf16>
    %swap3A_25 = arith.constant 0 : index
    %swap3A_26 = arith.constant 0 : index
    %swap3A_27 = vector.load %arg8[%swap3A_25, %swap3A_26] : memref<10000x128xbf16, #tpu.memory_space<vmem>>, vector<10000x128xbf16>
    tpu.vector_store %arg8[%swap3A_25, %swap3A_26], %convert_element_type3A_24 {strides = array<i32>} : memref<10000x128xbf16, #tpu.memory_space<vmem>>, vector<10000x128xbf16>,
    %get3A_28 = arith.constant 0 : index
    %get3A_29 = arith.constant 0 : index
    %get3A_30 = vector.load %arg5[%get3A_28, %get3A_29] : memref<128x128xf32, #tpu.memory_space<vmem>>, vector<128x128xf32>
    %dot_general3A_31 = arith.constant dense<0.000000e+00> : vector<10000x128xf32>
    %dot_general3A_32 = tpu.matmul %get3A_1, %get3A_30, %dot_general3A_31 {dimension_numbers = #tpu.dot_dimension_numbers<[1], [0], [0], [1], [0, 0, 1, 1], [], []>, transpose_lhs_hint = false} : vector<10000x128xf32>, vector<128x128xf32>, vector<10000x128xf32> -> vector<10000x128xf32>
    %get3A_33 = arith.constant 0 : index
    %get3A_34 = arith.constant 0 : index
    %get3A_35 = vector.load %arg6[%get3A_33, %get3A_34] : memref<1x128xf32, #tpu.memory_space<vmem>>, vector<1x128xf32>
    %add3A_36 = vector.broadcast %get3A_35 : vector<1x128xf32> to vector<10000x128xf32>
    %add3A_37 = arith.addf %dot_general3A_32, %add3A_36 : vector<10000x128xf32>
    %convert_element_type3A_38 = arith.truncf %add3A_37 : vector<10000x128xf32> to vector<10000x128xbf16>
    %swap3A_39 = arith.constant 0 : index
    %swap3A_40 = arith.constant 0 : index
    %swap3A_41 = vector.load %arg9[%swap3A_39, %swap3A_40] : memref<10000x128xbf16, #tpu.memory_space<vmem>>, vector<10000x128xbf16>
    tpu.vector_store %arg9[%swap3A_39, %swap3A_40], %convert_element_type3A_38 {strides = array<i32>} : memref<10000x128xbf16, #tpu.memory_space<vmem>>, vector<10000x128xbf16>,
    return
  }
}

module attributes {stable_mosaic.version = 14 : i64} {
  func.func @_attn_body(%arg0: i32, %arg1: memref<400x128xbf16, #tpu.memory_space<vmem>>, %arg2: memref<10000x128xbf16, #tpu.memory_space<vmem>>, %arg3: memref<10000x128xbf16, #tpu.memory_space<vmem>>, %arg4: memref<400x128xf32, #tpu.memory_space<vmem>>) attributes {dimension_semantics = [#tpu.dimension_semantics<arbitrary>], iteration_bounds = array<i64: 25>, scalar_prefetch = 0 : i64, scratch_operands = 0 : i64, tpu.core_type = #tpu.core_type<tc>, window_params = [{transform_indices = @transform_0, window_bounds = array<i64: 400, 128>}, {pipeline_mode = #tpu.pipeline_mode<synchronous>, transform_indices = @transform_1, window_bounds = array<i64: 10000, 128>}, {pipeline_mode = #tpu.pipeline_mode<synchronous>, transform_indices = @transform_2, window_bounds = array<i64: 10000, 128>}, {transform_indices = @transform_3, window_bounds = array<i64: 400, 128>}]} {
    %get3A = arith.constant 0 : index
    %get3A_0 = arith.constant 0 : index
    %get3A_1 = vector.load %arg1[%get3A, %get3A_0] : memref<400x128xbf16, #tpu.memory_space<vmem>>, vector<400x128xbf16>
    %get3A_2 = arith.constant 0 : index
    %get3A_3 = arith.constant 0 : index
    %get3A_4 = vector.load %arg2[%get3A_2, %get3A_3] : memref<10000x128xbf16, #tpu.memory_space<vmem>>, vector<10000x128xbf16>
    %get3A_5 = arith.constant 0 : index
    %get3A_6 = arith.constant 0 : index
    %get3A_7 = vector.load %arg3[%get3A_5, %get3A_6] : memref<10000x128xbf16, #tpu.memory_space<vmem>>, vector<10000x128xbf16>
    %dot_general3A = arith.constant dense<0.000000e+00> : vector<400x10000xf32>
    %dot_general3A_8 = tpu.matmul %get3A_1, %get3A_4, %dot_general3A {dimension_numbers = #tpu.dot_dimension_numbers<[1], [1], [0], [0], [0, 0, 1, 0], [], []>, transpose_lhs_hint = false} : vector<400x128xbf16>, vector<10000x128xbf16>, vector<400x10000xf32> -> vector<400x10000xf32>
    %reduce_max3A = arith.constant dense<0xFF800000> : vector<400xf32>
    %reduce_max3A_9 = vector.multi_reduction <maximumf>, %dot_general3A_8, %reduce_max3A [1] : vector<400x10000xf32> to vector<400xf32>
    %broadcast_in_dim3A = vector.shape_cast %reduce_max3A_9 : vector<400xf32> to vector<400x1xf32>
    %sub3A = vector.broadcast %broadcast_in_dim3A : vector<400x1xf32> to vector<400x10000xf32>
    %sub3A_10 = arith.subf %dot_general3A_8, %sub3A : vector<400x10000xf32>
    %exp3A = math.exp %sub3A_10 : vector<400x10000xf32>
    %reduce_sum3A = arith.constant dense<0.000000e+00> : vector<400xf32>
    %reduce_sum3A_11 = vector.multi_reduction <add>, %exp3A, %reduce_sum3A [1] : vector<400x10000xf32> to vector<400xf32>
    %broadcast_in_dim3A_12 = vector.shape_cast %reduce_sum3A_11 : vector<400xf32> to vector<400x1xf32>
    %convert_element_type3A = arith.truncf %exp3A : vector<400x10000xf32> to vector<400x10000xbf16>
    %dot_general3A_13 = arith.constant dense<0.000000e+00> : vector<400x128xf32>
    %dot_general3A_14 = tpu.matmul %convert_element_type3A, %get3A_7, %dot_general3A_13 {dimension_numbers = #tpu.dot_dimension_numbers<[1], [0], [0], [1], [0, 0, 1, 1], [], []>, transpose_lhs_hint = false} : vector<400x10000xbf16>, vector<10000x128xbf16>, vector<400x128xf32> -> vector<400x128xf32>
    %div3A = vector.broadcast %broadcast_in_dim3A_12 : vector<400x1xf32> to vector<400x128xf32>
    %div3A_15 = arith.divf %dot_general3A_14, %div3A : vector<400x128xf32>
    %swap3A = arith.constant 0 : index
    %swap3A_16 = arith.constant 0 : index
    %swap3A_17 = vector.load %arg4[%swap3A, %swap3A_16] : memref<400x128xf32, #tpu.memory_space<vmem>>, vector<400x128xf32>
    tpu.vector_store %arg4[%swap3A, %swap3A_16], %div3A_15 {strides = array<i32>} : memref<400x128xf32, #tpu.memory_space<vmem>>, vector<400x128xf32>,
    return
  }
  func.func @transform_0(%arg0: i32) -> (i32, i32) {
    %c0_i32 = arith.constant 0 : i32
    %c0_i32_0 = arith.constant 0 : i32
    return %arg0, %c0_i32 : i32, i32
  }
  func.func @transform_1(%arg0: i32) -> (i32, i32) {
    %c0_i32 = arith.constant 0 : i32
    %c0_i32_0 = arith.constant 0 : i32
    %c0_i32_1 = arith.constant 0 : i32
    return %c0_i32, %c0_i32_0 : i32, i32
  }
  func.func @transform_2(%arg0: i32) -> (i32, i32) {
    %c0_i32 = arith.constant 0 : i32
    %c0_i32_0 = arith.constant 0 : i32
    %c0_i32_1 = arith.constant 0 : i32
    return %c0_i32, %c0_i32_0 : i32, i32
  }
  func.func @transform_3(%arg0: i32) -> (i32, i32) {
    %c0_i32 = arith.constant 0 : i32
    %c0_i32_0 = arith.constant 0 : i32
    return %arg0, %c0_i32 : i32, i32
  }
}

module attributes {stable_mosaic.version = 14 : i64} {
  func.func @_post2_body(%arg0: memref<10000x128xf32, #tpu.memory_space<vmem>>, %arg1: memref<128x256xf32, #tpu.memory_space<vmem>>, %arg2: memref<1x256xf32, #tpu.memory_space<vmem>>, %arg3: memref<256x128xf32, #tpu.memory_space<vmem>>, %arg4: memref<1x128xf32, #tpu.memory_space<vmem>>, %arg5: memref<1x128xf32, #tpu.memory_space<vmem>>, %arg6: memref<1x128xf32, #tpu.memory_space<vmem>>, %arg7: memref<1x128xf32, #tpu.memory_space<vmem>>, %arg8: memref<1x128xf32, #tpu.memory_space<vmem>>, %arg9: memref<128x64xf32, #tpu.memory_space<vmem>>, %arg10: memref<1x64xf32, #tpu.memory_space<vmem>>, %arg11: memref<1x64xf32, #tpu.memory_space<vmem>>, %arg12: memref<1x64xf32, #tpu.memory_space<vmem>>, %arg13: memref<10000x64xf32, #tpu.memory_space<vmem>>) attributes {dimension_semantics = [], scalar_prefetch = 0 : i64, scratch_operands = 0 : i64, tpu.core_type = #tpu.core_type<tc>} {
    %get3A = arith.constant 0 : index
    %get3A_0 = arith.constant 0 : index
    %get3A_1 = vector.load %arg0[%get3A, %get3A_0] : memref<10000x128xf32, #tpu.memory_space<vmem>>, vector<10000x128xf32>
    %get3A_2 = arith.constant 0 : index
    %get3A_3 = arith.constant 0 : index
    %get3A_4 = vector.load %arg1[%get3A_2, %get3A_3] : memref<128x256xf32, #tpu.memory_space<vmem>>, vector<128x256xf32>
    %dot_general3A = arith.constant dense<0.000000e+00> : vector<10000x256xf32>
    %dot_general3A_5 = tpu.matmul %get3A_1, %get3A_4, %dot_general3A {dimension_numbers = #tpu.dot_dimension_numbers<[1], [0], [0], [1], [0, 0, 1, 1], [], []>, transpose_lhs_hint = false} : vector<10000x128xf32>, vector<128x256xf32>, vector<10000x256xf32> -> vector<10000x256xf32>
    %get3A_6 = arith.constant 0 : index
    %get3A_7 = arith.constant 0 : index
    %get3A_8 = vector.load %arg2[%get3A_6, %get3A_7] : memref<1x256xf32, #tpu.memory_space<vmem>>, vector<1x256xf32>
    %add3A = vector.broadcast %get3A_8 : vector<1x256xf32> to vector<10000x256xf32>
    %add3A_9 = arith.addf %dot_general3A_5, %add3A : vector<10000x256xf32>
    %max3A = arith.constant 0.000000e+00 : f32
    %max3A_10 = vector.broadcast %max3A : f32 to vector<10000x256xf32>
    %max3A_11 = arith.maximumf %add3A_9, %max3A_10 : vector<10000x256xf32>
    %get3A_12 = arith.constant 0 : index
    %get3A_13 = arith.constant 0 : index
    %get3A_14 = vector.load %arg3[%get3A_12, %get3A_13] : memref<256x128xf32, #tpu.memory_space<vmem>>, vector<256x128xf32>
    %dot_general3A_15 = arith.constant dense<0.000000e+00> : vector<10000x128xf32>
    %dot_general3A_16 = tpu.matmul %max3A_11, %get3A_14, %dot_general3A_15 {dimension_numbers = #tpu.dot_dimension_numbers<[1], [0], [0], [1], [0, 0, 1, 1], [], []>, transpose_lhs_hint = false} : vector<10000x256xf32>, vector<256x128xf32>, vector<10000x128xf32> -> vector<10000x128xf32>
    %add3A_17 = arith.addf %get3A_1, %dot_general3A_16 : vector<10000x128xf32>
    %get3A_18 = arith.constant 0 : index
    %get3A_19 = arith.constant 0 : index
    %get3A_20 = vector.load %arg4[%get3A_18, %get3A_19] : memref<1x128xf32, #tpu.memory_space<vmem>>, vector<1x128xf32>
    %add3A_21 = vector.broadcast %get3A_20 : vector<1x128xf32> to vector<10000x128xf32>
    %add3A_22 = arith.addf %add3A_17, %add3A_21 : vector<10000x128xf32>
    %get3A_23 = arith.constant 0 : index
    %get3A_24 = arith.constant 0 : index
    %get3A_25 = vector.load %arg5[%get3A_23, %get3A_24] : memref<1x128xf32, #tpu.memory_space<vmem>>, vector<1x128xf32>
    %get3A_26 = arith.constant 0 : index
    %get3A_27 = arith.constant 0 : index
    %get3A_28 = vector.load %arg6[%get3A_26, %get3A_27] : memref<1x128xf32, #tpu.memory_space<vmem>>, vector<1x128xf32>
    %reduce_sum3A = arith.constant dense<0.000000e+00> : vector<128xf32>
    %reduce_sum3A_29 = vector.multi_reduction <add>, %add3A_22, %reduce_sum3A [0] : vector<10000x128xf32> to vector<128xf32>
    %broadcast_in_dim3A = vector.shape_cast %reduce_sum3A_29 : vector<128xf32> to vector<1x128xf32>
    %div3A = arith.constant 1.000000e+04 : f32
    %div3A_30 = vector.broadcast %div3A : f32 to vector<1x128xf32>
    %div3A_31 = arith.divf %broadcast_in_dim3A, %div3A_30 : vector<1x128xf32>
    %sub3A = vector.broadcast %div3A_31 : vector<1x128xf32> to vector<10000x128xf32>
    %sub3A_32 = arith.subf %add3A_22, %sub3A : vector<10000x128xf32>
    %mul3A = arith.mulf %sub3A_32, %sub3A_32 : vector<10000x128xf32>
    %reduce_sum3A_33 = arith.constant dense<0.000000e+00> : vector<128xf32>
    %reduce_sum3A_34 = vector.multi_reduction <add>, %mul3A, %reduce_sum3A_33 [0] : vector<10000x128xf32> to vector<128xf32>
    %broadcast_in_dim3A_35 = vector.shape_cast %reduce_sum3A_34 : vector<128xf32> to vector<1x128xf32>
    %div3A_36 = arith.constant 1.000000e+04 : f32
    %div3A_37 = vector.broadcast %div3A_36 : f32 to vector<1x128xf32>
    %div3A_38 = arith.divf %broadcast_in_dim3A_35, %div3A_37 : vector<1x128xf32>
    %add3A_39 = arith.constant 9.99999974E-6 : f32
    %add3A_40 = vector.broadcast %add3A_39 : f32 to vector<1x128xf32>
    %add3A_41 = arith.addf %div3A_38, %add3A_40 : vector<1x128xf32>
    %rsqrt3A = math.rsqrt %add3A_41 : vector<1x128xf32>
    %mul3A_42 = vector.broadcast %rsqrt3A : vector<1x128xf32> to vector<10000x128xf32>
    %mul3A_43 = arith.mulf %sub3A_32, %mul3A_42 : vector<10000x128xf32>
    %mul3A_44 = vector.broadcast %get3A_25 : vector<1x128xf32> to vector<10000x128xf32>
    %mul3A_45 = arith.mulf %mul3A_43, %mul3A_44 : vector<10000x128xf32>
    %add3A_46 = vector.broadcast %get3A_28 : vector<1x128xf32> to vector<10000x128xf32>
    %add3A_47 = arith.addf %mul3A_45, %add3A_46 : vector<10000x128xf32>
    %get3A_48 = arith.constant 0 : index
    %get3A_49 = arith.constant 0 : index
    %get3A_50 = vector.load %arg7[%get3A_48, %get3A_49] : memref<1x128xf32, #tpu.memory_space<vmem>>, vector<1x128xf32>
    %get3A_51 = arith.constant 0 : index
    %get3A_52 = arith.constant 0 : index
    %get3A_53 = vector.load %arg8[%get3A_51, %get3A_52] : memref<1x128xf32, #tpu.memory_space<vmem>>, vector<1x128xf32>
    %reduce_sum3A_54 = arith.constant dense<0.000000e+00> : vector<128xf32>
    %reduce_sum3A_55 = vector.multi_reduction <add>, %add3A_47, %reduce_sum3A_54 [0] : vector<10000x128xf32> to vector<128xf32>
    %broadcast_in_dim3A_56 = vector.shape_cast %reduce_sum3A_55 : vector<128xf32> to vector<1x128xf32>
    %div3A_57 = arith.constant 1.000000e+04 : f32
    %div3A_58 = vector.broadcast %div3A_57 : f32 to vector<1x128xf32>
    %div3A_59 = arith.divf %broadcast_in_dim3A_56, %div3A_58 : vector<1x128xf32>
    %sub3A_60 = vector.broadcast %div3A_59 : vector<1x128xf32> to vector<10000x128xf32>
    %sub3A_61 = arith.subf %add3A_47, %sub3A_60 : vector<10000x128xf32>
    %mul3A_62 = arith.mulf %sub3A_61, %sub3A_61 : vector<10000x128xf32>
    %reduce_sum3A_63 = arith.constant dense<0.000000e+00> : vector<128xf32>
    %reduce_sum3A_64 = vector.multi_reduction <add>, %mul3A_62, %reduce_sum3A_63 [0] : vector<10000x128xf32> to vector<128xf32>
    %broadcast_in_dim3A_65 = vector.shape_cast %reduce_sum3A_64 : vector<128xf32> to vector<1x128xf32>
    %div3A_66 = arith.constant 1.000000e+04 : f32
    %div3A_67 = vector.broadcast %div3A_66 : f32 to vector<1x128xf32>
    %div3A_68 = arith.divf %broadcast_in_dim3A_65, %div3A_67 : vector<1x128xf32>
    %add3A_69 = arith.constant 9.99999974E-6 : f32
    %add3A_70 = vector.broadcast %add3A_69 : f32 to vector<1x128xf32>
    %add3A_71 = arith.addf %div3A_68, %add3A_70 : vector<1x128xf32>
    %rsqrt3A_72 = math.rsqrt %add3A_71 : vector<1x128xf32>
    %mul3A_73 = vector.broadcast %rsqrt3A_72 : vector<1x128xf32> to vector<10000x128xf32>
    %mul3A_74 = arith.mulf %sub3A_61, %mul3A_73 : vector<10000x128xf32>
    %mul3A_75 = vector.broadcast %get3A_50 : vector<1x128xf32> to vector<10000x128xf32>
    %mul3A_76 = arith.mulf %mul3A_74, %mul3A_75 : vector<10000x128xf32>
    %add3A_77 = vector.broadcast %get3A_53 : vector<1x128xf32> to vector<10000x128xf32>
    %add3A_78 = arith.addf %mul3A_76, %add3A_77 : vector<10000x128xf32>
    %max3A_79 = arith.constant 0.000000e+00 : f32
    %max3A_80 = vector.broadcast %max3A_79 : f32 to vector<10000x128xf32>
    %max3A_81 = arith.maximumf %add3A_78, %max3A_80 : vector<10000x128xf32>
    %get3A_82 = arith.constant 0 : index
    %get3A_83 = arith.constant 0 : index
    %get3A_84 = vector.load %arg9[%get3A_82, %get3A_83] : memref<128x64xf32, #tpu.memory_space<vmem>>, vector<128x64xf32>
    %dot_general3A_85 = arith.constant dense<0.000000e+00> : vector<10000x64xf32>
    %dot_general3A_86 = tpu.matmul %max3A_81, %get3A_84, %dot_general3A_85 {dimension_numbers = #tpu.dot_dimension_numbers<[1], [0], [0], [1], [0, 0, 1, 1], [], []>, transpose_lhs_hint = false} : vector<10000x128xf32>, vector<128x64xf32>, vector<10000x64xf32> -> vector<10000x64xf32>
    %get3A_87 = arith.constant 0 : index
    %get3A_88 = arith.constant 0 : index
    %get3A_89 = vector.load %arg10[%get3A_87, %get3A_88] : memref<1x64xf32, #tpu.memory_space<vmem>>, vector<1x64xf32>
    %add3A_90 = vector.broadcast %get3A_89 : vector<1x64xf32> to vector<10000x64xf32>
    %add3A_91 = arith.addf %dot_general3A_86, %add3A_90 : vector<10000x64xf32>
    %swap3A = arith.constant 0 : index
    %swap3A_92 = arith.constant 0 : index
    %swap3A_93 = vector.load %arg13[%swap3A, %swap3A_92] : memref<10000x64xf32, #tpu.memory_space<vmem>>, vector<10000x64xf32>
    tpu.vector_store %arg13[%swap3A, %swap3A_92], %add3A_91 {strides = array<i32>} : memref<10000x64xf32, #tpu.memory_space<vmem>>, vector<10000x64xf32>,
    return
  }
}

</mosaic_0001>

<sc_bundles>
// kernel: kernel.13.cloned.1.call-start
scs
__scs_entry_jumppad:
0x0: {  	(pc) =	sbr.rel $0x88, $3  }
0x1: {  	(tag) =	ssettag $0x0;
	lr =	simm.s32 $0x1  }
0x2: {  	[smem:$0x3F66] =	sst lr;
	_ =	strace $0xD0000000  }
0x3: {  	_ = 	snop  }
0x4: {  	_ = 	snop  }
0x5: {  	_ = 	snop  }
0x6: {  	_ = 	snop  }
0x7: {  	_ = 	snop  }
__scs_overlays_trampoline_lowered:
0x8: {  	[smem:$0x3F75] =	sst s0  }
0x9: {  	[smem:$0x3F76] =	sst s1  }
0xa: {  	[smem:$0x3F77] =	sst s2  }
0xb: {  	[smem:$0x3F78] =	sst s3  }
0xc: {  	[smem:$0x3F79] =	sst s4  }
0xd: {  	[smem:$0x3F7A] =	sst s5  }
0xe: {  	[smem:$0x3F7B] =	sst s6  }
0xf: {  	[smem:$0x3F7C] =	sst s7  }
0x10: {  	[smem:$0x3F7D] =	sst s8  }
0x11: {  	[smem:$0x3F7E] =	sst s9;
	s0 =	simm.s32 @!p0 $0x0  }
0x12: {  	s1 =	sld [smem:$0x3F64];
	s0 =	simm.s32 @p0 $0x1  }
0x13: {  	[smem:$0x3F7F] =	sst s0;
	s0 =	simm.s32 @!p1 $0x0  }
0x14: {  	s2 =	sld [smem:$0x3F63];
	s0 =	simm.s32 @p1 $0x1  }
0x15: {  	[smem:$0x3F80] =	sst s0;
	s0 =	simm.s32 @!p2 $0x0  }
0x16: {  	s3 =	sld [smem:$0x3FDB];
	s0 =	simm.s32 @p2 $0x1  }
0x17: {  	s4 =	simm.s32 $0x1BF5;
	[smem:$0x3F82] =	sst s0  }
0x18: {  	s0 =	sld [smem:$0x3F65];
	_ =	swait.ge [sflag:s4], $0x0  }
0x19: {  	s7 =	sld [smem:$0x3F66]  }
0x1a: {  	s8 =	sadd.s32 $0xFFFFE003, lr  }
0x1b: {  	s9 =	sadd.s32 $0xFFFFFEF7, lr;
	s5 =	simm.s32 $0xFFFFFFFF;
	p2 =	slt.u32 s8, $0xFFFFF086  }
0x1c: {  	p1 =	slt.u32 s9, $0xF7A;
	s5 =	simm.s32 @!p2 $0x0  }
0x1d: {  	s5 =	simm.s32 @p1 $0x1;
	p0 =	seq.s32 s7, s2  }
0x1e: {  	s7 =	smul.u32 @!p0 $0xF7A, s2;
	p2 =	seq.s32 @!p0 s5, $0x0  }
0x1f: {  	s9 =	smul.u32 $0xF7A, s1;
	s8 =	simm.s32 @!p0 $0x1BF5;
	p2 =	por !p2, p0  }
0x20: {  	[sflag:s8] =	ssyncset.s32 @!p0 $0xFFFFF086;
	s6 =	sadd.s32 @!p0 s3, s7;
	s7 =	simm.s32 @!p0 $0x108  }
0x21: {  	s3 =	sadd.s32 s3, s9;
	s6 =	sadd.s32 @!p0 $0x88, s6;
	s7 =	simm.s32 @p2 $0x1082  }
0x22: {  	[simem:s7], [sflag:s8] =	dma.local @!p0 [hbm:s6], $0xF7A  }
0x23: {  	s9 =	sor.u32 $0xD0000000, s2;
	s6 =	simm.s32 $0x108;
	_ =	swait.ge @!p0 [sflag:s8], $0x0  }
0x24: {  	s3 =	sadd.s32 $0x88, s3;
	s6 =	simm.s32 @!p1 $0x1082;
	[sflag:s4] =	ssyncset.s32 $0xFFFFF086  }
0x25: {  	[simem:s6], [sflag:s4] =	dma.local [hbm:s3], $0xF7A  }
0x26: {  	[smem:$0x3F66] =	sst s1;
	(tag) =	ssettag s2;
	_ =	strace s9  }
0x27: {  	s1 =	sld [smem:$0x3F76]  }
0x28: {  	s2 =	sld [smem:$0x3F77]  }
0x29: {  	s4 =	sld [smem:$0x3F79]  }
0x2a: {  	p0 =	seq.s32 s5, $0x0;
	s5 =	sld [smem:$0x3F7A]  }
0x2b: {  	s6 =	sld [smem:$0x3F7B]  }
0x2c: {  	s7 =	sld [smem:$0x3F7C]  }
0x2d: {  	s3 =	simm.s32 $0x108;
	s8 =	sld [smem:$0x3F7D]  }
0x2e: {  	s3 =	simm.s32 @!p0 $0x1082;
	s9 =	sld [smem:$0x3F7E]  }
0x2f: {  	lr =	sadd.s32 s0, s3;
	s0 =	sld [smem:$0x3F75]  }
0x30: {  	s3 =	sld [smem:$0x3F78]  }
0x31: {  	[smem:$0x3F81] =	sst s10  }
0x32: {  	s10 =	sld [smem:$0x3F7F];
	_ =	sdelay $0x3  }
0x33: {  	p0 =	seq.s32 s10, $0x1;
	s10 =	sld [smem:$0x3F81];
	_ =	sdelay $0x3  }
0x34: {  	[smem:$0x3F81] =	sst s10  }
0x35: {  	s10 =	sld [smem:$0x3F80];
	_ =	sdelay $0x3  }
0x36: {  	p1 =	seq.s32 s10, $0x1;
	s10 =	sld [smem:$0x3F81];
	_ =	sdelay $0x3  }
0x37: {  	[smem:$0x3F81] =	sst s10  }
0x38: {  	s10 =	sld [smem:$0x3F82]  }
0x39: {  	_ = 	snop;
	(pc) =	sbr.ind lr, $3  }
0x3a: {  	_ = 	snop  }
0x3b: {  	_ = 	snop  }
0x3c: {  	p2 =	seq.s32 s10, $0x1;
	s10 =	sld [smem:$0x3F81]  }
0x3d: {  	_ =	shalt  }
0x3e: {  	_ =	shalt  }
0x3f: {  	_ =	shalt  }
0x40: {  	_ =	shalt  }
0x41: {  	_ =	shalt  }
0x42: {  	_ =	shalt  }
0x43: {  	_ =	shalt  }
0x44: {  	_ =	shalt  }
0x45: {  	_ =	shalt  }
0x46: {  	_ =	shalt  }
0x47: {  	_ =	shalt  }
0x48: {  	_ =	shalt  }
0x49: {  	_ =	shalt  }
0x4a: {  	_ =	shalt  }
0x4b: {  	_ =	shalt  }
0x4c: {  	_ =	shalt  }
0x4d: {  	_ =	shalt  }
0x4e: {  	_ =	shalt  }
0x4f: {  	_ =	shalt  }
0x50: {  	_ =	shalt  }
0x51: {  	_ =	shalt  }
0x52: {  	_ =	shalt  }
0x53: {  	_ =	shalt  }
0x54: {  	_ =	shalt  }
0x55: {  	_ =	shalt  }
0x56: {  	_ =	shalt  }
0x57: {  	_ =	shalt  }
0x58: {  	_ =	shalt  }
0x59: {  	_ =	shalt  }
0x5a: {  	_ =	shalt  }
0x5b: {  	_ =	shalt  }
0x5c: {  	_ =	shalt  }
0x5d: {  	_ =	shalt  }
0x5e: {  	_ =	shalt  }
0x5f: {  	_ =	shalt  }
0x60: {  	_ =	shalt  }
0x61: {  	_ =	shalt  }
0x62: {  	_ =	shalt  }
0x63: {  	_ =	shalt  }
0x64: {  	_ =	shalt  }
0x65: {  	_ =	shalt  }
0x66: {  	_ =	shalt  }
0x67: {  	_ =	shalt  }
0x68: {  	_ =	shalt  }
0x69: {  	_ =	shalt  }
0x6a: {  	_ =	shalt  }
0x6b: {  	_ =	shalt  }
0x6c: {  	_ =	shalt  }
0x6d: {  	_ =	shalt  }
0x6e: {  	_ =	shalt  }
0x6f: {  	_ =	shalt  }
0x70: {  	_ =	shalt  }
0x71: {  	_ =	shalt  }
0x72: {  	_ =	shalt  }
0x73: {  	_ =	shalt  }
0x74: {  	_ =	shalt  }
0x75: {  	_ =	shalt  }
0x76: {  	_ =	shalt  }
0x77: {  	_ =	shalt  }
0x78: {  	_ =	shalt  }
0x79: {  	_ =	shalt  }
0x7a: {  	_ =	shalt  }
0x7b: {  	_ =	shalt  }
0x7c: {  	_ =	shalt  }
0x7d: {  	_ =	shalt  }
0x7e: {  	_ =	shalt  }
0x7f: {  	_ =	shalt  }
0x80: {  	_ =	shalt  }
0x81: {  	_ =	shalt  }
0x82: {  	_ =	shalt  }
0x83: {  	_ =	shalt  }
0x84: {  	_ =	shalt  }
0x85: {  	_ =	shalt  }
0x86: {  	_ =	shalt  }
0x87: {  	_ =	shalt  }
.Lfunc_end0:
.L_simem_size_0:
called_computation_lowered:
.L_overlay_start_0:
0x88: {  	s2 =	sld [smem:$0x3FD9]  }
0x89: {  	s3 =	sld [smem:$0x3FFE];
	_ =	sdelay $0x1  }
0x8a: {  	s1 =	srdreg.scid  }
0x8b: {  	s0 =	sand.u32 $0x1, s1  }
0x8c: {  	s17 =	sshll.u32 s0, $0xA;
	s2 =	sadd.s32 s3, s2  }
0x8d: {  	s2 =	sadd.s32 s2, s17  }
0x8e: {  	[smem:$0x3F8D] =	sst s2  }
0x8f: {  	_ = 	snop  }
0x90: {  	s2 =	sld [smem:$0x3FC9]  }
0x91: {  	s18 =	sld [smem:$0x3FD0];
	(tm) =	ssettm $0x1  }
0x92: {  	s4 =	sld [smem:$0x3FFB];
	_ =	sdelay $0x3  }
0x93: {  	_ =	strace s4  }
0x94: {  	s4 =	sld [smem:$0x3FFC];
	_ =	sdelay $0x3  }
0x95: {  	_ =	strace s4  }
0x96: {  	s4 =	sld [smem:$0x3FFD];
	_ =	sdelay $0x3  }
0x97: {  	_ =	strace s4  }
0x98: {  	_ =	strace $0x8FFFFFFF  }
0x99: {  	s19 =	sld [smem:$0x3FDB];
	_ =	sdelay $0x1  }
0x9a: {  	s5 =	simm.s32 $_scs_section_size  }
0x9b: {  	s6 =	simm.s32 $_size__tile_overlayer_lowered;
	s7 =	simm.s32 $_tile_overlayer_lowered  }
0x9c: {  	s22 =	simm.s32 $0x1BFF;
	s21 =	sshll.u32 s7, $0x1;
	s4 =	sadd.s32 s5, s19  }
0x9d: {  	s8 =	simm.s32 $0x0;
	s20 =	sshll.u32 s6, $0x1;
	s6 =	sadd.s32 s21, s4  }
0x9e: {  	[timem:s8], [sflag:s22] =	dma.local [hbm:s6], s20  }
0x9f: {  	_ =	swait.ge [sflag:s22], s20  }
0xa0: {  	s5 =	ssub.s32 $0x0, s20;
	[sflag:s22] =	ssyncset.done $0x0  }
0xa1: {  	[sflag:s22] =	ssyncadd.s32 s5;
	_ =	sdelay $0x1  }
0xa2: {  	s23 =	simm.s32 $0x1B8B  }
0xa3: {  	_ =	swait.ge [sflag:s23], $0x1  }
0xa4: {  	[sflag:s23] =	ssyncset.done $0x0  }
0xa5: {  	s25 =	simm.s32 $0x1B8E;
	s24 =	sld [smem:$0x3FFE];
	[sflag:s23] =	ssyncadd.s32 $0xFFFFFFFF  }
0xa6: {  	s26 =	simm.s32 $execute0_lowered;
	[smem:$0x3FD2] =	sst s25  }
0xa7: {  	s6 =	sshll.u32 s26, $0x1;
	_ =	strace $0x80000046;
	[dreg:$0x1] =	wrdreg $0xFFFFFFFF  }
0xa8: {  	s28 =	simm.s32 $_size_execute0_lowered;
	s4 =	sadd.s32 s4, s6;
	[dreg:$0x0] =	wrdreg $0x0  }
0xa9: {  	s6 =	sshll.u32 s28, $0x1;
	[dreg:$0x2] =	wrdreg s4  }
0xaa: {  	[dreg:$0x3] =	wrdreg s6  }
0xab: {  	[dreg:$0x4] =	wrdreg $0xC0  }
0xac: {  	_ =	task [dreg:s8], $0x5FFFF  }
0xad: {  	[dreg:$0x1] =	wrdreg $0xFFFFFFFF  }
0xae: {  	[dreg:$0x0] =	wrdreg $0x60  }
0xaf: {  	[dreg:$0x2] =	wrdreg s2  }
0xb0: {  	[dreg:$0x3] =	wrdreg s24  }
0xb1: {  	[dreg:$0x4] =	wrdreg s18  }
0xb2: {  	[dreg:$0x5] =	wrdreg $0x7B000  }
0xb3: {  	[dreg:$0x6] =	wrdreg $0x9  }
0xb4: {  	_ =	task.clear_ibuf [dreg:s8], $0x7FFFF;
	_ =	strace $0x90000046  }
0xb5: {  	s29 =	simm.s32 $0x9;
	_ =	strace $0x80000048  }
0xb6: {  	_ =	swait.ge [sflag:s29], $0x1  }
0xb7: {  	[sflag:s29] =	ssyncadd.s32 $0xFFFFFFFF  }
0xb8: {  	_ =	strace $0x90000048  }
0xb9: {  	_ =	sfence  }
0xba: {  	s30 =	sld [smem:$0x0];
	_ =	sdelay $0x2  }
0xbb: {  	s31 =	sshll.u32 s1, $0xD;
	s1 =	sshrl.u32 s1, $0x2  }
0xbc: {  	s3 =	sand.u32 $0x4000, s31;
	s1 =	sadd.s32 s1, s30  }
0xbd: {  	s0 =	sor.u32 s3, s0;
	s1 =	sshll.u32 s1, $0x11  }
0xbe: {  	s0 =	sor.u32 s1, s0  }
0xbf: {  	s0 =	sadd.s32 $0x8F2B, s0  }
0xc0: {  	[sflag:s0] =	ssyncadd.remote.s32 $0x1  }
0xc1: {  	_ =	sfence.sel $0xFFFF  }
0xc2: {  	[dreg:$0x0] =	wrdreg $0xFFFFFFFF;
	(pc) =	sbr.abs _section_cstart, $3  }
0xc3: {  	[dreg:$0x1] =	wrdreg $0xFFFFFFFF  }
0xc4: {  	_ =	task.clear_ibuf [dreg:s8], $0x2FFFF;
	_ =	strace $0x9FFFFFFF  }
0xc5: {  	(tm) =	ssettm $0x7FFFFFFF  }
tec
execute0_lowered:
.L_overlay_start_1:
0x0: {  	(tag) =	ssettag $0x1  }
0x1: {  	s1 =	rddreg [dreg:$0x0]  }
0x2: {  	s0 =	rddreg [dreg:$0x1]  }
0x3: {  	s2 =	rddreg [dreg:$0x2]  }
0x4: {  	s3 =	rddreg [dreg:$0x3];
	s4 =	stileid.u32  }
0x5: {  	s5 =	srdreg.scid;
	s6 =	simm.s32 $0x0;
	s31 =	simm.s32 $0x7  }
0x6: {  	s28 =	simm.s32 $0x6;
	s7 =	smul.u32 $0x2700, s4;
	s8 =	sand.u32 $0x1, s5  }
0x7: {  	[smem:$0x7FF] =	sst s6;
	s5 =	sadd.s32 $0x4F5000, s0;
	s10 =	smul.u32 $0x2710, s4  }
0x8: {  	s6 =	sadd.s32 $0x4EB200, s0;
	s12 =	smul.u32 $0x4E000, s4;
	s14 =	sadd.s32 $0x30400, s0  }
0x9: {  	s19 =	sshll.u32 s4, $0x6;
	p0 =	sne.s32 s4, $0x0;
	s9 =	smul.u32 $0x27100, s8  }
0xa: {  	_ =	strace $0x80000047;
	s11 =	ssub.s32 $0x2, s8;
	s19 =	sor.u32 $0x1C07, s19  }
0xb: {  	s8 =	smul.u32 $0x138800, s8;
	s13 =	sadd.s32 s7, s0;
	s15 =	sshrl.u32 s11, $0x1  }
0xc: {  	s12 =	sshrl.u32 s12, $0x2;
	s0 =	sadd.s32 $0x30200, s0;
	[dreg:$0x7] =	wrdreg s19  }
0xd: {  	s11 =	ssub.s32 s11, s15;
	s12 =	sadd.s32 s12, s3;
	[dreg:$0x8] =	wrdreg s0  }
0xe: {  	s10 =	sadd.s32 s10, s9;
	s18 =	sadd.s32 $0x9200, s13;
	[dreg:$0x5] =	wrdreg s12  }
0xf: {  	s9 =	sadd.s32 s7, s9;
	s7 =	simm.s32 $0x3F00;
	[dreg:$0x6] =	wrdreg s18  }
0x10: {  	s20 =	sshrl.u32 s10, $0x3;
	s22 =	sshll.u32 s10, $0x4;
	s23 =	sadd.s32 $0x28, s10  }
0x11: {  	s17 =	sadd.s32 $0x50, s10;
	s18 =	sadd.s32 $0x78, s10;
	s12 =	sshrl.u32 s8, $0x3  }
0x12: {  	s13 =	sadd.s32 $0x26C0, s10;
	s8 =	simm.s32 $0x80;
	s21 =	sadd.s32 s6, s20  }
0x13: {  	s0 =	sadd.s32 s2, s20;
	s24 =	sadd.s32 s5, s22;
	s25 =	sshrl.u32 s23, $0x3  }
0x14: {  	s29 =	sshll.u32 s23, $0x4;
	s20 =	sadd.s32 $0xA0, s10;
	[dreg:$0x9] =	wrdreg s21  }
0x15: {  	s15 =	sshrl.u32 s13, $0x3;
	s16 =	sshll.u32 s13, $0x4;
	[dreg:$0xa] =	wrdreg s0  }
0x16: {  	s13 =	simm.s32 $0x28;
	[dreg:$0xb] =	wrdreg s24;
	s26 =	sadd.s32 s6, s25  }
0x17: {  	s0 =	sadd.s32 s2, s25;
	s30 =	sadd.s32 s5, s29;
	s21 =	sadd.s32 $0x26E8, s10  }
0x18: {  	s22 =	sadd.s32 s6, s15;
	s4 =	sadd.s32 s2, s15;
	[dreg:$0xc] =	wrdreg s26  }
0x19: {  	s23 =	sadd.s32 s5, s16;
	s29 =	smax.u32 s11, $0x1;
	[dreg:$0xd] =	wrdreg s0  }
0x1a: {  	s10 =	simm.s32 $0x200;
	s15 =	simm.s32 $0x100;
	[dreg:$0xe] =	wrdreg s30  }
0x1b: {  	s16 =	simm.s32 $0x280;
	s11 =	simm.s32 $0x0;
	[dreg:$0x10] =	wrdreg s22  }
0x1c: {  	s0 =	sadd.s32 s14, s9;
	s14 =	sadd.s32 s14, s12;
	[dreg:$0x11] =	wrdreg s4  }
0x1d: {  	[dreg:$0x12] =	wrdreg s23;
	s24 =	sshrl.u32 s21, $0x3;
	s26 =	sshll.u32 s21, $0x4  }
0x1e: {  	[dreg:$0x17] =	wrdreg s29;
	s30 =	sadd.s32 $0x138000, s3;
	s12 =	simm.s32 $0x1  }
0x1f: {  	s21 =	simm.s32 $0x2;
	s22 =	simm.s32 $0x1700;
	[dreg:$0xf] =	wrdreg s0  }
0x20: {  	s23 =	simm.s32 $0x4;
	s25 =	sadd.s32 s6, s24;
	[dreg:$0x18] =	wrdreg s30  }
0x21: {  	s4 =	sadd.s32 s2, s24;
	s0 =	sadd.s32 $0x27000, s14;
	[dreg:$0x13] =	wrdreg s25  }
0x22: {  	s14 =	simm.s32 $0x300;
	s24 =	simm.s32 $0x3;
	[dreg:$0x14] =	wrdreg s4  }
0x23: {  	s4 =	sadd.s32 s5, s26;
	[dreg:$0x16] =	wrdreg s0;
	s0 =	simm.s32 $0x180  }
0x24: {  	s25 =	simm.s32 $0x2B00;
	s26 =	simm.s32 $0x5;
	[dreg:$0x15] =	wrdreg s4  }
.LBB2_1:
0x25: {  	[dreg:$0x19] =	wrdreg s11  }
0x26: {  	s4 =	rddreg [dreg:$0x5]  }
0x27: {  	s11 =	rddreg [dreg:$0x6];
	s9 =	sshrl.u32 s4, $0x3  }
0x28: {  	[dreg:$0x1a] =	wrdreg s9  }
0x29: {  	[spmem:s9], [sflag:s19] =	dma.local [hbm:s11], $0x2700  }
0x2a: {  	_ =	swait.ge [sflag:s31], $0x2700  }
0x2b: {  	s4 =	rddreg [dreg:$0x18]  }
0x2c: {  	[sflag:s31] =	ssyncset.done $0x0;
	s9 =	sshrl.u32 @!p0 s4, $0x3;
	s4 =	rddreg [dreg:$0x8]  }
0x2d: {  	[sflag:s31] =	ssyncadd.s32 $0xFFFFD900;
	[dreg:$0x1b] =	wrdreg s9  }
0x2e: {  	[spmem:s9], [sflag:s19] =	dma.local @!p0 [hbm:s4], $0x100  }
0x2f: {  	s4 =	simm.s32 @!p0 $0x7  }
0x30: {  	_ =	swait.ge @!p0 [sflag:s4], $0x100  }
0x31: {  	[sflag:s4] =	ssyncset.done @!p0 $0x0  }
0x32: {  	[sflag:s4] =	ssyncadd.s32 @!p0 $0xFFFFFF00  }
0x33: {  	[bflag:$0x0] =	sbarrier.arrive $0xFFFF  }
0x34: {  	s4 =	simm.s32 $0x0;
	s29 =	rddreg [dreg:$0x9]  }
0x35: {  	[tilespmem:s4], [sflag:$0x1] =	stream.linear.gather [hbm4b:s29+s4], $0x28, $0x38;
	[tilespmem:$0x1B380] =	vst v63  }
0x36: {  	s11 =	rddreg [dreg:$0xa]  }
0x37: {  	[tilespmem:s0], [sflag:$0x1] =	stream.linear.gather [hbm4b:s11+s4], $0x28, $0x38;
	[tilespmem:$0x1B380] =	vst v63  }
0x38: {  	s19 =	rddreg [dreg:$0xb]  }
0x39: {  	[tilespmem:s7], [sflag:$0x1] =	stream.linear.gather [hbm4b:s19+s4], $0x1400, $0x38;
	[tilespmem:$0x1B380] =	vst v63  }
0x3a: {  	s29 =	rddreg [dreg:$0xc]  }
0x3b: {  	[tilespmem:s8], [sflag:$0x2] =	stream.linear.gather [hbm4b:s29+s4], $0x28, $0x38;
	[tilespmem:$0x1B380] =	vst v63  }
0x3c: {  	s11 =	rddreg [dreg:$0xd]  }
0x3d: {  	[tilespmem:s10], [sflag:$0x2] =	stream.linear.gather [hbm4b:s11+s4], $0x28, $0x38;
	[tilespmem:$0x1B380] =	vst v63  }
0x3e: {  	s19 =	rddreg [dreg:$0xe];
	s29 =	simm.s32 $0x5300  }
0x3f: {  	[tilespmem:s29], [sflag:$0x2] =	stream.linear.gather [hbm4b:s19+s4], $0x1400, $0x38;
	[tilespmem:$0x1B380] =	vst v63  }
0x40: {  	_ =	swait.ge [sflag:s12], $0x28  }
0x41: {  	[sflag:s12] =	ssyncset.done $0x0  }
0x42: {  	[sflag:s12] =	ssyncadd.s32 $0xFFFFFFD8  }
0x43: {  	_ =	swait.ge [sflag:s12], $0x28  }
0x44: {  	[sflag:s12] =	ssyncset.done $0x0  }
0x45: {  	[sflag:s12] =	ssyncadd.s32 $0xFFFFFFD8  }
0x46: {  	_ =	swait.ge [sflag:s12], $0x1400  }
0x47: {  	[sflag:s12] =	ssyncset.done $0x0  }
0x48: {  	s30 =	simm.s32 $0x0;
	[sflag:s12] =	ssyncadd.s32 $0xFFFFEC00  }
0x49: {  	[tilespmem:s14], [sflag:$0x4] =	stream.indirect.gather [hbm4b:s1+s13], $0x80, s4, s13, $0xb8;
	[tilespmem:$0x1B380] =	vst v63  }
.LBB2_2:
0x4a: {  	s4 =	smul.u32 $0x78, s30;
	_ =	sdelay $0x1  }
0x4b: {  	s9 =	sadd.s32 s4, s17  }
0x4c: {  	s29 =	sshrl.u32 s9, $0x3  }
0x4d: {  	s19 =	simm.s32 $0x0;
	s11 =	sadd.s32 s6, s29  }
0x4e: {  	[tilespmem:s15], [sflag:$0x3] =	stream.linear.gather [hbm4b:s11+s19], $0x28, $0x38;
	[tilespmem:$0x1B380] =	vst v63  }
0x4f: {  	s9 =	sshll.u32 s9, $0x4;
	s11 =	sadd.s32 s2, s29  }
0x50: {  	[tilespmem:s16], [sflag:$0x3] =	stream.linear.gather [hbm4b:s11+s19], $0x28, $0x38;
	[tilespmem:$0x1B380] =	vst v63  }
0x51: {  	s9 =	sadd.s32 s5, s9;
	s11 =	simm.s32 $0x6700  }
0x52: {  	[tilespmem:s11], [sflag:$0x3] =	stream.linear.gather [hbm4b:s9+s19], $0x1400, $0x38;
	[tilespmem:$0x1B380] =	vst v63  }
0x53: {  	_ =	swait.ge [sflag:s21], $0x28  }
0x54: {  	[sflag:s21] =	ssyncset.done $0x0  }
0x55: {  	[sflag:s21] =	ssyncadd.s32 $0xFFFFFFD8  }
0x56: {  	_ =	swait.ge [sflag:s21], $0x28  }
0x57: {  	[sflag:s21] =	ssyncset.done $0x0  }
0x58: {  	[sflag:s21] =	ssyncadd.s32 $0xFFFFFFD8  }
0x59: {  	_ =	swait.ge [sflag:s21], $0x1400  }
0x5a: {  	[sflag:s21] =	ssyncset.done $0x0  }
0x5b: {  	[sflag:s21] =	ssyncadd.s32 $0xFFFFEC00  }
0x5c: {  	[tilespmem:s22], [sflag:$0x5] =	stream.indirect.gather [hbm4b:s1+s13], $0x80, s8, s13, $0xb8;
	[tilespmem:$0x1B380] =	vst v63  }
0x5d: {  	_ =	swait.ge [sflag:s23], $0x1400  }
0x5e: {  	[sflag:s23] =	ssyncset.done $0x0  }
0x5f: {  	s9 =	simm.s32 $0x0;
	[sflag:s23] =	ssyncadd.s32 $0xFFFFEC00  }
0x60: {  	v6 =	vld [tilespmem:s9+$0x3F00]  }
0x61: {  	v11 =	vld [tilespmem:s9+$0x3F10]  }
0x62: {  	v5 =	vld [tilespmem:s9+$0x3F20]  }
0x63: {  	v4 =	vld [tilespmem:s9+$0x3F30]  }
0x64: {  	v3 =	vld [tilespmem:s9+$0x3F40]  }
0x65: {  	v2 =	vld [tilespmem:s9+$0x3F50]  }
0x66: {  	v1 =	vld [tilespmem:s9+$0x3F60]  }
0x67: {  	v0 =	vld [tilespmem:s9+$0x3F70]  }
0x68: {  	v12 =	vld [tilespmem:s9+$0x300]  }
0x69: {  	v13 =	vld [tilespmem:s9+$0x310]  }
0x6a: {  	v10 =	vld [tilespmem:s9+$0x320]  }
0x6b: {  	v9 =	vld [tilespmem:s9+$0x330]  }
0x6c: {  	v8 =	vld [tilespmem:s9+$0x340]  }
0x6d: {  	v7 =	vld [tilespmem:s9+$0x350];
	v12 =	vadd.f32 v6, v12  }
0x6e: {  	s29 =	simm.s32 $0x200;
	v11 =	vadd.f32 v11, v13;
	v6 =	vld [tilespmem:s9+$0x360]  }
.LBB2_3:
0x6f: {  	s11 =	sshra.s32 s29, $0x2;
	p1 =	sne.s32 s29, $0x4E00;
	v12 =	vmax.f32 v12, $0.0e+00;
	v5 =	vadd.f32 v5, v10;
	v10 =	vld [tilespmem:s9+$0x370]  }
0x70: {  	v13 =	vld [tilespmem:s11+$0x3F00];
	[tilespmem:s9+$0x300] =	vst v12;
	v11 =	vmax.f32 v11, $0.0e+00;
	v4 =	vadd.f32 v4, v9  }
0x71: {  	v14 =	vld [tilespmem:s11+$0x3F10];
	[tilespmem:s9+$0x310] =	vst v11;
	v9 =	vmax.f32 v5, $0.0e+00;
	v3 =	vadd.f32 v3, v8  }
0x72: {  	v5 =	vld [tilespmem:s11+$0x3F20];
	[tilespmem:s9+$0x320] =	vst v9;
	v8 =	vmax.f32 v4, $0.0e+00;
	v2 =	vadd.f32 v2, v7  }
0x73: {  	v4 =	vld [tilespmem:s11+$0x3F30];
	[tilespmem:s9+$0x330] =	vst v8;
	v7 =	vmax.f32 v3, $0.0e+00;
	v1 =	vadd.f32 v1, v6  }
0x74: {  	v3 =	vld [tilespmem:s11+$0x3F40];
	[tilespmem:s9+$0x340] =	vst v7;
	v6 =	vmax.f32 v2, $0.0e+00;
	v0 =	vadd.f32 v0, v10  }
0x75: {  	v2 =	vld [tilespmem:s11+$0x3F50];
	[tilespmem:s9+$0x350] =	vst v6;
	v6 =	vmax.f32 v1, $0.0e+00  }
0x76: {  	v1 =	vld [tilespmem:s11+$0x3F60];
	[tilespmem:s9+$0x360] =	vst v6;
	v6 =	vmax.f32 v0, $0.0e+00  }
0x77: {  	v0 =	vld [tilespmem:s11+$0x3F70];
	[tilespmem:s9+$0x370] =	vst v6;
	s9 =	smov.u32 s11  }
0x78: {  	v6 =	vld [tilespmem:s9+$0x300]  }
0x79: {  	v11 =	vld [tilespmem:s9+$0x310]  }
.Ltmp0:
0x7a: {  	v10 =	vld [tilespmem:s9+$0x320];
	(pc) =	sbr.rel @p1 .LBB2_3-.Ltmp0, $4  }
0x7b: {  	v9 =	vld [tilespmem:s9+$0x330]  }
0x7c: {  	v8 =	vld [tilespmem:s9+$0x340]  }
0x7d: {  	v12 =	vadd.f32 v13, v6;
	v7 =	vld [tilespmem:s9+$0x350]  }
0x7e: {  	s29 =	sadd.s32 $0x200, s29;
	v11 =	vadd.f32 v14, v11;
	v6 =	vld [tilespmem:s9+$0x360]  }
0x7f: {  	v12 =	vmax.f32 v12, $0.0e+00;
	v5 =	vadd.f32 v5, v10;
	v10 =	vld [tilespmem:s9+$0x370]  }
0x80: {  	[tilespmem:s9+$0x300] =	vst v12;
	v11 =	vmax.f32 v11, $0.0e+00;
	v4 =	vadd.f32 v4, v9  }
0x81: {  	[tilespmem:s9+$0x310] =	vst v11;
	v5 =	vmax.f32 v5, $0.0e+00;
	v3 =	vadd.f32 v3, v8  }
0x82: {  	[tilespmem:s9+$0x320] =	vst v5;
	v4 =	vmax.f32 v4, $0.0e+00;
	v2 =	vadd.f32 v2, v7  }
0x83: {  	[tilespmem:s9+$0x330] =	vst v4;
	v3 =	vmax.f32 v3, $0.0e+00;
	v1 =	vadd.f32 v1, v6  }
0x84: {  	[tilespmem:s9+$0x340] =	vst v3;
	v2 =	vmax.f32 v2, $0.0e+00;
	v0 =	vadd.f32 v0, v10  }
0x85: {  	[tilespmem:s9+$0x350] =	vst v2;
	v1 =	vmax.f32 v1, $0.0e+00  }
0x86: {  	[tilespmem:s9+$0x360] =	vst v1;
	v0 =	vmax.f32 v0, $0.0e+00  }
0x87: {  	[tilespmem:s9+$0x370] =	vst v0  }
0x88: {  	[spmem:s3] =	stream.indirect.scatter.add.f32 [tilespmem:s14], [sflag:$0x7], $0x80, s0, s13, $0xb8;
	[tilespmem:$0x1B380] =	vst v63  }
0x89: {  	s9 =	sadd.s32 s4, s18;
	_ =	swait.ge [sflag:s31], $0x1400  }
0x8a: {  	s11 =	sshrl.u32 s9, $0x3;
	[sflag:s31] =	ssyncset.done $0x0  }
0x8b: {  	s29 =	simm.s32 $0x0;
	s19 =	sadd.s32 s6, s11;
	[sflag:s31] =	ssyncadd.s32 $0xFFFFEC00  }
0x8c: {  	[tilespmem:s29], [sflag:$0x1] =	stream.linear.gather [hbm4b:s19+s29], $0x28, $0x38;
	[tilespmem:$0x1B380] =	vst v63  }
0x8d: {  	s9 =	sshll.u32 s9, $0x4;
	s11 =	sadd.s32 s2, s11  }
0x8e: {  	[tilespmem:s0], [sflag:$0x1] =	stream.linear.gather [hbm4b:s11+s29], $0x28, $0x38;
	[tilespmem:$0x1B380] =	vst v63  }
0x8f: {  	s9 =	sadd.s32 s5, s9  }
0x90: {  	[tilespmem:s7], [sflag:$0x1] =	stream.linear.gather [hbm4b:s9+s29], $0x1400, $0x38;
	[tilespmem:$0x1B380] =	vst v63  }
0x91: {  	_ =	swait.ge [sflag:s24], $0x28  }
0x92: {  	[sflag:s24] =	ssyncset.done $0x0  }
0x93: {  	[sflag:s24] =	ssyncadd.s32 $0xFFFFFFD8  }
0x94: {  	_ =	swait.ge [sflag:s24], $0x28  }
0x95: {  	[sflag:s24] =	ssyncset.done $0x0  }
0x96: {  	[sflag:s24] =	ssyncadd.s32 $0xFFFFFFD8  }
0x97: {  	_ =	swait.ge [sflag:s24], $0x1400  }
0x98: {  	[sflag:s24] =	ssyncset.done $0x0  }
0x99: {  	[sflag:s24] =	ssyncadd.s32 $0xFFFFEC00  }
0x9a: {  	[tilespmem:s25], [sflag:$0x6] =	stream.indirect.gather [hbm4b:s1+s13], $0x80, s15, s13, $0xb8;
	[tilespmem:$0x1B380] =	vst v63  }
0x9b: {  	_ =	swait.ge [sflag:s26], $0x1400  }
0x9c: {  	[sflag:s26] =	ssyncset.done $0x0  }
0x9d: {  	s9 =	simm.s32 $0x0;
	[sflag:s26] =	ssyncadd.s32 $0xFFFFEC00  }
0x9e: {  	v6 =	vld [tilespmem:s9+$0x5300]  }
0x9f: {  	v11 =	vld [tilespmem:s9+$0x5310]  }
0xa0: {  	v5 =	vld [tilespmem:s9+$0x5320]  }
0xa1: {  	v4 =	vld [tilespmem:s9+$0x5330]  }
0xa2: {  	v3 =	vld [tilespmem:s9+$0x5340]  }
0xa3: {  	v2 =	vld [tilespmem:s9+$0x5350]  }
0xa4: {  	v1 =	vld [tilespmem:s9+$0x5360]  }
0xa5: {  	v0 =	vld [tilespmem:s9+$0x5370]  }
0xa6: {  	v12 =	vld [tilespmem:s9+$0x1700]  }
0xa7: {  	v13 =	vld [tilespmem:s9+$0x1710]  }
0xa8: {  	v10 =	vld [tilespmem:s9+$0x1720]  }
0xa9: {  	v9 =	vld [tilespmem:s9+$0x1730]  }
0xaa: {  	v8 =	vld [tilespmem:s9+$0x1740]  }
0xab: {  	v7 =	vld [tilespmem:s9+$0x1750];
	v12 =	vadd.f32 v6, v12  }
0xac: {  	s29 =	simm.s32 $0x200;
	v11 =	vadd.f32 v11, v13;
	v6 =	vld [tilespmem:s9+$0x1760]  }
.LBB2_5:
0xad: {  	s11 =	sshra.s32 s29, $0x2;
	p1 =	sne.s32 s29, $0x4E00;
	v12 =	vmax.f32 v12, $0.0e+00;
	v5 =	vadd.f32 v5, v10;
	v10 =	vld [tilespmem:s9+$0x1770]  }
0xae: {  	v13 =	vld [tilespmem:s11+$0x5300];
	[tilespmem:s9+$0x1700] =	vst v12;
	v11 =	vmax.f32 v11, $0.0e+00;
	v4 =	vadd.f32 v4, v9  }
0xaf: {  	v14 =	vld [tilespmem:s11+$0x5310];
	[tilespmem:s9+$0x1710] =	vst v11;
	v9 =	vmax.f32 v5, $0.0e+00;
	v3 =	vadd.f32 v3, v8  }
0xb0: {  	v5 =	vld [tilespmem:s11+$0x5320];
	[tilespmem:s9+$0x1720] =	vst v9;
	v8 =	vmax.f32 v4, $0.0e+00;
	v2 =	vadd.f32 v2, v7  }
0xb1: {  	v4 =	vld [tilespmem:s11+$0x5330];
	[tilespmem:s9+$0x1730] =	vst v8;
	v7 =	vmax.f32 v3, $0.0e+00;
	v1 =	vadd.f32 v1, v6  }
0xb2: {  	v3 =	vld [tilespmem:s11+$0x5340];
	[tilespmem:s9+$0x1740] =	vst v7;
	v6 =	vmax.f32 v2, $0.0e+00;
	v0 =	vadd.f32 v0, v10  }
0xb3: {  	v2 =	vld [tilespmem:s11+$0x5350];
	[tilespmem:s9+$0x1750] =	vst v6;
	v6 =	vmax.f32 v1, $0.0e+00  }
0xb4: {  	v1 =	vld [tilespmem:s11+$0x5360];
	[tilespmem:s9+$0x1760] =	vst v6;
	v6 =	vmax.f32 v0, $0.0e+00  }
0xb5: {  	v0 =	vld [tilespmem:s11+$0x5370];
	[tilespmem:s9+$0x1770] =	vst v6;
	s9 =	smov.u32 s11  }
0xb6: {  	v6 =	vld [tilespmem:s9+$0x1700]  }
0xb7: {  	v11 =	vld [tilespmem:s9+$0x1710]  }
.Ltmp1:
0xb8: {  	v10 =	vld [tilespmem:s9+$0x1720];
	(pc) =	sbr.rel @p1 .LBB2_5-.Ltmp1, $4  }
0xb9: {  	v9 =	vld [tilespmem:s9+$0x1730]  }
0xba: {  	v8 =	vld [tilespmem:s9+$0x1740]  }
0xbb: {  	v12 =	vadd.f32 v13, v6;
	v7 =	vld [tilespmem:s9+$0x1750]  }
0xbc: {  	s29 =	sadd.s32 $0x200, s29;
	v11 =	vadd.f32 v14, v11;
	v6 =	vld [tilespmem:s9+$0x1760]  }
0xbd: {  	v12 =	vmax.f32 v12, $0.0e+00;
	v5 =	vadd.f32 v5, v10;
	v10 =	vld [tilespmem:s9+$0x1770]  }
0xbe: {  	[tilespmem:s9+$0x1700] =	vst v12;
	v11 =	vmax.f32 v11, $0.0e+00;
	v4 =	vadd.f32 v4, v9  }
0xbf: {  	[tilespmem:s9+$0x1710] =	vst v11;
	v5 =	vmax.f32 v5, $0.0e+00;
	v3 =	vadd.f32 v3, v8  }
0xc0: {  	[tilespmem:s9+$0x1720] =	vst v5;
	v4 =	vmax.f32 v4, $0.0e+00;
	v2 =	vadd.f32 v2, v7  }
0xc1: {  	[tilespmem:s9+$0x1730] =	vst v4;
	v3 =	vmax.f32 v3, $0.0e+00;
	v1 =	vadd.f32 v1, v6  }
0xc2: {  	[tilespmem:s9+$0x1740] =	vst v3;
	v2 =	vmax.f32 v2, $0.0e+00;
	v0 =	vadd.f32 v0, v10  }
0xc3: {  	[tilespmem:s9+$0x1750] =	vst v2;
	v1 =	vmax.f32 v1, $0.0e+00  }
0xc4: {  	[tilespmem:s9+$0x1760] =	vst v1;
	v0 =	vmax.f32 v0, $0.0e+00  }
0xc5: {  	[tilespmem:s9+$0x1770] =	vst v0  }
0xc6: {  	[spmem:s3] =	stream.indirect.scatter.add.f32 [tilespmem:s22], [sflag:$0x7], $0x80, s10, s13, $0xb8;
	[tilespmem:$0x1B380] =	vst v63  }
0xc7: {  	s4 =	sadd.s32 s4, s20;
	_ =	swait.ge [sflag:s31], $0x1400  }
0xc8: {  	s29 =	sshrl.u32 s4, $0x3;
	[sflag:s31] =	ssyncset.done $0x0  }
0xc9: {  	s19 =	simm.s32 $0x0;
	s11 =	sadd.s32 s6, s29;
	[sflag:s31] =	ssyncadd.s32 $0xFFFFEC00  }
0xca: {  	[tilespmem:s8], [sflag:$0x2] =	stream.linear.gather [hbm4b:s11+s19], $0x28, $0x38;
	[tilespmem:$0x1B380] =	vst v63  }
0xcb: {  	s4 =	sshll.u32 s4, $0x4;
	s9 =	sadd.s32 s2, s29  }
0xcc: {  	[tilespmem:s10], [sflag:$0x2] =	stream.linear.gather [hbm4b:s9+s19], $0x28, $0x38;
	[tilespmem:$0x1B380] =	vst v63  }
0xcd: {  	s4 =	sadd.s32 s5, s4;
	s29 =	simm.s32 $0x5300  }
0xce: {  	[tilespmem:s29], [sflag:$0x2] =	stream.linear.gather [hbm4b:s4+s19], $0x1400, $0x38;
	[tilespmem:$0x1B380] =	vst v63  }
0xcf: {  	_ =	swait.ge [sflag:s12], $0x28  }
0xd0: {  	[sflag:s12] =	ssyncset.done $0x0  }
0xd1: {  	[sflag:s12] =	ssyncadd.s32 $0xFFFFFFD8  }
0xd2: {  	_ =	swait.ge [sflag:s12], $0x28  }
0xd3: {  	[sflag:s12] =	ssyncset.done $0x0  }
0xd4: {  	[sflag:s12] =	ssyncadd.s32 $0xFFFFFFD8  }
0xd5: {  	_ =	swait.ge [sflag:s12], $0x1400  }
0xd6: {  	[sflag:s12] =	ssyncset.done $0x0  }
0xd7: {  	[sflag:s12] =	ssyncadd.s32 $0xFFFFEC00  }
0xd8: {  	[tilespmem:s14], [sflag:$0x4] =	stream.indirect.gather [hbm4b:s1+s13], $0x80, s19, s13, $0xb8;
	[tilespmem:$0x1B380] =	vst v63  }
0xd9: {  	_ =	swait.ge [sflag:s28], $0x1400  }
0xda: {  	[sflag:s28] =	ssyncset.done $0x0  }
0xdb: {  	s4 =	simm.s32 $0x0;
	[sflag:s28] =	ssyncadd.s32 $0xFFFFEC00  }
0xdc: {  	v6 =	vld [tilespmem:s4+$0x6700]  }
0xdd: {  	v11 =	vld [tilespmem:s4+$0x6710]  }
0xde: {  	v5 =	vld [tilespmem:s4+$0x6720]  }
0xdf: {  	v4 =	vld [tilespmem:s4+$0x6730]  }
0xe0: {  	v3 =	vld [tilespmem:s4+$0x6740]  }
0xe1: {  	v2 =	vld [tilespmem:s4+$0x6750]  }
0xe2: {  	v1 =	vld [tilespmem:s4+$0x6760]  }
0xe3: {  	v0 =	vld [tilespmem:s4+$0x6770]  }
0xe4: {  	v12 =	vld [tilespmem:s4+$0x2B00]  }
0xe5: {  	v13 =	vld [tilespmem:s4+$0x2B10]  }
0xe6: {  	v10 =	vld [tilespmem:s4+$0x2B20]  }
0xe7: {  	v9 =	vld [tilespmem:s4+$0x2B30]  }
0xe8: {  	v8 =	vld [tilespmem:s4+$0x2B40]  }
0xe9: {  	v7 =	vld [tilespmem:s4+$0x2B50];
	v12 =	vadd.f32 v6, v12  }
0xea: {  	s9 =	simm.s32 $0x200;
	v11 =	vadd.f32 v11, v13;
	v6 =	vld [tilespmem:s4+$0x2B60]  }
.LBB2_7:
0xeb: {  	s11 =	sshra.s32 s9, $0x2;
	p1 =	sne.s32 s9, $0x4E00;
	v12 =	vmax.f32 v12, $0.0e+00;
	v5 =	vadd.f32 v5, v10;
	v10 =	vld [tilespmem:s4+$0x2B70]  }
0xec: {  	v13 =	vld [tilespmem:s11+$0x6700];
	[tilespmem:s4+$0x2B00] =	vst v12;
	v11 =	vmax.f32 v11, $0.0e+00;
	v4 =	vadd.f32 v4, v9  }
0xed: {  	v14 =	vld [tilespmem:s11+$0x6710];
	[tilespmem:s4+$0x2B10] =	vst v11;
	v9 =	vmax.f32 v5, $0.0e+00;
	v3 =	vadd.f32 v3, v8  }
0xee: {  	v5 =	vld [tilespmem:s11+$0x6720];
	[tilespmem:s4+$0x2B20] =	vst v9;
	v8 =	vmax.f32 v4, $0.0e+00;
	v2 =	vadd.f32 v2, v7  }
0xef: {  	v4 =	vld [tilespmem:s11+$0x6730];
	[tilespmem:s4+$0x2B30] =	vst v8;
	v7 =	vmax.f32 v3, $0.0e+00;
	v1 =	vadd.f32 v1, v6  }
0xf0: {  	v3 =	vld [tilespmem:s11+$0x6740];
	[tilespmem:s4+$0x2B40] =	vst v7;
	v6 =	vmax.f32 v2, $0.0e+00;
	v0 =	vadd.f32 v0, v10  }
0xf1: {  	v2 =	vld [tilespmem:s11+$0x6750];
	[tilespmem:s4+$0x2B50] =	vst v6;
	v6 =	vmax.f32 v1, $0.0e+00  }
0xf2: {  	v1 =	vld [tilespmem:s11+$0x6760];
	[tilespmem:s4+$0x2B60] =	vst v6;
	v6 =	vmax.f32 v0, $0.0e+00  }
0xf3: {  	v0 =	vld [tilespmem:s11+$0x6770];
	[tilespmem:s4+$0x2B70] =	vst v6;
	s4 =	smov.u32 s11  }
0xf4: {  	v6 =	vld [tilespmem:s4+$0x2B00]  }
0xf5: {  	v11 =	vld [tilespmem:s4+$0x2B10]  }
.Ltmp2:
0xf6: {  	v10 =	vld [tilespmem:s4+$0x2B20];
	(pc) =	sbr.rel @p1 .LBB2_7-.Ltmp2, $4  }
0xf7: {  	v9 =	vld [tilespmem:s4+$0x2B30]  }
0xf8: {  	v8 =	vld [tilespmem:s4+$0x2B40]  }
0xf9: {  	v12 =	vadd.f32 v13, v6;
	v7 =	vld [tilespmem:s4+$0x2B50]  }
0xfa: {  	s9 =	sadd.s32 $0x200, s9;
	v11 =	vadd.f32 v14, v11;
	v6 =	vld [tilespmem:s4+$0x2B60]  }
0xfb: {  	v12 =	vmax.f32 v12, $0.0e+00;
	v5 =	vadd.f32 v5, v10;
	v63 =	vld [tilespmem:s4+$0x2B70]  }
0xfc: {  	[tilespmem:s4+$0x2B00] =	vst v12;
	v11 =	vmax.f32 v11, $0.0e+00;
	v4 =	vadd.f32 v4, v9  }
0xfd: {  	[tilespmem:s4+$0x2B10] =	vst v11;
	v5 =	vmax.f32 v5, $0.0e+00;
	v3 =	vadd.f32 v3, v8  }
0xfe: {  	[tilespmem:s4+$0x2B20] =	vst v5;
	v4 =	vmax.f32 v4, $0.0e+00;
	v2 =	vadd.f32 v2, v7  }
0xff: {  	[tilespmem:s4+$0x2B30] =	vst v4;
	v3 =	vmax.f32 v3, $0.0e+00;
	v1 =	vadd.f32 v1, v6  }
0x100: {  	[tilespmem:s4+$0x2B40] =	vst v3;
	v2 =	vmax.f32 v2, $0.0e+00;
	v0 =	vadd.f32 v0, v63  }
0x101: {  	s30 =	sadd.s32 $0x1, s30;
	[tilespmem:s4+$0x2B50] =	vst v2;
	v1 =	vmax.f32 v1, $0.0e+00  }
0x102: {  	p1 =	sne.s32 s30, $0x52;
	[tilespmem:s4+$0x2B60] =	vst v1;
	v0 =	vmax.f32 v0, $0.0e+00  }
.Ltmp3:
0x103: {  	[tilespmem:s4+$0x2B70] =	vst v0;
	(pc) =	sbr.rel @p1 .LBB2_2-.Ltmp3, $4  }
0x104: {  	[spmem:s3] =	stream.indirect.scatter.add.f32 [tilespmem:s25], [sflag:$0x7], $0x80, s16, s13, $0xb8;
	[tilespmem:$0x1B380] =	vst v63  }
0x105: {  	_ =	swait.ge [sflag:s31], $0x1400  }
0x106: {  	[sflag:s31] =	ssyncset.done $0x0  }
0x107: {  	[sflag:s31] =	ssyncadd.s32 $0xFFFFEC00  }
0x108: {  	s4 =	simm.s32 $0x0;
	s9 =	rddreg [dreg:$0x10]  }
0x109: {  	[tilespmem:s15], [sflag:$0x3] =	stream.linear.gather [hbm4b:s9+s4], $0x28, $0x38;
	[tilespmem:$0x1B380] =	vst v63  }
0x10a: {  	s29 =	rddreg [dreg:$0x11]  }
0x10b: {  	[tilespmem:s16], [sflag:$0x3] =	stream.linear.gather [hbm4b:s29+s4], $0x28, $0x38;
	[tilespmem:$0x1B380] =	vst v63  }
0x10c: {  	s30 =	rddreg [dreg:$0x12];
	s11 =	simm.s32 $0x6700  }
0x10d: {  	[tilespmem:s11], [sflag:$0x3] =	stream.linear.gather [hbm4b:s30+s4], $0x1400, $0x38;
	[tilespmem:$0x1B380] =	vst v63  }
0x10e: {  	_ =	swait.ge [sflag:s21], $0x28  }
0x10f: {  	[sflag:s21] =	ssyncset.done $0x0  }
0x110: {  	[sflag:s21] =	ssyncadd.s32 $0xFFFFFFD8  }
0x111: {  	_ =	swait.ge [sflag:s21], $0x28  }
0x112: {  	[sflag:s21] =	ssyncset.done $0x0  }
0x113: {  	[sflag:s21] =	ssyncadd.s32 $0xFFFFFFD8  }
0x114: {  	_ =	swait.ge [sflag:s21], $0x1400  }
0x115: {  	[sflag:s21] =	ssyncset.done $0x0  }
0x116: {  	[sflag:s21] =	ssyncadd.s32 $0xFFFFEC00  }
0x117: {  	[tilespmem:s22], [sflag:$0x5] =	stream.indirect.gather [hbm4b:s1+s13], $0x80, s8, s13, $0xb8;
	[tilespmem:$0x1B380] =	vst v63  }
0x118: {  	_ =	swait.ge [sflag:s23], $0x1400  }
0x119: {  	[sflag:s23] =	ssyncset.done $0x0  }
0x11a: {  	s4 =	simm.s32 $0x0;
	[sflag:s23] =	ssyncadd.s32 $0xFFFFEC00  }
0x11b: {  	v6 =	vld [tilespmem:s4+$0x3F00]  }
0x11c: {  	v11 =	vld [tilespmem:s4+$0x3F10]  }
0x11d: {  	v5 =	vld [tilespmem:s4+$0x3F20]  }
0x11e: {  	v4 =	vld [tilespmem:s4+$0x3F30]  }
0x11f: {  	v3 =	vld [tilespmem:s4+$0x3F40]  }
0x120: {  	v2 =	vld [tilespmem:s4+$0x3F50]  }
0x121: {  	v1 =	vld [tilespmem:s4+$0x3F60]  }
0x122: {  	v0 =	vld [tilespmem:s4+$0x3F70]  }
0x123: {  	v12 =	vld [tilespmem:s4+$0x300]  }
0x124: {  	v13 =	vld [tilespmem:s4+$0x310]  }
0x125: {  	v10 =	vld [tilespmem:s4+$0x320]  }
0x126: {  	v9 =	vld [tilespmem:s4+$0x330]  }
0x127: {  	v8 =	vld [tilespmem:s4+$0x340]  }
0x128: {  	v7 =	vld [tilespmem:s4+$0x350];
	v12 =	vadd.f32 v6, v12  }
0x129: {  	s9 =	simm.s32 $0x200;
	v11 =	vadd.f32 v11, v13;
	v6 =	vld [tilespmem:s4+$0x360]  }
.LBB2_10:
0x12a: {  	s11 =	sshra.s32 s9, $0x2;
	p1 =	sne.s32 s9, $0x4E00;
	v12 =	vmax.f32 v12, $0.0e+00;
	v5 =	vadd.f32 v5, v10;
	v10 =	vld [tilespmem:s4+$0x370]  }
0x12b: {  	v13 =	vld [tilespmem:s11+$0x3F00];
	[tilespmem:s4+$0x300] =	vst v12;
	v11 =	vmax.f32 v11, $0.0e+00;
	v4 =	vadd.f32 v4, v9  }
0x12c: {  	v14 =	vld [tilespmem:s11+$0x3F10];
	[tilespmem:s4+$0x310] =	vst v11;
	v9 =	vmax.f32 v5, $0.0e+00;
	v3 =	vadd.f32 v3, v8  }
0x12d: {  	v5 =	vld [tilespmem:s11+$0x3F20];
	[tilespmem:s4+$0x320] =	vst v9;
	v8 =	vmax.f32 v4, $0.0e+00;
	v2 =	vadd.f32 v2, v7  }
0x12e: {  	v4 =	vld [tilespmem:s11+$0x3F30];
	[tilespmem:s4+$0x330] =	vst v8;
	v7 =	vmax.f32 v3, $0.0e+00;
	v1 =	vadd.f32 v1, v6  }
0x12f: {  	v3 =	vld [tilespmem:s11+$0x3F40];
	[tilespmem:s4+$0x340] =	vst v7;
	v6 =	vmax.f32 v2, $0.0e+00;
	v0 =	vadd.f32 v0, v10  }
0x130: {  	v2 =	vld [tilespmem:s11+$0x3F50];
	[tilespmem:s4+$0x350] =	vst v6;
	v6 =	vmax.f32 v1, $0.0e+00  }
0x131: {  	v1 =	vld [tilespmem:s11+$0x3F60];
	[tilespmem:s4+$0x360] =	vst v6;
	v6 =	vmax.f32 v0, $0.0e+00  }
0x132: {  	v0 =	vld [tilespmem:s11+$0x3F70];
	[tilespmem:s4+$0x370] =	vst v6;
	s4 =	smov.u32 s11  }
0x133: {  	v6 =	vld [tilespmem:s4+$0x300]  }
0x134: {  	v11 =	vld [tilespmem:s4+$0x310]  }
.Ltmp4:
0x135: {  	v10 =	vld [tilespmem:s4+$0x320];
	(pc) =	sbr.rel @p1 .LBB2_10-.Ltmp4, $4  }
0x136: {  	v9 =	vld [tilespmem:s4+$0x330]  }
0x137: {  	v8 =	vld [tilespmem:s4+$0x340]  }
0x138: {  	v12 =	vadd.f32 v13, v6;
	v7 =	vld [tilespmem:s4+$0x350]  }
0x139: {  	s9 =	sadd.s32 $0x200, s9;
	v11 =	vadd.f32 v14, v11;
	v6 =	vld [tilespmem:s4+$0x360]  }
0x13a: {  	v12 =	vmax.f32 v12, $0.0e+00;
	v5 =	vadd.f32 v5, v10;
	v10 =	vld [tilespmem:s4+$0x370]  }
0x13b: {  	[tilespmem:s4+$0x300] =	vst v12;
	v11 =	vmax.f32 v11, $0.0e+00;
	v4 =	vadd.f32 v4, v9  }
0x13c: {  	[tilespmem:s4+$0x310] =	vst v11;
	v5 =	vmax.f32 v5, $0.0e+00;
	v3 =	vadd.f32 v3, v8  }
0x13d: {  	[tilespmem:s4+$0x320] =	vst v5;
	v4 =	vmax.f32 v4, $0.0e+00;
	v2 =	vadd.f32 v2, v7  }
0x13e: {  	[tilespmem:s4+$0x330] =	vst v4;
	v3 =	vmax.f32 v3, $0.0e+00;
	v1 =	vadd.f32 v1, v6  }
0x13f: {  	[tilespmem:s4+$0x340] =	vst v3;
	v2 =	vmax.f32 v2, $0.0e+00;
	v0 =	vadd.f32 v0, v10  }
0x140: {  	[tilespmem:s4+$0x350] =	vst v2;
	v1 =	vmax.f32 v1, $0.0e+00  }
0x141: {  	[tilespmem:s4+$0x360] =	vst v1;
	v0 =	vmax.f32 v0, $0.0e+00  }
0x142: {  	[tilespmem:s4+$0x370] =	vst v0  }
0x143: {  	[spmem:s3] =	stream.indirect.scatter.add.f32 [tilespmem:s14], [sflag:$0x7], $0x80, s0, s13, $0xb8;
	[tilespmem:$0x1B380] =	vst v63  }
0x144: {  	_ =	swait.ge [sflag:s31], $0x1400  }
0x145: {  	[sflag:s31] =	ssyncset.done $0x0  }
0x146: {  	s19 =	simm.s32 $0x0;
	s9 =	rddreg [dreg:$0x13];
	[sflag:s31] =	ssyncadd.s32 $0xFFFFEC00  }
0x147: {  	[tilespmem:s19], [sflag:$0x1] =	stream.linear.gather [hbm4b:s9+s19], $0x28, $0x38;
	[tilespmem:$0x1B380] =	vst v63  }
0x148: {  	s29 =	rddreg [dreg:$0x14]  }
0x149: {  	[tilespmem:s0], [sflag:$0x1] =	stream.linear.gather [hbm4b:s29+s19], $0x28, $0x38;
	[tilespmem:$0x1B380] =	vst v63  }
0x14a: {  	s30 =	rddreg [dreg:$0x15]  }
0x14b: {  	[tilespmem:s7], [sflag:$0x1] =	stream.linear.gather [hbm4b:s30+s19], $0x1400, $0x38;
	[tilespmem:$0x1B380] =	vst v63  }
0x14c: {  	_ =	swait.ge [sflag:s24], $0x28  }
0x14d: {  	[sflag:s24] =	ssyncset.done $0x0  }
0x14e: {  	[sflag:s24] =	ssyncadd.s32 $0xFFFFFFD8  }
0x14f: {  	_ =	swait.ge [sflag:s24], $0x28  }
0x150: {  	[sflag:s24] =	ssyncset.done $0x0  }
0x151: {  	[sflag:s24] =	ssyncadd.s32 $0xFFFFFFD8  }
0x152: {  	_ =	swait.ge [sflag:s24], $0x1400  }
0x153: {  	[sflag:s24] =	ssyncset.done $0x0  }
0x154: {  	[sflag:s24] =	ssyncadd.s32 $0xFFFFEC00  }
0x155: {  	[tilespmem:s25], [sflag:$0x6] =	stream.indirect.gather [hbm4b:s1+s13], $0x80, s15, s13, $0xb8;
	[tilespmem:$0x1B380] =	vst v63  }
0x156: {  	_ =	swait.ge [sflag:s26], $0x1400  }
0x157: {  	[sflag:s26] =	ssyncset.done $0x0  }
0x158: {  	s4 =	simm.s32 $0x0;
	[sflag:s26] =	ssyncadd.s32 $0xFFFFEC00  }
0x159: {  	v6 =	vld [tilespmem:s4+$0x5300]  }
0x15a: {  	v11 =	vld [tilespmem:s4+$0x5310]  }
0x15b: {  	v5 =	vld [tilespmem:s4+$0x5320]  }
0x15c: {  	v4 =	vld [tilespmem:s4+$0x5330]  }
0x15d: {  	v3 =	vld [tilespmem:s4+$0x5340]  }
0x15e: {  	v2 =	vld [tilespmem:s4+$0x5350]  }
0x15f: {  	v1 =	vld [tilespmem:s4+$0x5360]  }
0x160: {  	v0 =	vld [tilespmem:s4+$0x5370]  }
0x161: {  	v12 =	vld [tilespmem:s4+$0x1700]  }
0x162: {  	v13 =	vld [tilespmem:s4+$0x1710]  }
0x163: {  	v10 =	vld [tilespmem:s4+$0x1720]  }
0x164: {  	v9 =	vld [tilespmem:s4+$0x1730]  }
0x165: {  	v8 =	vld [tilespmem:s4+$0x1740]  }
0x166: {  	v7 =	vld [tilespmem:s4+$0x1750];
	v12 =	vadd.f32 v6, v12  }
0x167: {  	s9 =	simm.s32 $0x200;
	s19 =	rddreg [dreg:$0x7];
	v11 =	vadd.f32 v11, v13;
	v6 =	vld [tilespmem:s4+$0x1760]  }
.LBB2_12:
0x168: {  	s11 =	sshra.s32 s9, $0x2;
	p1 =	sne.s32 s9, $0x4E00;
	v12 =	vmax.f32 v12, $0.0e+00;
	v5 =	vadd.f32 v5, v10;
	v10 =	vld [tilespmem:s4+$0x1770]  }
0x169: {  	v13 =	vld [tilespmem:s11+$0x5300];
	[tilespmem:s4+$0x1700] =	vst v12;
	v11 =	vmax.f32 v11, $0.0e+00;
	v4 =	vadd.f32 v4, v9  }
0x16a: {  	v14 =	vld [tilespmem:s11+$0x5310];
	[tilespmem:s4+$0x1710] =	vst v11;
	v9 =	vmax.f32 v5, $0.0e+00;
	v3 =	vadd.f32 v3, v8  }
0x16b: {  	v5 =	vld [tilespmem:s11+$0x5320];
	[tilespmem:s4+$0x1720] =	vst v9;
	v8 =	vmax.f32 v4, $0.0e+00;
	v2 =	vadd.f32 v2, v7  }
0x16c: {  	v4 =	vld [tilespmem:s11+$0x5330];
	[tilespmem:s4+$0x1730] =	vst v8;
	v7 =	vmax.f32 v3, $0.0e+00;
	v1 =	vadd.f32 v1, v6  }
0x16d: {  	v3 =	vld [tilespmem:s11+$0x5340];
	[tilespmem:s4+$0x1740] =	vst v7;
	v6 =	vmax.f32 v2, $0.0e+00;
	v0 =	vadd.f32 v0, v10  }
0x16e: {  	v2 =	vld [tilespmem:s11+$0x5350];
	[tilespmem:s4+$0x1750] =	vst v6;
	v6 =	vmax.f32 v1, $0.0e+00  }
0x16f: {  	v1 =	vld [tilespmem:s11+$0x5360];
	[tilespmem:s4+$0x1760] =	vst v6;
	v6 =	vmax.f32 v0, $0.0e+00  }
0x170: {  	v0 =	vld [tilespmem:s11+$0x5370];
	[tilespmem:s4+$0x1770] =	vst v6;
	s4 =	smov.u32 s11  }
0x171: {  	v6 =	vld [tilespmem:s4+$0x1700]  }
0x172: {  	v11 =	vld [tilespmem:s4+$0x1710]  }
.Ltmp5:
0x173: {  	v10 =	vld [tilespmem:s4+$0x1720];
	(pc) =	sbr.rel @p1 .LBB2_12-.Ltmp5, $4  }
0x174: {  	v9 =	vld [tilespmem:s4+$0x1730]  }
0x175: {  	v8 =	vld [tilespmem:s4+$0x1740]  }
0x176: {  	v12 =	vadd.f32 v13, v6;
	v7 =	vld [tilespmem:s4+$0x1750]  }
0x177: {  	s9 =	sadd.s32 $0x200, s9;
	v11 =	vadd.f32 v14, v11;
	v6 =	vld [tilespmem:s4+$0x1760]  }
0x178: {  	v12 =	vmax.f32 v12, $0.0e+00;
	v5 =	vadd.f32 v5, v10;
	v10 =	vld [tilespmem:s4+$0x1770]  }
0x179: {  	[tilespmem:s4+$0x1700] =	vst v12;
	v11 =	vmax.f32 v11, $0.0e+00;
	v4 =	vadd.f32 v4, v9  }
0x17a: {  	[tilespmem:s4+$0x1710] =	vst v11;
	v5 =	vmax.f32 v5, $0.0e+00;
	v3 =	vadd.f32 v3, v8  }
0x17b: {  	[tilespmem:s4+$0x1720] =	vst v5;
	v4 =	vmax.f32 v4, $0.0e+00;
	v2 =	vadd.f32 v2, v7  }
0x17c: {  	[tilespmem:s4+$0x1730] =	vst v4;
	v3 =	vmax.f32 v3, $0.0e+00;
	v1 =	vadd.f32 v1, v6  }
0x17d: {  	[tilespmem:s4+$0x1740] =	vst v3;
	v2 =	vmax.f32 v2, $0.0e+00;
	v0 =	vadd.f32 v0, v10  }
0x17e: {  	[tilespmem:s4+$0x1750] =	vst v2;
	v1 =	vmax.f32 v1, $0.0e+00  }
0x17f: {  	[tilespmem:s4+$0x1760] =	vst v1;
	v0 =	vmax.f32 v0, $0.0e+00  }
0x180: {  	[tilespmem:s4+$0x1770] =	vst v0  }
0x181: {  	[spmem:s3] =	stream.indirect.scatter.add.f32 [tilespmem:s22], [sflag:$0x7], $0x80, s10, s13, $0xb8;
	[tilespmem:$0x1B380] =	vst v63  }
0x182: {  	_ =	swait.ge [sflag:s31], $0x1400  }
0x183: {  	[sflag:s31] =	ssyncset.done $0x0  }
0x184: {  	[sflag:s31] =	ssyncadd.s32 $0xFFFFEC00  }
0x185: {  	_ =	swait.ge [sflag:s12], $0x28  }
0x186: {  	[sflag:s12] =	ssyncset.done $0x0  }
0x187: {  	[sflag:s12] =	ssyncadd.s32 $0xFFFFFFD8  }
0x188: {  	_ =	swait.ge [sflag:s12], $0x28  }
0x189: {  	[sflag:s12] =	ssyncset.done $0x0  }
0x18a: {  	[sflag:s12] =	ssyncadd.s32 $0xFFFFFFD8  }
0x18b: {  	_ =	swait.ge [sflag:s12], $0x1400  }
0x18c: {  	[sflag:s12] =	ssyncset.done $0x0  }
0x18d: {  	s30 =	simm.s32 $0x0;
	[sflag:s12] =	ssyncadd.s32 $0xFFFFEC00  }
0x18e: {  	[tilespmem:s14], [sflag:$0x4] =	stream.indirect.gather [hbm4b:s1+s13], $0x80, s30, s13, $0xb8;
	[tilespmem:$0x1B380] =	vst v63  }
0x18f: {  	_ =	swait.ge [sflag:s28], $0x1400  }
0x190: {  	[sflag:s28] =	ssyncset.done $0x0  }
0x191: {  	s4 =	simm.s32 $0x0;
	[sflag:s28] =	ssyncadd.s32 $0xFFFFEC00  }
0x192: {  	v6 =	vld [tilespmem:s4+$0x6700]  }
0x193: {  	v11 =	vld [tilespmem:s4+$0x6710]  }
0x194: {  	v5 =	vld [tilespmem:s4+$0x6720]  }
0x195: {  	v4 =	vld [tilespmem:s4+$0x6730]  }
0x196: {  	v3 =	vld [tilespmem:s4+$0x6740]  }
0x197: {  	v2 =	vld [tilespmem:s4+$0x6750]  }
0x198: {  	v1 =	vld [tilespmem:s4+$0x6760]  }
0x199: {  	v0 =	vld [tilespmem:s4+$0x6770]  }
0x19a: {  	v12 =	vld [tilespmem:s4+$0x2B00]  }
0x19b: {  	v13 =	vld [tilespmem:s4+$0x2B10]  }
0x19c: {  	v10 =	vld [tilespmem:s4+$0x2B20]  }
0x19d: {  	v9 =	vld [tilespmem:s4+$0x2B30]  }
0x19e: {  	v8 =	vld [tilespmem:s4+$0x2B40]  }
0x19f: {  	v7 =	vld [tilespmem:s4+$0x2B50];
	v12 =	vadd.f32 v6, v12  }
0x1a0: {  	s9 =	simm.s32 $0x200;
	v11 =	vadd.f32 v11, v13;
	v6 =	vld [tilespmem:s4+$0x2B60]  }
.LBB2_14:
0x1a1: {  	s11 =	sshra.s32 s9, $0x2;
	p1 =	sne.s32 s9, $0x4E00;
	v12 =	vmax.f32 v12, $0.0e+00;
	v5 =	vadd.f32 v5, v10;
	v10 =	vld [tilespmem:s4+$0x2B70]  }
0x1a2: {  	v13 =	vld [tilespmem:s11+$0x6700];
	[tilespmem:s4+$0x2B00] =	vst v12;
	v11 =	vmax.f32 v11, $0.0e+00;
	v4 =	vadd.f32 v4, v9  }
0x1a3: {  	v14 =	vld [tilespmem:s11+$0x6710];
	[tilespmem:s4+$0x2B10] =	vst v11;
	v9 =	vmax.f32 v5, $0.0e+00;
	v3 =	vadd.f32 v3, v8  }
0x1a4: {  	v5 =	vld [tilespmem:s11+$0x6720];
	[tilespmem:s4+$0x2B20] =	vst v9;
	v8 =	vmax.f32 v4, $0.0e+00;
	v2 =	vadd.f32 v2, v7  }
0x1a5: {  	v4 =	vld [tilespmem:s11+$0x6730];
	[tilespmem:s4+$0x2B30] =	vst v8;
	v7 =	vmax.f32 v3, $0.0e+00;
	v1 =	vadd.f32 v1, v6  }
0x1a6: {  	v3 =	vld [tilespmem:s11+$0x6740];
	[tilespmem:s4+$0x2B40] =	vst v7;
	v6 =	vmax.f32 v2, $0.0e+00;
	v0 =	vadd.f32 v0, v10  }
0x1a7: {  	v2 =	vld [tilespmem:s11+$0x6750];
	[tilespmem:s4+$0x2B50] =	vst v6;
	v6 =	vmax.f32 v1, $0.0e+00  }
0x1a8: {  	v1 =	vld [tilespmem:s11+$0x6760];
	[tilespmem:s4+$0x2B60] =	vst v6;
	v6 =	vmax.f32 v0, $0.0e+00  }
0x1a9: {  	v0 =	vld [tilespmem:s11+$0x6770];
	[tilespmem:s4+$0x2B70] =	vst v6;
	s4 =	smov.u32 s11  }
0x1aa: {  	v6 =	vld [tilespmem:s4+$0x2B00]  }
0x1ab: {  	v11 =	vld [tilespmem:s4+$0x2B10]  }
.Ltmp6:
0x1ac: {  	v10 =	vld [tilespmem:s4+$0x2B20];
	(pc) =	sbr.rel @p1 .LBB2_14-.Ltmp6, $4  }
0x1ad: {  	v9 =	vld [tilespmem:s4+$0x2B30]  }
0x1ae: {  	v8 =	vld [tilespmem:s4+$0x2B40]  }
0x1af: {  	v12 =	vadd.f32 v13, v6;
	v7 =	vld [tilespmem:s4+$0x2B50]  }
0x1b0: {  	s9 =	sadd.s32 $0x200, s9;
	v11 =	vadd.f32 v14, v11;
	v6 =	vld [tilespmem:s4+$0x2B60]  }
0x1b1: {  	v12 =	vmax.f32 v12, $0.0e+00;
	v5 =	vadd.f32 v5, v10;
	v10 =	vld [tilespmem:s4+$0x2B70]  }
0x1b2: {  	[tilespmem:s4+$0x2B00] =	vst v12;
	v11 =	vmax.f32 v11, $0.0e+00;
	v4 =	vadd.f32 v4, v9  }
0x1b3: {  	[tilespmem:s4+$0x2B10] =	vst v11;
	v5 =	vmax.f32 v5, $0.0e+00;
	v3 =	vadd.f32 v3, v8  }
0x1b4: {  	[tilespmem:s4+$0x2B20] =	vst v5;
	v4 =	vmax.f32 v4, $0.0e+00;
	v2 =	vadd.f32 v2, v7  }
0x1b5: {  	[tilespmem:s4+$0x2B30] =	vst v4;
	v3 =	vmax.f32 v3, $0.0e+00;
	v1 =	vadd.f32 v1, v6  }
0x1b6: {  	[tilespmem:s4+$0x2B40] =	vst v3;
	v2 =	vmax.f32 v2, $0.0e+00;
	v0 =	vadd.f32 v0, v10  }
0x1b7: {  	[tilespmem:s4+$0x2B50] =	vst v2;
	v1 =	vmax.f32 v1, $0.0e+00  }
0x1b8: {  	[tilespmem:s4+$0x2B60] =	vst v1;
	v0 =	vmax.f32 v0, $0.0e+00  }
0x1b9: {  	[tilespmem:s4+$0x2B70] =	vst v0  }
0x1ba: {  	[spmem:s3] =	stream.indirect.scatter.add.f32 [tilespmem:s25], [sflag:$0x7], $0x80, s16, s13, $0xb8;
	[tilespmem:$0x1B380] =	vst v63  }
0x1bb: {  	_ =	swait.ge [sflag:s31], $0x1400  }
0x1bc: {  	[sflag:s31] =	ssyncset.done $0x0  }
0x1bd: {  	[sflag:s31] =	ssyncadd.s32 $0xFFFFEC00  }
0x1be: {  	_ =	swait.ge [sflag:s23], $0x1400  }
0x1bf: {  	[sflag:s23] =	ssyncset.done $0x0  }
0x1c0: {  	s4 =	simm.s32 $0x0;
	[sflag:s23] =	ssyncadd.s32 $0xFFFFEC00  }
0x1c1: {  	v6 =	vld [tilespmem:s4+$0x3F00]  }
0x1c2: {  	v11 =	vld [tilespmem:s4+$0x3F10]  }
0x1c3: {  	v5 =	vld [tilespmem:s4+$0x3F20]  }
0x1c4: {  	v4 =	vld [tilespmem:s4+$0x3F30]  }
0x1c5: {  	v3 =	vld [tilespmem:s4+$0x3F40]  }
0x1c6: {  	v2 =	vld [tilespmem:s4+$0x3F50]  }
0x1c7: {  	v1 =	vld [tilespmem:s4+$0x3F60]  }
0x1c8: {  	v0 =	vld [tilespmem:s4+$0x3F70]  }
0x1c9: {  	v12 =	vld [tilespmem:s4+$0x300]  }
0x1ca: {  	v13 =	vld [tilespmem:s4+$0x310]  }
0x1cb: {  	v10 =	vld [tilespmem:s4+$0x320]  }
0x1cc: {  	v9 =	vld [tilespmem:s4+$0x330]  }
0x1cd: {  	v8 =	vld [tilespmem:s4+$0x340]  }
0x1ce: {  	v7 =	vld [tilespmem:s4+$0x350];
	v12 =	vadd.f32 v6, v12  }
0x1cf: {  	s9 =	simm.s32 $0x200;
	v11 =	vadd.f32 v11, v13;
	v6 =	vld [tilespmem:s4+$0x360]  }
.LBB2_16:
0x1d0: {  	s11 =	sshra.s32 s9, $0x2;
	p1 =	sne.s32 s9, $0x4E00;
	v12 =	vmax.f32 v12, $0.0e+00;
	v5 =	vadd.f32 v5, v10;
	v10 =	vld [tilespmem:s4+$0x370]  }
0x1d1: {  	v13 =	vld [tilespmem:s11+$0x3F00];
	[tilespmem:s4+$0x300] =	vst v12;
	v11 =	vmax.f32 v11, $0.0e+00;
	v4 =	vadd.f32 v4, v9  }
0x1d2: {  	v14 =	vld [tilespmem:s11+$0x3F10];
	[tilespmem:s4+$0x310] =	vst v11;
	v9 =	vmax.f32 v5, $0.0e+00;
	v3 =	vadd.f32 v3, v8  }
0x1d3: {  	v5 =	vld [tilespmem:s11+$0x3F20];
	[tilespmem:s4+$0x320] =	vst v9;
	v8 =	vmax.f32 v4, $0.0e+00;
	v2 =	vadd.f32 v2, v7  }
0x1d4: {  	v4 =	vld [tilespmem:s11+$0x3F30];
	[tilespmem:s4+$0x330] =	vst v8;
	v7 =	vmax.f32 v3, $0.0e+00;
	v1 =	vadd.f32 v1, v6  }
0x1d5: {  	v3 =	vld [tilespmem:s11+$0x3F40];
	[tilespmem:s4+$0x340] =	vst v7;
	v6 =	vmax.f32 v2, $0.0e+00;
	v0 =	vadd.f32 v0, v10  }
0x1d6: {  	v2 =	vld [tilespmem:s11+$0x3F50];
	[tilespmem:s4+$0x350] =	vst v6;
	v6 =	vmax.f32 v1, $0.0e+00  }
0x1d7: {  	v1 =	vld [tilespmem:s11+$0x3F60];
	[tilespmem:s4+$0x360] =	vst v6;
	v6 =	vmax.f32 v0, $0.0e+00  }
0x1d8: {  	v0 =	vld [tilespmem:s11+$0x3F70];
	[tilespmem:s4+$0x370] =	vst v6;
	s4 =	smov.u32 s11  }
0x1d9: {  	v6 =	vld [tilespmem:s4+$0x300]  }
0x1da: {  	v11 =	vld [tilespmem:s4+$0x310]  }
.Ltmp7:
0x1db: {  	v10 =	vld [tilespmem:s4+$0x320];
	(pc) =	sbr.rel @p1 .LBB2_16-.Ltmp7, $4  }
0x1dc: {  	v9 =	vld [tilespmem:s4+$0x330]  }
0x1dd: {  	v8 =	vld [tilespmem:s4+$0x340]  }
0x1de: {  	v12 =	vadd.f32 v13, v6;
	v7 =	vld [tilespmem:s4+$0x350]  }
0x1df: {  	s9 =	sadd.s32 $0x200, s9;
	v11 =	vadd.f32 v14, v11;
	v6 =	vld [tilespmem:s4+$0x360]  }
0x1e0: {  	v12 =	vmax.f32 v12, $0.0e+00;
	v5 =	vadd.f32 v5, v10;
	v63 =	vld [tilespmem:s4+$0x370]  }
0x1e1: {  	[tilespmem:s4+$0x300] =	vst v12;
	v11 =	vmax.f32 v11, $0.0e+00;
	v4 =	vadd.f32 v4, v9  }
0x1e2: {  	[tilespmem:s4+$0x310] =	vst v11;
	v5 =	vmax.f32 v5, $0.0e+00;
	v3 =	vadd.f32 v3, v8  }
0x1e3: {  	[tilespmem:s4+$0x320] =	vst v5;
	v4 =	vmax.f32 v4, $0.0e+00;
	v2 =	vadd.f32 v2, v7  }
0x1e4: {  	[tilespmem:s4+$0x330] =	vst v4;
	v3 =	vmax.f32 v3, $0.0e+00;
	v1 =	vadd.f32 v1, v6  }
0x1e5: {  	[tilespmem:s4+$0x340] =	vst v3;
	v2 =	vmax.f32 v2, $0.0e+00;
	v0 =	vadd.f32 v0, v63  }
0x1e6: {  	[tilespmem:s4+$0x350] =	vst v2;
	v1 =	vmax.f32 v1, $0.0e+00  }
0x1e7: {  	[tilespmem:s4+$0x360] =	vst v1;
	v0 =	vmax.f32 v0, $0.0e+00  }
0x1e8: {  	[tilespmem:s4+$0x370] =	vst v0  }
0x1e9: {  	[spmem:s3] =	stream.indirect.scatter.add.f32 [tilespmem:s14], [sflag:$0x7], $0x80, s0, s13, $0xb8;
	[tilespmem:$0x1B380] =	vst v63  }
0x1ea: {  	_ =	swait.ge [sflag:s31], $0x1400  }
0x1eb: {  	[sflag:s31] =	ssyncset.done $0x0  }
0x1ec: {  	[sflag:s31] =	ssyncadd.s32 $0xFFFFEC00  }
0x1ed: {  	[bflag:$0x0] =	sbarrier.arrive $0xFFFF  }
0x1ee: {  	s29 =	rddreg [dreg:$0xf]  }
0x1ef: {  	s9 =	rddreg [dreg:$0x1a]  }
0x1f0: {  	[hbm:s29], [sflag:s19] =	dma.local [spmem:s9], $0x2700  }
0x1f1: {  	_ =	swait.ge [sflag:s31], $0x2700  }
0x1f2: {  	[sflag:s31] =	ssyncset.done $0x0;
	s4 =	rddreg [dreg:$0x16]  }
0x1f3: {  	s9 =	rddreg [dreg:$0x1b];
	[sflag:s31] =	ssyncadd.s32 $0xFFFFD900  }
0x1f4: {  	[hbm:s4], [sflag:s19] =	dma.local @!p0 [spmem:s9], $0x100  }
0x1f5: {  	s4 =	simm.s32 @!p0 $0x7  }
0x1f6: {  	_ =	swait.ge @!p0 [sflag:s4], $0x100  }
0x1f7: {  	s11 =	rddreg [dreg:$0x19]  }
0x1f8: {  	s30 =	rddreg [dreg:$0x17];
	s11 =	sadd.s32 $0x1, s11  }
0x1f9: {  	p1 =	sne.s32 s11, s30  }
.Ltmp8:
0x1fa: {  	_ = 	snop;
	(pc) =	sbr.rel @p1 .LBB2_1-.Ltmp8, $3  }
0x1fb: {  	_ =	sdelay $0x1  }
0x1fc: {  	[sflag:s4] =	ssyncset.done @!p0 $0x0  }
0x1fd: {  	[sflag:s4] =	ssyncadd.s32 @!p0 $0xFFFFFF00  }
0x1fe: {  	_ =	sfence.sel $0x180000  }
0x1ff: {  	[bflag:$0x0] =	sbarrier.arrive $0xFFFF  }
0x200: {  	_ =	strace $0x90000047  }
0x201: {  	[bflag:$0x2] =	sbarrier.arrive $0xFFFF  }
0x202: {  	s0 =	rddreg [dreg:$0x4]  }
0x203: {  	s0 =	sadd.s32 @!p0 $0x100000, s0  }
0x204: {  	[sflag:s0] =	ssyncadd.tile.s32 @!p0 $0x1;
	_ =	shalt  }
.Lfunc_end2:
_tile_overlayer_lowered:
.L_overlay_start_2:
0x205: {  	(tag) =	ssettag $0x2  }
0x206: {  	s0 =	rddreg [dreg:$0x0];
	s2 =	stileid.u32  }
0x207: {  	s1 =	rddreg [dreg:$0x1];
	p0 =	sne.s32 s2, $0x0  }
0x208: {  	s3 =	rddreg [dreg:$0x2];
	[bflag:$0x3] =	sbarrier.arrive $0xFFFF;
	s2 =	simm.s32 @!p0 $0x1C07  }
0x209: {  	[timem:s3], [sflag:s2] =	dma.local @!p0 [hbm:s0], s1  }
0x20a: {  	s0 =	simm.s32 @!p0 $0x7  }
0x20b: {  	_ =	swait.ge @!p0 [sflag:s0], s1  }
0x20c: {  	s1 =	ssub.s32 @!p0 $0x0, s1;
	[sflag:s0] =	ssyncset.done @!p0 $0x0  }
0x20d: {  	[sflag:s0] =	ssyncadd.s32 @!p0 s1  }
0x20e: {  	[bflag:$0x3] =	sbarrier.arrive $0xFFFF  }
0x20f: {  	_ =	shalt  }

// kernel: kernel.16.cloned.1.call-start
scs
__scs_entry_jumppad:
0x0: {  	(pc) =	sbr.rel $0x88, $3  }
0x1: {  	(tag) =	ssettag $0x0;
	lr =	simm.s32 $0x1  }
0x2: {  	[smem:$0x3F66] =	sst lr;
	_ =	strace $0xD0000000  }
0x3: {  	_ = 	snop  }
0x4: {  	_ = 	snop  }
0x5: {  	_ = 	snop  }
0x6: {  	_ = 	snop  }
0x7: {  	_ = 	snop  }
__scs_overlays_trampoline_lowered:
0x8: {  	[smem:$0x3F75] =	sst s0  }
0x9: {  	[smem:$0x3F76] =	sst s1  }
0xa: {  	[smem:$0x3F77] =	sst s2  }
0xb: {  	[smem:$0x3F78] =	sst s3  }
0xc: {  	[smem:$0x3F79] =	sst s4  }
0xd: {  	[smem:$0x3F7A] =	sst s5  }
0xe: {  	[smem:$0x3F7B] =	sst s6  }
0xf: {  	[smem:$0x3F7C] =	sst s7  }
0x10: {  	[smem:$0x3F7D] =	sst s8  }
0x11: {  	[smem:$0x3F7E] =	sst s9;
	s0 =	simm.s32 @!p0 $0x0  }
0x12: {  	s1 =	sld [smem:$0x3F64];
	s0 =	simm.s32 @p0 $0x1  }
0x13: {  	[smem:$0x3F7F] =	sst s0;
	s0 =	simm.s32 @!p1 $0x0  }
0x14: {  	s2 =	sld [smem:$0x3F63];
	s0 =	simm.s32 @p1 $0x1  }
0x15: {  	[smem:$0x3F80] =	sst s0;
	s0 =	simm.s32 @!p2 $0x0  }
0x16: {  	s3 =	sld [smem:$0x3FDB];
	s0 =	simm.s32 @p2 $0x1  }
0x17: {  	s4 =	simm.s32 $0x1BF5;
	[smem:$0x3F82] =	sst s0  }
0x18: {  	s0 =	sld [smem:$0x3F65];
	_ =	swait.ge [sflag:s4], $0x0  }
0x19: {  	s7 =	sld [smem:$0x3F66]  }
0x1a: {  	s8 =	sadd.s32 $0xFFFFE003, lr  }
0x1b: {  	s9 =	sadd.s32 $0xFFFFFEF7, lr;
	s5 =	simm.s32 $0xFFFFFFFF;
	p2 =	slt.u32 s8, $0xFFFFF086  }
0x1c: {  	p1 =	slt.u32 s9, $0xF7A;
	s5 =	simm.s32 @!p2 $0x0  }
0x1d: {  	s5 =	simm.s32 @p1 $0x1;
	p0 =	seq.s32 s7, s2  }
0x1e: {  	s7 =	smul.u32 @!p0 $0xF7A, s2;
	p2 =	seq.s32 @!p0 s5, $0x0  }
0x1f: {  	s9 =	smul.u32 $0xF7A, s1;
	s8 =	simm.s32 @!p0 $0x1BF5;
	p2 =	por !p2, p0  }
0x20: {  	[sflag:s8] =	ssyncset.s32 @!p0 $0xFFFFF086;
	s6 =	sadd.s32 @!p0 s3, s7;
	s7 =	simm.s32 @!p0 $0x108  }
0x21: {  	s3 =	sadd.s32 s3, s9;
	s6 =	sadd.s32 @!p0 $0x88, s6;
	s7 =	simm.s32 @p2 $0x1082  }
0x22: {  	[simem:s7], [sflag:s8] =	dma.local @!p0 [hbm:s6], $0xF7A  }
0x23: {  	s9 =	sor.u32 $0xD0000000, s2;
	s6 =	simm.s32 $0x108;
	_ =	swait.ge @!p0 [sflag:s8], $0x0  }
0x24: {  	s3 =	sadd.s32 $0x88, s3;
	s6 =	simm.s32 @!p1 $0x1082;
	[sflag:s4] =	ssyncset.s32 $0xFFFFF086  }
0x25: {  	[simem:s6], [sflag:s4] =	dma.local [hbm:s3], $0xF7A  }
0x26: {  	[smem:$0x3F66] =	sst s1;
	(tag) =	ssettag s2;
	_ =	strace s9  }
0x27: {  	s1 =	sld [smem:$0x3F76]  }
0x28: {  	s2 =	sld [smem:$0x3F77]  }
0x29: {  	s4 =	sld [smem:$0x3F79]  }
0x2a: {  	p0 =	seq.s32 s5, $0x0;
	s5 =	sld [smem:$0x3F7A]  }
0x2b: {  	s6 =	sld [smem:$0x3F7B]  }
0x2c: {  	s7 =	sld [smem:$0x3F7C]  }
0x2d: {  	s3 =	simm.s32 $0x108;
	s8 =	sld [smem:$0x3F7D]  }
0x2e: {  	s3 =	simm.s32 @!p0 $0x1082;
	s9 =	sld [smem:$0x3F7E]  }
0x2f: {  	lr =	sadd.s32 s0, s3;
	s0 =	sld [smem:$0x3F75]  }
0x30: {  	s3 =	sld [smem:$0x3F78]  }
0x31: {  	[smem:$0x3F81] =	sst s10  }
0x32: {  	s10 =	sld [smem:$0x3F7F];
	_ =	sdelay $0x3  }
0x33: {  	p0 =	seq.s32 s10, $0x1;
	s10 =	sld [smem:$0x3F81];
	_ =	sdelay $0x3  }
0x34: {  	[smem:$0x3F81] =	sst s10  }
0x35: {  	s10 =	sld [smem:$0x3F80];
	_ =	sdelay $0x3  }
0x36: {  	p1 =	seq.s32 s10, $0x1;
	s10 =	sld [smem:$0x3F81];
	_ =	sdelay $0x3  }
0x37: {  	[smem:$0x3F81] =	sst s10  }
0x38: {  	s10 =	sld [smem:$0x3F82]  }
0x39: {  	_ = 	snop;
	(pc) =	sbr.ind lr, $3  }
0x3a: {  	_ = 	snop  }
0x3b: {  	_ = 	snop  }
0x3c: {  	p2 =	seq.s32 s10, $0x1;
	s10 =	sld [smem:$0x3F81]  }
0x3d: {  	_ =	shalt  }
0x3e: {  	_ =	shalt  }
0x3f: {  	_ =	shalt  }
0x40: {  	_ =	shalt  }
0x41: {  	_ =	shalt  }
0x42: {  	_ =	shalt  }
0x43: {  	_ =	shalt  }
0x44: {  	_ =	shalt  }
0x45: {  	_ =	shalt  }
0x46: {  	_ =	shalt  }
0x47: {  	_ =	shalt  }
0x48: {  	_ =	shalt  }
0x49: {  	_ =	shalt  }
0x4a: {  	_ =	shalt  }
0x4b: {  	_ =	shalt  }
0x4c: {  	_ =	shalt  }
0x4d: {  	_ =	shalt  }
0x4e: {  	_ =	shalt  }
0x4f: {  	_ =	shalt  }
0x50: {  	_ =	shalt  }
0x51: {  	_ =	shalt  }
0x52: {  	_ =	shalt  }
0x53: {  	_ =	shalt  }
0x54: {  	_ =	shalt  }
0x55: {  	_ =	shalt  }
0x56: {  	_ =	shalt  }
0x57: {  	_ =	shalt  }
0x58: {  	_ =	shalt  }
0x59: {  	_ =	shalt  }
0x5a: {  	_ =	shalt  }
0x5b: {  	_ =	shalt  }
0x5c: {  	_ =	shalt  }
0x5d: {  	_ =	shalt  }
0x5e: {  	_ =	shalt  }
0x5f: {  	_ =	shalt  }
0x60: {  	_ =	shalt  }
0x61: {  	_ =	shalt  }
0x62: {  	_ =	shalt  }
0x63: {  	_ =	shalt  }
0x64: {  	_ =	shalt  }
0x65: {  	_ =	shalt  }
0x66: {  	_ =	shalt  }
0x67: {  	_ =	shalt  }
0x68: {  	_ =	shalt  }
0x69: {  	_ =	shalt  }
0x6a: {  	_ =	shalt  }
0x6b: {  	_ =	shalt  }
0x6c: {  	_ =	shalt  }
0x6d: {  	_ =	shalt  }
0x6e: {  	_ =	shalt  }
0x6f: {  	_ =	shalt  }
0x70: {  	_ =	shalt  }
0x71: {  	_ =	shalt  }
0x72: {  	_ =	shalt  }
0x73: {  	_ =	shalt  }
0x74: {  	_ =	shalt  }
0x75: {  	_ =	shalt  }
0x76: {  	_ =	shalt  }
0x77: {  	_ =	shalt  }
0x78: {  	_ =	shalt  }
0x79: {  	_ =	shalt  }
0x7a: {  	_ =	shalt  }
0x7b: {  	_ =	shalt  }
0x7c: {  	_ =	shalt  }
0x7d: {  	_ =	shalt  }
0x7e: {  	_ =	shalt  }
0x7f: {  	_ =	shalt  }
0x80: {  	_ =	shalt  }
0x81: {  	_ =	shalt  }
0x82: {  	_ =	shalt  }
0x83: {  	_ =	shalt  }
0x84: {  	_ =	shalt  }
0x85: {  	_ =	shalt  }
0x86: {  	_ =	shalt  }
0x87: {  	_ =	shalt  }
.Lfunc_end0:
.L_simem_size_0:
called_computation.1_lowered:
.L_overlay_start_0:
0x88: {  	s2 =	sld [smem:$0x3FD9]  }
0x89: {  	s3 =	sld [smem:$0x3FFE];
	_ =	sdelay $0x1  }
0x8a: {  	s1 =	srdreg.scid  }
0x8b: {  	s0 =	sand.u32 $0x1, s1  }
0x8c: {  	s17 =	sshll.u32 s0, $0xA;
	s2 =	sadd.s32 s3, s2  }
0x8d: {  	s2 =	sadd.s32 s2, s17  }
0x8e: {  	[smem:$0x3F8D] =	sst s2  }
0x8f: {  	_ = 	snop  }
0x90: {  	s2 =	sld [smem:$0x3FD0];
	(tm) =	ssettm $0x1  }
0x91: {  	s18 =	sld [smem:$0x3FFB];
	_ =	sdelay $0x3  }
0x92: {  	_ =	strace s18  }
0x93: {  	s3 =	sld [smem:$0x3FFC];
	_ =	sdelay $0x3  }
0x94: {  	_ =	strace s3  }
0x95: {  	s3 =	sld [smem:$0x3FFD];
	_ =	sdelay $0x3  }
0x96: {  	_ =	strace s3  }
0x97: {  	_ =	strace $0x8FFFFFFF  }
0x98: {  	s19 =	sld [smem:$0x3FDB];
	_ =	sdelay $0x1  }
0x99: {  	s4 =	simm.s32 $_scs_section_size  }
0x9a: {  	s5 =	simm.s32 $_size__tile_overlayer_lowered;
	s6 =	simm.s32 $_tile_overlayer_lowered  }
0x9b: {  	s22 =	simm.s32 $0x1BFF;
	s21 =	sshll.u32 s6, $0x1;
	s3 =	sadd.s32 s4, s19  }
0x9c: {  	s7 =	simm.s32 $0x0;
	s20 =	sshll.u32 s5, $0x1;
	s5 =	sadd.s32 s21, s3  }
0x9d: {  	[timem:s7], [sflag:s22] =	dma.local [hbm:s5], s20  }
0x9e: {  	_ =	swait.ge [sflag:s22], s20  }
0x9f: {  	s4 =	ssub.s32 $0x0, s20;
	[sflag:s22] =	ssyncset.done $0x0  }
0xa0: {  	[sflag:s22] =	ssyncadd.s32 s4;
	_ =	sdelay $0x1  }
0xa1: {  	s23 =	simm.s32 $0x1B8B  }
0xa2: {  	_ =	swait.ge [sflag:s23], $0x1  }
0xa3: {  	[sflag:s23] =	ssyncset.done $0x0  }
0xa4: {  	s25 =	simm.s32 $0x1B8E;
	s24 =	sld [smem:$0x3FFE];
	[sflag:s23] =	ssyncadd.s32 $0xFFFFFFFF  }
0xa5: {  	s26 =	simm.s32 $execute0_lowered;
	[smem:$0x3FD2] =	sst s25  }
0xa6: {  	s5 =	sshll.u32 s26, $0x1;
	_ =	strace $0x80000049;
	[dreg:$0x1] =	wrdreg $0xFFFFFFFF  }
0xa7: {  	s28 =	simm.s32 $_size_execute0_lowered;
	s3 =	sadd.s32 s3, s5;
	[dreg:$0x0] =	wrdreg $0x0  }
0xa8: {  	s5 =	sshll.u32 s28, $0x1;
	[dreg:$0x2] =	wrdreg s3  }
0xa9: {  	[dreg:$0x3] =	wrdreg s5  }
0xaa: {  	[dreg:$0x4] =	wrdreg $0xC0  }
0xab: {  	_ =	task [dreg:s7], $0x5FFFF  }
0xac: {  	[dreg:$0x1] =	wrdreg $0xFFFFFFFF  }
0xad: {  	[dreg:$0x0] =	wrdreg $0x60  }
0xae: {  	[dreg:$0x2] =	wrdreg s24  }
0xaf: {  	[dreg:$0x3] =	wrdreg s2  }
0xb0: {  	[dreg:$0x4] =	wrdreg $0x7B000  }
0xb1: {  	[dreg:$0x5] =	wrdreg $0x9  }
0xb2: {  	_ =	task.clear_ibuf [dreg:s7], $0x6FFFF;
	_ =	strace $0x90000049  }
0xb3: {  	s29 =	simm.s32 $0x9;
	_ =	strace $0x8000004B  }
0xb4: {  	_ =	swait.ge [sflag:s29], $0x1  }
0xb5: {  	[sflag:s29] =	ssyncadd.s32 $0xFFFFFFFF  }
0xb6: {  	_ =	strace $0x9000004B  }
0xb7: {  	_ =	sfence  }
0xb8: {  	s30 =	sld [smem:$0x0];
	_ =	sdelay $0x2  }
0xb9: {  	s31 =	sshll.u32 s1, $0xD;
	s1 =	sshrl.u32 s1, $0x2  }
0xba: {  	s3 =	sand.u32 $0x4000, s31;
	s1 =	sadd.s32 s1, s30  }
0xbb: {  	s0 =	sor.u32 s3, s0;
	s1 =	sshll.u32 s1, $0x11  }
0xbc: {  	s0 =	sor.u32 s1, s0  }
0xbd: {  	s0 =	sadd.s32 $0x8F2B, s0  }
0xbe: {  	[sflag:s0] =	ssyncadd.remote.s32 $0x1  }
0xbf: {  	_ =	sfence.sel $0xFFFF  }
0xc0: {  	[dreg:$0x0] =	wrdreg $0xFFFFFFFF;
	(pc) =	sbr.abs _section_cstart, $3  }
0xc1: {  	[dreg:$0x1] =	wrdreg $0xFFFFFFFF  }
0xc2: {  	_ =	task.clear_ibuf [dreg:s7], $0x2FFFF;
	_ =	strace $0x9FFFFFFF  }
0xc3: {  	(tm) =	ssettm $0x7FFFFFFF  }
tec
execute0_lowered:
.L_overlay_start_1:
0x0: {  	(tag) =	ssettag $0x1  }
0x1: {  	s0 =	rddreg [dreg:$0x0]  }
0x2: {  	s1 =	rddreg [dreg:$0x1]  }
0x3: {  	s2 =	rddreg [dreg:$0x2];
	s5 =	simm.s32 $0x0;
	s3 =	stileid.u32  }
0x4: {  	s4 =	srdreg.scid;
	s31 =	simm.s32 $0x7;
	s28 =	simm.s32 $0x6  }
0x5: {  	[smem:$0x7FF] =	sst s5;
	s7 =	smul.u32 $0x2700, s3;
	s8 =	sand.u32 $0x1, s4  }
0x6: {  	s4 =	sadd.s32 $0x30400, s0;
	s5 =	sadd.s32 $0x9D7000, s0;
	s10 =	smul.u32 $0x2710, s3  }
0x7: {  	s6 =	sadd.s32 $0x4EB200, s0;
	s12 =	smul.u32 $0x4E000, s3;
	s14 =	sadd.s32 $0x57600, s0  }
0x8: {  	s19 =	sshll.u32 s3, $0x6;
	p0 =	sne.s32 s3, $0x0;
	_ =	strace $0x8000004A  }
0x9: {  	s9 =	smul.u32 $0x27100, s8;
	s11 =	ssub.s32 $0x2, s8;
	s19 =	sor.u32 $0x1C07, s19  }
0xa: {  	s8 =	smul.u32 $0x138800, s8;
	s13 =	sadd.s32 s7, s0;
	s15 =	sshrl.u32 s11, $0x1  }
0xb: {  	s12 =	sshrl.u32 s12, $0x2;
	s0 =	sadd.s32 $0x30200, s0;
	[dreg:$0x6] =	wrdreg s19  }
0xc: {  	s11 =	ssub.s32 s11, s15;
	s12 =	sadd.s32 s12, s2;
	[dreg:$0x7] =	wrdreg s0  }
0xd: {  	s10 =	sadd.s32 s10, s9;
	s18 =	sadd.s32 $0x9200, s13;
	[dreg:$0x4] =	wrdreg s12  }
0xe: {  	s9 =	sadd.s32 s7, s9;
	s7 =	simm.s32 $0x3F00;
	[dreg:$0x5] =	wrdreg s18  }
0xf: {  	s20 =	sshrl.u32 s10, $0x3;
	s22 =	sshll.u32 s10, $0x4;
	s23 =	sadd.s32 $0x28, s10  }
0x10: {  	s17 =	sadd.s32 $0x50, s10;
	s18 =	sadd.s32 $0x78, s10;
	s12 =	sshrl.u32 s8, $0x3  }
0x11: {  	s13 =	sadd.s32 $0x26C0, s10;
	s8 =	simm.s32 $0x80;
	s21 =	sadd.s32 s6, s20  }
0x12: {  	s0 =	sadd.s32 s1, s20;
	s24 =	sadd.s32 s5, s22;
	s25 =	sshrl.u32 s23, $0x3  }
0x13: {  	s29 =	sshll.u32 s23, $0x4;
	s20 =	sadd.s32 $0xA0, s10;
	[dreg:$0x8] =	wrdreg s21  }
0x14: {  	s15 =	sshrl.u32 s13, $0x3;
	s16 =	sshll.u32 s13, $0x4;
	[dreg:$0x9] =	wrdreg s0  }
0x15: {  	s13 =	simm.s32 $0x28;
	[dreg:$0xa] =	wrdreg s24;
	s26 =	sadd.s32 s6, s25  }
0x16: {  	s0 =	sadd.s32 s1, s25;
	s30 =	sadd.s32 s5, s29;
	s21 =	sadd.s32 $0x26E8, s10  }
0x17: {  	s22 =	sadd.s32 s6, s15;
	s3 =	sadd.s32 s1, s15;
	[dreg:$0xb] =	wrdreg s26  }
0x18: {  	s23 =	sadd.s32 s5, s16;
	s29 =	smax.u32 s11, $0x1;
	[dreg:$0xc] =	wrdreg s0  }
0x19: {  	s10 =	simm.s32 $0x200;
	s15 =	simm.s32 $0x100;
	[dreg:$0xd] =	wrdreg s30  }
0x1a: {  	s16 =	simm.s32 $0x280;
	s11 =	simm.s32 $0x0;
	[dreg:$0xf] =	wrdreg s22  }
0x1b: {  	s0 =	sadd.s32 s14, s9;
	s14 =	sadd.s32 s14, s12;
	[dreg:$0x10] =	wrdreg s3  }
0x1c: {  	[dreg:$0x11] =	wrdreg s23;
	s24 =	sshrl.u32 s21, $0x3;
	s26 =	sshll.u32 s21, $0x4  }
0x1d: {  	[dreg:$0x16] =	wrdreg s29;
	s30 =	sadd.s32 $0x138000, s2;
	s12 =	simm.s32 $0x1  }
0x1e: {  	s21 =	simm.s32 $0x2;
	s22 =	simm.s32 $0x1700;
	[dreg:$0xe] =	wrdreg s0  }
0x1f: {  	s23 =	simm.s32 $0x4;
	s25 =	sadd.s32 s6, s24;
	[dreg:$0x17] =	wrdreg s30  }
0x20: {  	s3 =	sadd.s32 s1, s24;
	s0 =	sadd.s32 $0x27000, s14;
	[dreg:$0x12] =	wrdreg s25  }
0x21: {  	s14 =	simm.s32 $0x300;
	s24 =	simm.s32 $0x3;
	[dreg:$0x13] =	wrdreg s3  }
0x22: {  	s3 =	sadd.s32 s5, s26;
	[dreg:$0x15] =	wrdreg s0;
	s0 =	simm.s32 $0x180  }
0x23: {  	s25 =	simm.s32 $0x2B00;
	s26 =	simm.s32 $0x5;
	[dreg:$0x14] =	wrdreg s3  }
.LBB2_1:
0x24: {  	[dreg:$0x18] =	wrdreg s11  }
0x25: {  	s3 =	rddreg [dreg:$0x4]  }
0x26: {  	s11 =	rddreg [dreg:$0x5];
	s9 =	sshrl.u32 s3, $0x3  }
0x27: {  	[dreg:$0x19] =	wrdreg s9  }
0x28: {  	[spmem:s9], [sflag:s19] =	dma.local [hbm:s11], $0x2700  }
0x29: {  	_ =	swait.ge [sflag:s31], $0x2700  }
0x2a: {  	s3 =	rddreg [dreg:$0x17]  }
0x2b: {  	[sflag:s31] =	ssyncset.done $0x0;
	s9 =	sshrl.u32 @!p0 s3, $0x3;
	s3 =	rddreg [dreg:$0x7]  }
0x2c: {  	[sflag:s31] =	ssyncadd.s32 $0xFFFFD900;
	[dreg:$0x1a] =	wrdreg s9  }
0x2d: {  	[spmem:s9], [sflag:s19] =	dma.local @!p0 [hbm:s3], $0x100  }
0x2e: {  	s3 =	simm.s32 @!p0 $0x7  }
0x2f: {  	_ =	swait.ge @!p0 [sflag:s3], $0x100  }
0x30: {  	[sflag:s3] =	ssyncset.done @!p0 $0x0  }
0x31: {  	[sflag:s3] =	ssyncadd.s32 @!p0 $0xFFFFFF00  }
0x32: {  	[bflag:$0x0] =	sbarrier.arrive $0xFFFF  }
0x33: {  	s3 =	simm.s32 $0x0;
	s29 =	rddreg [dreg:$0x8]  }
0x34: {  	[tilespmem:s3], [sflag:$0x1] =	stream.linear.gather [hbm4b:s29+s3], $0x28, $0x38;
	[tilespmem:$0x1B380] =	vst v63  }
0x35: {  	s11 =	rddreg [dreg:$0x9]  }
0x36: {  	[tilespmem:s0], [sflag:$0x1] =	stream.linear.gather [hbm4b:s11+s3], $0x28, $0x38;
	[tilespmem:$0x1B380] =	vst v63  }
0x37: {  	s19 =	rddreg [dreg:$0xa]  }
0x38: {  	[tilespmem:s7], [sflag:$0x1] =	stream.linear.gather [hbm4b:s19+s3], $0x1400, $0x38;
	[tilespmem:$0x1B380] =	vst v63  }
0x39: {  	s29 =	rddreg [dreg:$0xb]  }
0x3a: {  	[tilespmem:s8], [sflag:$0x2] =	stream.linear.gather [hbm4b:s29+s3], $0x28, $0x38;
	[tilespmem:$0x1B380] =	vst v63  }
0x3b: {  	s11 =	rddreg [dreg:$0xc]  }
0x3c: {  	[tilespmem:s10], [sflag:$0x2] =	stream.linear.gather [hbm4b:s11+s3], $0x28, $0x38;
	[tilespmem:$0x1B380] =	vst v63  }
0x3d: {  	s19 =	rddreg [dreg:$0xd];
	s29 =	simm.s32 $0x5300  }
0x3e: {  	[tilespmem:s29], [sflag:$0x2] =	stream.linear.gather [hbm4b:s19+s3], $0x1400, $0x38;
	[tilespmem:$0x1B380] =	vst v63  }
0x3f: {  	_ =	swait.ge [sflag:s12], $0x28  }
0x40: {  	[sflag:s12] =	ssyncset.done $0x0  }
0x41: {  	[sflag:s12] =	ssyncadd.s32 $0xFFFFFFD8  }
0x42: {  	_ =	swait.ge [sflag:s12], $0x28  }
0x43: {  	[sflag:s12] =	ssyncset.done $0x0  }
0x44: {  	[sflag:s12] =	ssyncadd.s32 $0xFFFFFFD8  }
0x45: {  	_ =	swait.ge [sflag:s12], $0x1400  }
0x46: {  	[sflag:s12] =	ssyncset.done $0x0  }
0x47: {  	s30 =	simm.s32 $0x0;
	[sflag:s12] =	ssyncadd.s32 $0xFFFFEC00  }
0x48: {  	[tilespmem:s14], [sflag:$0x4] =	stream.indirect.gather [hbm4b:s4+s13], $0x80, s3, s13, $0xb8;
	[tilespmem:$0x1B380] =	vst v63  }
.LBB2_2:
0x49: {  	s3 =	smul.u32 $0x78, s30;
	_ =	sdelay $0x1  }
0x4a: {  	s9 =	sadd.s32 s3, s17  }
0x4b: {  	s29 =	sshrl.u32 s9, $0x3  }
0x4c: {  	s19 =	simm.s32 $0x0;
	s11 =	sadd.s32 s6, s29  }
0x4d: {  	[tilespmem:s15], [sflag:$0x3] =	stream.linear.gather [hbm4b:s11+s19], $0x28, $0x38;
	[tilespmem:$0x1B380] =	vst v63  }
0x4e: {  	s9 =	sshll.u32 s9, $0x4;
	s11 =	sadd.s32 s1, s29  }
0x4f: {  	[tilespmem:s16], [sflag:$0x3] =	stream.linear.gather [hbm4b:s11+s19], $0x28, $0x38;
	[tilespmem:$0x1B380] =	vst v63  }
0x50: {  	s9 =	sadd.s32 s5, s9;
	s11 =	simm.s32 $0x6700  }
0x51: {  	[tilespmem:s11], [sflag:$0x3] =	stream.linear.gather [hbm4b:s9+s19], $0x1400, $0x38;
	[tilespmem:$0x1B380] =	vst v63  }
0x52: {  	_ =	swait.ge [sflag:s21], $0x28  }
0x53: {  	[sflag:s21] =	ssyncset.done $0x0  }
0x54: {  	[sflag:s21] =	ssyncadd.s32 $0xFFFFFFD8  }
0x55: {  	_ =	swait.ge [sflag:s21], $0x28  }
0x56: {  	[sflag:s21] =	ssyncset.done $0x0  }
0x57: {  	[sflag:s21] =	ssyncadd.s32 $0xFFFFFFD8  }
0x58: {  	_ =	swait.ge [sflag:s21], $0x1400  }
0x59: {  	[sflag:s21] =	ssyncset.done $0x0  }
0x5a: {  	[sflag:s21] =	ssyncadd.s32 $0xFFFFEC00  }
0x5b: {  	[tilespmem:s22], [sflag:$0x5] =	stream.indirect.gather [hbm4b:s4+s13], $0x80, s8, s13, $0xb8;
	[tilespmem:$0x1B380] =	vst v63  }
0x5c: {  	_ =	swait.ge [sflag:s23], $0x1400  }
0x5d: {  	[sflag:s23] =	ssyncset.done $0x0  }
0x5e: {  	s9 =	simm.s32 $0x0;
	[sflag:s23] =	ssyncadd.s32 $0xFFFFEC00  }
0x5f: {  	v6 =	vld [tilespmem:s9+$0x3F00]  }
0x60: {  	v11 =	vld [tilespmem:s9+$0x3F10]  }
0x61: {  	v5 =	vld [tilespmem:s9+$0x3F20]  }
0x62: {  	v4 =	vld [tilespmem:s9+$0x3F30]  }
0x63: {  	v3 =	vld [tilespmem:s9+$0x3F40]  }
0x64: {  	v2 =	vld [tilespmem:s9+$0x3F50]  }
0x65: {  	v1 =	vld [tilespmem:s9+$0x3F60]  }
0x66: {  	v0 =	vld [tilespmem:s9+$0x3F70]  }
0x67: {  	v12 =	vld [tilespmem:s9+$0x300]  }
0x68: {  	v13 =	vld [tilespmem:s9+$0x310]  }
0x69: {  	v10 =	vld [tilespmem:s9+$0x320]  }
0x6a: {  	v9 =	vld [tilespmem:s9+$0x330]  }
0x6b: {  	v8 =	vld [tilespmem:s9+$0x340]  }
0x6c: {  	v7 =	vld [tilespmem:s9+$0x350];
	v12 =	vadd.f32 v6, v12  }
0x6d: {  	s29 =	simm.s32 $0x200;
	v11 =	vadd.f32 v11, v13;
	v6 =	vld [tilespmem:s9+$0x360]  }
.LBB2_3:
0x6e: {  	s11 =	sshra.s32 s29, $0x2;
	p1 =	sne.s32 s29, $0x4E00;
	v12 =	vmax.f32 v12, $0.0e+00;
	v5 =	vadd.f32 v5, v10;
	v10 =	vld [tilespmem:s9+$0x370]  }
0x6f: {  	v13 =	vld [tilespmem:s11+$0x3F00];
	[tilespmem:s9+$0x300] =	vst v12;
	v11 =	vmax.f32 v11, $0.0e+00;
	v4 =	vadd.f32 v4, v9  }
0x70: {  	v14 =	vld [tilespmem:s11+$0x3F10];
	[tilespmem:s9+$0x310] =	vst v11;
	v9 =	vmax.f32 v5, $0.0e+00;
	v3 =	vadd.f32 v3, v8  }
0x71: {  	v5 =	vld [tilespmem:s11+$0x3F20];
	[tilespmem:s9+$0x320] =	vst v9;
	v8 =	vmax.f32 v4, $0.0e+00;
	v2 =	vadd.f32 v2, v7  }
0x72: {  	v4 =	vld [tilespmem:s11+$0x3F30];
	[tilespmem:s9+$0x330] =	vst v8;
	v7 =	vmax.f32 v3, $0.0e+00;
	v1 =	vadd.f32 v1, v6  }
0x73: {  	v3 =	vld [tilespmem:s11+$0x3F40];
	[tilespmem:s9+$0x340] =	vst v7;
	v6 =	vmax.f32 v2, $0.0e+00;
	v0 =	vadd.f32 v0, v10  }
0x74: {  	v2 =	vld [tilespmem:s11+$0x3F50];
	[tilespmem:s9+$0x350] =	vst v6;
	v6 =	vmax.f32 v1, $0.0e+00  }
0x75: {  	v1 =	vld [tilespmem:s11+$0x3F60];
	[tilespmem:s9+$0x360] =	vst v6;
	v6 =	vmax.f32 v0, $0.0e+00  }
0x76: {  	v0 =	vld [tilespmem:s11+$0x3F70];
	[tilespmem:s9+$0x370] =	vst v6;
	s9 =	smov.u32 s11  }
0x77: {  	v6 =	vld [tilespmem:s9+$0x300]  }
0x78: {  	v11 =	vld [tilespmem:s9+$0x310]  }
.Ltmp0:
0x79: {  	v10 =	vld [tilespmem:s9+$0x320];
	(pc) =	sbr.rel @p1 .LBB2_3-.Ltmp0, $4  }
0x7a: {  	v9 =	vld [tilespmem:s9+$0x330]  }
0x7b: {  	v8 =	vld [tilespmem:s9+$0x340]  }
0x7c: {  	v12 =	vadd.f32 v13, v6;
	v7 =	vld [tilespmem:s9+$0x350]  }
0x7d: {  	s29 =	sadd.s32 $0x200, s29;
	v11 =	vadd.f32 v14, v11;
	v6 =	vld [tilespmem:s9+$0x360]  }
0x7e: {  	v12 =	vmax.f32 v12, $0.0e+00;
	v5 =	vadd.f32 v5, v10;
	v10 =	vld [tilespmem:s9+$0x370]  }
0x7f: {  	[tilespmem:s9+$0x300] =	vst v12;
	v11 =	vmax.f32 v11, $0.0e+00;
	v4 =	vadd.f32 v4, v9  }
0x80: {  	[tilespmem:s9+$0x310] =	vst v11;
	v5 =	vmax.f32 v5, $0.0e+00;
	v3 =	vadd.f32 v3, v8  }
0x81: {  	[tilespmem:s9+$0x320] =	vst v5;
	v4 =	vmax.f32 v4, $0.0e+00;
	v2 =	vadd.f32 v2, v7  }
0x82: {  	[tilespmem:s9+$0x330] =	vst v4;
	v3 =	vmax.f32 v3, $0.0e+00;
	v1 =	vadd.f32 v1, v6  }
0x83: {  	[tilespmem:s9+$0x340] =	vst v3;
	v2 =	vmax.f32 v2, $0.0e+00;
	v0 =	vadd.f32 v0, v10  }
0x84: {  	[tilespmem:s9+$0x350] =	vst v2;
	v1 =	vmax.f32 v1, $0.0e+00  }
0x85: {  	[tilespmem:s9+$0x360] =	vst v1;
	v0 =	vmax.f32 v0, $0.0e+00  }
0x86: {  	[tilespmem:s9+$0x370] =	vst v0  }
0x87: {  	[spmem:s2] =	stream.indirect.scatter.add.f32 [tilespmem:s14], [sflag:$0x7], $0x80, s0, s13, $0xb8;
	[tilespmem:$0x1B380] =	vst v63  }
0x88: {  	s9 =	sadd.s32 s3, s18;
	_ =	swait.ge [sflag:s31], $0x1400  }
0x89: {  	s11 =	sshrl.u32 s9, $0x3;
	[sflag:s31] =	ssyncset.done $0x0  }
0x8a: {  	s29 =	simm.s32 $0x0;
	s19 =	sadd.s32 s6, s11;
	[sflag:s31] =	ssyncadd.s32 $0xFFFFEC00  }
0x8b: {  	[tilespmem:s29], [sflag:$0x1] =	stream.linear.gather [hbm4b:s19+s29], $0x28, $0x38;
	[tilespmem:$0x1B380] =	vst v63  }
0x8c: {  	s9 =	sshll.u32 s9, $0x4;
	s11 =	sadd.s32 s1, s11  }
0x8d: {  	[tilespmem:s0], [sflag:$0x1] =	stream.linear.gather [hbm4b:s11+s29], $0x28, $0x38;
	[tilespmem:$0x1B380] =	vst v63  }
0x8e: {  	s9 =	sadd.s32 s5, s9  }
0x8f: {  	[tilespmem:s7], [sflag:$0x1] =	stream.linear.gather [hbm4b:s9+s29], $0x1400, $0x38;
	[tilespmem:$0x1B380] =	vst v63  }
0x90: {  	_ =	swait.ge [sflag:s24], $0x28  }
0x91: {  	[sflag:s24] =	ssyncset.done $0x0  }
0x92: {  	[sflag:s24] =	ssyncadd.s32 $0xFFFFFFD8  }
0x93: {  	_ =	swait.ge [sflag:s24], $0x28  }
0x94: {  	[sflag:s24] =	ssyncset.done $0x0  }
0x95: {  	[sflag:s24] =	ssyncadd.s32 $0xFFFFFFD8  }
0x96: {  	_ =	swait.ge [sflag:s24], $0x1400  }
0x97: {  	[sflag:s24] =	ssyncset.done $0x0  }
0x98: {  	[sflag:s24] =	ssyncadd.s32 $0xFFFFEC00  }
0x99: {  	[tilespmem:s25], [sflag:$0x6] =	stream.indirect.gather [hbm4b:s4+s13], $0x80, s15, s13, $0xb8;
	[tilespmem:$0x1B380] =	vst v63  }
0x9a: {  	_ =	swait.ge [sflag:s26], $0x1400  }
0x9b: {  	[sflag:s26] =	ssyncset.done $0x0  }
0x9c: {  	s9 =	simm.s32 $0x0;
	[sflag:s26] =	ssyncadd.s32 $0xFFFFEC00  }
0x9d: {  	v6 =	vld [tilespmem:s9+$0x5300]  }
0x9e: {  	v11 =	vld [tilespmem:s9+$0x5310]  }
0x9f: {  	v5 =	vld [tilespmem:s9+$0x5320]  }
0xa0: {  	v4 =	vld [tilespmem:s9+$0x5330]  }
0xa1: {  	v3 =	vld [tilespmem:s9+$0x5340]  }
0xa2: {  	v2 =	vld [tilespmem:s9+$0x5350]  }
0xa3: {  	v1 =	vld [tilespmem:s9+$0x5360]  }
0xa4: {  	v0 =	vld [tilespmem:s9+$0x5370]  }
0xa5: {  	v12 =	vld [tilespmem:s9+$0x1700]  }
0xa6: {  	v13 =	vld [tilespmem:s9+$0x1710]  }
0xa7: {  	v10 =	vld [tilespmem:s9+$0x1720]  }
0xa8: {  	v9 =	vld [tilespmem:s9+$0x1730]  }
0xa9: {  	v8 =	vld [tilespmem:s9+$0x1740]  }
0xaa: {  	v7 =	vld [tilespmem:s9+$0x1750];
	v12 =	vadd.f32 v6, v12  }
0xab: {  	s29 =	simm.s32 $0x200;
	v11 =	vadd.f32 v11, v13;
	v6 =	vld [tilespmem:s9+$0x1760]  }
.LBB2_5:
0xac: {  	s11 =	sshra.s32 s29, $0x2;
	p1 =	sne.s32 s29, $0x4E00;
	v12 =	vmax.f32 v12, $0.0e+00;
	v5 =	vadd.f32 v5, v10;
	v10 =	vld [tilespmem:s9+$0x1770]  }
0xad: {  	v13 =	vld [tilespmem:s11+$0x5300];
	[tilespmem:s9+$0x1700] =	vst v12;
	v11 =	vmax.f32 v11, $0.0e+00;
	v4 =	vadd.f32 v4, v9  }
0xae: {  	v14 =	vld [tilespmem:s11+$0x5310];
	[tilespmem:s9+$0x1710] =	vst v11;
	v9 =	vmax.f32 v5, $0.0e+00;
	v3 =	vadd.f32 v3, v8  }
0xaf: {  	v5 =	vld [tilespmem:s11+$0x5320];
	[tilespmem:s9+$0x1720] =	vst v9;
	v8 =	vmax.f32 v4, $0.0e+00;
	v2 =	vadd.f32 v2, v7  }
0xb0: {  	v4 =	vld [tilespmem:s11+$0x5330];
	[tilespmem:s9+$0x1730] =	vst v8;
	v7 =	vmax.f32 v3, $0.0e+00;
	v1 =	vadd.f32 v1, v6  }
0xb1: {  	v3 =	vld [tilespmem:s11+$0x5340];
	[tilespmem:s9+$0x1740] =	vst v7;
	v6 =	vmax.f32 v2, $0.0e+00;
	v0 =	vadd.f32 v0, v10  }
0xb2: {  	v2 =	vld [tilespmem:s11+$0x5350];
	[tilespmem:s9+$0x1750] =	vst v6;
	v6 =	vmax.f32 v1, $0.0e+00  }
0xb3: {  	v1 =	vld [tilespmem:s11+$0x5360];
	[tilespmem:s9+$0x1760] =	vst v6;
	v6 =	vmax.f32 v0, $0.0e+00  }
0xb4: {  	v0 =	vld [tilespmem:s11+$0x5370];
	[tilespmem:s9+$0x1770] =	vst v6;
	s9 =	smov.u32 s11  }
0xb5: {  	v6 =	vld [tilespmem:s9+$0x1700]  }
0xb6: {  	v11 =	vld [tilespmem:s9+$0x1710]  }
.Ltmp1:
0xb7: {  	v10 =	vld [tilespmem:s9+$0x1720];
	(pc) =	sbr.rel @p1 .LBB2_5-.Ltmp1, $4  }
0xb8: {  	v9 =	vld [tilespmem:s9+$0x1730]  }
0xb9: {  	v8 =	vld [tilespmem:s9+$0x1740]  }
0xba: {  	v12 =	vadd.f32 v13, v6;
	v7 =	vld [tilespmem:s9+$0x1750]  }
0xbb: {  	s29 =	sadd.s32 $0x200, s29;
	v11 =	vadd.f32 v14, v11;
	v6 =	vld [tilespmem:s9+$0x1760]  }
0xbc: {  	v12 =	vmax.f32 v12, $0.0e+00;
	v5 =	vadd.f32 v5, v10;
	v10 =	vld [tilespmem:s9+$0x1770]  }
0xbd: {  	[tilespmem:s9+$0x1700] =	vst v12;
	v11 =	vmax.f32 v11, $0.0e+00;
	v4 =	vadd.f32 v4, v9  }
0xbe: {  	[tilespmem:s9+$0x1710] =	vst v11;
	v5 =	vmax.f32 v5, $0.0e+00;
	v3 =	vadd.f32 v3, v8  }
0xbf: {  	[tilespmem:s9+$0x1720] =	vst v5;
	v4 =	vmax.f32 v4, $0.0e+00;
	v2 =	vadd.f32 v2, v7  }
0xc0: {  	[tilespmem:s9+$0x1730] =	vst v4;
	v3 =	vmax.f32 v3, $0.0e+00;
	v1 =	vadd.f32 v1, v6  }
0xc1: {  	[tilespmem:s9+$0x1740] =	vst v3;
	v2 =	vmax.f32 v2, $0.0e+00;
	v0 =	vadd.f32 v0, v10  }
0xc2: {  	[tilespmem:s9+$0x1750] =	vst v2;
	v1 =	vmax.f32 v1, $0.0e+00  }
0xc3: {  	[tilespmem:s9+$0x1760] =	vst v1;
	v0 =	vmax.f32 v0, $0.0e+00  }
0xc4: {  	[tilespmem:s9+$0x1770] =	vst v0  }
0xc5: {  	[spmem:s2] =	stream.indirect.scatter.add.f32 [tilespmem:s22], [sflag:$0x7], $0x80, s10, s13, $0xb8;
	[tilespmem:$0x1B380] =	vst v63  }
0xc6: {  	s3 =	sadd.s32 s3, s20;
	_ =	swait.ge [sflag:s31], $0x1400  }
0xc7: {  	s29 =	sshrl.u32 s3, $0x3;
	[sflag:s31] =	ssyncset.done $0x0  }
0xc8: {  	s19 =	simm.s32 $0x0;
	s11 =	sadd.s32 s6, s29;
	[sflag:s31] =	ssyncadd.s32 $0xFFFFEC00  }
0xc9: {  	[tilespmem:s8], [sflag:$0x2] =	stream.linear.gather [hbm4b:s11+s19], $0x28, $0x38;
	[tilespmem:$0x1B380] =	vst v63  }
0xca: {  	s3 =	sshll.u32 s3, $0x4;
	s9 =	sadd.s32 s1, s29  }
0xcb: {  	[tilespmem:s10], [sflag:$0x2] =	stream.linear.gather [hbm4b:s9+s19], $0x28, $0x38;
	[tilespmem:$0x1B380] =	vst v63  }
0xcc: {  	s3 =	sadd.s32 s5, s3;
	s29 =	simm.s32 $0x5300  }
0xcd: {  	[tilespmem:s29], [sflag:$0x2] =	stream.linear.gather [hbm4b:s3+s19], $0x1400, $0x38;
	[tilespmem:$0x1B380] =	vst v63  }
0xce: {  	_ =	swait.ge [sflag:s12], $0x28  }
0xcf: {  	[sflag:s12] =	ssyncset.done $0x0  }
0xd0: {  	[sflag:s12] =	ssyncadd.s32 $0xFFFFFFD8  }
0xd1: {  	_ =	swait.ge [sflag:s12], $0x28  }
0xd2: {  	[sflag:s12] =	ssyncset.done $0x0  }
0xd3: {  	[sflag:s12] =	ssyncadd.s32 $0xFFFFFFD8  }
0xd4: {  	_ =	swait.ge [sflag:s12], $0x1400  }
0xd5: {  	[sflag:s12] =	ssyncset.done $0x0  }
0xd6: {  	[sflag:s12] =	ssyncadd.s32 $0xFFFFEC00  }
0xd7: {  	[tilespmem:s14], [sflag:$0x4] =	stream.indirect.gather [hbm4b:s4+s13], $0x80, s19, s13, $0xb8;
	[tilespmem:$0x1B380] =	vst v63  }
0xd8: {  	_ =	swait.ge [sflag:s28], $0x1400  }
0xd9: {  	[sflag:s28] =	ssyncset.done $0x0  }
0xda: {  	s3 =	simm.s32 $0x0;
	[sflag:s28] =	ssyncadd.s32 $0xFFFFEC00  }
0xdb: {  	v6 =	vld [tilespmem:s3+$0x6700]  }
0xdc: {  	v11 =	vld [tilespmem:s3+$0x6710]  }
0xdd: {  	v5 =	vld [tilespmem:s3+$0x6720]  }
0xde: {  	v4 =	vld [tilespmem:s3+$0x6730]  }
0xdf: {  	v3 =	vld [tilespmem:s3+$0x6740]  }
0xe0: {  	v2 =	vld [tilespmem:s3+$0x6750]  }
0xe1: {  	v1 =	vld [tilespmem:s3+$0x6760]  }
0xe2: {  	v0 =	vld [tilespmem:s3+$0x6770]  }
0xe3: {  	v12 =	vld [tilespmem:s3+$0x2B00]  }
0xe4: {  	v13 =	vld [tilespmem:s3+$0x2B10]  }
0xe5: {  	v10 =	vld [tilespmem:s3+$0x2B20]  }
0xe6: {  	v9 =	vld [tilespmem:s3+$0x2B30]  }
0xe7: {  	v8 =	vld [tilespmem:s3+$0x2B40]  }
0xe8: {  	v7 =	vld [tilespmem:s3+$0x2B50];
	v12 =	vadd.f32 v6, v12  }
0xe9: {  	s9 =	simm.s32 $0x200;
	v11 =	vadd.f32 v11, v13;
	v6 =	vld [tilespmem:s3+$0x2B60]  }
.LBB2_7:
0xea: {  	s11 =	sshra.s32 s9, $0x2;
	p1 =	sne.s32 s9, $0x4E00;
	v12 =	vmax.f32 v12, $0.0e+00;
	v5 =	vadd.f32 v5, v10;
	v10 =	vld [tilespmem:s3+$0x2B70]  }
0xeb: {  	v13 =	vld [tilespmem:s11+$0x6700];
	[tilespmem:s3+$0x2B00] =	vst v12;
	v11 =	vmax.f32 v11, $0.0e+00;
	v4 =	vadd.f32 v4, v9  }
0xec: {  	v14 =	vld [tilespmem:s11+$0x6710];
	[tilespmem:s3+$0x2B10] =	vst v11;
	v9 =	vmax.f32 v5, $0.0e+00;
	v3 =	vadd.f32 v3, v8  }
0xed: {  	v5 =	vld [tilespmem:s11+$0x6720];
	[tilespmem:s3+$0x2B20] =	vst v9;
	v8 =	vmax.f32 v4, $0.0e+00;
	v2 =	vadd.f32 v2, v7  }
0xee: {  	v4 =	vld [tilespmem:s11+$0x6730];
	[tilespmem:s3+$0x2B30] =	vst v8;
	v7 =	vmax.f32 v3, $0.0e+00;
	v1 =	vadd.f32 v1, v6  }
0xef: {  	v3 =	vld [tilespmem:s11+$0x6740];
	[tilespmem:s3+$0x2B40] =	vst v7;
	v6 =	vmax.f32 v2, $0.0e+00;
	v0 =	vadd.f32 v0, v10  }
0xf0: {  	v2 =	vld [tilespmem:s11+$0x6750];
	[tilespmem:s3+$0x2B50] =	vst v6;
	v6 =	vmax.f32 v1, $0.0e+00  }
0xf1: {  	v1 =	vld [tilespmem:s11+$0x6760];
	[tilespmem:s3+$0x2B60] =	vst v6;
	v6 =	vmax.f32 v0, $0.0e+00  }
0xf2: {  	v0 =	vld [tilespmem:s11+$0x6770];
	[tilespmem:s3+$0x2B70] =	vst v6;
	s3 =	smov.u32 s11  }
0xf3: {  	v6 =	vld [tilespmem:s3+$0x2B00]  }
0xf4: {  	v11 =	vld [tilespmem:s3+$0x2B10]  }
.Ltmp2:
0xf5: {  	v10 =	vld [tilespmem:s3+$0x2B20];
	(pc) =	sbr.rel @p1 .LBB2_7-.Ltmp2, $4  }
0xf6: {  	v9 =	vld [tilespmem:s3+$0x2B30]  }
0xf7: {  	v8 =	vld [tilespmem:s3+$0x2B40]  }
0xf8: {  	v12 =	vadd.f32 v13, v6;
	v7 =	vld [tilespmem:s3+$0x2B50]  }
0xf9: {  	s9 =	sadd.s32 $0x200, s9;
	v11 =	vadd.f32 v14, v11;
	v6 =	vld [tilespmem:s3+$0x2B60]  }
0xfa: {  	v12 =	vmax.f32 v12, $0.0e+00;
	v5 =	vadd.f32 v5, v10;
	v63 =	vld [tilespmem:s3+$0x2B70]  }
0xfb: {  	[tilespmem:s3+$0x2B00] =	vst v12;
	v11 =	vmax.f32 v11, $0.0e+00;
	v4 =	vadd.f32 v4, v9  }
0xfc: {  	[tilespmem:s3+$0x2B10] =	vst v11;
	v5 =	vmax.f32 v5, $0.0e+00;
	v3 =	vadd.f32 v3, v8  }
0xfd: {  	[tilespmem:s3+$0x2B20] =	vst v5;
	v4 =	vmax.f32 v4, $0.0e+00;
	v2 =	vadd.f32 v2, v7  }
0xfe: {  	[tilespmem:s3+$0x2B30] =	vst v4;
	v3 =	vmax.f32 v3, $0.0e+00;
	v1 =	vadd.f32 v1, v6  }
0xff: {  	[tilespmem:s3+$0x2B40] =	vst v3;
	v2 =	vmax.f32 v2, $0.0e+00;
	v0 =	vadd.f32 v0, v63  }
0x100: {  	s30 =	sadd.s32 $0x1, s30;
	[tilespmem:s3+$0x2B50] =	vst v2;
	v1 =	vmax.f32 v1, $0.0e+00  }
0x101: {  	p1 =	sne.s32 s30, $0x52;
	[tilespmem:s3+$0x2B60] =	vst v1;
	v0 =	vmax.f32 v0, $0.0e+00  }
.Ltmp3:
0x102: {  	[tilespmem:s3+$0x2B70] =	vst v0;
	(pc) =	sbr.rel @p1 .LBB2_2-.Ltmp3, $4  }
0x103: {  	[spmem:s2] =	stream.indirect.scatter.add.f32 [tilespmem:s25], [sflag:$0x7], $0x80, s16, s13, $0xb8;
	[tilespmem:$0x1B380] =	vst v63  }
0x104: {  	_ =	swait.ge [sflag:s31], $0x1400  }
0x105: {  	[sflag:s31] =	ssyncset.done $0x0  }
0x106: {  	[sflag:s31] =	ssyncadd.s32 $0xFFFFEC00  }
0x107: {  	s3 =	simm.s32 $0x0;
	s9 =	rddreg [dreg:$0xf]  }
0x108: {  	[tilespmem:s15], [sflag:$0x3] =	stream.linear.gather [hbm4b:s9+s3], $0x28, $0x38;
	[tilespmem:$0x1B380] =	vst v63  }
0x109: {  	s29 =	rddreg [dreg:$0x10]  }
0x10a: {  	[tilespmem:s16], [sflag:$0x3] =	stream.linear.gather [hbm4b:s29+s3], $0x28, $0x38;
	[tilespmem:$0x1B380] =	vst v63  }
0x10b: {  	s30 =	rddreg [dreg:$0x11];
	s11 =	simm.s32 $0x6700  }
0x10c: {  	[tilespmem:s11], [sflag:$0x3] =	stream.linear.gather [hbm4b:s30+s3], $0x1400, $0x38;
	[tilespmem:$0x1B380] =	vst v63  }
0x10d: {  	_ =	swait.ge [sflag:s21], $0x28  }
0x10e: {  	[sflag:s21] =	ssyncset.done $0x0  }
0x10f: {  	[sflag:s21] =	ssyncadd.s32 $0xFFFFFFD8  }
0x110: {  	_ =	swait.ge [sflag:s21], $0x28  }
0x111: {  	[sflag:s21] =	ssyncset.done $0x0  }
0x112: {  	[sflag:s21] =	ssyncadd.s32 $0xFFFFFFD8  }
0x113: {  	_ =	swait.ge [sflag:s21], $0x1400  }
0x114: {  	[sflag:s21] =	ssyncset.done $0x0  }
0x115: {  	[sflag:s21] =	ssyncadd.s32 $0xFFFFEC00  }
0x116: {  	[tilespmem:s22], [sflag:$0x5] =	stream.indirect.gather [hbm4b:s4+s13], $0x80, s8, s13, $0xb8;
	[tilespmem:$0x1B380] =	vst v63  }
0x117: {  	_ =	swait.ge [sflag:s23], $0x1400  }
0x118: {  	[sflag:s23] =	ssyncset.done $0x0  }
0x119: {  	s3 =	simm.s32 $0x0;
	[sflag:s23] =	ssyncadd.s32 $0xFFFFEC00  }
0x11a: {  	v6 =	vld [tilespmem:s3+$0x3F00]  }
0x11b: {  	v11 =	vld [tilespmem:s3+$0x3F10]  }
0x11c: {  	v5 =	vld [tilespmem:s3+$0x3F20]  }
0x11d: {  	v4 =	vld [tilespmem:s3+$0x3F30]  }
0x11e: {  	v3 =	vld [tilespmem:s3+$0x3F40]  }
0x11f: {  	v2 =	vld [tilespmem:s3+$0x3F50]  }
0x120: {  	v1 =	vld [tilespmem:s3+$0x3F60]  }
0x121: {  	v0 =	vld [tilespmem:s3+$0x3F70]  }
0x122: {  	v12 =	vld [tilespmem:s3+$0x300]  }
0x123: {  	v13 =	vld [tilespmem:s3+$0x310]  }
0x124: {  	v10 =	vld [tilespmem:s3+$0x320]  }
0x125: {  	v9 =	vld [tilespmem:s3+$0x330]  }
0x126: {  	v8 =	vld [tilespmem:s3+$0x340]  }
0x127: {  	v7 =	vld [tilespmem:s3+$0x350];
	v12 =	vadd.f32 v6, v12  }
0x128: {  	s9 =	simm.s32 $0x200;
	v11 =	vadd.f32 v11, v13;
	v6 =	vld [tilespmem:s3+$0x360]  }
.LBB2_10:
0x129: {  	s11 =	sshra.s32 s9, $0x2;
	p1 =	sne.s32 s9, $0x4E00;
	v12 =	vmax.f32 v12, $0.0e+00;
	v5 =	vadd.f32 v5, v10;
	v10 =	vld [tilespmem:s3+$0x370]  }
0x12a: {  	v13 =	vld [tilespmem:s11+$0x3F00];
	[tilespmem:s3+$0x300] =	vst v12;
	v11 =	vmax.f32 v11, $0.0e+00;
	v4 =	vadd.f32 v4, v9  }
0x12b: {  	v14 =	vld [tilespmem:s11+$0x3F10];
	[tilespmem:s3+$0x310] =	vst v11;
	v9 =	vmax.f32 v5, $0.0e+00;
	v3 =	vadd.f32 v3, v8  }
0x12c: {  	v5 =	vld [tilespmem:s11+$0x3F20];
	[tilespmem:s3+$0x320] =	vst v9;
	v8 =	vmax.f32 v4, $0.0e+00;
	v2 =	vadd.f32 v2, v7  }
0x12d: {  	v4 =	vld [tilespmem:s11+$0x3F30];
	[tilespmem:s3+$0x330] =	vst v8;
	v7 =	vmax.f32 v3, $0.0e+00;
	v1 =	vadd.f32 v1, v6  }
0x12e: {  	v3 =	vld [tilespmem:s11+$0x3F40];
	[tilespmem:s3+$0x340] =	vst v7;
	v6 =	vmax.f32 v2, $0.0e+00;
	v0 =	vadd.f32 v0, v10  }
0x12f: {  	v2 =	vld [tilespmem:s11+$0x3F50];
	[tilespmem:s3+$0x350] =	vst v6;
	v6 =	vmax.f32 v1, $0.0e+00  }
0x130: {  	v1 =	vld [tilespmem:s11+$0x3F60];
	[tilespmem:s3+$0x360] =	vst v6;
	v6 =	vmax.f32 v0, $0.0e+00  }
0x131: {  	v0 =	vld [tilespmem:s11+$0x3F70];
	[tilespmem:s3+$0x370] =	vst v6;
	s3 =	smov.u32 s11  }
0x132: {  	v6 =	vld [tilespmem:s3+$0x300]  }
0x133: {  	v11 =	vld [tilespmem:s3+$0x310]  }
.Ltmp4:
0x134: {  	v10 =	vld [tilespmem:s3+$0x320];
	(pc) =	sbr.rel @p1 .LBB2_10-.Ltmp4, $4  }
0x135: {  	v9 =	vld [tilespmem:s3+$0x330]  }
0x136: {  	v8 =	vld [tilespmem:s3+$0x340]  }
0x137: {  	v12 =	vadd.f32 v13, v6;
	v7 =	vld [tilespmem:s3+$0x350]  }
0x138: {  	s9 =	sadd.s32 $0x200, s9;
	v11 =	vadd.f32 v14, v11;
	v6 =	vld [tilespmem:s3+$0x360]  }
0x139: {  	v12 =	vmax.f32 v12, $0.0e+00;
	v5 =	vadd.f32 v5, v10;
	v10 =	vld [tilespmem:s3+$0x370]  }
0x13a: {  	[tilespmem:s3+$0x300] =	vst v12;
	v11 =	vmax.f32 v11, $0.0e+00;
	v4 =	vadd.f32 v4, v9  }
0x13b: {  	[tilespmem:s3+$0x310] =	vst v11;
	v5 =	vmax.f32 v5, $0.0e+00;
	v3 =	vadd.f32 v3, v8  }
0x13c: {  	[tilespmem:s3+$0x320] =	vst v5;
	v4 =	vmax.f32 v4, $0.0e+00;
	v2 =	vadd.f32 v2, v7  }
0x13d: {  	[tilespmem:s3+$0x330] =	vst v4;
	v3 =	vmax.f32 v3, $0.0e+00;
	v1 =	vadd.f32 v1, v6  }
0x13e: {  	[tilespmem:s3+$0x340] =	vst v3;
	v2 =	vmax.f32 v2, $0.0e+00;
	v0 =	vadd.f32 v0, v10  }
0x13f: {  	[tilespmem:s3+$0x350] =	vst v2;
	v1 =	vmax.f32 v1, $0.0e+00  }
0x140: {  	[tilespmem:s3+$0x360] =	vst v1;
	v0 =	vmax.f32 v0, $0.0e+00  }
0x141: {  	[tilespmem:s3+$0x370] =	vst v0  }
0x142: {  	[spmem:s2] =	stream.indirect.scatter.add.f32 [tilespmem:s14], [sflag:$0x7], $0x80, s0, s13, $0xb8;
	[tilespmem:$0x1B380] =	vst v63  }
0x143: {  	_ =	swait.ge [sflag:s31], $0x1400  }
0x144: {  	[sflag:s31] =	ssyncset.done $0x0  }
0x145: {  	s19 =	simm.s32 $0x0;
	s9 =	rddreg [dreg:$0x12];
	[sflag:s31] =	ssyncadd.s32 $0xFFFFEC00  }
0x146: {  	[tilespmem:s19], [sflag:$0x1] =	stream.linear.gather [hbm4b:s9+s19], $0x28, $0x38;
	[tilespmem:$0x1B380] =	vst v63  }
0x147: {  	s29 =	rddreg [dreg:$0x13]  }
0x148: {  	[tilespmem:s0], [sflag:$0x1] =	stream.linear.gather [hbm4b:s29+s19], $0x28, $0x38;
	[tilespmem:$0x1B380] =	vst v63  }
0x149: {  	s30 =	rddreg [dreg:$0x14]  }
0x14a: {  	[tilespmem:s7], [sflag:$0x1] =	stream.linear.gather [hbm4b:s30+s19], $0x1400, $0x38;
	[tilespmem:$0x1B380] =	vst v63  }
0x14b: {  	_ =	swait.ge [sflag:s24], $0x28  }
0x14c: {  	[sflag:s24] =	ssyncset.done $0x0  }
0x14d: {  	[sflag:s24] =	ssyncadd.s32 $0xFFFFFFD8  }
0x14e: {  	_ =	swait.ge [sflag:s24], $0x28  }
0x14f: {  	[sflag:s24] =	ssyncset.done $0x0  }
0x150: {  	[sflag:s24] =	ssyncadd.s32 $0xFFFFFFD8  }
0x151: {  	_ =	swait.ge [sflag:s24], $0x1400  }
0x152: {  	[sflag:s24] =	ssyncset.done $0x0  }
0x153: {  	[sflag:s24] =	ssyncadd.s32 $0xFFFFEC00  }
0x154: {  	[tilespmem:s25], [sflag:$0x6] =	stream.indirect.gather [hbm4b:s4+s13], $0x80, s15, s13, $0xb8;
	[tilespmem:$0x1B380] =	vst v63  }
0x155: {  	_ =	swait.ge [sflag:s26], $0x1400  }
0x156: {  	[sflag:s26] =	ssyncset.done $0x0  }
0x157: {  	s3 =	simm.s32 $0x0;
	[sflag:s26] =	ssyncadd.s32 $0xFFFFEC00  }
0x158: {  	v6 =	vld [tilespmem:s3+$0x5300]  }
0x159: {  	v11 =	vld [tilespmem:s3+$0x5310]  }
0x15a: {  	v5 =	vld [tilespmem:s3+$0x5320]  }
0x15b: {  	v4 =	vld [tilespmem:s3+$0x5330]  }
0x15c: {  	v3 =	vld [tilespmem:s3+$0x5340]  }
0x15d: {  	v2 =	vld [tilespmem:s3+$0x5350]  }
0x15e: {  	v1 =	vld [tilespmem:s3+$0x5360]  }
0x15f: {  	v0 =	vld [tilespmem:s3+$0x5370]  }
0x160: {  	v12 =	vld [tilespmem:s3+$0x1700]  }
0x161: {  	v13 =	vld [tilespmem:s3+$0x1710]  }
0x162: {  	v10 =	vld [tilespmem:s3+$0x1720]  }
0x163: {  	v9 =	vld [tilespmem:s3+$0x1730]  }
0x164: {  	v8 =	vld [tilespmem:s3+$0x1740]  }
0x165: {  	v7 =	vld [tilespmem:s3+$0x1750];
	v12 =	vadd.f32 v6, v12  }
0x166: {  	s9 =	simm.s32 $0x200;
	s19 =	rddreg [dreg:$0x6];
	v11 =	vadd.f32 v11, v13;
	v6 =	vld [tilespmem:s3+$0x1760]  }
.LBB2_12:
0x167: {  	s11 =	sshra.s32 s9, $0x2;
	p1 =	sne.s32 s9, $0x4E00;
	v12 =	vmax.f32 v12, $0.0e+00;
	v5 =	vadd.f32 v5, v10;
	v10 =	vld [tilespmem:s3+$0x1770]  }
0x168: {  	v13 =	vld [tilespmem:s11+$0x5300];
	[tilespmem:s3+$0x1700] =	vst v12;
	v11 =	vmax.f32 v11, $0.0e+00;
	v4 =	vadd.f32 v4, v9  }
0x169: {  	v14 =	vld [tilespmem:s11+$0x5310];
	[tilespmem:s3+$0x1710] =	vst v11;
	v9 =	vmax.f32 v5, $0.0e+00;
	v3 =	vadd.f32 v3, v8  }
0x16a: {  	v5 =	vld [tilespmem:s11+$0x5320];
	[tilespmem:s3+$0x1720] =	vst v9;
	v8 =	vmax.f32 v4, $0.0e+00;
	v2 =	vadd.f32 v2, v7  }
0x16b: {  	v4 =	vld [tilespmem:s11+$0x5330];
	[tilespmem:s3+$0x1730] =	vst v8;
	v7 =	vmax.f32 v3, $0.0e+00;
	v1 =	vadd.f32 v1, v6  }
0x16c: {  	v3 =	vld [tilespmem:s11+$0x5340];
	[tilespmem:s3+$0x1740] =	vst v7;
	v6 =	vmax.f32 v2, $0.0e+00;
	v0 =	vadd.f32 v0, v10  }
0x16d: {  	v2 =	vld [tilespmem:s11+$0x5350];
	[tilespmem:s3+$0x1750] =	vst v6;
	v6 =	vmax.f32 v1, $0.0e+00  }
0x16e: {  	v1 =	vld [tilespmem:s11+$0x5360];
	[tilespmem:s3+$0x1760] =	vst v6;
	v6 =	vmax.f32 v0, $0.0e+00  }
0x16f: {  	v0 =	vld [tilespmem:s11+$0x5370];
	[tilespmem:s3+$0x1770] =	vst v6;
	s3 =	smov.u32 s11  }
0x170: {  	v6 =	vld [tilespmem:s3+$0x1700]  }
0x171: {  	v11 =	vld [tilespmem:s3+$0x1710]  }
.Ltmp5:
0x172: {  	v10 =	vld [tilespmem:s3+$0x1720];
	(pc) =	sbr.rel @p1 .LBB2_12-.Ltmp5, $4  }
0x173: {  	v9 =	vld [tilespmem:s3+$0x1730]  }
0x174: {  	v8 =	vld [tilespmem:s3+$0x1740]  }
0x175: {  	v12 =	vadd.f32 v13, v6;
	v7 =	vld [tilespmem:s3+$0x1750]  }
0x176: {  	s9 =	sadd.s32 $0x200, s9;
	v11 =	vadd.f32 v14, v11;
	v6 =	vld [tilespmem:s3+$0x1760]  }
0x177: {  	v12 =	vmax.f32 v12, $0.0e+00;
	v5 =	vadd.f32 v5, v10;
	v10 =	vld [tilespmem:s3+$0x1770]  }
0x178: {  	[tilespmem:s3+$0x1700] =	vst v12;
	v11 =	vmax.f32 v11, $0.0e+00;
	v4 =	vadd.f32 v4, v9  }
0x179: {  	[tilespmem:s3+$0x1710] =	vst v11;
	v5 =	vmax.f32 v5, $0.0e+00;
	v3 =	vadd.f32 v3, v8  }
0x17a: {  	[tilespmem:s3+$0x1720] =	vst v5;
	v4 =	vmax.f32 v4, $0.0e+00;
	v2 =	vadd.f32 v2, v7  }
0x17b: {  	[tilespmem:s3+$0x1730] =	vst v4;
	v3 =	vmax.f32 v3, $0.0e+00;
	v1 =	vadd.f32 v1, v6  }
0x17c: {  	[tilespmem:s3+$0x1740] =	vst v3;
	v2 =	vmax.f32 v2, $0.0e+00;
	v0 =	vadd.f32 v0, v10  }
0x17d: {  	[tilespmem:s3+$0x1750] =	vst v2;
	v1 =	vmax.f32 v1, $0.0e+00  }
0x17e: {  	[tilespmem:s3+$0x1760] =	vst v1;
	v0 =	vmax.f32 v0, $0.0e+00  }
0x17f: {  	[tilespmem:s3+$0x1770] =	vst v0  }
0x180: {  	[spmem:s2] =	stream.indirect.scatter.add.f32 [tilespmem:s22], [sflag:$0x7], $0x80, s10, s13, $0xb8;
	[tilespmem:$0x1B380] =	vst v63  }
0x181: {  	_ =	swait.ge [sflag:s31], $0x1400  }
0x182: {  	[sflag:s31] =	ssyncset.done $0x0  }
0x183: {  	[sflag:s31] =	ssyncadd.s32 $0xFFFFEC00  }
0x184: {  	_ =	swait.ge [sflag:s12], $0x28  }
0x185: {  	[sflag:s12] =	ssyncset.done $0x0  }
0x186: {  	[sflag:s12] =	ssyncadd.s32 $0xFFFFFFD8  }
0x187: {  	_ =	swait.ge [sflag:s12], $0x28  }
0x188: {  	[sflag:s12] =	ssyncset.done $0x0  }
0x189: {  	[sflag:s12] =	ssyncadd.s32 $0xFFFFFFD8  }
0x18a: {  	_ =	swait.ge [sflag:s12], $0x1400  }
0x18b: {  	[sflag:s12] =	ssyncset.done $0x0  }
0x18c: {  	s30 =	simm.s32 $0x0;
	[sflag:s12] =	ssyncadd.s32 $0xFFFFEC00  }
0x18d: {  	[tilespmem:s14], [sflag:$0x4] =	stream.indirect.gather [hbm4b:s4+s13], $0x80, s30, s13, $0xb8;
	[tilespmem:$0x1B380] =	vst v63  }
0x18e: {  	_ =	swait.ge [sflag:s28], $0x1400  }
0x18f: {  	[sflag:s28] =	ssyncset.done $0x0  }
0x190: {  	s3 =	simm.s32 $0x0;
	[sflag:s28] =	ssyncadd.s32 $0xFFFFEC00  }
0x191: {  	v6 =	vld [tilespmem:s3+$0x6700]  }
0x192: {  	v11 =	vld [tilespmem:s3+$0x6710]  }
0x193: {  	v5 =	vld [tilespmem:s3+$0x6720]  }
0x194: {  	v4 =	vld [tilespmem:s3+$0x6730]  }
0x195: {  	v3 =	vld [tilespmem:s3+$0x6740]  }
0x196: {  	v2 =	vld [tilespmem:s3+$0x6750]  }
0x197: {  	v1 =	vld [tilespmem:s3+$0x6760]  }
0x198: {  	v0 =	vld [tilespmem:s3+$0x6770]  }
0x199: {  	v12 =	vld [tilespmem:s3+$0x2B00]  }
0x19a: {  	v13 =	vld [tilespmem:s3+$0x2B10]  }
0x19b: {  	v10 =	vld [tilespmem:s3+$0x2B20]  }
0x19c: {  	v9 =	vld [tilespmem:s3+$0x2B30]  }
0x19d: {  	v8 =	vld [tilespmem:s3+$0x2B40]  }
0x19e: {  	v7 =	vld [tilespmem:s3+$0x2B50];
	v12 =	vadd.f32 v6, v12  }
0x19f: {  	s9 =	simm.s32 $0x200;
	v11 =	vadd.f32 v11, v13;
	v6 =	vld [tilespmem:s3+$0x2B60]  }
.LBB2_14:
0x1a0: {  	s11 =	sshra.s32 s9, $0x2;
	p1 =	sne.s32 s9, $0x4E00;
	v12 =	vmax.f32 v12, $0.0e+00;
	v5 =	vadd.f32 v5, v10;
	v10 =	vld [tilespmem:s3+$0x2B70]  }
0x1a1: {  	v13 =	vld [tilespmem:s11+$0x6700];
	[tilespmem:s3+$0x2B00] =	vst v12;
	v11 =	vmax.f32 v11, $0.0e+00;
	v4 =	vadd.f32 v4, v9  }
0x1a2: {  	v14 =	vld [tilespmem:s11+$0x6710];
	[tilespmem:s3+$0x2B10] =	vst v11;
	v9 =	vmax.f32 v5, $0.0e+00;
	v3 =	vadd.f32 v3, v8  }
0x1a3: {  	v5 =	vld [tilespmem:s11+$0x6720];
	[tilespmem:s3+$0x2B20] =	vst v9;
	v8 =	vmax.f32 v4, $0.0e+00;
	v2 =	vadd.f32 v2, v7  }
0x1a4: {  	v4 =	vld [tilespmem:s11+$0x6730];
	[tilespmem:s3+$0x2B30] =	vst v8;
	v7 =	vmax.f32 v3, $0.0e+00;
	v1 =	vadd.f32 v1, v6  }
0x1a5: {  	v3 =	vld [tilespmem:s11+$0x6740];
	[tilespmem:s3+$0x2B40] =	vst v7;
	v6 =	vmax.f32 v2, $0.0e+00;
	v0 =	vadd.f32 v0, v10  }
0x1a6: {  	v2 =	vld [tilespmem:s11+$0x6750];
	[tilespmem:s3+$0x2B50] =	vst v6;
	v6 =	vmax.f32 v1, $0.0e+00  }
0x1a7: {  	v1 =	vld [tilespmem:s11+$0x6760];
	[tilespmem:s3+$0x2B60] =	vst v6;
	v6 =	vmax.f32 v0, $0.0e+00  }
0x1a8: {  	v0 =	vld [tilespmem:s11+$0x6770];
	[tilespmem:s3+$0x2B70] =	vst v6;
	s3 =	smov.u32 s11  }
0x1a9: {  	v6 =	vld [tilespmem:s3+$0x2B00]  }
0x1aa: {  	v11 =	vld [tilespmem:s3+$0x2B10]  }
.Ltmp6:
0x1ab: {  	v10 =	vld [tilespmem:s3+$0x2B20];
	(pc) =	sbr.rel @p1 .LBB2_14-.Ltmp6, $4  }
0x1ac: {  	v9 =	vld [tilespmem:s3+$0x2B30]  }
0x1ad: {  	v8 =	vld [tilespmem:s3+$0x2B40]  }
0x1ae: {  	v12 =	vadd.f32 v13, v6;
	v7 =	vld [tilespmem:s3+$0x2B50]  }
0x1af: {  	s9 =	sadd.s32 $0x200, s9;
	v11 =	vadd.f32 v14, v11;
	v6 =	vld [tilespmem:s3+$0x2B60]  }
0x1b0: {  	v12 =	vmax.f32 v12, $0.0e+00;
	v5 =	vadd.f32 v5, v10;
	v10 =	vld [tilespmem:s3+$0x2B70]  }
0x1b1: {  	[tilespmem:s3+$0x2B00] =	vst v12;
	v11 =	vmax.f32 v11, $0.0e+00;
	v4 =	vadd.f32 v4, v9  }
0x1b2: {  	[tilespmem:s3+$0x2B10] =	vst v11;
	v5 =	vmax.f32 v5, $0.0e+00;
	v3 =	vadd.f32 v3, v8  }
0x1b3: {  	[tilespmem:s3+$0x2B20] =	vst v5;
	v4 =	vmax.f32 v4, $0.0e+00;
	v2 =	vadd.f32 v2, v7  }
0x1b4: {  	[tilespmem:s3+$0x2B30] =	vst v4;
	v3 =	vmax.f32 v3, $0.0e+00;
	v1 =	vadd.f32 v1, v6  }
0x1b5: {  	[tilespmem:s3+$0x2B40] =	vst v3;
	v2 =	vmax.f32 v2, $0.0e+00;
	v0 =	vadd.f32 v0, v10  }
0x1b6: {  	[tilespmem:s3+$0x2B50] =	vst v2;
	v1 =	vmax.f32 v1, $0.0e+00  }
0x1b7: {  	[tilespmem:s3+$0x2B60] =	vst v1;
	v0 =	vmax.f32 v0, $0.0e+00  }
0x1b8: {  	[tilespmem:s3+$0x2B70] =	vst v0  }
0x1b9: {  	[spmem:s2] =	stream.indirect.scatter.add.f32 [tilespmem:s25], [sflag:$0x7], $0x80, s16, s13, $0xb8;
	[tilespmem:$0x1B380] =	vst v63  }
0x1ba: {  	_ =	swait.ge [sflag:s31], $0x1400  }
0x1bb: {  	[sflag:s31] =	ssyncset.done $0x0  }
0x1bc: {  	[sflag:s31] =	ssyncadd.s32 $0xFFFFEC00  }
0x1bd: {  	_ =	swait.ge [sflag:s23], $0x1400  }
0x1be: {  	[sflag:s23] =	ssyncset.done $0x0  }
0x1bf: {  	s3 =	simm.s32 $0x0;
	[sflag:s23] =	ssyncadd.s32 $0xFFFFEC00  }
0x1c0: {  	v6 =	vld [tilespmem:s3+$0x3F00]  }
0x1c1: {  	v11 =	vld [tilespmem:s3+$0x3F10]  }
0x1c2: {  	v5 =	vld [tilespmem:s3+$0x3F20]  }
0x1c3: {  	v4 =	vld [tilespmem:s3+$0x3F30]  }
0x1c4: {  	v3 =	vld [tilespmem:s3+$0x3F40]  }
0x1c5: {  	v2 =	vld [tilespmem:s3+$0x3F50]  }
0x1c6: {  	v1 =	vld [tilespmem:s3+$0x3F60]  }
0x1c7: {  	v0 =	vld [tilespmem:s3+$0x3F70]  }
0x1c8: {  	v12 =	vld [tilespmem:s3+$0x300]  }
0x1c9: {  	v13 =	vld [tilespmem:s3+$0x310]  }
0x1ca: {  	v10 =	vld [tilespmem:s3+$0x320]  }
0x1cb: {  	v9 =	vld [tilespmem:s3+$0x330]  }
0x1cc: {  	v8 =	vld [tilespmem:s3+$0x340]  }
0x1cd: {  	v7 =	vld [tilespmem:s3+$0x350];
	v12 =	vadd.f32 v6, v12  }
0x1ce: {  	s9 =	simm.s32 $0x200;
	v11 =	vadd.f32 v11, v13;
	v6 =	vld [tilespmem:s3+$0x360]  }
.LBB2_16:
0x1cf: {  	s11 =	sshra.s32 s9, $0x2;
	p1 =	sne.s32 s9, $0x4E00;
	v12 =	vmax.f32 v12, $0.0e+00;
	v5 =	vadd.f32 v5, v10;
	v10 =	vld [tilespmem:s3+$0x370]  }
0x1d0: {  	v13 =	vld [tilespmem:s11+$0x3F00];
	[tilespmem:s3+$0x300] =	vst v12;
	v11 =	vmax.f32 v11, $0.0e+00;
	v4 =	vadd.f32 v4, v9  }
0x1d1: {  	v14 =	vld [tilespmem:s11+$0x3F10];
	[tilespmem:s3+$0x310] =	vst v11;
	v9 =	vmax.f32 v5, $0.0e+00;
	v3 =	vadd.f32 v3, v8  }
0x1d2: {  	v5 =	vld [tilespmem:s11+$0x3F20];
	[tilespmem:s3+$0x320] =	vst v9;
	v8 =	vmax.f32 v4, $0.0e+00;
	v2 =	vadd.f32 v2, v7  }
0x1d3: {  	v4 =	vld [tilespmem:s11+$0x3F30];
	[tilespmem:s3+$0x330] =	vst v8;
	v7 =	vmax.f32 v3, $0.0e+00;
	v1 =	vadd.f32 v1, v6  }
0x1d4: {  	v3 =	vld [tilespmem:s11+$0x3F40];
	[tilespmem:s3+$0x340] =	vst v7;
	v6 =	vmax.f32 v2, $0.0e+00;
	v0 =	vadd.f32 v0, v10  }
0x1d5: {  	v2 =	vld [tilespmem:s11+$0x3F50];
	[tilespmem:s3+$0x350] =	vst v6;
	v6 =	vmax.f32 v1, $0.0e+00  }
0x1d6: {  	v1 =	vld [tilespmem:s11+$0x3F60];
	[tilespmem:s3+$0x360] =	vst v6;
	v6 =	vmax.f32 v0, $0.0e+00  }
0x1d7: {  	v0 =	vld [tilespmem:s11+$0x3F70];
	[tilespmem:s3+$0x370] =	vst v6;
	s3 =	smov.u32 s11  }
0x1d8: {  	v6 =	vld [tilespmem:s3+$0x300]  }
0x1d9: {  	v11 =	vld [tilespmem:s3+$0x310]  }
.Ltmp7:
0x1da: {  	v10 =	vld [tilespmem:s3+$0x320];
	(pc) =	sbr.rel @p1 .LBB2_16-.Ltmp7, $4  }
0x1db: {  	v9 =	vld [tilespmem:s3+$0x330]  }
0x1dc: {  	v8 =	vld [tilespmem:s3+$0x340]  }
0x1dd: {  	v12 =	vadd.f32 v13, v6;
	v7 =	vld [tilespmem:s3+$0x350]  }
0x1de: {  	s9 =	sadd.s32 $0x200, s9;
	v11 =	vadd.f32 v14, v11;
	v6 =	vld [tilespmem:s3+$0x360]  }
0x1df: {  	v12 =	vmax.f32 v12, $0.0e+00;
	v5 =	vadd.f32 v5, v10;
	v63 =	vld [tilespmem:s3+$0x370]  }
0x1e0: {  	[tilespmem:s3+$0x300] =	vst v12;
	v11 =	vmax.f32 v11, $0.0e+00;
	v4 =	vadd.f32 v4, v9  }
0x1e1: {  	[tilespmem:s3+$0x310] =	vst v11;
	v5 =	vmax.f32 v5, $0.0e+00;
	v3 =	vadd.f32 v3, v8  }
0x1e2: {  	[tilespmem:s3+$0x320] =	vst v5;
	v4 =	vmax.f32 v4, $0.0e+00;
	v2 =	vadd.f32 v2, v7  }
0x1e3: {  	[tilespmem:s3+$0x330] =	vst v4;
	v3 =	vmax.f32 v3, $0.0e+00;
	v1 =	vadd.f32 v1, v6  }
0x1e4: {  	[tilespmem:s3+$0x340] =	vst v3;
	v2 =	vmax.f32 v2, $0.0e+00;
	v0 =	vadd.f32 v0, v63  }
0x1e5: {  	[tilespmem:s3+$0x350] =	vst v2;
	v1 =	vmax.f32 v1, $0.0e+00  }
0x1e6: {  	[tilespmem:s3+$0x360] =	vst v1;
	v0 =	vmax.f32 v0, $0.0e+00  }
0x1e7: {  	[tilespmem:s3+$0x370] =	vst v0  }
0x1e8: {  	[spmem:s2] =	stream.indirect.scatter.add.f32 [tilespmem:s14], [sflag:$0x7], $0x80, s0, s13, $0xb8;
	[tilespmem:$0x1B380] =	vst v63  }
0x1e9: {  	_ =	swait.ge [sflag:s31], $0x1400  }
0x1ea: {  	[sflag:s31] =	ssyncset.done $0x0  }
0x1eb: {  	[sflag:s31] =	ssyncadd.s32 $0xFFFFEC00  }
0x1ec: {  	[bflag:$0x0] =	sbarrier.arrive $0xFFFF  }
0x1ed: {  	s29 =	rddreg [dreg:$0xe]  }
0x1ee: {  	s9 =	rddreg [dreg:$0x19]  }
0x1ef: {  	[hbm:s29], [sflag:s19] =	dma.local [spmem:s9], $0x2700  }
0x1f0: {  	_ =	swait.ge [sflag:s31], $0x2700  }
0x1f1: {  	[sflag:s31] =	ssyncset.done $0x0;
	s3 =	rddreg [dreg:$0x15]  }
0x1f2: {  	s9 =	rddreg [dreg:$0x1a];
	[sflag:s31] =	ssyncadd.s32 $0xFFFFD900  }
0x1f3: {  	[hbm:s3], [sflag:s19] =	dma.local @!p0 [spmem:s9], $0x100  }
0x1f4: {  	s3 =	simm.s32 @!p0 $0x7  }
0x1f5: {  	_ =	swait.ge @!p0 [sflag:s3], $0x100  }
0x1f6: {  	s11 =	rddreg [dreg:$0x18]  }
0x1f7: {  	s30 =	rddreg [dreg:$0x16];
	s11 =	sadd.s32 $0x1, s11  }
0x1f8: {  	p1 =	sne.s32 s11, s30  }
.Ltmp8:
0x1f9: {  	_ = 	snop;
	(pc) =	sbr.rel @p1 .LBB2_1-.Ltmp8, $3  }
0x1fa: {  	_ =	sdelay $0x1  }
0x1fb: {  	[sflag:s3] =	ssyncset.done @!p0 $0x0  }
0x1fc: {  	[sflag:s3] =	ssyncadd.s32 @!p0 $0xFFFFFF00  }
0x1fd: {  	_ =	sfence.sel $0x180000  }
0x1fe: {  	[bflag:$0x0] =	sbarrier.arrive $0xFFFF  }
0x1ff: {  	_ =	strace $0x9000004A  }
0x200: {  	[bflag:$0x2] =	sbarrier.arrive $0xFFFF  }
0x201: {  	s0 =	rddreg [dreg:$0x3]  }
0x202: {  	s0 =	sadd.s32 @!p0 $0x100000, s0  }
0x203: {  	[sflag:s0] =	ssyncadd.tile.s32 @!p0 $0x1;
	_ =	shalt  }
.Lfunc_end2:
_tile_overlayer_lowered:
.L_overlay_start_2:
0x204: {  	(tag) =	ssettag $0x2  }
0x205: {  	s0 =	rddreg [dreg:$0x0];
	s2 =	stileid.u32  }
0x206: {  	s1 =	rddreg [dreg:$0x1];
	p0 =	sne.s32 s2, $0x0  }
0x207: {  	s3 =	rddreg [dreg:$0x2];
	[bflag:$0x3] =	sbarrier.arrive $0xFFFF;
	s2 =	simm.s32 @!p0 $0x1C07  }
0x208: {  	[timem:s3], [sflag:s2] =	dma.local @!p0 [hbm:s0], s1  }
0x209: {  	s0 =	simm.s32 @!p0 $0x7  }
0x20a: {  	_ =	swait.ge @!p0 [sflag:s0], s1  }
0x20b: {  	s1 =	ssub.s32 @!p0 $0x0, s1;
	[sflag:s0] =	ssyncset.done @!p0 $0x0  }
0x20c: {  	[sflag:s0] =	ssyncadd.s32 @!p0 s1  }
0x20d: {  	[bflag:$0x3] =	sbarrier.arrive $0xFFFF  }
0x20e: {  	_ =	shalt  }

</sc_bundles>
